<compile_context>
chip_gen: v7x
topology: tpu7x:2x2x1
jax: 0.10.2.dev20260603
libtpu: 0.0.44.dev20260713+nightly
codegen_flags: <defaults>
</compile_context>

<pallas_src>
import jax
import jax.numpy as jnp
from jax import lax
from jax.experimental import pallas as pl
from jax.experimental.pallas import tpu as pltpu
from jax.experimental.pallas import tpu_sc as plsc

N_NODE = 10000
E_TOT = 320000
DIN = 128
H = 8
F = 16
HID = 128
NACT = 32

NC = 2
NS = 16
L = 16
NW = NC * NS
EPW = E_TOT // NW
B = 80
BH = 40
NHALF = EPW // BH
N_PAD = 10240
N_TOT = N_PAD + N_PAD // 8
RPT = N_TOT // NS

F32 = jnp.float32


def _edge_body(fs, fd, si, di, d2i, dmi, attn_h, out1,
               s_sh, attn_v,
               sidx0, didx0, d2b0, dmb0,
               sidx1, didx1, d2b1, dmb1,
               el, msg, sem_i0, sem_i1, sem_g0, sem_g1, sem_c0, sem_c1):
    c = lax.axis_index("c")
    s = lax.axis_index("s")
    wid = c * NS + s

    pltpu.sync_copy(attn_h, attn_v)

    def zrow(i, _):
        for j in range(DIN // L):
            msg[i, pl.ds(j * L, L)] = jnp.zeros((L,), F32)
            el[i, pl.ds(j * L, L)] = jnp.zeros((L,), F32)
        return 0
    lax.fori_loop(0, B, zrow, 0)
    for t in range(RPT // B):
        base = s * RPT + t * B
        pltpu.sync_copy(msg, s_sh.at[pl.ds(base, B)])
    plsc.subcore_barrier()

    lane = lax.broadcasted_iota(jnp.int32, (L,), 0)
    mask8 = lane < H
    perm = {d: lane ^ d for d in (1, 2, 4, 8)}
    mlow8 = lane < 8
    m4 = (lane & 4) == 0
    m2 = (lane & 2) == 0
    collect = (lane & 1) * 8 + (lane & 2) * 2 + (lane & 4) // 2
    zero16 = jnp.zeros((L,), F32)
    attn_regs = [attn_v[hh] for hh in range(H)]

    def _shuf(x, d):
        return x.at[perm[d]].get(mode="promise_in_bounds")

    def _dots8(ps):
        qs = [jnp.where(mlow8,
                        ps[2 * i] + _shuf(ps[2 * i], 8),
                        ps[2 * i + 1] + _shuf(ps[2 * i + 1], 8))
              for i in range(4)]
        rs = [jnp.where(m4,
                        qs[2 * i] + _shuf(qs[2 * i], 4),
                        qs[2 * i + 1] + _shuf(qs[2 * i + 1], 4))
              for i in range(2)]
        ss = jnp.where(m2, rs[0] + _shuf(rs[0], 2), rs[1] + _shuf(rs[1], 2))
        u = ss + _shuf(ss, 1)
        return u.at[collect].get(mode="promise_in_bounds")

    slot0 = (sidx0, didx0, d2b0, dmb0, sem_i0, sem_g0, sem_c0, 0)
    slot1 = (sidx1, didx1, d2b1, dmb1, sem_i1, sem_g1, sem_c1, BH)

    def issue_idx(h, st):
        sidx, didx, d2b, dmb, sem_i, _, _, _ = st
        off = pl.multiple_of(wid * EPW + h * BH, 8)
        pltpu.async_copy(si.at[pl.ds(off, BH)], sidx, sem_i)
        pltpu.async_copy(di.at[pl.ds(off, BH)], didx, sem_i)
        pltpu.async_copy(d2i.at[pl.ds(off, BH)], d2b, sem_i)
        pltpu.async_copy(dmi.at[pl.ds(off, BH)], dmb.at[pl.ds(0, BH)], sem_i)

    def wait_idx(st):
        sidx, didx, d2b, dmb, sem_i, _, _, _ = st
        pltpu.make_async_copy(si.at[pl.ds(0, BH)], sidx, sem_i).wait()
        pltpu.make_async_copy(di.at[pl.ds(0, BH)], didx, sem_i).wait()
        pltpu.make_async_copy(d2i.at[pl.ds(0, BH)], d2b, sem_i).wait()
        pltpu.make_async_copy(dmi.at[pl.ds(0, BH)], dmb.at[pl.ds(0, BH)],
                              sem_i).wait()

    def issue_gather(st):
        sidx, didx, _, _, _, sem_g, _, base = st
        pltpu.async_copy(fs.at[sidx], el.at[pl.ds(base, BH)], sem_g)
        pltpu.async_copy(fd.at[didx], msg.at[pl.ds(base, BH)], sem_g)

    def wait_gather(st):
        _, _, _, _, _, sem_g, _, base = st
        pltpu.make_async_copy(fs.at[pl.ds(0, BH)], el.at[pl.ds(base, BH)],
                              sem_g).wait()
        pltpu.make_async_copy(fd.at[pl.ds(0, BH)], msg.at[pl.ds(base, BH)],
                              sem_g).wait()

    def issue_scatter(st):
        _, didx, d2b, _, _, _, sem_c, base = st
        pltpu.async_copy(msg.at[pl.ds(base, BH)], s_sh.at[didx], sem_c,
                         add=True)
        pltpu.async_copy(el.at[pl.ds(base, BH)], s_sh.at[d2b], sem_c,
                         add=True)

    def wait_scatter(st):
        _, _, _, _, _, _, sem_c, _ = st
        pltpu.make_async_copy(fs.at[pl.ds(0, BH)], s_sh.at[pl.ds(0, BH)],
                              sem_c).wait()
        pltpu.make_async_copy(fs.at[pl.ds(0, BH)], s_sh.at[pl.ds(0, BH)],
                              sem_c).wait()

    def compute(st):
        _, _, _, dmb, _, _, _, base = st

        def edge(e, _):
            r = base + e
            evs = []
            ps = []
            for hh in range(H):
                a = el[r, pl.ds(hh * F, F)]
                b = msg[r, pl.ds(hh * F, F)]
                t = a + b
                t = jnp.maximum(t, 0.2 * t)
                ps.append(t * attn_regs[hh])
                evs.append(a)
            lgv = zero16
            for hh in range(H):
                v = ps[hh]
                for d in (1, 2, 4, 8):
                    v = v + _shuf(v, d)
                lgv = jnp.where(lane == hh, v, lgv)
            w = jnp.where(mask8, jnp.exp(lgv), 0.0)
            for hh in range(H):
                msg[r, pl.ds(hh * F, F)] = evs[hh] * w[hh]
            b16 = pl.multiple_of((e // L) * L, 8)
            dmv = dmb[pl.ds(b16, L)]
            dsel = dmv.at[lane * 0 + (e - b16)].get(mode="promise_in_bounds")
            dself = dsel.astype(F32)
            for j in range(H):
                m = jnp.maximum(0.0, 1.0 - jnp.abs(dself - float(j)))
                el[r, pl.ds(j * F, F)] = w * m
            return 0
        lax.fori_loop(0, BH, edge, 0, unroll=2)

    def step(h, cur, nxt):
        _, didx, d2b, _, _, _, _, base = cur
        wait_gather(cur)
        wait_idx(nxt)
        issue_gather(nxt)
        compute(cur)
        pltpu.sync_copy(msg.at[pl.ds(base, BH)], s_sh.at[didx], add=True)
        pltpu.sync_copy(el.at[pl.ds(base, BH)], s_sh.at[d2b], add=True)
        issue_idx(lax.rem(h + 2, NHALF), cur)

    off0 = pl.multiple_of(wid * EPW, 8)
    pltpu.sync_copy(si.at[pl.ds(off0, BH)], sidx0)
    pltpu.sync_copy(di.at[pl.ds(off0, BH)], didx0)
    pltpu.sync_copy(d2i.at[pl.ds(off0, BH)], d2b0)
    pltpu.sync_copy(dmi.at[pl.ds(off0, BH)], dmb0.at[pl.ds(0, BH)])
    issue_gather(slot0)
    issue_idx(jnp.int32(1), slot1)

    def pair(kk, _):
        h0 = kk * 2
        step(h0, slot0, slot1)
        step(h0 + 1, slot1, slot0)
        return 0
    lax.fori_loop(0, NHALF // 2, pair, 0)

    wait_gather(slot0)
    wait_idx(slot1)

    plsc.subcore_barrier()
    base = s * RPT
    pltpu.sync_copy(s_sh.at[pl.ds(base, RPT)], out1.at[c, pl.ds(base, RPT)])


_edge_call = pl.kernel(
    _edge_body,
    out_type=jax.ShapeDtypeStruct((NC, N_TOT, DIN), F32),
    mesh=plsc.VectorSubcoreMesh(core_axis_name="c", subcore_axis_name="s",
                                num_cores=NC, num_subcores=NS),
    scratch_types=[
        pltpu.VMEM_SHARED((N_TOT, DIN), F32),
        pltpu.VMEM((H, F), F32),
        pltpu.VMEM((BH,), jnp.int32),
        pltpu.VMEM((BH,), jnp.int32),
        pltpu.VMEM((BH,), jnp.int32),
        pltpu.VMEM((BH + 8,), jnp.int32),
        pltpu.VMEM((BH,), jnp.int32),
        pltpu.VMEM((BH,), jnp.int32),
        pltpu.VMEM((BH,), jnp.int32),
        pltpu.VMEM((BH + 8,), jnp.int32),
        pltpu.VMEM((B, DIN), F32),
        pltpu.VMEM((B, DIN), F32),
        pltpu.SemaphoreType.DMA,
        pltpu.SemaphoreType.DMA,
        pltpu.SemaphoreType.DMA,
        pltpu.SemaphoreType.DMA,
        pltpu.SemaphoreType.DMA,
        pltpu.SemaphoreType.DMA,
    ],
)


BR = 2000


def _pre_body(xs, ws, bs, xd, wd, bd, os_, od_):
    os_[...] = jnp.dot(xs[...], ws[...], preferred_element_type=F32) + bs[...]
    od_[...] = jnp.dot(xd[...], wd[...], preferred_element_type=F32) + bd[...]


_pre_call = pl.pallas_call(
    _pre_body,
    grid=(N_NODE // BR,),
    in_specs=[
        pl.BlockSpec((BR, DIN), lambda i: (i, 0)),
        pl.BlockSpec((DIN, H * F), lambda i: (0, 0)),
        pl.BlockSpec((1, H * F), lambda i: (0, 0)),
        pl.BlockSpec((BR, DIN), lambda i: (i, 0)),
        pl.BlockSpec((DIN, H * F), lambda i: (0, 0)),
        pl.BlockSpec((1, H * F), lambda i: (0, 0)),
    ],
    out_specs=[pl.BlockSpec((BR, DIN), lambda i: (i, 0)),
               pl.BlockSpec((BR, DIN), lambda i: (i, 0))],
    out_shape=[jax.ShapeDtypeStruct((N_NODE, DIN), F32)] * 2,
)


def _post_body(s1, s2, dstf, hr, wih, bih, whh, bhh, wout, bout, kmat,
               out, hnew):
    S1 = s1[0] + s1[1]
    S2 = s2[0] + s2[1]
    den = jnp.dot(S2 + 1e-9, kmat[...], preferred_element_type=F32)
    x = jnp.maximum(S1 / den + dstf[...], 0.0)
    gi = jnp.dot(x, wih[...], preferred_element_type=F32) + bih[...]
    gh = jnp.dot(hr[...], whh[...], preferred_element_type=F32) + bhh[...]
    r = jax.nn.sigmoid(gi[:, :HID] + gh[:, :HID])
    z = jax.nn.sigmoid(gi[:, HID:2 * HID] + gh[:, HID:2 * HID])
    n = jnp.tanh(gi[:, 2 * HID:] + r * gh[:, 2 * HID:])
    hn = (1.0 - z) * n + z * hr[...]
    hnew[...] = hn
    out[...] = jnp.dot(hn, wout[...], preferred_element_type=F32) + bout[...]


_post_call = pl.pallas_call(
    _post_body,
    grid=(N_NODE // BR,),
    in_specs=[
        pl.BlockSpec((NC, BR, DIN), lambda i: (0, i, 0)),
        pl.BlockSpec((NC, BR, F), lambda i: (0, i, 0)),
        pl.BlockSpec((BR, DIN), lambda i: (i, 0)),
        pl.BlockSpec((BR, HID), lambda i: (i, 0)),
        pl.BlockSpec((HID, 3 * HID), lambda i: (0, 0)),
        pl.BlockSpec((1, 3 * HID), lambda i: (0, 0)),
        pl.BlockSpec((HID, 3 * HID), lambda i: (0, 0)),
        pl.BlockSpec((1, 3 * HID), lambda i: (0, 0)),
        pl.BlockSpec((HID, NACT), lambda i: (0, 0)),
        pl.BlockSpec((1, NACT), lambda i: (0, 0)),
        pl.BlockSpec((F, DIN), lambda i: (0, 0)),
    ],
    out_specs=[pl.BlockSpec((BR, NACT), lambda i: (i, 0)),
               pl.BlockSpec((BR, HID), lambda i: (i, 0))],
    out_shape=[jax.ShapeDtypeStruct((N_NODE, NACT), F32),
               jax.ShapeDtypeStruct((N_NODE, HID), F32)],
)


def kernel(src_feat, dst_feat, edge_index, h, W_src, b_src, W_dst, b_dst,
           attn, W_ih, b_ih, W_hh, b_hh, W_out, b_out):
    src1 = edge_index[0].astype(jnp.int32)
    dst1 = edge_index[1].astype(jnp.int32)
    d2 = dst1 // 8 + N_PAD
    dm8 = dst1 % 8

    feat_src, feat_dst = _pre_call(
        src_feat, W_src, b_src.reshape(1, -1),
        dst_feat, W_dst, b_dst.reshape(1, -1))

    acc = _edge_call(feat_src, feat_dst, src1, dst1, d2, dm8, attn)
    s1p = acc
    s2p = acc[:, N_PAD:, :].reshape(NC, N_PAD, F)

    kmat = (jnp.arange(DIN, dtype=jnp.int32)[None, :] // F
            == jnp.arange(F, dtype=jnp.int32)[:, None]).astype(F32)

    out, h_new = _post_call(
        s1p, s2p, dst_feat, h,
        W_ih.T, b_ih.reshape(1, -1), W_hh.T, b_hh.reshape(1, -1),
        W_out, b_out.reshape(1, -1), kmat)
    return (out, h_new)

# --- scband reference (transcript-rebuilt; emitter-appended) ---
"""Pipeline reference for scband-gnn-agent-29214367547987 (READ-ONLY COPY).

The authoritative reference and input builder live on the scoring server;
editing this copy changes nothing except your own understanding.
"""

import jax, jax.numpy as jnp
import numpy as np

N_SRC = 10000
N_DST = 10000
E = 320000
D_IN = 128
H = 8
F = 16
HID = 128
N_ACT = 32


def setup_inputs(seed: int = 0) -> dict:
    key = jax.random.key(seed)
    ks = jax.random.split(key, 16)
    s = 0.05
    inp = {}
    inp['src_feat'] = jax.random.normal(ks[0], (N_SRC, D_IN), dtype=jnp.float32)
    inp['dst_feat'] = jax.random.normal(ks[1], (N_DST, D_IN), dtype=jnp.float32)
    src = jax.random.randint(ks[2], (E,), 0, N_SRC)
    dst = jax.random.randint(ks[3], (E,), 0, N_DST)
    inp['edge_index'] = jnp.stack([src, dst]).astype(jnp.int64)
    inp['h'] = jax.random.normal(ks[4], (N_DST, HID), dtype=jnp.float32)
    # GATv2Conv params (DGL: fc_src, fc_dst with bias, attn vector per head)
    inp['W_src'] = jax.random.normal(ks[5], (D_IN, H * F), dtype=jnp.float32) * s
    inp['b_src'] = jnp.zeros((H * F,), dtype=jnp.float32)
    inp['W_dst'] = jax.random.normal(ks[6], (D_IN, H * F), dtype=jnp.float32) * s
    inp['b_dst'] = jnp.zeros((H * F,), dtype=jnp.float32)
    inp['attn'] = jax.random.normal(ks[7], (H, F), dtype=jnp.float32) * s
    # GRUCell params (torch layout: W_ih [3*HID, HID], W_hh [3*HID, HID])
    inp['W_ih'] = jax.random.normal(ks[8], (3 * HID, HID), dtype=jnp.float32) * s
    inp['b_ih'] = jnp.zeros((3 * HID,), dtype=jnp.float32)
    inp['W_hh'] = jax.random.normal(ks[9], (3 * HID, HID), dtype=jnp.float32) * s
    inp['b_hh'] = jnp.zeros((3 * HID,), dtype=jnp.float32)
    # output head
    inp['W_out'] = jax.random.normal(ks[10], (HID, N_ACT), dtype=jnp.float32) * s
    inp['b_out'] = jnp.zeros((N_ACT,), dtype=jnp.float32)
    return inp


def reference(src_feat, dst_feat, edge_index, h, W_src, b_src, W_dst, b_dst, attn,
              W_ih, b_ih, W_hh, b_hh, W_out, b_out):
    src = edge_index[0]
    dst = edge_index[1]
    # --- GATv2Conv (bipartite gt -> agent), residual=True (identity since dims match), ReLU activation ---
    feat_src = (src_feat @ W_src + b_src).reshape(N_SRC, H, F)
    feat_dst = (dst_feat @ W_dst + b_dst).reshape(N_DST, H, F)
    el = feat_src[src]                       # [E, H, F] gather
    er = feat_dst[dst]                       # [E, H, F] gather
    e = jax.nn.leaky_relu(el + er, negative_slope=0.2)
    logits = jnp.sum(e * attn[None, :, :], axis=-1)          # [E, H]
    # edge softmax over incoming edges of each dst node
    m = jax.ops.segment_max(logits, dst, num_segments=N_DST)  # [N_DST, H]
    m = jnp.where(jnp.isfinite(m), m, 0.0)
    ex = jnp.exp(logits - m[dst])
    denom = jax.ops.segment_sum(ex, dst, num_segments=N_DST)
    alpha = ex / (denom[dst] + 1e-9)                           # [E, H]
    msg = el * alpha[:, :, None]                               # message = a * W_src h_u
    rst = jax.ops.segment_sum(msg, dst, num_segments=N_DST)    # [N_DST, H, F] scatter-add
    rst = rst + dst_feat.reshape(N_DST, H, F)                  # residual (identity, 128 == H*F)
    x = jax.nn.relu(rst).reshape(N_DST, H * F)                 # flatten heads
    # --- GRUCell (torch semantics) ---
    gi = x @ W_ih.T + b_ih
    gh = h @ W_hh.T + b_hh
    i_r, i_z, i_n = jnp.split(gi, 3, axis=1)
    h_r, h_z, h_n = jnp.split(gh, 3, axis=1)
    r = jax.nn.sigmoid(i_r + h_r)
    z = jax.nn.sigmoid(i_z + h_z)
    n = jnp.tanh(i_n + r * h_n)
    h_new = (1.0 - z) * n + z * h
    # --- output head ---
    out = h_new @ W_out + b_out
    return (out, h_new)

if __name__ == "__main__":
    import jax
    _d = setup_inputs()
    print(jax.jit(kernel)(*tuple(_d.values())))

</pallas_src>

<mosaic_0001>
#map = affine_map<(d0, d1) -> (0, 0)>
#map1 = affine_map<(d0, d1) -> (0)>
#map2 = affine_map<(d0, d1) -> (0, 0, 0)>
module attributes {stable_mosaic.version = 14 : i64} {
  func.func @_edge_body(%arg0: i32, %arg1: i32, %arg2: memref<10000x128xf32, #tpu.memory_space<hbm>>, %arg3: memref<10000x128xf32, #tpu.memory_space<hbm>>, %arg4: memref<320000xi32, #tpu.memory_space<hbm>>, %arg5: memref<320000xi32, #tpu.memory_space<hbm>>, %arg6: memref<320000xi32, #tpu.memory_space<hbm>>, %arg7: memref<320000xi32, #tpu.memory_space<hbm>>, %arg8: memref<8x16xf32, #tpu.memory_space<hbm>>, %arg9: memref<2x11520x128xf32, #tpu.memory_space<hbm>>, %arg10: memref<11520x128xf32, #tpu.memory_space<vmem_shared>>, %arg11: memref<8x16xf32, #tpu.memory_space<vmem>>, %arg12: memref<40xi32, #tpu.memory_space<vmem>>, %arg13: memref<40xi32, #tpu.memory_space<vmem>>, %arg14: memref<40xi32, #tpu.memory_space<vmem>>, %arg15: memref<48xi32, #tpu.memory_space<vmem>>, %arg16: memref<40xi32, #tpu.memory_space<vmem>>, %arg17: memref<40xi32, #tpu.memory_space<vmem>>, %arg18: memref<40xi32, #tpu.memory_space<vmem>>, %arg19: memref<48xi32, #tpu.memory_space<vmem>>, %arg20: memref<80x128xf32, #tpu.memory_space<vmem>>, %arg21: memref<80x128xf32, #tpu.memory_space<vmem>>, %arg22: memref<!tpu.dma_semaphore, #tpu.memory_space<semaphore_mem>>, %arg23: memref<!tpu.dma_semaphore, #tpu.memory_space<semaphore_mem>>, %arg24: memref<!tpu.dma_semaphore, #tpu.memory_space<semaphore_mem>>, %arg25: memref<!tpu.dma_semaphore, #tpu.memory_space<semaphore_mem>>, %arg26: memref<!tpu.dma_semaphore, #tpu.memory_space<semaphore_mem>>, %arg27: memref<!tpu.dma_semaphore, #tpu.memory_space<semaphore_mem>>) attributes {dimension_semantics = [#tpu.dimension_semantics<core_parallel>, #tpu.dimension_semantics<subcore_parallel>], iteration_bounds = array<i64: 2, 16>, scalar_prefetch = 0 : i64, scratch_operands = 18 : i64, tpu.core_type = #tpu.core_type<sc_vector_subcore>, window_params = [{transform_indices = #map}, {transform_indices = #map}, {transform_indices = #map1}, {transform_indices = #map1}, {transform_indices = #map1}, {transform_indices = #map1}, {transform_indices = #map}, {transform_indices = #map2}]} {
    %mul3A = arith.constant 16 : i32
    %mul3A_0 = arith.muli %arg0, %mul3A : i32
    %add3A = arith.addi %mul3A_0, %arg1 : i32
    "tpu.region"() ({
      %run_scoped3A = tpu.sem_alloc : memref<!tpu.dma_semaphore, #tpu.memory_space<semaphore_mem>>
      tpu.enqueue_dma source(%arg8 : memref<8x16xf32, #tpu.memory_space<hbm>>) target(%arg11 : memref<8x16xf32, #tpu.memory_space<vmem>>) target_semaphore(%run_scoped3A : memref<!tpu.dma_semaphore, #tpu.memory_space<semaphore_mem>>)
      tpu.wait_dma2 semaphore(%run_scoped3A : memref<!tpu.dma_semaphore, #tpu.memory_space<semaphore_mem>>) src(%arg8 : memref<8x16xf32, #tpu.memory_space<hbm>>) dst(%arg11 : memref<8x16xf32, #tpu.memory_space<vmem>>)
      tpu.yield
    }) : () -> ()
    %scan3A = arith.constant 0 : i32
    %scan3A_1 = arith.constant 0 : i32
    %scan3A_2 = arith.constant 80 : i32
    %scan3A_3 = arith.addi %scan3A_1, %scan3A_2 : i32
    %scan3A_4 = arith.constant 1 : i32
    %scan3A_5 = scf.for %scan3A_235 = %scan3A_1 to %scan3A_3 step %scan3A_4 iter_args(%scan3A_236 = %scan3A) -> (i32)  : i32 {
      %broadcast_in_dim3A_237 = arith.constant 0.000000e+00 : f32
      %broadcast_in_dim3A_238 = vector.broadcast %broadcast_in_dim3A_237 : f32 to vector<16xf32>
      %swap3A = arith.index_cast %scan3A_235 : i32 to index
      %swap3A_239 = arith.constant 0 : index
      %swap3A_240 = tpu.vector_load %arg21[%swap3A, %swap3A_239] {strides = array<i32>} : memref<80x128xf32, #tpu.memory_space<vmem>>, vector<1x16xf32>,
      %swap3A_241 = vector.shape_cast %swap3A_240 : vector<1x16xf32> to vector<16xf32>
      %swap3A_242 = vector.shape_cast %broadcast_in_dim3A_238 : vector<16xf32> to vector<1x16xf32>
      tpu.vector_store %arg21[%swap3A, %swap3A_239], %swap3A_242 {strides = array<i32>} : memref<80x128xf32, #tpu.memory_space<vmem>>, vector<1x16xf32>,
      %broadcast_in_dim3A_243 = arith.constant 0.000000e+00 : f32
      %broadcast_in_dim3A_244 = vector.broadcast %broadcast_in_dim3A_243 : f32 to vector<16xf32>
      %swap3A_245 = arith.index_cast %scan3A_235 : i32 to index
      %swap3A_246 = arith.constant 0 : index
      %swap3A_247 = tpu.vector_load %arg20[%swap3A_245, %swap3A_246] {strides = array<i32>} : memref<80x128xf32, #tpu.memory_space<vmem>>, vector<1x16xf32>,
      %swap3A_248 = vector.shape_cast %swap3A_247 : vector<1x16xf32> to vector<16xf32>
      %swap3A_249 = vector.shape_cast %broadcast_in_dim3A_244 : vector<16xf32> to vector<1x16xf32>
      tpu.vector_store %arg20[%swap3A_245, %swap3A_246], %swap3A_249 {strides = array<i32>} : memref<80x128xf32, #tpu.memory_space<vmem>>, vector<1x16xf32>,
      %broadcast_in_dim3A_250 = arith.constant 0.000000e+00 : f32
      %broadcast_in_dim3A_251 = vector.broadcast %broadcast_in_dim3A_250 : f32 to vector<16xf32>
      %swap3A_252 = arith.index_cast %scan3A_235 : i32 to index
      %swap3A_253 = arith.constant 16 : index
      %swap3A_254 = tpu.vector_load %arg21[%swap3A_252, %swap3A_253] {strides = array<i32>} : memref<80x128xf32, #tpu.memory_space<vmem>>, vector<1x16xf32>,
      %swap3A_255 = vector.shape_cast %swap3A_254 : vector<1x16xf32> to vector<16xf32>
      %swap3A_256 = vector.shape_cast %broadcast_in_dim3A_251 : vector<16xf32> to vector<1x16xf32>
      tpu.vector_store %arg21[%swap3A_252, %swap3A_253], %swap3A_256 {strides = array<i32>} : memref<80x128xf32, #tpu.memory_space<vmem>>, vector<1x16xf32>,
      %broadcast_in_dim3A_257 = arith.constant 0.000000e+00 : f32
      %broadcast_in_dim3A_258 = vector.broadcast %broadcast_in_dim3A_257 : f32 to vector<16xf32>
      %swap3A_259 = arith.index_cast %scan3A_235 : i32 to index
      %swap3A_260 = arith.constant 16 : index
      %swap3A_261 = tpu.vector_load %arg20[%swap3A_259, %swap3A_260] {strides = array<i32>} : memref<80x128xf32, #tpu.memory_space<vmem>>, vector<1x16xf32>,
      %swap3A_262 = vector.shape_cast %swap3A_261 : vector<1x16xf32> to vector<16xf32>
      %swap3A_263 = vector.shape_cast %broadcast_in_dim3A_258 : vector<16xf32> to vector<1x16xf32>
      tpu.vector_store %arg20[%swap3A_259, %swap3A_260], %swap3A_263 {strides = array<i32>} : memref<80x128xf32, #tpu.memory_space<vmem>>, vector<1x16xf32>,
      %broadcast_in_dim3A_264 = arith.constant 0.000000e+00 : f32
      %broadcast_in_dim3A_265 = vector.broadcast %broadcast_in_dim3A_264 : f32 to vector<16xf32>
      %swap3A_266 = arith.index_cast %scan3A_235 : i32 to index
      %swap3A_267 = arith.constant 32 : index
      %swap3A_268 = tpu.vector_load %arg21[%swap3A_266, %swap3A_267] {strides = array<i32>} : memref<80x128xf32, #tpu.memory_space<vmem>>, vector<1x16xf32>,
      %swap3A_269 = vector.shape_cast %swap3A_268 : vector<1x16xf32> to vector<16xf32>
      %swap3A_270 = vector.shape_cast %broadcast_in_dim3A_265 : vector<16xf32> to vector<1x16xf32>
      tpu.vector_store %arg21[%swap3A_266, %swap3A_267], %swap3A_270 {strides = array<i32>} : memref<80x128xf32, #tpu.memory_space<vmem>>, vector<1x16xf32>,
      %broadcast_in_dim3A_271 = arith.constant 0.000000e+00 : f32
      %broadcast_in_dim3A_272 = vector.broadcast %broadcast_in_dim3A_271 : f32 to vector<16xf32>
      %swap3A_273 = arith.index_cast %scan3A_235 : i32 to index
      %swap3A_274 = arith.constant 32 : index
      %swap3A_275 = tpu.vector_load %arg20[%swap3A_273, %swap3A_274] {strides = array<i32>} : memref<80x128xf32, #tpu.memory_space<vmem>>, vector<1x16xf32>,
      %swap3A_276 = vector.shape_cast %swap3A_275 : vector<1x16xf32> to vector<16xf32>
      %swap3A_277 = vector.shape_cast %broadcast_in_dim3A_272 : vector<16xf32> to vector<1x16xf32>
      tpu.vector_store %arg20[%swap3A_273, %swap3A_274], %swap3A_277 {strides = array<i32>} : memref<80x128xf32, #tpu.memory_space<vmem>>, vector<1x16xf32>,
      %broadcast_in_dim3A_278 = arith.constant 0.000000e+00 : f32
      %broadcast_in_dim3A_279 = vector.broadcast %broadcast_in_dim3A_278 : f32 to vector<16xf32>
      %swap3A_280 = arith.index_cast %scan3A_235 : i32 to index
      %swap3A_281 = arith.constant 48 : index
      %swap3A_282 = tpu.vector_load %arg21[%swap3A_280, %swap3A_281] {strides = array<i32>} : memref<80x128xf32, #tpu.memory_space<vmem>>, vector<1x16xf32>,
      %swap3A_283 = vector.shape_cast %swap3A_282 : vector<1x16xf32> to vector<16xf32>
      %swap3A_284 = vector.shape_cast %broadcast_in_dim3A_279 : vector<16xf32> to vector<1x16xf32>
      tpu.vector_store %arg21[%swap3A_280, %swap3A_281], %swap3A_284 {strides = array<i32>} : memref<80x128xf32, #tpu.memory_space<vmem>>, vector<1x16xf32>,
      %broadcast_in_dim3A_285 = arith.constant 0.000000e+00 : f32
      %broadcast_in_dim3A_286 = vector.broadcast %broadcast_in_dim3A_285 : f32 to vector<16xf32>
      %swap3A_287 = arith.index_cast %scan3A_235 : i32 to index
      %swap3A_288 = arith.constant 48 : index
      %swap3A_289 = tpu.vector_load %arg20[%swap3A_287, %swap3A_288] {strides = array<i32>} : memref<80x128xf32, #tpu.memory_space<vmem>>, vector<1x16xf32>,
      %swap3A_290 = vector.shape_cast %swap3A_289 : vector<1x16xf32> to vector<16xf32>
      %swap3A_291 = vector.shape_cast %broadcast_in_dim3A_286 : vector<16xf32> to vector<1x16xf32>
      tpu.vector_store %arg20[%swap3A_287, %swap3A_288], %swap3A_291 {strides = array<i32>} : memref<80x128xf32, #tpu.memory_space<vmem>>, vector<1x16xf32>,
      %broadcast_in_dim3A_292 = arith.constant 0.000000e+00 : f32
      %broadcast_in_dim3A_293 = vector.broadcast %broadcast_in_dim3A_292 : f32 to vector<16xf32>
      %swap3A_294 = arith.index_cast %scan3A_235 : i32 to index
      %swap3A_295 = arith.constant 64 : index
      %swap3A_296 = tpu.vector_load %arg21[%swap3A_294, %swap3A_295] {strides = array<i32>} : memref<80x128xf32, #tpu.memory_space<vmem>>, vector<1x16xf32>,
      %swap3A_297 = vector.shape_cast %swap3A_296 : vector<1x16xf32> to vector<16xf32>
      %swap3A_298 = vector.shape_cast %broadcast_in_dim3A_293 : vector<16xf32> to vector<1x16xf32>
      tpu.vector_store %arg21[%swap3A_294, %swap3A_295], %swap3A_298 {strides = array<i32>} : memref<80x128xf32, #tpu.memory_space<vmem>>, vector<1x16xf32>,
      %broadcast_in_dim3A_299 = arith.constant 0.000000e+00 : f32
      %broadcast_in_dim3A_300 = vector.broadcast %broadcast_in_dim3A_299 : f32 to vector<16xf32>
      %swap3A_301 = arith.index_cast %scan3A_235 : i32 to index
      %swap3A_302 = arith.constant 64 : index
      %swap3A_303 = tpu.vector_load %arg20[%swap3A_301, %swap3A_302] {strides = array<i32>} : memref<80x128xf32, #tpu.memory_space<vmem>>, vector<1x16xf32>,
      %swap3A_304 = vector.shape_cast %swap3A_303 : vector<1x16xf32> to vector<16xf32>
      %swap3A_305 = vector.shape_cast %broadcast_in_dim3A_300 : vector<16xf32> to vector<1x16xf32>
      tpu.vector_store %arg20[%swap3A_301, %swap3A_302], %swap3A_305 {strides = array<i32>} : memref<80x128xf32, #tpu.memory_space<vmem>>, vector<1x16xf32>,
      %broadcast_in_dim3A_306 = arith.constant 0.000000e+00 : f32
      %broadcast_in_dim3A_307 = vector.broadcast %broadcast_in_dim3A_306 : f32 to vector<16xf32>
      %swap3A_308 = arith.index_cast %scan3A_235 : i32 to index
      %swap3A_309 = arith.constant 80 : index
      %swap3A_310 = tpu.vector_load %arg21[%swap3A_308, %swap3A_309] {strides = array<i32>} : memref<80x128xf32, #tpu.memory_space<vmem>>, vector<1x16xf32>,
      %swap3A_311 = vector.shape_cast %swap3A_310 : vector<1x16xf32> to vector<16xf32>
      %swap3A_312 = vector.shape_cast %broadcast_in_dim3A_307 : vector<16xf32> to vector<1x16xf32>
      tpu.vector_store %arg21[%swap3A_308, %swap3A_309], %swap3A_312 {strides = array<i32>} : memref<80x128xf32, #tpu.memory_space<vmem>>, vector<1x16xf32>,
      %broadcast_in_dim3A_313 = arith.constant 0.000000e+00 : f32
      %broadcast_in_dim3A_314 = vector.broadcast %broadcast_in_dim3A_313 : f32 to vector<16xf32>
      %swap3A_315 = arith.index_cast %scan3A_235 : i32 to index
      %swap3A_316 = arith.constant 80 : index
      %swap3A_317 = tpu.vector_load %arg20[%swap3A_315, %swap3A_316] {strides = array<i32>} : memref<80x128xf32, #tpu.memory_space<vmem>>, vector<1x16xf32>,
      %swap3A_318 = vector.shape_cast %swap3A_317 : vector<1x16xf32> to vector<16xf32>
      %swap3A_319 = vector.shape_cast %broadcast_in_dim3A_314 : vector<16xf32> to vector<1x16xf32>
      tpu.vector_store %arg20[%swap3A_315, %swap3A_316], %swap3A_319 {strides = array<i32>} : memref<80x128xf32, #tpu.memory_space<vmem>>, vector<1x16xf32>,
      %broadcast_in_dim3A_320 = arith.constant 0.000000e+00 : f32
      %broadcast_in_dim3A_321 = vector.broadcast %broadcast_in_dim3A_320 : f32 to vector<16xf32>
      %swap3A_322 = arith.index_cast %scan3A_235 : i32 to index
      %swap3A_323 = arith.constant 96 : index
      %swap3A_324 = tpu.vector_load %arg21[%swap3A_322, %swap3A_323] {strides = array<i32>} : memref<80x128xf32, #tpu.memory_space<vmem>>, vector<1x16xf32>,
      %swap3A_325 = vector.shape_cast %swap3A_324 : vector<1x16xf32> to vector<16xf32>
      %swap3A_326 = vector.shape_cast %broadcast_in_dim3A_321 : vector<16xf32> to vector<1x16xf32>
      tpu.vector_store %arg21[%swap3A_322, %swap3A_323], %swap3A_326 {strides = array<i32>} : memref<80x128xf32, #tpu.memory_space<vmem>>, vector<1x16xf32>,
      %broadcast_in_dim3A_327 = arith.constant 0.000000e+00 : f32
      %broadcast_in_dim3A_328 = vector.broadcast %broadcast_in_dim3A_327 : f32 to vector<16xf32>
      %swap3A_329 = arith.index_cast %scan3A_235 : i32 to index
      %swap3A_330 = arith.constant 96 : index
      %swap3A_331 = tpu.vector_load %arg20[%swap3A_329, %swap3A_330] {strides = array<i32>} : memref<80x128xf32, #tpu.memory_space<vmem>>, vector<1x16xf32>,
      %swap3A_332 = vector.shape_cast %swap3A_331 : vector<1x16xf32> to vector<16xf32>
      %swap3A_333 = vector.shape_cast %broadcast_in_dim3A_328 : vector<16xf32> to vector<1x16xf32>
      tpu.vector_store %arg20[%swap3A_329, %swap3A_330], %swap3A_333 {strides = array<i32>} : memref<80x128xf32, #tpu.memory_space<vmem>>, vector<1x16xf32>,
      %broadcast_in_dim3A_334 = arith.constant 0.000000e+00 : f32
      %broadcast_in_dim3A_335 = vector.broadcast %broadcast_in_dim3A_334 : f32 to vector<16xf32>
      %swap3A_336 = arith.index_cast %scan3A_235 : i32 to index
      %swap3A_337 = arith.constant 112 : index
      %swap3A_338 = tpu.vector_load %arg21[%swap3A_336, %swap3A_337] {strides = array<i32>} : memref<80x128xf32, #tpu.memory_space<vmem>>, vector<1x16xf32>,
      %swap3A_339 = vector.shape_cast %swap3A_338 : vector<1x16xf32> to vector<16xf32>
      %swap3A_340 = vector.shape_cast %broadcast_in_dim3A_335 : vector<16xf32> to vector<1x16xf32>
      tpu.vector_store %arg21[%swap3A_336, %swap3A_337], %swap3A_340 {strides = array<i32>} : memref<80x128xf32, #tpu.memory_space<vmem>>, vector<1x16xf32>,
      %broadcast_in_dim3A_341 = arith.constant 0.000000e+00 : f32
      %broadcast_in_dim3A_342 = vector.broadcast %broadcast_in_dim3A_341 : f32 to vector<16xf32>
      %swap3A_343 = arith.index_cast %scan3A_235 : i32 to index
      %swap3A_344 = arith.constant 112 : index
      %swap3A_345 = tpu.vector_load %arg20[%swap3A_343, %swap3A_344] {strides = array<i32>} : memref<80x128xf32, #tpu.memory_space<vmem>>, vector<1x16xf32>,
      %swap3A_346 = vector.shape_cast %swap3A_345 : vector<1x16xf32> to vector<16xf32>
      %swap3A_347 = vector.shape_cast %broadcast_in_dim3A_342 : vector<16xf32> to vector<1x16xf32>
      tpu.vector_store %arg20[%swap3A_343, %swap3A_344], %swap3A_347 {strides = array<i32>} : memref<80x128xf32, #tpu.memory_space<vmem>>, vector<1x16xf32>,
      %scan3A_348 = arith.constant 0 : i32
      scf.yield %scan3A_348 : i32
    }
    %scan3A_6 = arith.constant 80 : i32
    %mul3A_7 = arith.constant 720 : i32
    %mul3A_8 = arith.muli %arg1, %mul3A_7 : i32
    %add3A_9 = arith.constant 0 : i32
    %add3A_10 = arith.addi %mul3A_8, %add3A_9 : i32
    "tpu.region"() ({
      %run_scoped3A = tpu.sem_alloc : memref<!tpu.dma_semaphore, #tpu.memory_space<semaphore_mem>>
      %dma_start3A_235 = arith.constant 0 : i32
      %dma_start3A_236 = tpu.memref_slice %arg10[%add3A_10, %dma_start3A_235] : memref<11520x128xf32, #tpu.memory_space<vmem_shared>> -> memref<80x128xf32, #tpu.memory_space<vmem_shared>>
      %dma_start3A_237 = arith.constant 0 : i32
      %dma_start3A_238 = tpu.memref_slice %arg10[%add3A_10, %dma_start3A_237] : memref<11520x128xf32, #tpu.memory_space<vmem_shared>> -> memref<80x128xf32, #tpu.memory_space<vmem_shared>>
      tpu.enqueue_dma source(%arg21 : memref<80x128xf32, #tpu.memory_space<vmem>>) target(%dma_start3A_238 : memref<80x128xf32, #tpu.memory_space<vmem_shared>>) target_semaphore(%run_scoped3A : memref<!tpu.dma_semaphore, #tpu.memory_space<semaphore_mem>>)
      %dma_wait3A_239 = arith.constant 0 : i32
      %dma_wait3A_240 = tpu.memref_slice %arg10[%add3A_10, %dma_wait3A_239] : memref<11520x128xf32, #tpu.memory_space<vmem_shared>> -> memref<80x128xf32, #tpu.memory_space<vmem_shared>>
      %dma_wait3A_241 = arith.constant 0 : i32
      %dma_wait3A_242 = tpu.memref_slice %arg10[%add3A_10, %dma_wait3A_241] : memref<11520x128xf32, #tpu.memory_space<vmem_shared>> -> memref<80x128xf32, #tpu.memory_space<vmem_shared>>
      tpu.wait_dma2 semaphore(%run_scoped3A : memref<!tpu.dma_semaphore, #tpu.memory_space<semaphore_mem>>) src(%arg21 : memref<80x128xf32, #tpu.memory_space<vmem>>) dst(%dma_wait3A_242 : memref<80x128xf32, #tpu.memory_space<vmem_shared>>)
      tpu.yield
    }) : () -> ()
    %mul3A_11 = arith.constant 720 : i32
    %mul3A_12 = arith.muli %arg1, %mul3A_11 : i32
    %add3A_13 = arith.constant 80 : i32
    %add3A_14 = arith.addi %mul3A_12, %add3A_13 : i32
    "tpu.region"() ({
      %run_scoped3A = tpu.sem_alloc : memref<!tpu.dma_semaphore, #tpu.memory_space<semaphore_mem>>
      %dma_start3A_235 = arith.constant 0 : i32
      %dma_start3A_236 = tpu.memref_slice %arg10[%add3A_14, %dma_start3A_235] : memref<11520x128xf32, #tpu.memory_space<vmem_shared>> -> memref<80x128xf32, #tpu.memory_space<vmem_shared>>
      %dma_start3A_237 = arith.constant 0 : i32
      %dma_start3A_238 = tpu.memref_slice %arg10[%add3A_14, %dma_start3A_237] : memref<11520x128xf32, #tpu.memory_space<vmem_shared>> -> memref<80x128xf32, #tpu.memory_space<vmem_shared>>
      tpu.enqueue_dma source(%arg21 : memref<80x128xf32, #tpu.memory_space<vmem>>) target(%dma_start3A_238 : memref<80x128xf32, #tpu.memory_space<vmem_shared>>) target_semaphore(%run_scoped3A : memref<!tpu.dma_semaphore, #tpu.memory_space<semaphore_mem>>)
      %dma_wait3A_239 = arith.constant 0 : i32
      %dma_wait3A_240 = tpu.memref_slice %arg10[%add3A_14, %dma_wait3A_239] : memref<11520x128xf32, #tpu.memory_space<vmem_shared>> -> memref<80x128xf32, #tpu.memory_space<vmem_shared>>
      %dma_wait3A_241 = arith.constant 0 : i32
      %dma_wait3A_242 = tpu.memref_slice %arg10[%add3A_14, %dma_wait3A_241] : memref<11520x128xf32, #tpu.memory_space<vmem_shared>> -> memref<80x128xf32, #tpu.memory_space<vmem_shared>>
      tpu.wait_dma2 semaphore(%run_scoped3A : memref<!tpu.dma_semaphore, #tpu.memory_space<semaphore_mem>>) src(%arg21 : memref<80x128xf32, #tpu.memory_space<vmem>>) dst(%dma_wait3A_242 : memref<80x128xf32, #tpu.memory_space<vmem_shared>>)
      tpu.yield
    }) : () -> ()
    %mul3A_15 = arith.constant 720 : i32
    %mul3A_16 = arith.muli %arg1, %mul3A_15 : i32
    %add3A_17 = arith.constant 160 : i32
    %add3A_18 = arith.addi %mul3A_16, %add3A_17 : i32
    "tpu.region"() ({
      %run_scoped3A = tpu.sem_alloc : memref<!tpu.dma_semaphore, #tpu.memory_space<semaphore_mem>>
      %dma_start3A_235 = arith.constant 0 : i32
      %dma_start3A_236 = tpu.memref_slice %arg10[%add3A_18, %dma_start3A_235] : memref<11520x128xf32, #tpu.memory_space<vmem_shared>> -> memref<80x128xf32, #tpu.memory_space<vmem_shared>>
      %dma_start3A_237 = arith.constant 0 : i32
      %dma_start3A_238 = tpu.memref_slice %arg10[%add3A_18, %dma_start3A_237] : memref<11520x128xf32, #tpu.memory_space<vmem_shared>> -> memref<80x128xf32, #tpu.memory_space<vmem_shared>>
      tpu.enqueue_dma source(%arg21 : memref<80x128xf32, #tpu.memory_space<vmem>>) target(%dma_start3A_238 : memref<80x128xf32, #tpu.memory_space<vmem_shared>>) target_semaphore(%run_scoped3A : memref<!tpu.dma_semaphore, #tpu.memory_space<semaphore_mem>>)
      %dma_wait3A_239 = arith.constant 0 : i32
      %dma_wait3A_240 = tpu.memref_slice %arg10[%add3A_18, %dma_wait3A_239] : memref<11520x128xf32, #tpu.memory_space<vmem_shared>> -> memref<80x128xf32, #tpu.memory_space<vmem_shared>>
      %dma_wait3A_241 = arith.constant 0 : i32
      %dma_wait3A_242 = tpu.memref_slice %arg10[%add3A_18, %dma_wait3A_241] : memref<11520x128xf32, #tpu.memory_space<vmem_shared>> -> memref<80x128xf32, #tpu.memory_space<vmem_shared>>
      tpu.wait_dma2 semaphore(%run_scoped3A : memref<!tpu.dma_semaphore, #tpu.memory_space<semaphore_mem>>) src(%arg21 : memref<80x128xf32, #tpu.memory_space<vmem>>) dst(%dma_wait3A_242 : memref<80x128xf32, #tpu.memory_space<vmem_shared>>)
      tpu.yield
    }) : () -> ()
    %mul3A_19 = arith.constant 720 : i32
    %mul3A_20 = arith.muli %arg1, %mul3A_19 : i32
    %add3A_21 = arith.constant 240 : i32
    %add3A_22 = arith.addi %mul3A_20, %add3A_21 : i32
    "tpu.region"() ({
      %run_scoped3A = tpu.sem_alloc : memref<!tpu.dma_semaphore, #tpu.memory_space<semaphore_mem>>
      %dma_start3A_235 = arith.constant 0 : i32
      %dma_start3A_236 = tpu.memref_slice %arg10[%add3A_22, %dma_start3A_235] : memref<11520x128xf32, #tpu.memory_space<vmem_shared>> -> memref<80x128xf32, #tpu.memory_space<vmem_shared>>
      %dma_start3A_237 = arith.constant 0 : i32
      %dma_start3A_238 = tpu.memref_slice %arg10[%add3A_22, %dma_start3A_237] : memref<11520x128xf32, #tpu.memory_space<vmem_shared>> -> memref<80x128xf32, #tpu.memory_space<vmem_shared>>
      tpu.enqueue_dma source(%arg21 : memref<80x128xf32, #tpu.memory_space<vmem>>) target(%dma_start3A_238 : memref<80x128xf32, #tpu.memory_space<vmem_shared>>) target_semaphore(%run_scoped3A : memref<!tpu.dma_semaphore, #tpu.memory_space<semaphore_mem>>)
      %dma_wait3A_239 = arith.constant 0 : i32
      %dma_wait3A_240 = tpu.memref_slice %arg10[%add3A_22, %dma_wait3A_239] : memref<11520x128xf32, #tpu.memory_space<vmem_shared>> -> memref<80x128xf32, #tpu.memory_space<vmem_shared>>
      %dma_wait3A_241 = arith.constant 0 : i32
      %dma_wait3A_242 = tpu.memref_slice %arg10[%add3A_22, %dma_wait3A_241] : memref<11520x128xf32, #tpu.memory_space<vmem_shared>> -> memref<80x128xf32, #tpu.memory_space<vmem_shared>>
      tpu.wait_dma2 semaphore(%run_scoped3A : memref<!tpu.dma_semaphore, #tpu.memory_space<semaphore_mem>>) src(%arg21 : memref<80x128xf32, #tpu.memory_space<vmem>>) dst(%dma_wait3A_242 : memref<80x128xf32, #tpu.memory_space<vmem_shared>>)
      tpu.yield
    }) : () -> ()
    %mul3A_23 = arith.constant 720 : i32
    %mul3A_24 = arith.muli %arg1, %mul3A_23 : i32
    %add3A_25 = arith.constant 320 : i32
    %add3A_26 = arith.addi %mul3A_24, %add3A_25 : i32
    "tpu.region"() ({
      %run_scoped3A = tpu.sem_alloc : memref<!tpu.dma_semaphore, #tpu.memory_space<semaphore_mem>>
      %dma_start3A_235 = arith.constant 0 : i32
      %dma_start3A_236 = tpu.memref_slice %arg10[%add3A_26, %dma_start3A_235] : memref<11520x128xf32, #tpu.memory_space<vmem_shared>> -> memref<80x128xf32, #tpu.memory_space<vmem_shared>>
      %dma_start3A_237 = arith.constant 0 : i32
      %dma_start3A_238 = tpu.memref_slice %arg10[%add3A_26, %dma_start3A_237] : memref<11520x128xf32, #tpu.memory_space<vmem_shared>> -> memref<80x128xf32, #tpu.memory_space<vmem_shared>>
      tpu.enqueue_dma source(%arg21 : memref<80x128xf32, #tpu.memory_space<vmem>>) target(%dma_start3A_238 : memref<80x128xf32, #tpu.memory_space<vmem_shared>>) target_semaphore(%run_scoped3A : memref<!tpu.dma_semaphore, #tpu.memory_space<semaphore_mem>>)
      %dma_wait3A_239 = arith.constant 0 : i32
      %dma_wait3A_240 = tpu.memref_slice %arg10[%add3A_26, %dma_wait3A_239] : memref<11520x128xf32, #tpu.memory_space<vmem_shared>> -> memref<80x128xf32, #tpu.memory_space<vmem_shared>>
      %dma_wait3A_241 = arith.constant 0 : i32
      %dma_wait3A_242 = tpu.memref_slice %arg10[%add3A_26, %dma_wait3A_241] : memref<11520x128xf32, #tpu.memory_space<vmem_shared>> -> memref<80x128xf32, #tpu.memory_space<vmem_shared>>
      tpu.wait_dma2 semaphore(%run_scoped3A : memref<!tpu.dma_semaphore, #tpu.memory_space<semaphore_mem>>) src(%arg21 : memref<80x128xf32, #tpu.memory_space<vmem>>) dst(%dma_wait3A_242 : memref<80x128xf32, #tpu.memory_space<vmem_shared>>)
      tpu.yield
    }) : () -> ()
    %mul3A_27 = arith.constant 720 : i32
    %mul3A_28 = arith.muli %arg1, %mul3A_27 : i32
    %add3A_29 = arith.constant 400 : i32
    %add3A_30 = arith.addi %mul3A_28, %add3A_29 : i32
    "tpu.region"() ({
      %run_scoped3A = tpu.sem_alloc : memref<!tpu.dma_semaphore, #tpu.memory_space<semaphore_mem>>
      %dma_start3A_235 = arith.constant 0 : i32
      %dma_start3A_236 = tpu.memref_slice %arg10[%add3A_30, %dma_start3A_235] : memref<11520x128xf32, #tpu.memory_space<vmem_shared>> -> memref<80x128xf32, #tpu.memory_space<vmem_shared>>
      %dma_start3A_237 = arith.constant 0 : i32
      %dma_start3A_238 = tpu.memref_slice %arg10[%add3A_30, %dma_start3A_237] : memref<11520x128xf32, #tpu.memory_space<vmem_shared>> -> memref<80x128xf32, #tpu.memory_space<vmem_shared>>
      tpu.enqueue_dma source(%arg21 : memref<80x128xf32, #tpu.memory_space<vmem>>) target(%dma_start3A_238 : memref<80x128xf32, #tpu.memory_space<vmem_shared>>) target_semaphore(%run_scoped3A : memref<!tpu.dma_semaphore, #tpu.memory_space<semaphore_mem>>)
      %dma_wait3A_239 = arith.constant 0 : i32
      %dma_wait3A_240 = tpu.memref_slice %arg10[%add3A_30, %dma_wait3A_239] : memref<11520x128xf32, #tpu.memory_space<vmem_shared>> -> memref<80x128xf32, #tpu.memory_space<vmem_shared>>
      %dma_wait3A_241 = arith.constant 0 : i32
      %dma_wait3A_242 = tpu.memref_slice %arg10[%add3A_30, %dma_wait3A_241] : memref<11520x128xf32, #tpu.memory_space<vmem_shared>> -> memref<80x128xf32, #tpu.memory_space<vmem_shared>>
      tpu.wait_dma2 semaphore(%run_scoped3A : memref<!tpu.dma_semaphore, #tpu.memory_space<semaphore_mem>>) src(%arg21 : memref<80x128xf32, #tpu.memory_space<vmem>>) dst(%dma_wait3A_242 : memref<80x128xf32, #tpu.memory_space<vmem_shared>>)
      tpu.yield
    }) : () -> ()
    %mul3A_31 = arith.constant 720 : i32
    %mul3A_32 = arith.muli %arg1, %mul3A_31 : i32
    %add3A_33 = arith.constant 480 : i32
    %add3A_34 = arith.addi %mul3A_32, %add3A_33 : i32
    "tpu.region"() ({
      %run_scoped3A = tpu.sem_alloc : memref<!tpu.dma_semaphore, #tpu.memory_space<semaphore_mem>>
      %dma_start3A_235 = arith.constant 0 : i32
      %dma_start3A_236 = tpu.memref_slice %arg10[%add3A_34, %dma_start3A_235] : memref<11520x128xf32, #tpu.memory_space<vmem_shared>> -> memref<80x128xf32, #tpu.memory_space<vmem_shared>>
      %dma_start3A_237 = arith.constant 0 : i32
      %dma_start3A_238 = tpu.memref_slice %arg10[%add3A_34, %dma_start3A_237] : memref<11520x128xf32, #tpu.memory_space<vmem_shared>> -> memref<80x128xf32, #tpu.memory_space<vmem_shared>>
      tpu.enqueue_dma source(%arg21 : memref<80x128xf32, #tpu.memory_space<vmem>>) target(%dma_start3A_238 : memref<80x128xf32, #tpu.memory_space<vmem_shared>>) target_semaphore(%run_scoped3A : memref<!tpu.dma_semaphore, #tpu.memory_space<semaphore_mem>>)
      %dma_wait3A_239 = arith.constant 0 : i32
      %dma_wait3A_240 = tpu.memref_slice %arg10[%add3A_34, %dma_wait3A_239] : memref<11520x128xf32, #tpu.memory_space<vmem_shared>> -> memref<80x128xf32, #tpu.memory_space<vmem_shared>>
      %dma_wait3A_241 = arith.constant 0 : i32
      %dma_wait3A_242 = tpu.memref_slice %arg10[%add3A_34, %dma_wait3A_241] : memref<11520x128xf32, #tpu.memory_space<vmem_shared>> -> memref<80x128xf32, #tpu.memory_space<vmem_shared>>
      tpu.wait_dma2 semaphore(%run_scoped3A : memref<!tpu.dma_semaphore, #tpu.memory_space<semaphore_mem>>) src(%arg21 : memref<80x128xf32, #tpu.memory_space<vmem>>) dst(%dma_wait3A_242 : memref<80x128xf32, #tpu.memory_space<vmem_shared>>)
      tpu.yield
    }) : () -> ()
    %mul3A_35 = arith.constant 720 : i32
    %mul3A_36 = arith.muli %arg1, %mul3A_35 : i32
    %add3A_37 = arith.constant 560 : i32
    %add3A_38 = arith.addi %mul3A_36, %add3A_37 : i32
    "tpu.region"() ({
      %run_scoped3A = tpu.sem_alloc : memref<!tpu.dma_semaphore, #tpu.memory_space<semaphore_mem>>
      %dma_start3A_235 = arith.constant 0 : i32
      %dma_start3A_236 = tpu.memref_slice %arg10[%add3A_38, %dma_start3A_235] : memref<11520x128xf32, #tpu.memory_space<vmem_shared>> -> memref<80x128xf32, #tpu.memory_space<vmem_shared>>
      %dma_start3A_237 = arith.constant 0 : i32
      %dma_start3A_238 = tpu.memref_slice %arg10[%add3A_38, %dma_start3A_237] : memref<11520x128xf32, #tpu.memory_space<vmem_shared>> -> memref<80x128xf32, #tpu.memory_space<vmem_shared>>
      tpu.enqueue_dma source(%arg21 : memref<80x128xf32, #tpu.memory_space<vmem>>) target(%dma_start3A_238 : memref<80x128xf32, #tpu.memory_space<vmem_shared>>) target_semaphore(%run_scoped3A : memref<!tpu.dma_semaphore, #tpu.memory_space<semaphore_mem>>)
      %dma_wait3A_239 = arith.constant 0 : i32
      %dma_wait3A_240 = tpu.memref_slice %arg10[%add3A_38, %dma_wait3A_239] : memref<11520x128xf32, #tpu.memory_space<vmem_shared>> -> memref<80x128xf32, #tpu.memory_space<vmem_shared>>
      %dma_wait3A_241 = arith.constant 0 : i32
      %dma_wait3A_242 = tpu.memref_slice %arg10[%add3A_38, %dma_wait3A_241] : memref<11520x128xf32, #tpu.memory_space<vmem_shared>> -> memref<80x128xf32, #tpu.memory_space<vmem_shared>>
      tpu.wait_dma2 semaphore(%run_scoped3A : memref<!tpu.dma_semaphore, #tpu.memory_space<semaphore_mem>>) src(%arg21 : memref<80x128xf32, #tpu.memory_space<vmem>>) dst(%dma_wait3A_242 : memref<80x128xf32, #tpu.memory_space<vmem_shared>>)
      tpu.yield
    }) : () -> ()
    %mul3A_39 = arith.constant 720 : i32
    %mul3A_40 = arith.muli %arg1, %mul3A_39 : i32
    %add3A_41 = arith.constant 640 : i32
    %add3A_42 = arith.addi %mul3A_40, %add3A_41 : i32
    "tpu.region"() ({
      %run_scoped3A = tpu.sem_alloc : memref<!tpu.dma_semaphore, #tpu.memory_space<semaphore_mem>>
      %dma_start3A_235 = arith.constant 0 : i32
      %dma_start3A_236 = tpu.memref_slice %arg10[%add3A_42, %dma_start3A_235] : memref<11520x128xf32, #tpu.memory_space<vmem_shared>> -> memref<80x128xf32, #tpu.memory_space<vmem_shared>>
      %dma_start3A_237 = arith.constant 0 : i32
      %dma_start3A_238 = tpu.memref_slice %arg10[%add3A_42, %dma_start3A_237] : memref<11520x128xf32, #tpu.memory_space<vmem_shared>> -> memref<80x128xf32, #tpu.memory_space<vmem_shared>>
      tpu.enqueue_dma source(%arg21 : memref<80x128xf32, #tpu.memory_space<vmem>>) target(%dma_start3A_238 : memref<80x128xf32, #tpu.memory_space<vmem_shared>>) target_semaphore(%run_scoped3A : memref<!tpu.dma_semaphore, #tpu.memory_space<semaphore_mem>>)
      %dma_wait3A_239 = arith.constant 0 : i32
      %dma_wait3A_240 = tpu.memref_slice %arg10[%add3A_42, %dma_wait3A_239] : memref<11520x128xf32, #tpu.memory_space<vmem_shared>> -> memref<80x128xf32, #tpu.memory_space<vmem_shared>>
      %dma_wait3A_241 = arith.constant 0 : i32
      %dma_wait3A_242 = tpu.memref_slice %arg10[%add3A_42, %dma_wait3A_241] : memref<11520x128xf32, #tpu.memory_space<vmem_shared>> -> memref<80x128xf32, #tpu.memory_space<vmem_shared>>
      tpu.wait_dma2 semaphore(%run_scoped3A : memref<!tpu.dma_semaphore, #tpu.memory_space<semaphore_mem>>) src(%arg21 : memref<80x128xf32, #tpu.memory_space<vmem>>) dst(%dma_wait3A_242 : memref<80x128xf32, #tpu.memory_space<vmem_shared>>)
      tpu.yield
    }) : () -> ()
    %barrier3A = arith.constant 0 : index
    tpu.barrier barrier_id(%barrier3A)
    %iota3A = tpu.iota {dimensions = array<i32: 0>} : vector<16xi32>
    %lt3A = arith.constant 8 : i32
    %lt3A_43 = vector.broadcast %lt3A : i32 to vector<16xi32>
    %lt3A_44 = arith.cmpi slt, %iota3A, %lt3A_43 : vector<16xi32>
    %xor3A = arith.constant 1 : i32
    %xor3A_45 = vector.broadcast %xor3A : i32 to vector<16xi32>
    %xor3A_46 = arith.xori %iota3A, %xor3A_45 : vector<16xi32>
    %xor3A_47 = arith.constant 2 : i32
    %xor3A_48 = vector.broadcast %xor3A_47 : i32 to vector<16xi32>
    %xor3A_49 = arith.xori %iota3A, %xor3A_48 : vector<16xi32>
    %xor3A_50 = arith.constant 4 : i32
    %xor3A_51 = vector.broadcast %xor3A_50 : i32 to vector<16xi32>
    %xor3A_52 = arith.xori %iota3A, %xor3A_51 : vector<16xi32>
    %xor3A_53 = arith.constant 8 : i32
    %xor3A_54 = vector.broadcast %xor3A_53 : i32 to vector<16xi32>
    %xor3A_55 = arith.xori %iota3A, %xor3A_54 : vector<16xi32>
    %lt3A_56 = arith.constant 8 : i32
    %lt3A_57 = vector.broadcast %lt3A_56 : i32 to vector<16xi32>
    %lt3A_58 = arith.cmpi slt, %iota3A, %lt3A_57 : vector<16xi32>
    %and3A = arith.constant 4 : i32
    %and3A_59 = vector.broadcast %and3A : i32 to vector<16xi32>
    %and3A_60 = arith.andi %iota3A, %and3A_59 : vector<16xi32>
    %eq3A = arith.constant 0 : i32
    %eq3A_61 = vector.broadcast %eq3A : i32 to vector<16xi32>
    %eq3A_62 = arith.cmpi eq, %and3A_60, %eq3A_61 : vector<16xi32>
    %and3A_63 = arith.constant 2 : i32
    %and3A_64 = vector.broadcast %and3A_63 : i32 to vector<16xi32>
    %and3A_65 = arith.andi %iota3A, %and3A_64 : vector<16xi32>
    %eq3A_66 = arith.constant 0 : i32
    %eq3A_67 = vector.broadcast %eq3A_66 : i32 to vector<16xi32>
    %eq3A_68 = arith.cmpi eq, %and3A_65, %eq3A_67 : vector<16xi32>
    %and3A_69 = arith.constant 1 : i32
    %and3A_70 = vector.broadcast %and3A_69 : i32 to vector<16xi32>
    %and3A_71 = arith.andi %iota3A, %and3A_70 : vector<16xi32>
    %mul3A_72 = arith.constant 8 : i32
    %mul3A_73 = vector.broadcast %mul3A_72 : i32 to vector<16xi32>
    %mul3A_74 = arith.muli %and3A_71, %mul3A_73 : vector<16xi32>
    %and3A_75 = arith.constant 2 : i32
    %and3A_76 = vector.broadcast %and3A_75 : i32 to vector<16xi32>
    %and3A_77 = arith.andi %iota3A, %and3A_76 : vector<16xi32>
    %mul3A_78 = arith.constant 2 : i32
    %mul3A_79 = vector.broadcast %mul3A_78 : i32 to vector<16xi32>
    %mul3A_80 = arith.muli %and3A_77, %mul3A_79 : vector<16xi32>
    %add3A_81 = arith.addi %mul3A_74, %mul3A_80 : vector<16xi32>
    %and3A_82 = arith.constant 4 : i32
    %and3A_83 = vector.broadcast %and3A_82 : i32 to vector<16xi32>
    %and3A_84 = arith.andi %iota3A, %and3A_83 : vector<16xi32>
    %jit3A = arith.constant 2 : i32
    %div3A = vector.broadcast %jit3A : i32 to vector<16xi32>
    %div3A_85 = arith.divsi %and3A_84, %div3A : vector<16xi32>
    %sign3A = arith.constant 0 : i32
    %sign3A_86 = vector.broadcast %sign3A : i32 to vector<16xi32>
    %sign3A_87 = arith.cmpi sgt, %and3A_84, %sign3A_86 : vector<16xi32>
    %sign3A_88 = arith.extui %sign3A_87 : vector<16xi1> to vector<16xi32>
    %sign3A_89 = arith.constant 0 : i32
    %sign3A_90 = vector.broadcast %sign3A_89 : i32 to vector<16xi32>
    %sign3A_91 = arith.cmpi slt, %and3A_84, %sign3A_90 : vector<16xi32>
    %sign3A_92 = arith.extui %sign3A_91 : vector<16xi1> to vector<16xi32>
    %sign3A_93 = arith.subi %sign3A_88, %sign3A_92 : vector<16xi32>
    %sign3A_94 = arith.constant 0 : i32
    %sign3A_95 = arith.cmpi sgt, %jit3A, %sign3A_94 : i32
    %sign3A_96 = arith.extui %sign3A_95 : i1 to i32
    %sign3A_97 = arith.constant 0 : i32
    %sign3A_98 = arith.cmpi slt, %jit3A, %sign3A_97 : i32
    %sign3A_99 = arith.extui %sign3A_98 : i1 to i32
    %sign3A_100 = arith.subi %sign3A_96, %sign3A_99 : i32
    %ne3A = vector.broadcast %sign3A_100 : i32 to vector<16xi32>
    %ne3A_101 = arith.cmpi ne, %sign3A_93, %ne3A : vector<16xi32>
    %rem3A = vector.broadcast %jit3A : i32 to vector<16xi32>
    %rem3A_102 = arith.remsi %and3A_84, %rem3A : vector<16xi32>
    %ne3A_103 = arith.constant 0 : i32
    %ne3A_104 = vector.broadcast %ne3A_103 : i32 to vector<16xi32>
    %ne3A_105 = arith.cmpi ne, %rem3A_102, %ne3A_104 : vector<16xi32>
    %and3A_106 = arith.andi %ne3A_101, %ne3A_105 : vector<16xi1>
    %sub3A = arith.constant 1 : i32
    %sub3A_107 = vector.broadcast %sub3A : i32 to vector<16xi32>
    %sub3A_108 = arith.subi %div3A_85, %sub3A_107 : vector<16xi32>
    %select_n3A = arith.select %and3A_106, %sub3A_108, %div3A_85 : vector<16xi1>, vector<16xi32>
    %add3A_109 = arith.addi %add3A_81, %select_n3A : vector<16xi32>
    %broadcast_in_dim3A = arith.constant 0.000000e+00 : f32
    %broadcast_in_dim3A_110 = vector.broadcast %broadcast_in_dim3A : f32 to vector<16xf32>
    %get3A = arith.constant 0 : i32
    %get3A_111 = arith.index_cast %get3A : i32 to index
    %get3A_112 = arith.constant 0 : index
    %get3A_113 = tpu.vector_load %arg11[%get3A_111, %get3A_112] {strides = array<i32>} : memref<8x16xf32, #tpu.memory_space<vmem>>, vector<1x16xf32>,
    %get3A_114 = vector.shape_cast %get3A_113 : vector<1x16xf32> to vector<16xf32>
    %get3A_115 = arith.constant 1 : i32
    %get3A_116 = arith.index_cast %get3A_115 : i32 to index
    %get3A_117 = arith.constant 0 : index
    %get3A_118 = tpu.vector_load %arg11[%get3A_116, %get3A_117] {strides = array<i32>} : memref<8x16xf32, #tpu.memory_space<vmem>>, vector<1x16xf32>,
    %get3A_119 = vector.shape_cast %get3A_118 : vector<1x16xf32> to vector<16xf32>
    %get3A_120 = arith.constant 2 : i32
    %get3A_121 = arith.index_cast %get3A_120 : i32 to index
    %get3A_122 = arith.constant 0 : index
    %get3A_123 = tpu.vector_load %arg11[%get3A_121, %get3A_122] {strides = array<i32>} : memref<8x16xf32, #tpu.memory_space<vmem>>, vector<1x16xf32>,
    %get3A_124 = vector.shape_cast %get3A_123 : vector<1x16xf32> to vector<16xf32>
    %get3A_125 = arith.constant 3 : i32
    %get3A_126 = arith.index_cast %get3A_125 : i32 to index
    %get3A_127 = arith.constant 0 : index
    %get3A_128 = tpu.vector_load %arg11[%get3A_126, %get3A_127] {strides = array<i32>} : memref<8x16xf32, #tpu.memory_space<vmem>>, vector<1x16xf32>,
    %get3A_129 = vector.shape_cast %get3A_128 : vector<1x16xf32> to vector<16xf32>
    %get3A_130 = arith.constant 4 : i32
    %get3A_131 = arith.index_cast %get3A_130 : i32 to index
    %get3A_132 = arith.constant 0 : index
    %get3A_133 = tpu.vector_load %arg11[%get3A_131, %get3A_132] {strides = array<i32>} : memref<8x16xf32, #tpu.memory_space<vmem>>, vector<1x16xf32>,
    %get3A_134 = vector.shape_cast %get3A_133 : vector<1x16xf32> to vector<16xf32>
    %get3A_135 = arith.constant 5 : i32
    %get3A_136 = arith.index_cast %get3A_135 : i32 to index
    %get3A_137 = arith.constant 0 : index
    %get3A_138 = tpu.vector_load %arg11[%get3A_136, %get3A_137] {strides = array<i32>} : memref<8x16xf32, #tpu.memory_space<vmem>>, vector<1x16xf32>,
    %get3A_139 = vector.shape_cast %get3A_138 : vector<1x16xf32> to vector<16xf32>
    %get3A_140 = arith.constant 6 : i32
    %get3A_141 = arith.index_cast %get3A_140 : i32 to index
    %get3A_142 = arith.constant 0 : index
    %get3A_143 = tpu.vector_load %arg11[%get3A_141, %get3A_142] {strides = array<i32>} : memref<8x16xf32, #tpu.memory_space<vmem>>, vector<1x16xf32>,
    %get3A_144 = vector.shape_cast %get3A_143 : vector<1x16xf32> to vector<16xf32>
    %get3A_145 = arith.constant 7 : i32
    %get3A_146 = arith.index_cast %get3A_145 : i32 to index
    %get3A_147 = arith.constant 0 : index
    %get3A_148 = tpu.vector_load %arg11[%get3A_146, %get3A_147] {strides = array<i32>} : memref<8x16xf32, #tpu.memory_space<vmem>>, vector<1x16xf32>,
    %get3A_149 = vector.shape_cast %get3A_148 : vector<1x16xf32> to vector<16xf32>
    %mul3A_150 = arith.constant 10000 : i32
    %mul3A_151 = arith.muli %add3A, %mul3A_150 : i32
    %multiple_of3A = tpu.assume_multiple %mul3A_151, 8 : i32
    "tpu.region"() ({
      %run_scoped3A = tpu.sem_alloc : memref<!tpu.dma_semaphore, #tpu.memory_space<semaphore_mem>>
      %dma_start3A_235 = tpu.memref_slice %arg4[%multiple_of3A] : memref<320000xi32, #tpu.memory_space<hbm>> -> memref<40xi32, #tpu.memory_space<hbm>>
      %dma_start3A_236 = tpu.memref_slice %arg4[%multiple_of3A] : memref<320000xi32, #tpu.memory_space<hbm>> -> memref<40xi32, #tpu.memory_space<hbm>>
      tpu.enqueue_dma source(%dma_start3A_236 : memref<40xi32, #tpu.memory_space<hbm>>) target(%arg12 : memref<40xi32, #tpu.memory_space<vmem>>) target_semaphore(%run_scoped3A : memref<!tpu.dma_semaphore, #tpu.memory_space<semaphore_mem>>)
      %dma_wait3A_237 = tpu.memref_slice %arg4[%multiple_of3A] : memref<320000xi32, #tpu.memory_space<hbm>> -> memref<40xi32, #tpu.memory_space<hbm>>
      %dma_wait3A_238 = tpu.memref_slice %arg4[%multiple_of3A] : memref<320000xi32, #tpu.memory_space<hbm>> -> memref<40xi32, #tpu.memory_space<hbm>>
      tpu.wait_dma2 semaphore(%run_scoped3A : memref<!tpu.dma_semaphore, #tpu.memory_space<semaphore_mem>>) src(%dma_wait3A_238 : memref<40xi32, #tpu.memory_space<hbm>>) dst(%arg12 : memref<40xi32, #tpu.memory_space<vmem>>)
      tpu.yield
    }) : () -> ()
    "tpu.region"() ({
      %run_scoped3A = tpu.sem_alloc : memref<!tpu.dma_semaphore, #tpu.memory_space<semaphore_mem>>
      %dma_start3A_235 = tpu.memref_slice %arg5[%multiple_of3A] : memref<320000xi32, #tpu.memory_space<hbm>> -> memref<40xi32, #tpu.memory_space<hbm>>
      %dma_start3A_236 = tpu.memref_slice %arg5[%multiple_of3A] : memref<320000xi32, #tpu.memory_space<hbm>> -> memref<40xi32, #tpu.memory_space<hbm>>
      tpu.enqueue_dma source(%dma_start3A_236 : memref<40xi32, #tpu.memory_space<hbm>>) target(%arg13 : memref<40xi32, #tpu.memory_space<vmem>>) target_semaphore(%run_scoped3A : memref<!tpu.dma_semaphore, #tpu.memory_space<semaphore_mem>>)
      %dma_wait3A_237 = tpu.memref_slice %arg5[%multiple_of3A] : memref<320000xi32, #tpu.memory_space<hbm>> -> memref<40xi32, #tpu.memory_space<hbm>>
      %dma_wait3A_238 = tpu.memref_slice %arg5[%multiple_of3A] : memref<320000xi32, #tpu.memory_space<hbm>> -> memref<40xi32, #tpu.memory_space<hbm>>
      tpu.wait_dma2 semaphore(%run_scoped3A : memref<!tpu.dma_semaphore, #tpu.memory_space<semaphore_mem>>) src(%dma_wait3A_238 : memref<40xi32, #tpu.memory_space<hbm>>) dst(%arg13 : memref<40xi32, #tpu.memory_space<vmem>>)
      tpu.yield
    }) : () -> ()
    "tpu.region"() ({
      %run_scoped3A = tpu.sem_alloc : memref<!tpu.dma_semaphore, #tpu.memory_space<semaphore_mem>>
      %dma_start3A_235 = tpu.memref_slice %arg6[%multiple_of3A] : memref<320000xi32, #tpu.memory_space<hbm>> -> memref<40xi32, #tpu.memory_space<hbm>>
      %dma_start3A_236 = tpu.memref_slice %arg6[%multiple_of3A] : memref<320000xi32, #tpu.memory_space<hbm>> -> memref<40xi32, #tpu.memory_space<hbm>>
      tpu.enqueue_dma source(%dma_start3A_236 : memref<40xi32, #tpu.memory_space<hbm>>) target(%arg14 : memref<40xi32, #tpu.memory_space<vmem>>) target_semaphore(%run_scoped3A : memref<!tpu.dma_semaphore, #tpu.memory_space<semaphore_mem>>)
      %dma_wait3A_237 = tpu.memref_slice %arg6[%multiple_of3A] : memref<320000xi32, #tpu.memory_space<hbm>> -> memref<40xi32, #tpu.memory_space<hbm>>
      %dma_wait3A_238 = tpu.memref_slice %arg6[%multiple_of3A] : memref<320000xi32, #tpu.memory_space<hbm>> -> memref<40xi32, #tpu.memory_space<hbm>>
      tpu.wait_dma2 semaphore(%run_scoped3A : memref<!tpu.dma_semaphore, #tpu.memory_space<semaphore_mem>>) src(%dma_wait3A_238 : memref<40xi32, #tpu.memory_space<hbm>>) dst(%arg14 : memref<40xi32, #tpu.memory_space<vmem>>)
      tpu.yield
    }) : () -> ()
    "tpu.region"() ({
      %run_scoped3A = tpu.sem_alloc : memref<!tpu.dma_semaphore, #tpu.memory_space<semaphore_mem>>
      %dma_start3A_235 = arith.constant 0 : i32
      %dma_start3A_236 = tpu.memref_slice %arg15[%dma_start3A_235] : memref<48xi32, #tpu.memory_space<vmem>> -> memref<40xi32, #tpu.memory_space<vmem>>
      %dma_start3A_237 = tpu.memref_slice %arg7[%multiple_of3A] : memref<320000xi32, #tpu.memory_space<hbm>> -> memref<40xi32, #tpu.memory_space<hbm>>
      %dma_start3A_238 = arith.constant 0 : i32
      %dma_start3A_239 = tpu.memref_slice %arg15[%dma_start3A_238] : memref<48xi32, #tpu.memory_space<vmem>> -> memref<40xi32, #tpu.memory_space<vmem>>
      %dma_start3A_240 = tpu.memref_slice %arg7[%multiple_of3A] : memref<320000xi32, #tpu.memory_space<hbm>> -> memref<40xi32, #tpu.memory_space<hbm>>
      tpu.enqueue_dma source(%dma_start3A_240 : memref<40xi32, #tpu.memory_space<hbm>>) target(%dma_start3A_239 : memref<40xi32, #tpu.memory_space<vmem>>) target_semaphore(%run_scoped3A : memref<!tpu.dma_semaphore, #tpu.memory_space<semaphore_mem>>)
      %dma_wait3A_241 = arith.constant 0 : i32
      %dma_wait3A_242 = tpu.memref_slice %arg15[%dma_wait3A_241] : memref<48xi32, #tpu.memory_space<vmem>> -> memref<40xi32, #tpu.memory_space<vmem>>
      %dma_wait3A_243 = tpu.memref_slice %arg7[%multiple_of3A] : memref<320000xi32, #tpu.memory_space<hbm>> -> memref<40xi32, #tpu.memory_space<hbm>>
      %dma_wait3A_244 = arith.constant 0 : i32
      %dma_wait3A_245 = tpu.memref_slice %arg15[%dma_wait3A_244] : memref<48xi32, #tpu.memory_space<vmem>> -> memref<40xi32, #tpu.memory_space<vmem>>
      %dma_wait3A_246 = tpu.memref_slice %arg7[%multiple_of3A] : memref<320000xi32, #tpu.memory_space<hbm>> -> memref<40xi32, #tpu.memory_space<hbm>>
      tpu.wait_dma2 semaphore(%run_scoped3A : memref<!tpu.dma_semaphore, #tpu.memory_space<semaphore_mem>>) src(%dma_wait3A_246 : memref<40xi32, #tpu.memory_space<hbm>>) dst(%dma_wait3A_245 : memref<40xi32, #tpu.memory_space<vmem>>)
      tpu.yield
    }) : () -> ()
    %dma_start3A = arith.constant 0 : i32
    %dma_start3A_152 = arith.constant 0 : i32
    %dma_start3A_153 = tpu.memref_slice %arg20[%dma_start3A, %dma_start3A_152] : memref<80x128xf32, #tpu.memory_space<vmem>> -> memref<40x128xf32, #tpu.memory_space<vmem>>
    %dma_start3A_154 = arith.constant 0 : i32
    %dma_start3A_155 = arith.constant 0 : i32
    %dma_start3A_156 = tpu.memref_slice %arg2[%dma_start3A_154, %dma_start3A_155] : memref<10000x128xf32, #tpu.memory_space<hbm>> -> memref<10000x128xf32, #tpu.memory_space<hbm>>
    tpu.enqueue_indirect_dma source(%dma_start3A_156 : memref<10000x128xf32, #tpu.memory_space<hbm>>) target(%dma_start3A_153 : memref<40x128xf32, #tpu.memory_space<vmem>>) offsets(%arg12 : memref<40xi32, #tpu.memory_space<vmem>>) semaphore(%arg24 : memref<!tpu.dma_semaphore, #tpu.memory_space<semaphore_mem>>)
    %dma_start3A_157 = arith.constant 0 : i32
    %dma_start3A_158 = arith.constant 0 : i32
    %dma_start3A_159 = tpu.memref_slice %arg21[%dma_start3A_157, %dma_start3A_158] : memref<80x128xf32, #tpu.memory_space<vmem>> -> memref<40x128xf32, #tpu.memory_space<vmem>>
    %dma_start3A_160 = arith.constant 0 : i32
    %dma_start3A_161 = arith.constant 0 : i32
    %dma_start3A_162 = tpu.memref_slice %arg3[%dma_start3A_160, %dma_start3A_161] : memref<10000x128xf32, #tpu.memory_space<hbm>> -> memref<10000x128xf32, #tpu.memory_space<hbm>>
    tpu.enqueue_indirect_dma source(%dma_start3A_162 : memref<10000x128xf32, #tpu.memory_space<hbm>>) target(%dma_start3A_159 : memref<40x128xf32, #tpu.memory_space<vmem>>) offsets(%arg13 : memref<40xi32, #tpu.memory_space<vmem>>) semaphore(%arg24 : memref<!tpu.dma_semaphore, #tpu.memory_space<semaphore_mem>>)
    %mul3A_163 = arith.constant 10000 : i32
    %mul3A_164 = arith.muli %add3A, %mul3A_163 : i32
    %mul3A_165 = arith.constant 1 : i32
    %mul3A_166 = arith.constant 40 : i32
    %mul3A_167 = arith.muli %mul3A_165, %mul3A_166 : i32
    %add3A_168 = arith.addi %mul3A_164, %mul3A_167 : i32
    %multiple_of3A_169 = tpu.assume_multiple %add3A_168, 8 : i32
    %dma_start3A_170 = tpu.memref_slice %arg4[%multiple_of3A_169] : memref<320000xi32, #tpu.memory_space<hbm>> -> memref<40xi32, #tpu.memory_space<hbm>>
    %dma_start3A_171 = tpu.memref_slice %arg4[%multiple_of3A_169] : memref<320000xi32, #tpu.memory_space<hbm>> -> memref<40xi32, #tpu.memory_space<hbm>>
    tpu.enqueue_dma source(%dma_start3A_171 : memref<40xi32, #tpu.memory_space<hbm>>) target(%arg16 : memref<40xi32, #tpu.memory_space<vmem>>) target_semaphore(%arg23 : memref<!tpu.dma_semaphore, #tpu.memory_space<semaphore_mem>>)
    %dma_start3A_172 = tpu.memref_slice %arg5[%multiple_of3A_169] : memref<320000xi32, #tpu.memory_space<hbm>> -> memref<40xi32, #tpu.memory_space<hbm>>
    %dma_start3A_173 = tpu.memref_slice %arg5[%multiple_of3A_169] : memref<320000xi32, #tpu.memory_space<hbm>> -> memref<40xi32, #tpu.memory_space<hbm>>
    tpu.enqueue_dma source(%dma_start3A_173 : memref<40xi32, #tpu.memory_space<hbm>>) target(%arg17 : memref<40xi32, #tpu.memory_space<vmem>>) target_semaphore(%arg23 : memref<!tpu.dma_semaphore, #tpu.memory_space<semaphore_mem>>)
    %dma_start3A_174 = tpu.memref_slice %arg6[%multiple_of3A_169] : memref<320000xi32, #tpu.memory_space<hbm>> -> memref<40xi32, #tpu.memory_space<hbm>>
    %dma_start3A_175 = tpu.memref_slice %arg6[%multiple_of3A_169] : memref<320000xi32, #tpu.memory_space<hbm>> -> memref<40xi32, #tpu.memory_space<hbm>>
    tpu.enqueue_dma source(%dma_start3A_175 : memref<40xi32, #tpu.memory_space<hbm>>) target(%arg18 : memref<40xi32, #tpu.memory_space<vmem>>) target_semaphore(%arg23 : memref<!tpu.dma_semaphore, #tpu.memory_space<semaphore_mem>>)
    %dma_start3A_176 = arith.constant 0 : i32
    %dma_start3A_177 = tpu.memref_slice %arg19[%dma_start3A_176] : memref<48xi32, #tpu.memory_space<vmem>> -> memref<40xi32, #tpu.memory_space<vmem>>
    %dma_start3A_178 = tpu.memref_slice %arg7[%multiple_of3A_169] : memref<320000xi32, #tpu.memory_space<hbm>> -> memref<40xi32, #tpu.memory_space<hbm>>
    %dma_start3A_179 = arith.constant 0 : i32
    %dma_start3A_180 = tpu.memref_slice %arg19[%dma_start3A_179] : memref<48xi32, #tpu.memory_space<vmem>> -> memref<40xi32, #tpu.memory_space<vmem>>
    %dma_start3A_181 = tpu.memref_slice %arg7[%multiple_of3A_169] : memref<320000xi32, #tpu.memory_space<hbm>> -> memref<40xi32, #tpu.memory_space<hbm>>
    tpu.enqueue_dma source(%dma_start3A_181 : memref<40xi32, #tpu.memory_space<hbm>>) target(%dma_start3A_180 : memref<40xi32, #tpu.memory_space<vmem>>) target_semaphore(%arg23 : memref<!tpu.dma_semaphore, #tpu.memory_space<semaphore_mem>>)
    %scan3A_182 = arith.constant 0 : i32
    %scan3A_183 = arith.constant 0 : i32
    %scan3A_184 = arith.constant 125 : i32
    %scan3A_185 = arith.addi %scan3A_183, %scan3A_184 : i32
    %scan3A_186 = arith.constant 1 : i32
    %scan3A_187 = scf.for %scan3A_235 = %scan3A_183 to %scan3A_185 step %scan3A_186 iter_args(%scan3A_236 = %scan3A_182) -> (i32)  : i32 {
      %mul3A_237 = arith.constant 2 : i32
      %mul3A_238 = arith.muli %scan3A_235, %mul3A_237 : i32
      %dma_wait3A_239 = arith.constant 0 : i32
      %dma_wait3A_240 = arith.constant 0 : i32
      %dma_wait3A_241 = tpu.memref_slice %arg20[%dma_wait3A_239, %dma_wait3A_240] : memref<80x128xf32, #tpu.memory_space<vmem>> -> memref<40x128xf32, #tpu.memory_space<vmem>>
      %dma_wait3A_242 = arith.constant 0 : i32
      %dma_wait3A_243 = arith.constant 0 : i32
      %dma_wait3A_244 = tpu.memref_slice %arg2[%dma_wait3A_242, %dma_wait3A_243] : memref<10000x128xf32, #tpu.memory_space<hbm>> -> memref<40x128xf32, #tpu.memory_space<hbm>>
      %dma_wait3A_245 = arith.constant 0 : i32
      %dma_wait3A_246 = arith.constant 0 : i32
      %dma_wait3A_247 = tpu.memref_slice %arg20[%dma_wait3A_245, %dma_wait3A_246] : memref<80x128xf32, #tpu.memory_space<vmem>> -> memref<40x128xf32, #tpu.memory_space<vmem>>
      %dma_wait3A_248 = arith.constant 0 : i32
      %dma_wait3A_249 = arith.constant 0 : i32
      %dma_wait3A_250 = tpu.memref_slice %arg2[%dma_wait3A_248, %dma_wait3A_249] : memref<10000x128xf32, #tpu.memory_space<hbm>> -> memref<40x128xf32, #tpu.memory_space<hbm>>
      tpu.wait_dma2 semaphore(%arg24 : memref<!tpu.dma_semaphore, #tpu.memory_space<semaphore_mem>>) src(%dma_wait3A_250 : memref<40x128xf32, #tpu.memory_space<hbm>>) dst(%dma_wait3A_247 : memref<40x128xf32, #tpu.memory_space<vmem>>)
      %dma_wait3A_251 = arith.constant 0 : i32
      %dma_wait3A_252 = arith.constant 0 : i32
      %dma_wait3A_253 = tpu.memref_slice %arg21[%dma_wait3A_251, %dma_wait3A_252] : memref<80x128xf32, #tpu.memory_space<vmem>> -> memref<40x128xf32, #tpu.memory_space<vmem>>
      %dma_wait3A_254 = arith.constant 0 : i32
      %dma_wait3A_255 = arith.constant 0 : i32
      %dma_wait3A_256 = tpu.memref_slice %arg3[%dma_wait3A_254, %dma_wait3A_255] : memref<10000x128xf32, #tpu.memory_space<hbm>> -> memref<40x128xf32, #tpu.memory_space<hbm>>
      %dma_wait3A_257 = arith.constant 0 : i32
      %dma_wait3A_258 = arith.constant 0 : i32
      %dma_wait3A_259 = tpu.memref_slice %arg21[%dma_wait3A_257, %dma_wait3A_258] : memref<80x128xf32, #tpu.memory_space<vmem>> -> memref<40x128xf32, #tpu.memory_space<vmem>>
      %dma_wait3A_260 = arith.constant 0 : i32
      %dma_wait3A_261 = arith.constant 0 : i32
      %dma_wait3A_262 = tpu.memref_slice %arg3[%dma_wait3A_260, %dma_wait3A_261] : memref<10000x128xf32, #tpu.memory_space<hbm>> -> memref<40x128xf32, #tpu.memory_space<hbm>>
      tpu.wait_dma2 semaphore(%arg24 : memref<!tpu.dma_semaphore, #tpu.memory_space<semaphore_mem>>) src(%dma_wait3A_262 : memref<40x128xf32, #tpu.memory_space<hbm>>) dst(%dma_wait3A_259 : memref<40x128xf32, #tpu.memory_space<vmem>>)
      %dma_wait3A_263 = arith.constant 0 : i32
      %dma_wait3A_264 = tpu.memref_slice %arg4[%dma_wait3A_263] : memref<320000xi32, #tpu.memory_space<hbm>> -> memref<40xi32, #tpu.memory_space<hbm>>
      %dma_wait3A_265 = arith.constant 0 : i32
      %dma_wait3A_266 = tpu.memref_slice %arg4[%dma_wait3A_265] : memref<320000xi32, #tpu.memory_space<hbm>> -> memref<40xi32, #tpu.memory_space<hbm>>
      tpu.wait_dma2 semaphore(%arg23 : memref<!tpu.dma_semaphore, #tpu.memory_space<semaphore_mem>>) src(%dma_wait3A_266 : memref<40xi32, #tpu.memory_space<hbm>>) dst(%arg16 : memref<40xi32, #tpu.memory_space<vmem>>)
      %dma_wait3A_267 = arith.constant 0 : i32
      %dma_wait3A_268 = tpu.memref_slice %arg5[%dma_wait3A_267] : memref<320000xi32, #tpu.memory_space<hbm>> -> memref<40xi32, #tpu.memory_space<hbm>>
      %dma_wait3A_269 = arith.constant 0 : i32
      %dma_wait3A_270 = tpu.memref_slice %arg5[%dma_wait3A_269] : memref<320000xi32, #tpu.memory_space<hbm>> -> memref<40xi32, #tpu.memory_space<hbm>>
      tpu.wait_dma2 semaphore(%arg23 : memref<!tpu.dma_semaphore, #tpu.memory_space<semaphore_mem>>) src(%dma_wait3A_270 : memref<40xi32, #tpu.memory_space<hbm>>) dst(%arg17 : memref<40xi32, #tpu.memory_space<vmem>>)
      %dma_wait3A_271 = arith.constant 0 : i32
      %dma_wait3A_272 = tpu.memref_slice %arg6[%dma_wait3A_271] : memref<320000xi32, #tpu.memory_space<hbm>> -> memref<40xi32, #tpu.memory_space<hbm>>
      %dma_wait3A_273 = arith.constant 0 : i32
      %dma_wait3A_274 = tpu.memref_slice %arg6[%dma_wait3A_273] : memref<320000xi32, #tpu.memory_space<hbm>> -> memref<40xi32, #tpu.memory_space<hbm>>
      tpu.wait_dma2 semaphore(%arg23 : memref<!tpu.dma_semaphore, #tpu.memory_space<semaphore_mem>>) src(%dma_wait3A_274 : memref<40xi32, #tpu.memory_space<hbm>>) dst(%arg18 : memref<40xi32, #tpu.memory_space<vmem>>)
      %dma_wait3A_275 = arith.constant 0 : i32
      %dma_wait3A_276 = tpu.memref_slice %arg19[%dma_wait3A_275] : memref<48xi32, #tpu.memory_space<vmem>> -> memref<40xi32, #tpu.memory_space<vmem>>
      %dma_wait3A_277 = arith.constant 0 : i32
      %dma_wait3A_278 = tpu.memref_slice %arg7[%dma_wait3A_277] : memref<320000xi32, #tpu.memory_space<hbm>> -> memref<40xi32, #tpu.memory_space<hbm>>
      %dma_wait3A_279 = arith.constant 0 : i32
      %dma_wait3A_280 = tpu.memref_slice %arg19[%dma_wait3A_279] : memref<48xi32, #tpu.memory_space<vmem>> -> memref<40xi32, #tpu.memory_space<vmem>>
      %dma_wait3A_281 = arith.constant 0 : i32
      %dma_wait3A_282 = tpu.memref_slice %arg7[%dma_wait3A_281] : memref<320000xi32, #tpu.memory_space<hbm>> -> memref<40xi32, #tpu.memory_space<hbm>>
      tpu.wait_dma2 semaphore(%arg23 : memref<!tpu.dma_semaphore, #tpu.memory_space<semaphore_mem>>) src(%dma_wait3A_282 : memref<40xi32, #tpu.memory_space<hbm>>) dst(%dma_wait3A_280 : memref<40xi32, #tpu.memory_space<vmem>>)
      %dma_start3A_283 = arith.constant 40 : i32
      %dma_start3A_284 = arith.constant 0 : i32
      %dma_start3A_285 = tpu.memref_slice %arg20[%dma_start3A_283, %dma_start3A_284] : memref<80x128xf32, #tpu.memory_space<vmem>> -> memref<40x128xf32, #tpu.memory_space<vmem>>
      %dma_start3A_286 = arith.constant 0 : i32
      %dma_start3A_287 = arith.constant 0 : i32
      %dma_start3A_288 = tpu.memref_slice %arg2[%dma_start3A_286, %dma_start3A_287] : memref<10000x128xf32, #tpu.memory_space<hbm>> -> memref<10000x128xf32, #tpu.memory_space<hbm>>
      tpu.enqueue_indirect_dma source(%dma_start3A_288 : memref<10000x128xf32, #tpu.memory_space<hbm>>) target(%dma_start3A_285 : memref<40x128xf32, #tpu.memory_space<vmem>>) offsets(%arg16 : memref<40xi32, #tpu.memory_space<vmem>>) semaphore(%arg25 : memref<!tpu.dma_semaphore, #tpu.memory_space<semaphore_mem>>)
      %dma_start3A_289 = arith.constant 40 : i32
      %dma_start3A_290 = arith.constant 0 : i32
      %dma_start3A_291 = tpu.memref_slice %arg21[%dma_start3A_289, %dma_start3A_290] : memref<80x128xf32, #tpu.memory_space<vmem>> -> memref<40x128xf32, #tpu.memory_space<vmem>>
      %dma_start3A_292 = arith.constant 0 : i32
      %dma_start3A_293 = arith.constant 0 : i32
      %dma_start3A_294 = tpu.memref_slice %arg3[%dma_start3A_292, %dma_start3A_293] : memref<10000x128xf32, #tpu.memory_space<hbm>> -> memref<10000x128xf32, #tpu.memory_space<hbm>>
      tpu.enqueue_indirect_dma source(%dma_start3A_294 : memref<10000x128xf32, #tpu.memory_space<hbm>>) target(%dma_start3A_291 : memref<40x128xf32, #tpu.memory_space<vmem>>) offsets(%arg17 : memref<40xi32, #tpu.memory_space<vmem>>) semaphore(%arg25 : memref<!tpu.dma_semaphore, #tpu.memory_space<semaphore_mem>>)
      %scan3A_295 = arith.constant 0 : i32
      %scan3A_296 = arith.constant 0 : i32
      %scan3A_297 = arith.constant 40 : i32
      %scan3A_298 = arith.addi %scan3A_296, %scan3A_297 : i32
      %scan3A_299 = arith.constant 2 : i32
      %scan3A_300 = scf.for %scan3A_412 = %scan3A_296 to %scan3A_298 step %scan3A_299 iter_args(%scan3A_413 = %scan3A_295) -> (i32)  : i32 {
        %add3A_414 = arith.constant 0 : i32
        %add3A_415 = arith.addi %add3A_414, %scan3A_412 : i32
        %get3A_416 = arith.index_cast %add3A_415 : i32 to index
        %get3A_417 = arith.constant 0 : index
        %get3A_418 = tpu.vector_load %arg20[%get3A_416, %get3A_417] {strides = array<i32>} : memref<80x128xf32, #tpu.memory_space<vmem>>, vector<1x16xf32>,
        %get3A_419 = vector.shape_cast %get3A_418 : vector<1x16xf32> to vector<16xf32>
        %get3A_420 = arith.index_cast %add3A_415 : i32 to index
        %get3A_421 = arith.constant 0 : index
        %get3A_422 = tpu.vector_load %arg21[%get3A_420, %get3A_421] {strides = array<i32>} : memref<80x128xf32, #tpu.memory_space<vmem>>, vector<1x16xf32>,
        %get3A_423 = vector.shape_cast %get3A_422 : vector<1x16xf32> to vector<16xf32>
        %add3A_424 = arith.addf %get3A_419, %get3A_423 : vector<16xf32>
        %mul3A_425 = arith.constant 2.000000e-01 : f32
        %mul3A_426 = vector.broadcast %mul3A_425 : f32 to vector<16xf32>
        %mul3A_427 = arith.mulf %mul3A_426, %add3A_424 : vector<16xf32>
        %max3A = arith.maximumf %add3A_424, %mul3A_427 : vector<16xf32>
        %mul3A_428 = arith.mulf %max3A, %get3A_114 : vector<16xf32>
        %get3A_429 = arith.index_cast %add3A_415 : i32 to index
        %get3A_430 = arith.constant 16 : index
        %get3A_431 = tpu.vector_load %arg20[%get3A_429, %get3A_430] {strides = array<i32>} : memref<80x128xf32, #tpu.memory_space<vmem>>, vector<1x16xf32>,
        %get3A_432 = vector.shape_cast %get3A_431 : vector<1x16xf32> to vector<16xf32>
        %get3A_433 = arith.index_cast %add3A_415 : i32 to index
        %get3A_434 = arith.constant 16 : index
        %get3A_435 = tpu.vector_load %arg21[%get3A_433, %get3A_434] {strides = array<i32>} : memref<80x128xf32, #tpu.memory_space<vmem>>, vector<1x16xf32>,
        %get3A_436 = vector.shape_cast %get3A_435 : vector<1x16xf32> to vector<16xf32>
        %add3A_437 = arith.addf %get3A_432, %get3A_436 : vector<16xf32>
        %mul3A_438 = arith.constant 2.000000e-01 : f32
        %mul3A_439 = vector.broadcast %mul3A_438 : f32 to vector<16xf32>
        %mul3A_440 = arith.mulf %mul3A_439, %add3A_437 : vector<16xf32>
        %max3A_441 = arith.maximumf %add3A_437, %mul3A_440 : vector<16xf32>
        %mul3A_442 = arith.mulf %max3A_441, %get3A_119 : vector<16xf32>
        %get3A_443 = arith.index_cast %add3A_415 : i32 to index
        %get3A_444 = arith.constant 32 : index
        %get3A_445 = tpu.vector_load %arg20[%get3A_443, %get3A_444] {strides = array<i32>} : memref<80x128xf32, #tpu.memory_space<vmem>>, vector<1x16xf32>,
        %get3A_446 = vector.shape_cast %get3A_445 : vector<1x16xf32> to vector<16xf32>
        %get3A_447 = arith.index_cast %add3A_415 : i32 to index
        %get3A_448 = arith.constant 32 : index
        %get3A_449 = tpu.vector_load %arg21[%get3A_447, %get3A_448] {strides = array<i32>} : memref<80x128xf32, #tpu.memory_space<vmem>>, vector<1x16xf32>,
        %get3A_450 = vector.shape_cast %get3A_449 : vector<1x16xf32> to vector<16xf32>
        %add3A_451 = arith.addf %get3A_446, %get3A_450 : vector<16xf32>
        %mul3A_452 = arith.constant 2.000000e-01 : f32
        %mul3A_453 = vector.broadcast %mul3A_452 : f32 to vector<16xf32>
        %mul3A_454 = arith.mulf %mul3A_453, %add3A_451 : vector<16xf32>
        %max3A_455 = arith.maximumf %add3A_451, %mul3A_454 : vector<16xf32>
        %mul3A_456 = arith.mulf %max3A_455, %get3A_124 : vector<16xf32>
        %get3A_457 = arith.index_cast %add3A_415 : i32 to index
        %get3A_458 = arith.constant 48 : index
        %get3A_459 = tpu.vector_load %arg20[%get3A_457, %get3A_458] {strides = array<i32>} : memref<80x128xf32, #tpu.memory_space<vmem>>, vector<1x16xf32>,
        %get3A_460 = vector.shape_cast %get3A_459 : vector<1x16xf32> to vector<16xf32>
        %get3A_461 = arith.index_cast %add3A_415 : i32 to index
        %get3A_462 = arith.constant 48 : index
        %get3A_463 = tpu.vector_load %arg21[%get3A_461, %get3A_462] {strides = array<i32>} : memref<80x128xf32, #tpu.memory_space<vmem>>, vector<1x16xf32>,
        %get3A_464 = vector.shape_cast %get3A_463 : vector<1x16xf32> to vector<16xf32>
        %add3A_465 = arith.addf %get3A_460, %get3A_464 : vector<16xf32>
        %mul3A_466 = arith.constant 2.000000e-01 : f32
        %mul3A_467 = vector.broadcast %mul3A_466 : f32 to vector<16xf32>
        %mul3A_468 = arith.mulf %mul3A_467, %add3A_465 : vector<16xf32>
        %max3A_469 = arith.maximumf %add3A_465, %mul3A_468 : vector<16xf32>
        %mul3A_470 = arith.mulf %max3A_469, %get3A_129 : vector<16xf32>
        %get3A_471 = arith.index_cast %add3A_415 : i32 to index
        %get3A_472 = arith.constant 64 : index
        %get3A_473 = tpu.vector_load %arg20[%get3A_471, %get3A_472] {strides = array<i32>} : memref<80x128xf32, #tpu.memory_space<vmem>>, vector<1x16xf32>,
        %get3A_474 = vector.shape_cast %get3A_473 : vector<1x16xf32> to vector<16xf32>
        %get3A_475 = arith.index_cast %add3A_415 : i32 to index
        %get3A_476 = arith.constant 64 : index
        %get3A_477 = tpu.vector_load %arg21[%get3A_475, %get3A_476] {strides = array<i32>} : memref<80x128xf32, #tpu.memory_space<vmem>>, vector<1x16xf32>,
        %get3A_478 = vector.shape_cast %get3A_477 : vector<1x16xf32> to vector<16xf32>
        %add3A_479 = arith.addf %get3A_474, %get3A_478 : vector<16xf32>
        %mul3A_480 = arith.constant 2.000000e-01 : f32
        %mul3A_481 = vector.broadcast %mul3A_480 : f32 to vector<16xf32>
        %mul3A_482 = arith.mulf %mul3A_481, %add3A_479 : vector<16xf32>
        %max3A_483 = arith.maximumf %add3A_479, %mul3A_482 : vector<16xf32>
        %mul3A_484 = arith.mulf %max3A_483, %get3A_134 : vector<16xf32>
        %get3A_485 = arith.index_cast %add3A_415 : i32 to index
        %get3A_486 = arith.constant 80 : index
        %get3A_487 = tpu.vector_load %arg20[%get3A_485, %get3A_486] {strides = array<i32>} : memref<80x128xf32, #tpu.memory_space<vmem>>, vector<1x16xf32>,
        %get3A_488 = vector.shape_cast %get3A_487 : vector<1x16xf32> to vector<16xf32>
        %get3A_489 = arith.index_cast %add3A_415 : i32 to index
        %get3A_490 = arith.constant 80 : index
        %get3A_491 = tpu.vector_load %arg21[%get3A_489, %get3A_490] {strides = array<i32>} : memref<80x128xf32, #tpu.memory_space<vmem>>, vector<1x16xf32>,
        %get3A_492 = vector.shape_cast %get3A_491 : vector<1x16xf32> to vector<16xf32>
        %add3A_493 = arith.addf %get3A_488, %get3A_492 : vector<16xf32>
        %mul3A_494 = arith.constant 2.000000e-01 : f32
        %mul3A_495 = vector.broadcast %mul3A_494 : f32 to vector<16xf32>
        %mul3A_496 = arith.mulf %mul3A_495, %add3A_493 : vector<16xf32>
        %max3A_497 = arith.maximumf %add3A_493, %mul3A_496 : vector<16xf32>
        %mul3A_498 = arith.mulf %max3A_497, %get3A_139 : vector<16xf32>
        %get3A_499 = arith.index_cast %add3A_415 : i32 to index
        %get3A_500 = arith.constant 96 : index
        %get3A_501 = tpu.vector_load %arg20[%get3A_499, %get3A_500] {strides = array<i32>} : memref<80x128xf32, #tpu.memory_space<vmem>>, vector<1x16xf32>,
        %get3A_502 = vector.shape_cast %get3A_501 : vector<1x16xf32> to vector<16xf32>
        %get3A_503 = arith.index_cast %add3A_415 : i32 to index
        %get3A_504 = arith.constant 96 : index
        %get3A_505 = tpu.vector_load %arg21[%get3A_503, %get3A_504] {strides = array<i32>} : memref<80x128xf32, #tpu.memory_space<vmem>>, vector<1x16xf32>,
        %get3A_506 = vector.shape_cast %get3A_505 : vector<1x16xf32> to vector<16xf32>
        %add3A_507 = arith.addf %get3A_502, %get3A_506 : vector<16xf32>
        %mul3A_508 = arith.constant 2.000000e-01 : f32
        %mul3A_509 = vector.broadcast %mul3A_508 : f32 to vector<16xf32>
        %mul3A_510 = arith.mulf %mul3A_509, %add3A_507 : vector<16xf32>
        %max3A_511 = arith.maximumf %add3A_507, %mul3A_510 : vector<16xf32>
        %mul3A_512 = arith.mulf %max3A_511, %get3A_144 : vector<16xf32>
        %get3A_513 = arith.index_cast %add3A_415 : i32 to index
        %get3A_514 = arith.constant 112 : index
        %get3A_515 = tpu.vector_load %arg20[%get3A_513, %get3A_514] {strides = array<i32>} : memref<80x128xf32, #tpu.memory_space<vmem>>, vector<1x16xf32>,
        %get3A_516 = vector.shape_cast %get3A_515 : vector<1x16xf32> to vector<16xf32>
        %get3A_517 = arith.index_cast %add3A_415 : i32 to index
        %get3A_518 = arith.constant 112 : index
        %get3A_519 = tpu.vector_load %arg21[%get3A_517, %get3A_518] {strides = array<i32>} : memref<80x128xf32, #tpu.memory_space<vmem>>, vector<1x16xf32>,
        %get3A_520 = vector.shape_cast %get3A_519 : vector<1x16xf32> to vector<16xf32>
        %add3A_521 = arith.addf %get3A_516, %get3A_520 : vector<16xf32>
        %mul3A_522 = arith.constant 2.000000e-01 : f32
        %mul3A_523 = vector.broadcast %mul3A_522 : f32 to vector<16xf32>
        %mul3A_524 = arith.mulf %mul3A_523, %add3A_521 : vector<16xf32>
        %max3A_525 = arith.maximumf %add3A_521, %mul3A_524 : vector<16xf32>
        %mul3A_526 = arith.mulf %max3A_525, %get3A_149 : vector<16xf32>
        %lt3A_527 = arith.constant 0 : i32
        %lt3A_528 = vector.broadcast %lt3A_527 : i32 to vector<16xi32>
        %lt3A_529 = arith.cmpi slt, %xor3A_46, %lt3A_528 : vector<16xi32>
        %add3A_530 = arith.constant 16 : i32
        %add3A_531 = vector.broadcast %add3A_530 : i32 to vector<16xi32>
        %add3A_532 = arith.addi %xor3A_46, %add3A_531 : vector<16xi32>
        %select_n3A_533 = arith.select %lt3A_529, %add3A_532, %xor3A_46 : vector<16xi1>, vector<16xi32>
        %broadcast_in_dim3A_534 = vector.shape_cast %select_n3A_533 : vector<16xi32> to vector<16x1xi32>
        %gather3A = vector.shape_cast %broadcast_in_dim3A_534 : vector<16x1xi32> to vector<16xi32>
        %gather3A_535 = tpu.dynamic_gather %mul3A_428[%gather3A] in [0] : vector<16xf32>, vector<16xi32> -> vector<16xf32>
        %add3A_536 = arith.addf %mul3A_428, %gather3A_535 : vector<16xf32>
        %lt3A_537 = arith.constant 0 : i32
        %lt3A_538 = vector.broadcast %lt3A_537 : i32 to vector<16xi32>
        %lt3A_539 = arith.cmpi slt, %xor3A_49, %lt3A_538 : vector<16xi32>
        %add3A_540 = arith.constant 16 : i32
        %add3A_541 = vector.broadcast %add3A_540 : i32 to vector<16xi32>
        %add3A_542 = arith.addi %xor3A_49, %add3A_541 : vector<16xi32>
        %select_n3A_543 = arith.select %lt3A_539, %add3A_542, %xor3A_49 : vector<16xi1>, vector<16xi32>
        %broadcast_in_dim3A_544 = vector.shape_cast %select_n3A_543 : vector<16xi32> to vector<16x1xi32>
        %gather3A_545 = vector.shape_cast %broadcast_in_dim3A_544 : vector<16x1xi32> to vector<16xi32>
        %gather3A_546 = tpu.dynamic_gather %add3A_536[%gather3A_545] in [0] : vector<16xf32>, vector<16xi32> -> vector<16xf32>
        %add3A_547 = arith.addf %add3A_536, %gather3A_546 : vector<16xf32>
        %lt3A_548 = arith.constant 0 : i32
        %lt3A_549 = vector.broadcast %lt3A_548 : i32 to vector<16xi32>
        %lt3A_550 = arith.cmpi slt, %xor3A_52, %lt3A_549 : vector<16xi32>
        %add3A_551 = arith.constant 16 : i32
        %add3A_552 = vector.broadcast %add3A_551 : i32 to vector<16xi32>
        %add3A_553 = arith.addi %xor3A_52, %add3A_552 : vector<16xi32>
        %select_n3A_554 = arith.select %lt3A_550, %add3A_553, %xor3A_52 : vector<16xi1>, vector<16xi32>
        %broadcast_in_dim3A_555 = vector.shape_cast %select_n3A_554 : vector<16xi32> to vector<16x1xi32>
        %gather3A_556 = vector.shape_cast %broadcast_in_dim3A_555 : vector<16x1xi32> to vector<16xi32>
        %gather3A_557 = tpu.dynamic_gather %add3A_547[%gather3A_556] in [0] : vector<16xf32>, vector<16xi32> -> vector<16xf32>
        %add3A_558 = arith.addf %add3A_547, %gather3A_557 : vector<16xf32>
        %lt3A_559 = arith.constant 0 : i32
        %lt3A_560 = vector.broadcast %lt3A_559 : i32 to vector<16xi32>
        %lt3A_561 = arith.cmpi slt, %xor3A_55, %lt3A_560 : vector<16xi32>
        %add3A_562 = arith.constant 16 : i32
        %add3A_563 = vector.broadcast %add3A_562 : i32 to vector<16xi32>
        %add3A_564 = arith.addi %xor3A_55, %add3A_563 : vector<16xi32>
        %select_n3A_565 = arith.select %lt3A_561, %add3A_564, %xor3A_55 : vector<16xi1>, vector<16xi32>
        %broadcast_in_dim3A_566 = vector.shape_cast %select_n3A_565 : vector<16xi32> to vector<16x1xi32>
        %gather3A_567 = vector.shape_cast %broadcast_in_dim3A_566 : vector<16x1xi32> to vector<16xi32>
        %gather3A_568 = tpu.dynamic_gather %add3A_558[%gather3A_567] in [0] : vector<16xf32>, vector<16xi32> -> vector<16xf32>
        %add3A_569 = arith.addf %add3A_558, %gather3A_568 : vector<16xf32>
        %eq3A_570 = arith.constant 0 : i32
        %eq3A_571 = vector.broadcast %eq3A_570 : i32 to vector<16xi32>
        %eq3A_572 = arith.cmpi eq, %iota3A, %eq3A_571 : vector<16xi32>
        %select_n3A_573 = arith.select %eq3A_572, %add3A_569, %broadcast_in_dim3A_110 : vector<16xi1>, vector<16xf32>
        %lt3A_574 = arith.constant 0 : i32
        %lt3A_575 = vector.broadcast %lt3A_574 : i32 to vector<16xi32>
        %lt3A_576 = arith.cmpi slt, %xor3A_46, %lt3A_575 : vector<16xi32>
        %add3A_577 = arith.constant 16 : i32
        %add3A_578 = vector.broadcast %add3A_577 : i32 to vector<16xi32>
        %add3A_579 = arith.addi %xor3A_46, %add3A_578 : vector<16xi32>
        %select_n3A_580 = arith.select %lt3A_576, %add3A_579, %xor3A_46 : vector<16xi1>, vector<16xi32>
        %broadcast_in_dim3A_581 = vector.shape_cast %select_n3A_580 : vector<16xi32> to vector<16x1xi32>
        %gather3A_582 = vector.shape_cast %broadcast_in_dim3A_581 : vector<16x1xi32> to vector<16xi32>
        %gather3A_583 = tpu.dynamic_gather %mul3A_442[%gather3A_582] in [0] : vector<16xf32>, vector<16xi32> -> vector<16xf32>
        %add3A_584 = arith.addf %mul3A_442, %gather3A_583 : vector<16xf32>
        %lt3A_585 = arith.constant 0 : i32
        %lt3A_586 = vector.broadcast %lt3A_585 : i32 to vector<16xi32>
        %lt3A_587 = arith.cmpi slt, %xor3A_49, %lt3A_586 : vector<16xi32>
        %add3A_588 = arith.constant 16 : i32
        %add3A_589 = vector.broadcast %add3A_588 : i32 to vector<16xi32>
        %add3A_590 = arith.addi %xor3A_49, %add3A_589 : vector<16xi32>
        %select_n3A_591 = arith.select %lt3A_587, %add3A_590, %xor3A_49 : vector<16xi1>, vector<16xi32>
        %broadcast_in_dim3A_592 = vector.shape_cast %select_n3A_591 : vector<16xi32> to vector<16x1xi32>
        %gather3A_593 = vector.shape_cast %broadcast_in_dim3A_592 : vector<16x1xi32> to vector<16xi32>
        %gather3A_594 = tpu.dynamic_gather %add3A_584[%gather3A_593] in [0] : vector<16xf32>, vector<16xi32> -> vector<16xf32>
        %add3A_595 = arith.addf %add3A_584, %gather3A_594 : vector<16xf32>
        %lt3A_596 = arith.constant 0 : i32
        %lt3A_597 = vector.broadcast %lt3A_596 : i32 to vector<16xi32>
        %lt3A_598 = arith.cmpi slt, %xor3A_52, %lt3A_597 : vector<16xi32>
        %add3A_599 = arith.constant 16 : i32
        %add3A_600 = vector.broadcast %add3A_599 : i32 to vector<16xi32>
        %add3A_601 = arith.addi %xor3A_52, %add3A_600 : vector<16xi32>
        %select_n3A_602 = arith.select %lt3A_598, %add3A_601, %xor3A_52 : vector<16xi1>, vector<16xi32>
        %broadcast_in_dim3A_603 = vector.shape_cast %select_n3A_602 : vector<16xi32> to vector<16x1xi32>
        %gather3A_604 = vector.shape_cast %broadcast_in_dim3A_603 : vector<16x1xi32> to vector<16xi32>
        %gather3A_605 = tpu.dynamic_gather %add3A_595[%gather3A_604] in [0] : vector<16xf32>, vector<16xi32> -> vector<16xf32>
        %add3A_606 = arith.addf %add3A_595, %gather3A_605 : vector<16xf32>
        %lt3A_607 = arith.constant 0 : i32
        %lt3A_608 = vector.broadcast %lt3A_607 : i32 to vector<16xi32>
        %lt3A_609 = arith.cmpi slt, %xor3A_55, %lt3A_608 : vector<16xi32>
        %add3A_610 = arith.constant 16 : i32
        %add3A_611 = vector.broadcast %add3A_610 : i32 to vector<16xi32>
        %add3A_612 = arith.addi %xor3A_55, %add3A_611 : vector<16xi32>
        %select_n3A_613 = arith.select %lt3A_609, %add3A_612, %xor3A_55 : vector<16xi1>, vector<16xi32>
        %broadcast_in_dim3A_614 = vector.shape_cast %select_n3A_613 : vector<16xi32> to vector<16x1xi32>
        %gather3A_615 = vector.shape_cast %broadcast_in_dim3A_614 : vector<16x1xi32> to vector<16xi32>
        %gather3A_616 = tpu.dynamic_gather %add3A_606[%gather3A_615] in [0] : vector<16xf32>, vector<16xi32> -> vector<16xf32>
        %add3A_617 = arith.addf %add3A_606, %gather3A_616 : vector<16xf32>
        %eq3A_618 = arith.constant 1 : i32
        %eq3A_619 = vector.broadcast %eq3A_618 : i32 to vector<16xi32>
        %eq3A_620 = arith.cmpi eq, %iota3A, %eq3A_619 : vector<16xi32>
        %select_n3A_621 = arith.select %eq3A_620, %add3A_617, %select_n3A_573 : vector<16xi1>, vector<16xf32>
        %lt3A_622 = arith.constant 0 : i32
        %lt3A_623 = vector.broadcast %lt3A_622 : i32 to vector<16xi32>
        %lt3A_624 = arith.cmpi slt, %xor3A_46, %lt3A_623 : vector<16xi32>
        %add3A_625 = arith.constant 16 : i32
        %add3A_626 = vector.broadcast %add3A_625 : i32 to vector<16xi32>
        %add3A_627 = arith.addi %xor3A_46, %add3A_626 : vector<16xi32>
        %select_n3A_628 = arith.select %lt3A_624, %add3A_627, %xor3A_46 : vector<16xi1>, vector<16xi32>
        %broadcast_in_dim3A_629 = vector.shape_cast %select_n3A_628 : vector<16xi32> to vector<16x1xi32>
        %gather3A_630 = vector.shape_cast %broadcast_in_dim3A_629 : vector<16x1xi32> to vector<16xi32>
        %gather3A_631 = tpu.dynamic_gather %mul3A_456[%gather3A_630] in [0] : vector<16xf32>, vector<16xi32> -> vector<16xf32>
        %add3A_632 = arith.addf %mul3A_456, %gather3A_631 : vector<16xf32>
        %lt3A_633 = arith.constant 0 : i32
        %lt3A_634 = vector.broadcast %lt3A_633 : i32 to vector<16xi32>
        %lt3A_635 = arith.cmpi slt, %xor3A_49, %lt3A_634 : vector<16xi32>
        %add3A_636 = arith.constant 16 : i32
        %add3A_637 = vector.broadcast %add3A_636 : i32 to vector<16xi32>
        %add3A_638 = arith.addi %xor3A_49, %add3A_637 : vector<16xi32>
        %select_n3A_639 = arith.select %lt3A_635, %add3A_638, %xor3A_49 : vector<16xi1>, vector<16xi32>
        %broadcast_in_dim3A_640 = vector.shape_cast %select_n3A_639 : vector<16xi32> to vector<16x1xi32>
        %gather3A_641 = vector.shape_cast %broadcast_in_dim3A_640 : vector<16x1xi32> to vector<16xi32>
        %gather3A_642 = tpu.dynamic_gather %add3A_632[%gather3A_641] in [0] : vector<16xf32>, vector<16xi32> -> vector<16xf32>
        %add3A_643 = arith.addf %add3A_632, %gather3A_642 : vector<16xf32>
        %lt3A_644 = arith.constant 0 : i32
        %lt3A_645 = vector.broadcast %lt3A_644 : i32 to vector<16xi32>
        %lt3A_646 = arith.cmpi slt, %xor3A_52, %lt3A_645 : vector<16xi32>
        %add3A_647 = arith.constant 16 : i32
        %add3A_648 = vector.broadcast %add3A_647 : i32 to vector<16xi32>
        %add3A_649 = arith.addi %xor3A_52, %add3A_648 : vector<16xi32>
        %select_n3A_650 = arith.select %lt3A_646, %add3A_649, %xor3A_52 : vector<16xi1>, vector<16xi32>
        %broadcast_in_dim3A_651 = vector.shape_cast %select_n3A_650 : vector<16xi32> to vector<16x1xi32>
        %gather3A_652 = vector.shape_cast %broadcast_in_dim3A_651 : vector<16x1xi32> to vector<16xi32>
        %gather3A_653 = tpu.dynamic_gather %add3A_643[%gather3A_652] in [0] : vector<16xf32>, vector<16xi32> -> vector<16xf32>
        %add3A_654 = arith.addf %add3A_643, %gather3A_653 : vector<16xf32>
        %lt3A_655 = arith.constant 0 : i32
        %lt3A_656 = vector.broadcast %lt3A_655 : i32 to vector<16xi32>
        %lt3A_657 = arith.cmpi slt, %xor3A_55, %lt3A_656 : vector<16xi32>
        %add3A_658 = arith.constant 16 : i32
        %add3A_659 = vector.broadcast %add3A_658 : i32 to vector<16xi32>
        %add3A_660 = arith.addi %xor3A_55, %add3A_659 : vector<16xi32>
        %select_n3A_661 = arith.select %lt3A_657, %add3A_660, %xor3A_55 : vector<16xi1>, vector<16xi32>
        %broadcast_in_dim3A_662 = vector.shape_cast %select_n3A_661 : vector<16xi32> to vector<16x1xi32>
        %gather3A_663 = vector.shape_cast %broadcast_in_dim3A_662 : vector<16x1xi32> to vector<16xi32>
        %gather3A_664 = tpu.dynamic_gather %add3A_654[%gather3A_663] in [0] : vector<16xf32>, vector<16xi32> -> vector<16xf32>
        %add3A_665 = arith.addf %add3A_654, %gather3A_664 : vector<16xf32>
        %eq3A_666 = arith.constant 2 : i32
        %eq3A_667 = vector.broadcast %eq3A_666 : i32 to vector<16xi32>
        %eq3A_668 = arith.cmpi eq, %iota3A, %eq3A_667 : vector<16xi32>
        %select_n3A_669 = arith.select %eq3A_668, %add3A_665, %select_n3A_621 : vector<16xi1>, vector<16xf32>
        %lt3A_670 = arith.constant 0 : i32
        %lt3A_671 = vector.broadcast %lt3A_670 : i32 to vector<16xi32>
        %lt3A_672 = arith.cmpi slt, %xor3A_46, %lt3A_671 : vector<16xi32>
        %add3A_673 = arith.constant 16 : i32
        %add3A_674 = vector.broadcast %add3A_673 : i32 to vector<16xi32>
        %add3A_675 = arith.addi %xor3A_46, %add3A_674 : vector<16xi32>
        %select_n3A_676 = arith.select %lt3A_672, %add3A_675, %xor3A_46 : vector<16xi1>, vector<16xi32>
        %broadcast_in_dim3A_677 = vector.shape_cast %select_n3A_676 : vector<16xi32> to vector<16x1xi32>
        %gather3A_678 = vector.shape_cast %broadcast_in_dim3A_677 : vector<16x1xi32> to vector<16xi32>
        %gather3A_679 = tpu.dynamic_gather %mul3A_470[%gather3A_678] in [0] : vector<16xf32>, vector<16xi32> -> vector<16xf32>
        %add3A_680 = arith.addf %mul3A_470, %gather3A_679 : vector<16xf32>
        %lt3A_681 = arith.constant 0 : i32
        %lt3A_682 = vector.broadcast %lt3A_681 : i32 to vector<16xi32>
        %lt3A_683 = arith.cmpi slt, %xor3A_49, %lt3A_682 : vector<16xi32>
        %add3A_684 = arith.constant 16 : i32
        %add3A_685 = vector.broadcast %add3A_684 : i32 to vector<16xi32>
        %add3A_686 = arith.addi %xor3A_49, %add3A_685 : vector<16xi32>
        %select_n3A_687 = arith.select %lt3A_683, %add3A_686, %xor3A_49 : vector<16xi1>, vector<16xi32>
        %broadcast_in_dim3A_688 = vector.shape_cast %select_n3A_687 : vector<16xi32> to vector<16x1xi32>
        %gather3A_689 = vector.shape_cast %broadcast_in_dim3A_688 : vector<16x1xi32> to vector<16xi32>
        %gather3A_690 = tpu.dynamic_gather %add3A_680[%gather3A_689] in [0] : vector<16xf32>, vector<16xi32> -> vector<16xf32>
        %add3A_691 = arith.addf %add3A_680, %gather3A_690 : vector<16xf32>
        %lt3A_692 = arith.constant 0 : i32
        %lt3A_693 = vector.broadcast %lt3A_692 : i32 to vector<16xi32>
        %lt3A_694 = arith.cmpi slt, %xor3A_52, %lt3A_693 : vector<16xi32>
        %add3A_695 = arith.constant 16 : i32
        %add3A_696 = vector.broadcast %add3A_695 : i32 to vector<16xi32>
        %add3A_697 = arith.addi %xor3A_52, %add3A_696 : vector<16xi32>
        %select_n3A_698 = arith.select %lt3A_694, %add3A_697, %xor3A_52 : vector<16xi1>, vector<16xi32>
        %broadcast_in_dim3A_699 = vector.shape_cast %select_n3A_698 : vector<16xi32> to vector<16x1xi32>
        %gather3A_700 = vector.shape_cast %broadcast_in_dim3A_699 : vector<16x1xi32> to vector<16xi32>
        %gather3A_701 = tpu.dynamic_gather %add3A_691[%gather3A_700] in [0] : vector<16xf32>, vector<16xi32> -> vector<16xf32>
        %add3A_702 = arith.addf %add3A_691, %gather3A_701 : vector<16xf32>
        %lt3A_703 = arith.constant 0 : i32
        %lt3A_704 = vector.broadcast %lt3A_703 : i32 to vector<16xi32>
        %lt3A_705 = arith.cmpi slt, %xor3A_55, %lt3A_704 : vector<16xi32>
        %add3A_706 = arith.constant 16 : i32
        %add3A_707 = vector.broadcast %add3A_706 : i32 to vector<16xi32>
        %add3A_708 = arith.addi %xor3A_55, %add3A_707 : vector<16xi32>
        %select_n3A_709 = arith.select %lt3A_705, %add3A_708, %xor3A_55 : vector<16xi1>, vector<16xi32>
        %broadcast_in_dim3A_710 = vector.shape_cast %select_n3A_709 : vector<16xi32> to vector<16x1xi32>
        %gather3A_711 = vector.shape_cast %broadcast_in_dim3A_710 : vector<16x1xi32> to vector<16xi32>
        %gather3A_712 = tpu.dynamic_gather %add3A_702[%gather3A_711] in [0] : vector<16xf32>, vector<16xi32> -> vector<16xf32>
        %add3A_713 = arith.addf %add3A_702, %gather3A_712 : vector<16xf32>
        %eq3A_714 = arith.constant 3 : i32
        %eq3A_715 = vector.broadcast %eq3A_714 : i32 to vector<16xi32>
        %eq3A_716 = arith.cmpi eq, %iota3A, %eq3A_715 : vector<16xi32>
        %select_n3A_717 = arith.select %eq3A_716, %add3A_713, %select_n3A_669 : vector<16xi1>, vector<16xf32>
        %lt3A_718 = arith.constant 0 : i32
        %lt3A_719 = vector.broadcast %lt3A_718 : i32 to vector<16xi32>
        %lt3A_720 = arith.cmpi slt, %xor3A_46, %lt3A_719 : vector<16xi32>
        %add3A_721 = arith.constant 16 : i32
        %add3A_722 = vector.broadcast %add3A_721 : i32 to vector<16xi32>
        %add3A_723 = arith.addi %xor3A_46, %add3A_722 : vector<16xi32>
        %select_n3A_724 = arith.select %lt3A_720, %add3A_723, %xor3A_46 : vector<16xi1>, vector<16xi32>
        %broadcast_in_dim3A_725 = vector.shape_cast %select_n3A_724 : vector<16xi32> to vector<16x1xi32>
        %gather3A_726 = vector.shape_cast %broadcast_in_dim3A_725 : vector<16x1xi32> to vector<16xi32>
        %gather3A_727 = tpu.dynamic_gather %mul3A_484[%gather3A_726] in [0] : vector<16xf32>, vector<16xi32> -> vector<16xf32>
        %add3A_728 = arith.addf %mul3A_484, %gather3A_727 : vector<16xf32>
        %lt3A_729 = arith.constant 0 : i32
        %lt3A_730 = vector.broadcast %lt3A_729 : i32 to vector<16xi32>
        %lt3A_731 = arith.cmpi slt, %xor3A_49, %lt3A_730 : vector<16xi32>
        %add3A_732 = arith.constant 16 : i32
        %add3A_733 = vector.broadcast %add3A_732 : i32 to vector<16xi32>
        %add3A_734 = arith.addi %xor3A_49, %add3A_733 : vector<16xi32>
        %select_n3A_735 = arith.select %lt3A_731, %add3A_734, %xor3A_49 : vector<16xi1>, vector<16xi32>
        %broadcast_in_dim3A_736 = vector.shape_cast %select_n3A_735 : vector<16xi32> to vector<16x1xi32>
        %gather3A_737 = vector.shape_cast %broadcast_in_dim3A_736 : vector<16x1xi32> to vector<16xi32>
        %gather3A_738 = tpu.dynamic_gather %add3A_728[%gather3A_737] in [0] : vector<16xf32>, vector<16xi32> -> vector<16xf32>
        %add3A_739 = arith.addf %add3A_728, %gather3A_738 : vector<16xf32>
        %lt3A_740 = arith.constant 0 : i32
        %lt3A_741 = vector.broadcast %lt3A_740 : i32 to vector<16xi32>
        %lt3A_742 = arith.cmpi slt, %xor3A_52, %lt3A_741 : vector<16xi32>
        %add3A_743 = arith.constant 16 : i32
        %add3A_744 = vector.broadcast %add3A_743 : i32 to vector<16xi32>
        %add3A_745 = arith.addi %xor3A_52, %add3A_744 : vector<16xi32>
        %select_n3A_746 = arith.select %lt3A_742, %add3A_745, %xor3A_52 : vector<16xi1>, vector<16xi32>
        %broadcast_in_dim3A_747 = vector.shape_cast %select_n3A_746 : vector<16xi32> to vector<16x1xi32>
        %gather3A_748 = vector.shape_cast %broadcast_in_dim3A_747 : vector<16x1xi32> to vector<16xi32>
        %gather3A_749 = tpu.dynamic_gather %add3A_739[%gather3A_748] in [0] : vector<16xf32>, vector<16xi32> -> vector<16xf32>
        %add3A_750 = arith.addf %add3A_739, %gather3A_749 : vector<16xf32>
        %lt3A_751 = arith.constant 0 : i32
        %lt3A_752 = vector.broadcast %lt3A_751 : i32 to vector<16xi32>
        %lt3A_753 = arith.cmpi slt, %xor3A_55, %lt3A_752 : vector<16xi32>
        %add3A_754 = arith.constant 16 : i32
        %add3A_755 = vector.broadcast %add3A_754 : i32 to vector<16xi32>
        %add3A_756 = arith.addi %xor3A_55, %add3A_755 : vector<16xi32>
        %select_n3A_757 = arith.select %lt3A_753, %add3A_756, %xor3A_55 : vector<16xi1>, vector<16xi32>
        %broadcast_in_dim3A_758 = vector.shape_cast %select_n3A_757 : vector<16xi32> to vector<16x1xi32>
        %gather3A_759 = vector.shape_cast %broadcast_in_dim3A_758 : vector<16x1xi32> to vector<16xi32>
        %gather3A_760 = tpu.dynamic_gather %add3A_750[%gather3A_759] in [0] : vector<16xf32>, vector<16xi32> -> vector<16xf32>
        %add3A_761 = arith.addf %add3A_750, %gather3A_760 : vector<16xf32>
        %eq3A_762 = arith.constant 4 : i32
        %eq3A_763 = vector.broadcast %eq3A_762 : i32 to vector<16xi32>
        %eq3A_764 = arith.cmpi eq, %iota3A, %eq3A_763 : vector<16xi32>
        %select_n3A_765 = arith.select %eq3A_764, %add3A_761, %select_n3A_717 : vector<16xi1>, vector<16xf32>
        %lt3A_766 = arith.constant 0 : i32
        %lt3A_767 = vector.broadcast %lt3A_766 : i32 to vector<16xi32>
        %lt3A_768 = arith.cmpi slt, %xor3A_46, %lt3A_767 : vector<16xi32>
        %add3A_769 = arith.constant 16 : i32
        %add3A_770 = vector.broadcast %add3A_769 : i32 to vector<16xi32>
        %add3A_771 = arith.addi %xor3A_46, %add3A_770 : vector<16xi32>
        %select_n3A_772 = arith.select %lt3A_768, %add3A_771, %xor3A_46 : vector<16xi1>, vector<16xi32>
        %broadcast_in_dim3A_773 = vector.shape_cast %select_n3A_772 : vector<16xi32> to vector<16x1xi32>
        %gather3A_774 = vector.shape_cast %broadcast_in_dim3A_773 : vector<16x1xi32> to vector<16xi32>
        %gather3A_775 = tpu.dynamic_gather %mul3A_498[%gather3A_774] in [0] : vector<16xf32>, vector<16xi32> -> vector<16xf32>
        %add3A_776 = arith.addf %mul3A_498, %gather3A_775 : vector<16xf32>
        %lt3A_777 = arith.constant 0 : i32
        %lt3A_778 = vector.broadcast %lt3A_777 : i32 to vector<16xi32>
        %lt3A_779 = arith.cmpi slt, %xor3A_49, %lt3A_778 : vector<16xi32>
        %add3A_780 = arith.constant 16 : i32
        %add3A_781 = vector.broadcast %add3A_780 : i32 to vector<16xi32>
        %add3A_782 = arith.addi %xor3A_49, %add3A_781 : vector<16xi32>
        %select_n3A_783 = arith.select %lt3A_779, %add3A_782, %xor3A_49 : vector<16xi1>, vector<16xi32>
        %broadcast_in_dim3A_784 = vector.shape_cast %select_n3A_783 : vector<16xi32> to vector<16x1xi32>
        %gather3A_785 = vector.shape_cast %broadcast_in_dim3A_784 : vector<16x1xi32> to vector<16xi32>
        %gather3A_786 = tpu.dynamic_gather %add3A_776[%gather3A_785] in [0] : vector<16xf32>, vector<16xi32> -> vector<16xf32>
        %add3A_787 = arith.addf %add3A_776, %gather3A_786 : vector<16xf32>
        %lt3A_788 = arith.constant 0 : i32
        %lt3A_789 = vector.broadcast %lt3A_788 : i32 to vector<16xi32>
        %lt3A_790 = arith.cmpi slt, %xor3A_52, %lt3A_789 : vector<16xi32>
        %add3A_791 = arith.constant 16 : i32
        %add3A_792 = vector.broadcast %add3A_791 : i32 to vector<16xi32>
        %add3A_793 = arith.addi %xor3A_52, %add3A_792 : vector<16xi32>
        %select_n3A_794 = arith.select %lt3A_790, %add3A_793, %xor3A_52 : vector<16xi1>, vector<16xi32>
        %broadcast_in_dim3A_795 = vector.shape_cast %select_n3A_794 : vector<16xi32> to vector<16x1xi32>
        %gather3A_796 = vector.shape_cast %broadcast_in_dim3A_795 : vector<16x1xi32> to vector<16xi32>
        %gather3A_797 = tpu.dynamic_gather %add3A_787[%gather3A_796] in [0] : vector<16xf32>, vector<16xi32> -> vector<16xf32>
        %add3A_798 = arith.addf %add3A_787, %gather3A_797 : vector<16xf32>
        %lt3A_799 = arith.constant 0 : i32
        %lt3A_800 = vector.broadcast %lt3A_799 : i32 to vector<16xi32>
        %lt3A_801 = arith.cmpi slt, %xor3A_55, %lt3A_800 : vector<16xi32>
        %add3A_802 = arith.constant 16 : i32
        %add3A_803 = vector.broadcast %add3A_802 : i32 to vector<16xi32>
        %add3A_804 = arith.addi %xor3A_55, %add3A_803 : vector<16xi32>
        %select_n3A_805 = arith.select %lt3A_801, %add3A_804, %xor3A_55 : vector<16xi1>, vector<16xi32>
        %broadcast_in_dim3A_806 = vector.shape_cast %select_n3A_805 : vector<16xi32> to vector<16x1xi32>
        %gather3A_807 = vector.shape_cast %broadcast_in_dim3A_806 : vector<16x1xi32> to vector<16xi32>
        %gather3A_808 = tpu.dynamic_gather %add3A_798[%gather3A_807] in [0] : vector<16xf32>, vector<16xi32> -> vector<16xf32>
        %add3A_809 = arith.addf %add3A_798, %gather3A_808 : vector<16xf32>
        %eq3A_810 = arith.constant 5 : i32
        %eq3A_811 = vector.broadcast %eq3A_810 : i32 to vector<16xi32>
        %eq3A_812 = arith.cmpi eq, %iota3A, %eq3A_811 : vector<16xi32>
        %select_n3A_813 = arith.select %eq3A_812, %add3A_809, %select_n3A_765 : vector<16xi1>, vector<16xf32>
        %lt3A_814 = arith.constant 0 : i32
        %lt3A_815 = vector.broadcast %lt3A_814 : i32 to vector<16xi32>
        %lt3A_816 = arith.cmpi slt, %xor3A_46, %lt3A_815 : vector<16xi32>
        %add3A_817 = arith.constant 16 : i32
        %add3A_818 = vector.broadcast %add3A_817 : i32 to vector<16xi32>
        %add3A_819 = arith.addi %xor3A_46, %add3A_818 : vector<16xi32>
        %select_n3A_820 = arith.select %lt3A_816, %add3A_819, %xor3A_46 : vector<16xi1>, vector<16xi32>
        %broadcast_in_dim3A_821 = vector.shape_cast %select_n3A_820 : vector<16xi32> to vector<16x1xi32>
        %gather3A_822 = vector.shape_cast %broadcast_in_dim3A_821 : vector<16x1xi32> to vector<16xi32>
        %gather3A_823 = tpu.dynamic_gather %mul3A_512[%gather3A_822] in [0] : vector<16xf32>, vector<16xi32> -> vector<16xf32>
        %add3A_824 = arith.addf %mul3A_512, %gather3A_823 : vector<16xf32>
        %lt3A_825 = arith.constant 0 : i32
        %lt3A_826 = vector.broadcast %lt3A_825 : i32 to vector<16xi32>
        %lt3A_827 = arith.cmpi slt, %xor3A_49, %lt3A_826 : vector<16xi32>
        %add3A_828 = arith.constant 16 : i32
        %add3A_829 = vector.broadcast %add3A_828 : i32 to vector<16xi32>
        %add3A_830 = arith.addi %xor3A_49, %add3A_829 : vector<16xi32>
        %select_n3A_831 = arith.select %lt3A_827, %add3A_830, %xor3A_49 : vector<16xi1>, vector<16xi32>
        %broadcast_in_dim3A_832 = vector.shape_cast %select_n3A_831 : vector<16xi32> to vector<16x1xi32>
        %gather3A_833 = vector.shape_cast %broadcast_in_dim3A_832 : vector<16x1xi32> to vector<16xi32>
        %gather3A_834 = tpu.dynamic_gather %add3A_824[%gather3A_833] in [0] : vector<16xf32>, vector<16xi32> -> vector<16xf32>
        %add3A_835 = arith.addf %add3A_824, %gather3A_834 : vector<16xf32>
        %lt3A_836 = arith.constant 0 : i32
        %lt3A_837 = vector.broadcast %lt3A_836 : i32 to vector<16xi32>
        %lt3A_838 = arith.cmpi slt, %xor3A_52, %lt3A_837 : vector<16xi32>
        %add3A_839 = arith.constant 16 : i32
        %add3A_840 = vector.broadcast %add3A_839 : i32 to vector<16xi32>
        %add3A_841 = arith.addi %xor3A_52, %add3A_840 : vector<16xi32>
        %select_n3A_842 = arith.select %lt3A_838, %add3A_841, %xor3A_52 : vector<16xi1>, vector<16xi32>
        %broadcast_in_dim3A_843 = vector.shape_cast %select_n3A_842 : vector<16xi32> to vector<16x1xi32>
        %gather3A_844 = vector.shape_cast %broadcast_in_dim3A_843 : vector<16x1xi32> to vector<16xi32>
        %gather3A_845 = tpu.dynamic_gather %add3A_835[%gather3A_844] in [0] : vector<16xf32>, vector<16xi32> -> vector<16xf32>
        %add3A_846 = arith.addf %add3A_835, %gather3A_845 : vector<16xf32>
        %lt3A_847 = arith.constant 0 : i32
        %lt3A_848 = vector.broadcast %lt3A_847 : i32 to vector<16xi32>
        %lt3A_849 = arith.cmpi slt, %xor3A_55, %lt3A_848 : vector<16xi32>
        %add3A_850 = arith.constant 16 : i32
        %add3A_851 = vector.broadcast %add3A_850 : i32 to vector<16xi32>
        %add3A_852 = arith.addi %xor3A_55, %add3A_851 : vector<16xi32>
        %select_n3A_853 = arith.select %lt3A_849, %add3A_852, %xor3A_55 : vector<16xi1>, vector<16xi32>
        %broadcast_in_dim3A_854 = vector.shape_cast %select_n3A_853 : vector<16xi32> to vector<16x1xi32>
        %gather3A_855 = vector.shape_cast %broadcast_in_dim3A_854 : vector<16x1xi32> to vector<16xi32>
        %gather3A_856 = tpu.dynamic_gather %add3A_846[%gather3A_855] in [0] : vector<16xf32>, vector<16xi32> -> vector<16xf32>
        %add3A_857 = arith.addf %add3A_846, %gather3A_856 : vector<16xf32>
        %eq3A_858 = arith.constant 6 : i32
        %eq3A_859 = vector.broadcast %eq3A_858 : i32 to vector<16xi32>
        %eq3A_860 = arith.cmpi eq, %iota3A, %eq3A_859 : vector<16xi32>
        %select_n3A_861 = arith.select %eq3A_860, %add3A_857, %select_n3A_813 : vector<16xi1>, vector<16xf32>
        %lt3A_862 = arith.constant 0 : i32
        %lt3A_863 = vector.broadcast %lt3A_862 : i32 to vector<16xi32>
        %lt3A_864 = arith.cmpi slt, %xor3A_46, %lt3A_863 : vector<16xi32>
        %add3A_865 = arith.constant 16 : i32
        %add3A_866 = vector.broadcast %add3A_865 : i32 to vector<16xi32>
        %add3A_867 = arith.addi %xor3A_46, %add3A_866 : vector<16xi32>
        %select_n3A_868 = arith.select %lt3A_864, %add3A_867, %xor3A_46 : vector<16xi1>, vector<16xi32>
        %broadcast_in_dim3A_869 = vector.shape_cast %select_n3A_868 : vector<16xi32> to vector<16x1xi32>
        %gather3A_870 = vector.shape_cast %broadcast_in_dim3A_869 : vector<16x1xi32> to vector<16xi32>
        %gather3A_871 = tpu.dynamic_gather %mul3A_526[%gather3A_870] in [0] : vector<16xf32>, vector<16xi32> -> vector<16xf32>
        %add3A_872 = arith.addf %mul3A_526, %gather3A_871 : vector<16xf32>
        %lt3A_873 = arith.constant 0 : i32
        %lt3A_874 = vector.broadcast %lt3A_873 : i32 to vector<16xi32>
        %lt3A_875 = arith.cmpi slt, %xor3A_49, %lt3A_874 : vector<16xi32>
        %add3A_876 = arith.constant 16 : i32
        %add3A_877 = vector.broadcast %add3A_876 : i32 to vector<16xi32>
        %add3A_878 = arith.addi %xor3A_49, %add3A_877 : vector<16xi32>
        %select_n3A_879 = arith.select %lt3A_875, %add3A_878, %xor3A_49 : vector<16xi1>, vector<16xi32>
        %broadcast_in_dim3A_880 = vector.shape_cast %select_n3A_879 : vector<16xi32> to vector<16x1xi32>
        %gather3A_881 = vector.shape_cast %broadcast_in_dim3A_880 : vector<16x1xi32> to vector<16xi32>
        %gather3A_882 = tpu.dynamic_gather %add3A_872[%gather3A_881] in [0] : vector<16xf32>, vector<16xi32> -> vector<16xf32>
        %add3A_883 = arith.addf %add3A_872, %gather3A_882 : vector<16xf32>
        %lt3A_884 = arith.constant 0 : i32
        %lt3A_885 = vector.broadcast %lt3A_884 : i32 to vector<16xi32>
        %lt3A_886 = arith.cmpi slt, %xor3A_52, %lt3A_885 : vector<16xi32>
        %add3A_887 = arith.constant 16 : i32
        %add3A_888 = vector.broadcast %add3A_887 : i32 to vector<16xi32>
        %add3A_889 = arith.addi %xor3A_52, %add3A_888 : vector<16xi32>
        %select_n3A_890 = arith.select %lt3A_886, %add3A_889, %xor3A_52 : vector<16xi1>, vector<16xi32>
        %broadcast_in_dim3A_891 = vector.shape_cast %select_n3A_890 : vector<16xi32> to vector<16x1xi32>
        %gather3A_892 = vector.shape_cast %broadcast_in_dim3A_891 : vector<16x1xi32> to vector<16xi32>
        %gather3A_893 = tpu.dynamic_gather %add3A_883[%gather3A_892] in [0] : vector<16xf32>, vector<16xi32> -> vector<16xf32>
        %add3A_894 = arith.addf %add3A_883, %gather3A_893 : vector<16xf32>
        %lt3A_895 = arith.constant 0 : i32
        %lt3A_896 = vector.broadcast %lt3A_895 : i32 to vector<16xi32>
        %lt3A_897 = arith.cmpi slt, %xor3A_55, %lt3A_896 : vector<16xi32>
        %add3A_898 = arith.constant 16 : i32
        %add3A_899 = vector.broadcast %add3A_898 : i32 to vector<16xi32>
        %add3A_900 = arith.addi %xor3A_55, %add3A_899 : vector<16xi32>
        %select_n3A_901 = arith.select %lt3A_897, %add3A_900, %xor3A_55 : vector<16xi1>, vector<16xi32>
        %broadcast_in_dim3A_902 = vector.shape_cast %select_n3A_901 : vector<16xi32> to vector<16x1xi32>
        %gather3A_903 = vector.shape_cast %broadcast_in_dim3A_902 : vector<16x1xi32> to vector<16xi32>
        %gather3A_904 = tpu.dynamic_gather %add3A_894[%gather3A_903] in [0] : vector<16xf32>, vector<16xi32> -> vector<16xf32>
        %add3A_905 = arith.addf %add3A_894, %gather3A_904 : vector<16xf32>
        %eq3A_906 = arith.constant 7 : i32
        %eq3A_907 = vector.broadcast %eq3A_906 : i32 to vector<16xi32>
        %eq3A_908 = arith.cmpi eq, %iota3A, %eq3A_907 : vector<16xi32>
        %select_n3A_909 = arith.select %eq3A_908, %add3A_905, %select_n3A_861 : vector<16xi1>, vector<16xf32>
        %exp3A = math.exp %select_n3A_909 : vector<16xf32>
        %jit3A_910 = arith.constant 0.000000e+00 : f32
        %broadcast_in_dim3A_911 = vector.broadcast %jit3A_910 : f32 to vector<16xf32>
        %select_n3A_912 = arith.select %lt3A_44, %exp3A, %broadcast_in_dim3A_911 : vector<16xi1>, vector<16xf32>
        %slice3A = vector.extract_strided_slice %select_n3A_912 {offsets = [0], sizes = [1], strides = [1]} : vector<16xf32> to vector<1xf32>
        %squeeze3A = vector.extract %slice3A[0] : f32 from vector<1xf32>
        %mul3A_913 = vector.broadcast %squeeze3A : f32 to vector<16xf32>
        %mul3A_914 = arith.mulf %get3A_419, %mul3A_913 : vector<16xf32>
        %swap3A = arith.index_cast %add3A_415 : i32 to index
        %swap3A_915 = arith.constant 0 : index
        %swap3A_916 = tpu.vector_load %arg21[%swap3A, %swap3A_915] {strides = array<i32>} : memref<80x128xf32, #tpu.memory_space<vmem>>, vector<1x16xf32>,
        %swap3A_917 = vector.shape_cast %swap3A_916 : vector<1x16xf32> to vector<16xf32>
        %swap3A_918 = vector.shape_cast %mul3A_914 : vector<16xf32> to vector<1x16xf32>
        tpu.vector_store %arg21[%swap3A, %swap3A_915], %swap3A_918 {strides = array<i32>} : memref<80x128xf32, #tpu.memory_space<vmem>>, vector<1x16xf32>,
        %slice3A_919 = vector.extract_strided_slice %select_n3A_912 {offsets = [1], sizes = [1], strides = [1]} : vector<16xf32> to vector<1xf32>
        %squeeze3A_920 = vector.extract %slice3A_919[0] : f32 from vector<1xf32>
        %mul3A_921 = vector.broadcast %squeeze3A_920 : f32 to vector<16xf32>
        %mul3A_922 = arith.mulf %get3A_432, %mul3A_921 : vector<16xf32>
        %swap3A_923 = arith.index_cast %add3A_415 : i32 to index
        %swap3A_924 = arith.constant 16 : index
        %swap3A_925 = tpu.vector_load %arg21[%swap3A_923, %swap3A_924] {strides = array<i32>} : memref<80x128xf32, #tpu.memory_space<vmem>>, vector<1x16xf32>,
        %swap3A_926 = vector.shape_cast %swap3A_925 : vector<1x16xf32> to vector<16xf32>
        %swap3A_927 = vector.shape_cast %mul3A_922 : vector<16xf32> to vector<1x16xf32>
        tpu.vector_store %arg21[%swap3A_923, %swap3A_924], %swap3A_927 {strides = array<i32>} : memref<80x128xf32, #tpu.memory_space<vmem>>, vector<1x16xf32>,
        %slice3A_928 = vector.extract_strided_slice %select_n3A_912 {offsets = [2], sizes = [1], strides = [1]} : vector<16xf32> to vector<1xf32>
        %squeeze3A_929 = vector.extract %slice3A_928[0] : f32 from vector<1xf32>
        %mul3A_930 = vector.broadcast %squeeze3A_929 : f32 to vector<16xf32>
        %mul3A_931 = arith.mulf %get3A_446, %mul3A_930 : vector<16xf32>
        %swap3A_932 = arith.index_cast %add3A_415 : i32 to index
        %swap3A_933 = arith.constant 32 : index
        %swap3A_934 = tpu.vector_load %arg21[%swap3A_932, %swap3A_933] {strides = array<i32>} : memref<80x128xf32, #tpu.memory_space<vmem>>, vector<1x16xf32>,
        %swap3A_935 = vector.shape_cast %swap3A_934 : vector<1x16xf32> to vector<16xf32>
        %swap3A_936 = vector.shape_cast %mul3A_931 : vector<16xf32> to vector<1x16xf32>
        tpu.vector_store %arg21[%swap3A_932, %swap3A_933], %swap3A_936 {strides = array<i32>} : memref<80x128xf32, #tpu.memory_space<vmem>>, vector<1x16xf32>,
        %slice3A_937 = vector.extract_strided_slice %select_n3A_912 {offsets = [3], sizes = [1], strides = [1]} : vector<16xf32> to vector<1xf32>
        %squeeze3A_938 = vector.extract %slice3A_937[0] : f32 from vector<1xf32>
        %mul3A_939 = vector.broadcast %squeeze3A_938 : f32 to vector<16xf32>
        %mul3A_940 = arith.mulf %get3A_460, %mul3A_939 : vector<16xf32>
        %swap3A_941 = arith.index_cast %add3A_415 : i32 to index
        %swap3A_942 = arith.constant 48 : index
        %swap3A_943 = tpu.vector_load %arg21[%swap3A_941, %swap3A_942] {strides = array<i32>} : memref<80x128xf32, #tpu.memory_space<vmem>>, vector<1x16xf32>,
        %swap3A_944 = vector.shape_cast %swap3A_943 : vector<1x16xf32> to vector<16xf32>
        %swap3A_945 = vector.shape_cast %mul3A_940 : vector<16xf32> to vector<1x16xf32>
        tpu.vector_store %arg21[%swap3A_941, %swap3A_942], %swap3A_945 {strides = array<i32>} : memref<80x128xf32, #tpu.memory_space<vmem>>, vector<1x16xf32>,
        %slice3A_946 = vector.extract_strided_slice %select_n3A_912 {offsets = [4], sizes = [1], strides = [1]} : vector<16xf32> to vector<1xf32>
        %squeeze3A_947 = vector.extract %slice3A_946[0] : f32 from vector<1xf32>
        %mul3A_948 = vector.broadcast %squeeze3A_947 : f32 to vector<16xf32>
        %mul3A_949 = arith.mulf %get3A_474, %mul3A_948 : vector<16xf32>
        %swap3A_950 = arith.index_cast %add3A_415 : i32 to index
        %swap3A_951 = arith.constant 64 : index
        %swap3A_952 = tpu.vector_load %arg21[%swap3A_950, %swap3A_951] {strides = array<i32>} : memref<80x128xf32, #tpu.memory_space<vmem>>, vector<1x16xf32>,
        %swap3A_953 = vector.shape_cast %swap3A_952 : vector<1x16xf32> to vector<16xf32>
        %swap3A_954 = vector.shape_cast %mul3A_949 : vector<16xf32> to vector<1x16xf32>
        tpu.vector_store %arg21[%swap3A_950, %swap3A_951], %swap3A_954 {strides = array<i32>} : memref<80x128xf32, #tpu.memory_space<vmem>>, vector<1x16xf32>,
        %slice3A_955 = vector.extract_strided_slice %select_n3A_912 {offsets = [5], sizes = [1], strides = [1]} : vector<16xf32> to vector<1xf32>
        %squeeze3A_956 = vector.extract %slice3A_955[0] : f32 from vector<1xf32>
        %mul3A_957 = vector.broadcast %squeeze3A_956 : f32 to vector<16xf32>
        %mul3A_958 = arith.mulf %get3A_488, %mul3A_957 : vector<16xf32>
        %swap3A_959 = arith.index_cast %add3A_415 : i32 to index
        %swap3A_960 = arith.constant 80 : index
        %swap3A_961 = tpu.vector_load %arg21[%swap3A_959, %swap3A_960] {strides = array<i32>} : memref<80x128xf32, #tpu.memory_space<vmem>>, vector<1x16xf32>,
        %swap3A_962 = vector.shape_cast %swap3A_961 : vector<1x16xf32> to vector<16xf32>
        %swap3A_963 = vector.shape_cast %mul3A_958 : vector<16xf32> to vector<1x16xf32>
        tpu.vector_store %arg21[%swap3A_959, %swap3A_960], %swap3A_963 {strides = array<i32>} : memref<80x128xf32, #tpu.memory_space<vmem>>, vector<1x16xf32>,
        %slice3A_964 = vector.extract_strided_slice %select_n3A_912 {offsets = [6], sizes = [1], strides = [1]} : vector<16xf32> to vector<1xf32>
        %squeeze3A_965 = vector.extract %slice3A_964[0] : f32 from vector<1xf32>
        %mul3A_966 = vector.broadcast %squeeze3A_965 : f32 to vector<16xf32>
        %mul3A_967 = arith.mulf %get3A_502, %mul3A_966 : vector<16xf32>
        %swap3A_968 = arith.index_cast %add3A_415 : i32 to index
        %swap3A_969 = arith.constant 96 : index
        %swap3A_970 = tpu.vector_load %arg21[%swap3A_968, %swap3A_969] {strides = array<i32>} : memref<80x128xf32, #tpu.memory_space<vmem>>, vector<1x16xf32>,
        %swap3A_971 = vector.shape_cast %swap3A_970 : vector<1x16xf32> to vector<16xf32>
        %swap3A_972 = vector.shape_cast %mul3A_967 : vector<16xf32> to vector<1x16xf32>
        tpu.vector_store %arg21[%swap3A_968, %swap3A_969], %swap3A_972 {strides = array<i32>} : memref<80x128xf32, #tpu.memory_space<vmem>>, vector<1x16xf32>,
        %slice3A_973 = vector.extract_strided_slice %select_n3A_912 {offsets = [7], sizes = [1], strides = [1]} : vector<16xf32> to vector<1xf32>
        %squeeze3A_974 = vector.extract %slice3A_973[0] : f32 from vector<1xf32>
        %mul3A_975 = vector.broadcast %squeeze3A_974 : f32 to vector<16xf32>
        %mul3A_976 = arith.mulf %get3A_516, %mul3A_975 : vector<16xf32>
        %swap3A_977 = arith.index_cast %add3A_415 : i32 to index
        %swap3A_978 = arith.constant 112 : index
        %swap3A_979 = tpu.vector_load %arg21[%swap3A_977, %swap3A_978] {strides = array<i32>} : memref<80x128xf32, #tpu.memory_space<vmem>>, vector<1x16xf32>,
        %swap3A_980 = vector.shape_cast %swap3A_979 : vector<1x16xf32> to vector<16xf32>
        %swap3A_981 = vector.shape_cast %mul3A_976 : vector<16xf32> to vector<1x16xf32>
        tpu.vector_store %arg21[%swap3A_977, %swap3A_978], %swap3A_981 {strides = array<i32>} : memref<80x128xf32, #tpu.memory_space<vmem>>, vector<1x16xf32>,
        %jit3A_982 = arith.constant 16 : i32
        %div3A_983 = arith.divsi %scan3A_412, %jit3A_982 : i32
        %sign3A_984 = arith.constant 0 : i32
        %sign3A_985 = arith.cmpi sgt, %scan3A_412, %sign3A_984 : i32
        %sign3A_986 = arith.extui %sign3A_985 : i1 to i32
        %sign3A_987 = arith.constant 0 : i32
        %sign3A_988 = arith.cmpi slt, %scan3A_412, %sign3A_987 : i32
        %sign3A_989 = arith.extui %sign3A_988 : i1 to i32
        %sign3A_990 = arith.subi %sign3A_986, %sign3A_989 : i32
        %sign3A_991 = arith.constant 0 : i32
        %sign3A_992 = arith.cmpi sgt, %jit3A_982, %sign3A_991 : i32
        %sign3A_993 = arith.extui %sign3A_992 : i1 to i32
        %sign3A_994 = arith.constant 0 : i32
        %sign3A_995 = arith.cmpi slt, %jit3A_982, %sign3A_994 : i32
        %sign3A_996 = arith.extui %sign3A_995 : i1 to i32
        %sign3A_997 = arith.subi %sign3A_993, %sign3A_996 : i32
        %ne3A_998 = arith.cmpi ne, %sign3A_990, %sign3A_997 : i32
        %rem3A_999 = arith.remsi %scan3A_412, %jit3A_982 : i32
        %ne3A_1000 = arith.constant 0 : i32
        %ne3A_1001 = arith.cmpi ne, %rem3A_999, %ne3A_1000 : i32
        %and3A_1002 = arith.andi %ne3A_998, %ne3A_1001 : i1
        %sub3A_1003 = arith.constant 1 : i32
        %sub3A_1004 = arith.subi %div3A_983, %sub3A_1003 : i32
        %select_n3A_1005 = arith.select %and3A_1002, %sub3A_1004, %div3A_983 : i32
        %mul3A_1006 = arith.constant 16 : i32
        %mul3A_1007 = arith.muli %select_n3A_1005, %mul3A_1006 : i32
        %multiple_of3A_1008 = tpu.assume_multiple %mul3A_1007, 8 : i32
        %get3A_1009 = arith.index_cast %multiple_of3A_1008 : i32 to index
        %get3A_1010 = tpu.vector_load %arg15[%get3A_1009] {strides = array<i32>} : memref<48xi32, #tpu.memory_space<vmem>>, vector<16xi32>,
        %get3A_1011 = vector.shape_cast %get3A_1010 : vector<16xi32> to vector<16xi32>
        %mul3A_1012 = arith.constant 0 : i32
        %mul3A_1013 = vector.broadcast %mul3A_1012 : i32 to vector<16xi32>
        %mul3A_1014 = arith.muli %iota3A, %mul3A_1013 : vector<16xi32>
        %sub3A_1015 = arith.subi %scan3A_412, %multiple_of3A_1008 : i32
        %add3A_1016 = vector.broadcast %sub3A_1015 : i32 to vector<16xi32>
        %add3A_1017 = arith.addi %mul3A_1014, %add3A_1016 : vector<16xi32>
        %lt3A_1018 = arith.constant 0 : i32
        %lt3A_1019 = vector.broadcast %lt3A_1018 : i32 to vector<16xi32>
        %lt3A_1020 = arith.cmpi slt, %add3A_1017, %lt3A_1019 : vector<16xi32>
        %add3A_1021 = arith.constant 16 : i32
        %add3A_1022 = vector.broadcast %add3A_1021 : i32 to vector<16xi32>
        %add3A_1023 = arith.addi %add3A_1017, %add3A_1022 : vector<16xi32>
        %select_n3A_1024 = arith.select %lt3A_1020, %add3A_1023, %add3A_1017 : vector<16xi1>, vector<16xi32>
        %broadcast_in_dim3A_1025 = vector.shape_cast %select_n3A_1024 : vector<16xi32> to vector<16x1xi32>
        %gather3A_1026 = vector.shape_cast %broadcast_in_dim3A_1025 : vector<16x1xi32> to vector<16xi32>
        %gather3A_1027 = tpu.dynamic_gather %get3A_1011[%gather3A_1026] in [0] : vector<16xi32>, vector<16xi32> -> vector<16xi32>
        %convert_element_type3A = arith.sitofp %gather3A_1027 : vector<16xi32> to vector<16xf32>
        %sub3A_1028 = arith.constant 0.000000e+00 : f32
        %sub3A_1029 = vector.broadcast %sub3A_1028 : f32 to vector<16xf32>
        %sub3A_1030 = arith.subf %convert_element_type3A, %sub3A_1029 : vector<16xf32>
        %abs3A = math.absf %sub3A_1030 : vector<16xf32>
        %sub3A_1031 = arith.constant 1.000000e+00 : f32
        %sub3A_1032 = vector.broadcast %sub3A_1031 : f32 to vector<16xf32>
        %sub3A_1033 = arith.subf %sub3A_1032, %abs3A : vector<16xf32>
        %max3A_1034 = arith.constant 0.000000e+00 : f32
        %max3A_1035 = vector.broadcast %max3A_1034 : f32 to vector<16xf32>
        %max3A_1036 = arith.maximumf %max3A_1035, %sub3A_1033 : vector<16xf32>
        %mul3A_1037 = arith.mulf %select_n3A_912, %max3A_1036 : vector<16xf32>
        %swap3A_1038 = arith.index_cast %add3A_415 : i32 to index
        %swap3A_1039 = arith.constant 0 : index
        %swap3A_1040 = tpu.vector_load %arg20[%swap3A_1038, %swap3A_1039] {strides = array<i32>} : memref<80x128xf32, #tpu.memory_space<vmem>>, vector<1x16xf32>,
        %swap3A_1041 = vector.shape_cast %swap3A_1040 : vector<1x16xf32> to vector<16xf32>
        %swap3A_1042 = vector.shape_cast %mul3A_1037 : vector<16xf32> to vector<1x16xf32>
        tpu.vector_store %arg20[%swap3A_1038, %swap3A_1039], %swap3A_1042 {strides = array<i32>} : memref<80x128xf32, #tpu.memory_space<vmem>>, vector<1x16xf32>,
        %sub3A_1043 = arith.constant 1.000000e+00 : f32
        %sub3A_1044 = vector.broadcast %sub3A_1043 : f32 to vector<16xf32>
        %sub3A_1045 = arith.subf %convert_element_type3A, %sub3A_1044 : vector<16xf32>
        %abs3A_1046 = math.absf %sub3A_1045 : vector<16xf32>
        %sub3A_1047 = arith.constant 1.000000e+00 : f32
        %sub3A_1048 = vector.broadcast %sub3A_1047 : f32 to vector<16xf32>
        %sub3A_1049 = arith.subf %sub3A_1048, %abs3A_1046 : vector<16xf32>
        %max3A_1050 = arith.constant 0.000000e+00 : f32
        %max3A_1051 = vector.broadcast %max3A_1050 : f32 to vector<16xf32>
        %max3A_1052 = arith.maximumf %max3A_1051, %sub3A_1049 : vector<16xf32>
        %mul3A_1053 = arith.mulf %select_n3A_912, %max3A_1052 : vector<16xf32>
        %swap3A_1054 = arith.index_cast %add3A_415 : i32 to index
        %swap3A_1055 = arith.constant 16 : index
        %swap3A_1056 = tpu.vector_load %arg20[%swap3A_1054, %swap3A_1055] {strides = array<i32>} : memref<80x128xf32, #tpu.memory_space<vmem>>, vector<1x16xf32>,
        %swap3A_1057 = vector.shape_cast %swap3A_1056 : vector<1x16xf32> to vector<16xf32>
        %swap3A_1058 = vector.shape_cast %mul3A_1053 : vector<16xf32> to vector<1x16xf32>
        tpu.vector_store %arg20[%swap3A_1054, %swap3A_1055], %swap3A_1058 {strides = array<i32>} : memref<80x128xf32, #tpu.memory_space<vmem>>, vector<1x16xf32>,
        %sub3A_1059 = arith.constant 2.000000e+00 : f32
        %sub3A_1060 = vector.broadcast %sub3A_1059 : f32 to vector<16xf32>
        %sub3A_1061 = arith.subf %convert_element_type3A, %sub3A_1060 : vector<16xf32>
        %abs3A_1062 = math.absf %sub3A_1061 : vector<16xf32>
        %sub3A_1063 = arith.constant 1.000000e+00 : f32
        %sub3A_1064 = vector.broadcast %sub3A_1063 : f32 to vector<16xf32>
        %sub3A_1065 = arith.subf %sub3A_1064, %abs3A_1062 : vector<16xf32>
        %max3A_1066 = arith.constant 0.000000e+00 : f32
        %max3A_1067 = vector.broadcast %max3A_1066 : f32 to vector<16xf32>
        %max3A_1068 = arith.maximumf %max3A_1067, %sub3A_1065 : vector<16xf32>
        %mul3A_1069 = arith.mulf %select_n3A_912, %max3A_1068 : vector<16xf32>
        %swap3A_1070 = arith.index_cast %add3A_415 : i32 to index
        %swap3A_1071 = arith.constant 32 : index
        %swap3A_1072 = tpu.vector_load %arg20[%swap3A_1070, %swap3A_1071] {strides = array<i32>} : memref<80x128xf32, #tpu.memory_space<vmem>>, vector<1x16xf32>,
        %swap3A_1073 = vector.shape_cast %swap3A_1072 : vector<1x16xf32> to vector<16xf32>
        %swap3A_1074 = vector.shape_cast %mul3A_1069 : vector<16xf32> to vector<1x16xf32>
        tpu.vector_store %arg20[%swap3A_1070, %swap3A_1071], %swap3A_1074 {strides = array<i32>} : memref<80x128xf32, #tpu.memory_space<vmem>>, vector<1x16xf32>,
        %sub3A_1075 = arith.constant 3.000000e+00 : f32
        %sub3A_1076 = vector.broadcast %sub3A_1075 : f32 to vector<16xf32>
        %sub3A_1077 = arith.subf %convert_element_type3A, %sub3A_1076 : vector<16xf32>
        %abs3A_1078 = math.absf %sub3A_1077 : vector<16xf32>
        %sub3A_1079 = arith.constant 1.000000e+00 : f32
        %sub3A_1080 = vector.broadcast %sub3A_1079 : f32 to vector<16xf32>
        %sub3A_1081 = arith.subf %sub3A_1080, %abs3A_1078 : vector<16xf32>
        %max3A_1082 = arith.constant 0.000000e+00 : f32
        %max3A_1083 = vector.broadcast %max3A_1082 : f32 to vector<16xf32>
        %max3A_1084 = arith.maximumf %max3A_1083, %sub3A_1081 : vector<16xf32>
        %mul3A_1085 = arith.mulf %select_n3A_912, %max3A_1084 : vector<16xf32>
        %swap3A_1086 = arith.index_cast %add3A_415 : i32 to index
        %swap3A_1087 = arith.constant 48 : index
        %swap3A_1088 = tpu.vector_load %arg20[%swap3A_1086, %swap3A_1087] {strides = array<i32>} : memref<80x128xf32, #tpu.memory_space<vmem>>, vector<1x16xf32>,
        %swap3A_1089 = vector.shape_cast %swap3A_1088 : vector<1x16xf32> to vector<16xf32>
        %swap3A_1090 = vector.shape_cast %mul3A_1085 : vector<16xf32> to vector<1x16xf32>
        tpu.vector_store %arg20[%swap3A_1086, %swap3A_1087], %swap3A_1090 {strides = array<i32>} : memref<80x128xf32, #tpu.memory_space<vmem>>, vector<1x16xf32>,
        %sub3A_1091 = arith.constant 4.000000e+00 : f32
        %sub3A_1092 = vector.broadcast %sub3A_1091 : f32 to vector<16xf32>
        %sub3A_1093 = arith.subf %convert_element_type3A, %sub3A_1092 : vector<16xf32>
        %abs3A_1094 = math.absf %sub3A_1093 : vector<16xf32>
        %sub3A_1095 = arith.constant 1.000000e+00 : f32
        %sub3A_1096 = vector.broadcast %sub3A_1095 : f32 to vector<16xf32>
        %sub3A_1097 = arith.subf %sub3A_1096, %abs3A_1094 : vector<16xf32>
        %max3A_1098 = arith.constant 0.000000e+00 : f32
        %max3A_1099 = vector.broadcast %max3A_1098 : f32 to vector<16xf32>
        %max3A_1100 = arith.maximumf %max3A_1099, %sub3A_1097 : vector<16xf32>
        %mul3A_1101 = arith.mulf %select_n3A_912, %max3A_1100 : vector<16xf32>
        %swap3A_1102 = arith.index_cast %add3A_415 : i32 to index
        %swap3A_1103 = arith.constant 64 : index
        %swap3A_1104 = tpu.vector_load %arg20[%swap3A_1102, %swap3A_1103] {strides = array<i32>} : memref<80x128xf32, #tpu.memory_space<vmem>>, vector<1x16xf32>,
        %swap3A_1105 = vector.shape_cast %swap3A_1104 : vector<1x16xf32> to vector<16xf32>
        %swap3A_1106 = vector.shape_cast %mul3A_1101 : vector<16xf32> to vector<1x16xf32>
        tpu.vector_store %arg20[%swap3A_1102, %swap3A_1103], %swap3A_1106 {strides = array<i32>} : memref<80x128xf32, #tpu.memory_space<vmem>>, vector<1x16xf32>,
        %sub3A_1107 = arith.constant 5.000000e+00 : f32
        %sub3A_1108 = vector.broadcast %sub3A_1107 : f32 to vector<16xf32>
        %sub3A_1109 = arith.subf %convert_element_type3A, %sub3A_1108 : vector<16xf32>
        %abs3A_1110 = math.absf %sub3A_1109 : vector<16xf32>
        %sub3A_1111 = arith.constant 1.000000e+00 : f32
        %sub3A_1112 = vector.broadcast %sub3A_1111 : f32 to vector<16xf32>
        %sub3A_1113 = arith.subf %sub3A_1112, %abs3A_1110 : vector<16xf32>
        %max3A_1114 = arith.constant 0.000000e+00 : f32
        %max3A_1115 = vector.broadcast %max3A_1114 : f32 to vector<16xf32>
        %max3A_1116 = arith.maximumf %max3A_1115, %sub3A_1113 : vector<16xf32>
        %mul3A_1117 = arith.mulf %select_n3A_912, %max3A_1116 : vector<16xf32>
        %swap3A_1118 = arith.index_cast %add3A_415 : i32 to index
        %swap3A_1119 = arith.constant 80 : index
        %swap3A_1120 = tpu.vector_load %arg20[%swap3A_1118, %swap3A_1119] {strides = array<i32>} : memref<80x128xf32, #tpu.memory_space<vmem>>, vector<1x16xf32>,
        %swap3A_1121 = vector.shape_cast %swap3A_1120 : vector<1x16xf32> to vector<16xf32>
        %swap3A_1122 = vector.shape_cast %mul3A_1117 : vector<16xf32> to vector<1x16xf32>
        tpu.vector_store %arg20[%swap3A_1118, %swap3A_1119], %swap3A_1122 {strides = array<i32>} : memref<80x128xf32, #tpu.memory_space<vmem>>, vector<1x16xf32>,
        %sub3A_1123 = arith.constant 6.000000e+00 : f32
        %sub3A_1124 = vector.broadcast %sub3A_1123 : f32 to vector<16xf32>
        %sub3A_1125 = arith.subf %convert_element_type3A, %sub3A_1124 : vector<16xf32>
        %abs3A_1126 = math.absf %sub3A_1125 : vector<16xf32>
        %sub3A_1127 = arith.constant 1.000000e+00 : f32
        %sub3A_1128 = vector.broadcast %sub3A_1127 : f32 to vector<16xf32>
        %sub3A_1129 = arith.subf %sub3A_1128, %abs3A_1126 : vector<16xf32>
        %max3A_1130 = arith.constant 0.000000e+00 : f32
        %max3A_1131 = vector.broadcast %max3A_1130 : f32 to vector<16xf32>
        %max3A_1132 = arith.maximumf %max3A_1131, %sub3A_1129 : vector<16xf32>
        %mul3A_1133 = arith.mulf %select_n3A_912, %max3A_1132 : vector<16xf32>
        %swap3A_1134 = arith.index_cast %add3A_415 : i32 to index
        %swap3A_1135 = arith.constant 96 : index
        %swap3A_1136 = tpu.vector_load %arg20[%swap3A_1134, %swap3A_1135] {strides = array<i32>} : memref<80x128xf32, #tpu.memory_space<vmem>>, vector<1x16xf32>,
        %swap3A_1137 = vector.shape_cast %swap3A_1136 : vector<1x16xf32> to vector<16xf32>
        %swap3A_1138 = vector.shape_cast %mul3A_1133 : vector<16xf32> to vector<1x16xf32>
        tpu.vector_store %arg20[%swap3A_1134, %swap3A_1135], %swap3A_1138 {strides = array<i32>} : memref<80x128xf32, #tpu.memory_space<vmem>>, vector<1x16xf32>,
        %sub3A_1139 = arith.constant 7.000000e+00 : f32
        %sub3A_1140 = vector.broadcast %sub3A_1139 : f32 to vector<16xf32>
        %sub3A_1141 = arith.subf %convert_element_type3A, %sub3A_1140 : vector<16xf32>
        %abs3A_1142 = math.absf %sub3A_1141 : vector<16xf32>
        %sub3A_1143 = arith.constant 1.000000e+00 : f32
        %sub3A_1144 = vector.broadcast %sub3A_1143 : f32 to vector<16xf32>
        %sub3A_1145 = arith.subf %sub3A_1144, %abs3A_1142 : vector<16xf32>
        %max3A_1146 = arith.constant 0.000000e+00 : f32
        %max3A_1147 = vector.broadcast %max3A_1146 : f32 to vector<16xf32>
        %max3A_1148 = arith.maximumf %max3A_1147, %sub3A_1145 : vector<16xf32>
        %mul3A_1149 = arith.mulf %select_n3A_912, %max3A_1148 : vector<16xf32>
        %swap3A_1150 = arith.index_cast %add3A_415 : i32 to index
        %swap3A_1151 = arith.constant 112 : index
        %swap3A_1152 = tpu.vector_load %arg20[%swap3A_1150, %swap3A_1151] {strides = array<i32>} : memref<80x128xf32, #tpu.memory_space<vmem>>, vector<1x16xf32>,
        %swap3A_1153 = vector.shape_cast %swap3A_1152 : vector<1x16xf32> to vector<16xf32>
        %swap3A_1154 = vector.shape_cast %mul3A_1149 : vector<16xf32> to vector<1x16xf32>
        tpu.vector_store %arg20[%swap3A_1150, %swap3A_1151], %swap3A_1154 {strides = array<i32>} : memref<80x128xf32, #tpu.memory_space<vmem>>, vector<1x16xf32>,
        %scan3A_1155 = arith.constant 0 : i32
        %scan3A_1156 = arith.constant 1 : i32
        %scan3A_1157 = arith.addi %scan3A_412, %scan3A_1156 : i32
        %add3A_1158 = arith.constant 0 : i32
        %add3A_1159 = arith.addi %add3A_1158, %scan3A_1157 : i32
        %get3A_1160 = arith.index_cast %add3A_1159 : i32 to index
        %get3A_1161 = arith.constant 0 : index
        %get3A_1162 = tpu.vector_load %arg20[%get3A_1160, %get3A_1161] {strides = array<i32>} : memref<80x128xf32, #tpu.memory_space<vmem>>, vector<1x16xf32>,
        %get3A_1163 = vector.shape_cast %get3A_1162 : vector<1x16xf32> to vector<16xf32>
        %get3A_1164 = arith.index_cast %add3A_1159 : i32 to index
        %get3A_1165 = arith.constant 0 : index
        %get3A_1166 = tpu.vector_load %arg21[%get3A_1164, %get3A_1165] {strides = array<i32>} : memref<80x128xf32, #tpu.memory_space<vmem>>, vector<1x16xf32>,
        %get3A_1167 = vector.shape_cast %get3A_1166 : vector<1x16xf32> to vector<16xf32>
        %add3A_1168 = arith.addf %get3A_1163, %get3A_1167 : vector<16xf32>
        %mul3A_1169 = arith.constant 2.000000e-01 : f32
        %mul3A_1170 = vector.broadcast %mul3A_1169 : f32 to vector<16xf32>
        %mul3A_1171 = arith.mulf %mul3A_1170, %add3A_1168 : vector<16xf32>
        %max3A_1172 = arith.maximumf %add3A_1168, %mul3A_1171 : vector<16xf32>
        %mul3A_1173 = arith.mulf %max3A_1172, %get3A_114 : vector<16xf32>
        %get3A_1174 = arith.index_cast %add3A_1159 : i32 to index
        %get3A_1175 = arith.constant 16 : index
        %get3A_1176 = tpu.vector_load %arg20[%get3A_1174, %get3A_1175] {strides = array<i32>} : memref<80x128xf32, #tpu.memory_space<vmem>>, vector<1x16xf32>,
        %get3A_1177 = vector.shape_cast %get3A_1176 : vector<1x16xf32> to vector<16xf32>
        %get3A_1178 = arith.index_cast %add3A_1159 : i32 to index
        %get3A_1179 = arith.constant 16 : index
        %get3A_1180 = tpu.vector_load %arg21[%get3A_1178, %get3A_1179] {strides = array<i32>} : memref<80x128xf32, #tpu.memory_space<vmem>>, vector<1x16xf32>,
        %get3A_1181 = vector.shape_cast %get3A_1180 : vector<1x16xf32> to vector<16xf32>
        %add3A_1182 = arith.addf %get3A_1177, %get3A_1181 : vector<16xf32>
        %mul3A_1183 = arith.constant 2.000000e-01 : f32
        %mul3A_1184 = vector.broadcast %mul3A_1183 : f32 to vector<16xf32>
        %mul3A_1185 = arith.mulf %mul3A_1184, %add3A_1182 : vector<16xf32>
        %max3A_1186 = arith.maximumf %add3A_1182, %mul3A_1185 : vector<16xf32>
        %mul3A_1187 = arith.mulf %max3A_1186, %get3A_119 : vector<16xf32>
        %get3A_1188 = arith.index_cast %add3A_1159 : i32 to index
        %get3A_1189 = arith.constant 32 : index
        %get3A_1190 = tpu.vector_load %arg20[%get3A_1188, %get3A_1189] {strides = array<i32>} : memref<80x128xf32, #tpu.memory_space<vmem>>, vector<1x16xf32>,
        %get3A_1191 = vector.shape_cast %get3A_1190 : vector<1x16xf32> to vector<16xf32>
        %get3A_1192 = arith.index_cast %add3A_1159 : i32 to index
        %get3A_1193 = arith.constant 32 : index
        %get3A_1194 = tpu.vector_load %arg21[%get3A_1192, %get3A_1193] {strides = array<i32>} : memref<80x128xf32, #tpu.memory_space<vmem>>, vector<1x16xf32>,
        %get3A_1195 = vector.shape_cast %get3A_1194 : vector<1x16xf32> to vector<16xf32>
        %add3A_1196 = arith.addf %get3A_1191, %get3A_1195 : vector<16xf32>
        %mul3A_1197 = arith.constant 2.000000e-01 : f32
        %mul3A_1198 = vector.broadcast %mul3A_1197 : f32 to vector<16xf32>
        %mul3A_1199 = arith.mulf %mul3A_1198, %add3A_1196 : vector<16xf32>
        %max3A_1200 = arith.maximumf %add3A_1196, %mul3A_1199 : vector<16xf32>
        %mul3A_1201 = arith.mulf %max3A_1200, %get3A_124 : vector<16xf32>
        %get3A_1202 = arith.index_cast %add3A_1159 : i32 to index
        %get3A_1203 = arith.constant 48 : index
        %get3A_1204 = tpu.vector_load %arg20[%get3A_1202, %get3A_1203] {strides = array<i32>} : memref<80x128xf32, #tpu.memory_space<vmem>>, vector<1x16xf32>,
        %get3A_1205 = vector.shape_cast %get3A_1204 : vector<1x16xf32> to vector<16xf32>
        %get3A_1206 = arith.index_cast %add3A_1159 : i32 to index
        %get3A_1207 = arith.constant 48 : index
        %get3A_1208 = tpu.vector_load %arg21[%get3A_1206, %get3A_1207] {strides = array<i32>} : memref<80x128xf32, #tpu.memory_space<vmem>>, vector<1x16xf32>,
        %get3A_1209 = vector.shape_cast %get3A_1208 : vector<1x16xf32> to vector<16xf32>
        %add3A_1210 = arith.addf %get3A_1205, %get3A_1209 : vector<16xf32>
        %mul3A_1211 = arith.constant 2.000000e-01 : f32
        %mul3A_1212 = vector.broadcast %mul3A_1211 : f32 to vector<16xf32>
        %mul3A_1213 = arith.mulf %mul3A_1212, %add3A_1210 : vector<16xf32>
        %max3A_1214 = arith.maximumf %add3A_1210, %mul3A_1213 : vector<16xf32>
        %mul3A_1215 = arith.mulf %max3A_1214, %get3A_129 : vector<16xf32>
        %get3A_1216 = arith.index_cast %add3A_1159 : i32 to index
        %get3A_1217 = arith.constant 64 : index
        %get3A_1218 = tpu.vector_load %arg20[%get3A_1216, %get3A_1217] {strides = array<i32>} : memref<80x128xf32, #tpu.memory_space<vmem>>, vector<1x16xf32>,
        %get3A_1219 = vector.shape_cast %get3A_1218 : vector<1x16xf32> to vector<16xf32>
        %get3A_1220 = arith.index_cast %add3A_1159 : i32 to index
        %get3A_1221 = arith.constant 64 : index
        %get3A_1222 = tpu.vector_load %arg21[%get3A_1220, %get3A_1221] {strides = array<i32>} : memref<80x128xf32, #tpu.memory_space<vmem>>, vector<1x16xf32>,
        %get3A_1223 = vector.shape_cast %get3A_1222 : vector<1x16xf32> to vector<16xf32>
        %add3A_1224 = arith.addf %get3A_1219, %get3A_1223 : vector<16xf32>
        %mul3A_1225 = arith.constant 2.000000e-01 : f32
        %mul3A_1226 = vector.broadcast %mul3A_1225 : f32 to vector<16xf32>
        %mul3A_1227 = arith.mulf %mul3A_1226, %add3A_1224 : vector<16xf32>
        %max3A_1228 = arith.maximumf %add3A_1224, %mul3A_1227 : vector<16xf32>
        %mul3A_1229 = arith.mulf %max3A_1228, %get3A_134 : vector<16xf32>
        %get3A_1230 = arith.index_cast %add3A_1159 : i32 to index
        %get3A_1231 = arith.constant 80 : index
        %get3A_1232 = tpu.vector_load %arg20[%get3A_1230, %get3A_1231] {strides = array<i32>} : memref<80x128xf32, #tpu.memory_space<vmem>>, vector<1x16xf32>,
        %get3A_1233 = vector.shape_cast %get3A_1232 : vector<1x16xf32> to vector<16xf32>
        %get3A_1234 = arith.index_cast %add3A_1159 : i32 to index
        %get3A_1235 = arith.constant 80 : index
        %get3A_1236 = tpu.vector_load %arg21[%get3A_1234, %get3A_1235] {strides = array<i32>} : memref<80x128xf32, #tpu.memory_space<vmem>>, vector<1x16xf32>,
        %get3A_1237 = vector.shape_cast %get3A_1236 : vector<1x16xf32> to vector<16xf32>
        %add3A_1238 = arith.addf %get3A_1233, %get3A_1237 : vector<16xf32>
        %mul3A_1239 = arith.constant 2.000000e-01 : f32
        %mul3A_1240 = vector.broadcast %mul3A_1239 : f32 to vector<16xf32>
        %mul3A_1241 = arith.mulf %mul3A_1240, %add3A_1238 : vector<16xf32>
        %max3A_1242 = arith.maximumf %add3A_1238, %mul3A_1241 : vector<16xf32>
        %mul3A_1243 = arith.mulf %max3A_1242, %get3A_139 : vector<16xf32>
        %get3A_1244 = arith.index_cast %add3A_1159 : i32 to index
        %get3A_1245 = arith.constant 96 : index
        %get3A_1246 = tpu.vector_load %arg20[%get3A_1244, %get3A_1245] {strides = array<i32>} : memref<80x128xf32, #tpu.memory_space<vmem>>, vector<1x16xf32>,
        %get3A_1247 = vector.shape_cast %get3A_1246 : vector<1x16xf32> to vector<16xf32>
        %get3A_1248 = arith.index_cast %add3A_1159 : i32 to index
        %get3A_1249 = arith.constant 96 : index
        %get3A_1250 = tpu.vector_load %arg21[%get3A_1248, %get3A_1249] {strides = array<i32>} : memref<80x128xf32, #tpu.memory_space<vmem>>, vector<1x16xf32>,
        %get3A_1251 = vector.shape_cast %get3A_1250 : vector<1x16xf32> to vector<16xf32>
        %add3A_1252 = arith.addf %get3A_1247, %get3A_1251 : vector<16xf32>
        %mul3A_1253 = arith.constant 2.000000e-01 : f32
        %mul3A_1254 = vector.broadcast %mul3A_1253 : f32 to vector<16xf32>
        %mul3A_1255 = arith.mulf %mul3A_1254, %add3A_1252 : vector<16xf32>
        %max3A_1256 = arith.maximumf %add3A_1252, %mul3A_1255 : vector<16xf32>
        %mul3A_1257 = arith.mulf %max3A_1256, %get3A_144 : vector<16xf32>
        %get3A_1258 = arith.index_cast %add3A_1159 : i32 to index
        %get3A_1259 = arith.constant 112 : index
        %get3A_1260 = tpu.vector_load %arg20[%get3A_1258, %get3A_1259] {strides = array<i32>} : memref<80x128xf32, #tpu.memory_space<vmem>>, vector<1x16xf32>,
        %get3A_1261 = vector.shape_cast %get3A_1260 : vector<1x16xf32> to vector<16xf32>
        %get3A_1262 = arith.index_cast %add3A_1159 : i32 to index
        %get3A_1263 = arith.constant 112 : index
        %get3A_1264 = tpu.vector_load %arg21[%get3A_1262, %get3A_1263] {strides = array<i32>} : memref<80x128xf32, #tpu.memory_space<vmem>>, vector<1x16xf32>,
        %get3A_1265 = vector.shape_cast %get3A_1264 : vector<1x16xf32> to vector<16xf32>
        %add3A_1266 = arith.addf %get3A_1261, %get3A_1265 : vector<16xf32>
        %mul3A_1267 = arith.constant 2.000000e-01 : f32
        %mul3A_1268 = vector.broadcast %mul3A_1267 : f32 to vector<16xf32>
        %mul3A_1269 = arith.mulf %mul3A_1268, %add3A_1266 : vector<16xf32>
        %max3A_1270 = arith.maximumf %add3A_1266, %mul3A_1269 : vector<16xf32>
        %mul3A_1271 = arith.mulf %max3A_1270, %get3A_149 : vector<16xf32>
        %lt3A_1272 = arith.constant 0 : i32
        %lt3A_1273 = vector.broadcast %lt3A_1272 : i32 to vector<16xi32>
        %lt3A_1274 = arith.cmpi slt, %xor3A_46, %lt3A_1273 : vector<16xi32>
        %add3A_1275 = arith.constant 16 : i32
        %add3A_1276 = vector.broadcast %add3A_1275 : i32 to vector<16xi32>
        %add3A_1277 = arith.addi %xor3A_46, %add3A_1276 : vector<16xi32>
        %select_n3A_1278 = arith.select %lt3A_1274, %add3A_1277, %xor3A_46 : vector<16xi1>, vector<16xi32>
        %broadcast_in_dim3A_1279 = vector.shape_cast %select_n3A_1278 : vector<16xi32> to vector<16x1xi32>
        %gather3A_1280 = vector.shape_cast %broadcast_in_dim3A_1279 : vector<16x1xi32> to vector<16xi32>
        %gather3A_1281 = tpu.dynamic_gather %mul3A_1173[%gather3A_1280] in [0] : vector<16xf32>, vector<16xi32> -> vector<16xf32>
        %add3A_1282 = arith.addf %mul3A_1173, %gather3A_1281 : vector<16xf32>
        %lt3A_1283 = arith.constant 0 : i32
        %lt3A_1284 = vector.broadcast %lt3A_1283 : i32 to vector<16xi32>
        %lt3A_1285 = arith.cmpi slt, %xor3A_49, %lt3A_1284 : vector<16xi32>
        %add3A_1286 = arith.constant 16 : i32
        %add3A_1287 = vector.broadcast %add3A_1286 : i32 to vector<16xi32>
        %add3A_1288 = arith.addi %xor3A_49, %add3A_1287 : vector<16xi32>
        %select_n3A_1289 = arith.select %lt3A_1285, %add3A_1288, %xor3A_49 : vector<16xi1>, vector<16xi32>
        %broadcast_in_dim3A_1290 = vector.shape_cast %select_n3A_1289 : vector<16xi32> to vector<16x1xi32>
        %gather3A_1291 = vector.shape_cast %broadcast_in_dim3A_1290 : vector<16x1xi32> to vector<16xi32>
        %gather3A_1292 = tpu.dynamic_gather %add3A_1282[%gather3A_1291] in [0] : vector<16xf32>, vector<16xi32> -> vector<16xf32>
        %add3A_1293 = arith.addf %add3A_1282, %gather3A_1292 : vector<16xf32>
        %lt3A_1294 = arith.constant 0 : i32
        %lt3A_1295 = vector.broadcast %lt3A_1294 : i32 to vector<16xi32>
        %lt3A_1296 = arith.cmpi slt, %xor3A_52, %lt3A_1295 : vector<16xi32>
        %add3A_1297 = arith.constant 16 : i32
        %add3A_1298 = vector.broadcast %add3A_1297 : i32 to vector<16xi32>
        %add3A_1299 = arith.addi %xor3A_52, %add3A_1298 : vector<16xi32>
        %select_n3A_1300 = arith.select %lt3A_1296, %add3A_1299, %xor3A_52 : vector<16xi1>, vector<16xi32>
        %broadcast_in_dim3A_1301 = vector.shape_cast %select_n3A_1300 : vector<16xi32> to vector<16x1xi32>
        %gather3A_1302 = vector.shape_cast %broadcast_in_dim3A_1301 : vector<16x1xi32> to vector<16xi32>
        %gather3A_1303 = tpu.dynamic_gather %add3A_1293[%gather3A_1302] in [0] : vector<16xf32>, vector<16xi32> -> vector<16xf32>
        %add3A_1304 = arith.addf %add3A_1293, %gather3A_1303 : vector<16xf32>
        %lt3A_1305 = arith.constant 0 : i32
        %lt3A_1306 = vector.broadcast %lt3A_1305 : i32 to vector<16xi32>
        %lt3A_1307 = arith.cmpi slt, %xor3A_55, %lt3A_1306 : vector<16xi32>
        %add3A_1308 = arith.constant 16 : i32
        %add3A_1309 = vector.broadcast %add3A_1308 : i32 to vector<16xi32>
        %add3A_1310 = arith.addi %xor3A_55, %add3A_1309 : vector<16xi32>
        %select_n3A_1311 = arith.select %lt3A_1307, %add3A_1310, %xor3A_55 : vector<16xi1>, vector<16xi32>
        %broadcast_in_dim3A_1312 = vector.shape_cast %select_n3A_1311 : vector<16xi32> to vector<16x1xi32>
        %gather3A_1313 = vector.shape_cast %broadcast_in_dim3A_1312 : vector<16x1xi32> to vector<16xi32>
        %gather3A_1314 = tpu.dynamic_gather %add3A_1304[%gather3A_1313] in [0] : vector<16xf32>, vector<16xi32> -> vector<16xf32>
        %add3A_1315 = arith.addf %add3A_1304, %gather3A_1314 : vector<16xf32>
        %eq3A_1316 = arith.constant 0 : i32
        %eq3A_1317 = vector.broadcast %eq3A_1316 : i32 to vector<16xi32>
        %eq3A_1318 = arith.cmpi eq, %iota3A, %eq3A_1317 : vector<16xi32>
        %select_n3A_1319 = arith.select %eq3A_1318, %add3A_1315, %broadcast_in_dim3A_110 : vector<16xi1>, vector<16xf32>
        %lt3A_1320 = arith.constant 0 : i32
        %lt3A_1321 = vector.broadcast %lt3A_1320 : i32 to vector<16xi32>
        %lt3A_1322 = arith.cmpi slt, %xor3A_46, %lt3A_1321 : vector<16xi32>
        %add3A_1323 = arith.constant 16 : i32
        %add3A_1324 = vector.broadcast %add3A_1323 : i32 to vector<16xi32>
        %add3A_1325 = arith.addi %xor3A_46, %add3A_1324 : vector<16xi32>
        %select_n3A_1326 = arith.select %lt3A_1322, %add3A_1325, %xor3A_46 : vector<16xi1>, vector<16xi32>
        %broadcast_in_dim3A_1327 = vector.shape_cast %select_n3A_1326 : vector<16xi32> to vector<16x1xi32>
        %gather3A_1328 = vector.shape_cast %broadcast_in_dim3A_1327 : vector<16x1xi32> to vector<16xi32>
        %gather3A_1329 = tpu.dynamic_gather %mul3A_1187[%gather3A_1328] in [0] : vector<16xf32>, vector<16xi32> -> vector<16xf32>
        %add3A_1330 = arith.addf %mul3A_1187, %gather3A_1329 : vector<16xf32>
        %lt3A_1331 = arith.constant 0 : i32
        %lt3A_1332 = vector.broadcast %lt3A_1331 : i32 to vector<16xi32>
        %lt3A_1333 = arith.cmpi slt, %xor3A_49, %lt3A_1332 : vector<16xi32>
        %add3A_1334 = arith.constant 16 : i32
        %add3A_1335 = vector.broadcast %add3A_1334 : i32 to vector<16xi32>
        %add3A_1336 = arith.addi %xor3A_49, %add3A_1335 : vector<16xi32>
        %select_n3A_1337 = arith.select %lt3A_1333, %add3A_1336, %xor3A_49 : vector<16xi1>, vector<16xi32>
        %broadcast_in_dim3A_1338 = vector.shape_cast %select_n3A_1337 : vector<16xi32> to vector<16x1xi32>
        %gather3A_1339 = vector.shape_cast %broadcast_in_dim3A_1338 : vector<16x1xi32> to vector<16xi32>
        %gather3A_1340 = tpu.dynamic_gather %add3A_1330[%gather3A_1339] in [0] : vector<16xf32>, vector<16xi32> -> vector<16xf32>
        %add3A_1341 = arith.addf %add3A_1330, %gather3A_1340 : vector<16xf32>
        %lt3A_1342 = arith.constant 0 : i32
        %lt3A_1343 = vector.broadcast %lt3A_1342 : i32 to vector<16xi32>
        %lt3A_1344 = arith.cmpi slt, %xor3A_52, %lt3A_1343 : vector<16xi32>
        %add3A_1345 = arith.constant 16 : i32
        %add3A_1346 = vector.broadcast %add3A_1345 : i32 to vector<16xi32>
        %add3A_1347 = arith.addi %xor3A_52, %add3A_1346 : vector<16xi32>
        %select_n3A_1348 = arith.select %lt3A_1344, %add3A_1347, %xor3A_52 : vector<16xi1>, vector<16xi32>
        %broadcast_in_dim3A_1349 = vector.shape_cast %select_n3A_1348 : vector<16xi32> to vector<16x1xi32>
        %gather3A_1350 = vector.shape_cast %broadcast_in_dim3A_1349 : vector<16x1xi32> to vector<16xi32>
        %gather3A_1351 = tpu.dynamic_gather %add3A_1341[%gather3A_1350] in [0] : vector<16xf32>, vector<16xi32> -> vector<16xf32>
        %add3A_1352 = arith.addf %add3A_1341, %gather3A_1351 : vector<16xf32>
        %lt3A_1353 = arith.constant 0 : i32
        %lt3A_1354 = vector.broadcast %lt3A_1353 : i32 to vector<16xi32>
        %lt3A_1355 = arith.cmpi slt, %xor3A_55, %lt3A_1354 : vector<16xi32>
        %add3A_1356 = arith.constant 16 : i32
        %add3A_1357 = vector.broadcast %add3A_1356 : i32 to vector<16xi32>
        %add3A_1358 = arith.addi %xor3A_55, %add3A_1357 : vector<16xi32>
        %select_n3A_1359 = arith.select %lt3A_1355, %add3A_1358, %xor3A_55 : vector<16xi1>, vector<16xi32>
        %broadcast_in_dim3A_1360 = vector.shape_cast %select_n3A_1359 : vector<16xi32> to vector<16x1xi32>
        %gather3A_1361 = vector.shape_cast %broadcast_in_dim3A_1360 : vector<16x1xi32> to vector<16xi32>
        %gather3A_1362 = tpu.dynamic_gather %add3A_1352[%gather3A_1361] in [0] : vector<16xf32>, vector<16xi32> -> vector<16xf32>
        %add3A_1363 = arith.addf %add3A_1352, %gather3A_1362 : vector<16xf32>
        %eq3A_1364 = arith.constant 1 : i32
        %eq3A_1365 = vector.broadcast %eq3A_1364 : i32 to vector<16xi32>
        %eq3A_1366 = arith.cmpi eq, %iota3A, %eq3A_1365 : vector<16xi32>
        %select_n3A_1367 = arith.select %eq3A_1366, %add3A_1363, %select_n3A_1319 : vector<16xi1>, vector<16xf32>
        %lt3A_1368 = arith.constant 0 : i32
        %lt3A_1369 = vector.broadcast %lt3A_1368 : i32 to vector<16xi32>
        %lt3A_1370 = arith.cmpi slt, %xor3A_46, %lt3A_1369 : vector<16xi32>
        %add3A_1371 = arith.constant 16 : i32
        %add3A_1372 = vector.broadcast %add3A_1371 : i32 to vector<16xi32>
        %add3A_1373 = arith.addi %xor3A_46, %add3A_1372 : vector<16xi32>
        %select_n3A_1374 = arith.select %lt3A_1370, %add3A_1373, %xor3A_46 : vector<16xi1>, vector<16xi32>
        %broadcast_in_dim3A_1375 = vector.shape_cast %select_n3A_1374 : vector<16xi32> to vector<16x1xi32>
        %gather3A_1376 = vector.shape_cast %broadcast_in_dim3A_1375 : vector<16x1xi32> to vector<16xi32>
        %gather3A_1377 = tpu.dynamic_gather %mul3A_1201[%gather3A_1376] in [0] : vector<16xf32>, vector<16xi32> -> vector<16xf32>
        %add3A_1378 = arith.addf %mul3A_1201, %gather3A_1377 : vector<16xf32>
        %lt3A_1379 = arith.constant 0 : i32
        %lt3A_1380 = vector.broadcast %lt3A_1379 : i32 to vector<16xi32>
        %lt3A_1381 = arith.cmpi slt, %xor3A_49, %lt3A_1380 : vector<16xi32>
        %add3A_1382 = arith.constant 16 : i32
        %add3A_1383 = vector.broadcast %add3A_1382 : i32 to vector<16xi32>
        %add3A_1384 = arith.addi %xor3A_49, %add3A_1383 : vector<16xi32>
        %select_n3A_1385 = arith.select %lt3A_1381, %add3A_1384, %xor3A_49 : vector<16xi1>, vector<16xi32>
        %broadcast_in_dim3A_1386 = vector.shape_cast %select_n3A_1385 : vector<16xi32> to vector<16x1xi32>
        %gather3A_1387 = vector.shape_cast %broadcast_in_dim3A_1386 : vector<16x1xi32> to vector<16xi32>
        %gather3A_1388 = tpu.dynamic_gather %add3A_1378[%gather3A_1387] in [0] : vector<16xf32>, vector<16xi32> -> vector<16xf32>
        %add3A_1389 = arith.addf %add3A_1378, %gather3A_1388 : vector<16xf32>
        %lt3A_1390 = arith.constant 0 : i32
        %lt3A_1391 = vector.broadcast %lt3A_1390 : i32 to vector<16xi32>
        %lt3A_1392 = arith.cmpi slt, %xor3A_52, %lt3A_1391 : vector<16xi32>
        %add3A_1393 = arith.constant 16 : i32
        %add3A_1394 = vector.broadcast %add3A_1393 : i32 to vector<16xi32>
        %add3A_1395 = arith.addi %xor3A_52, %add3A_1394 : vector<16xi32>
        %select_n3A_1396 = arith.select %lt3A_1392, %add3A_1395, %xor3A_52 : vector<16xi1>, vector<16xi32>
        %broadcast_in_dim3A_1397 = vector.shape_cast %select_n3A_1396 : vector<16xi32> to vector<16x1xi32>
        %gather3A_1398 = vector.shape_cast %broadcast_in_dim3A_1397 : vector<16x1xi32> to vector<16xi32>
        %gather3A_1399 = tpu.dynamic_gather %add3A_1389[%gather3A_1398] in [0] : vector<16xf32>, vector<16xi32> -> vector<16xf32>
        %add3A_1400 = arith.addf %add3A_1389, %gather3A_1399 : vector<16xf32>
        %lt3A_1401 = arith.constant 0 : i32
        %lt3A_1402 = vector.broadcast %lt3A_1401 : i32 to vector<16xi32>
        %lt3A_1403 = arith.cmpi slt, %xor3A_55, %lt3A_1402 : vector<16xi32>
        %add3A_1404 = arith.constant 16 : i32
        %add3A_1405 = vector.broadcast %add3A_1404 : i32 to vector<16xi32>
        %add3A_1406 = arith.addi %xor3A_55, %add3A_1405 : vector<16xi32>
        %select_n3A_1407 = arith.select %lt3A_1403, %add3A_1406, %xor3A_55 : vector<16xi1>, vector<16xi32>
        %broadcast_in_dim3A_1408 = vector.shape_cast %select_n3A_1407 : vector<16xi32> to vector<16x1xi32>
        %gather3A_1409 = vector.shape_cast %broadcast_in_dim3A_1408 : vector<16x1xi32> to vector<16xi32>
        %gather3A_1410 = tpu.dynamic_gather %add3A_1400[%gather3A_1409] in [0] : vector<16xf32>, vector<16xi32> -> vector<16xf32>
        %add3A_1411 = arith.addf %add3A_1400, %gather3A_1410 : vector<16xf32>
        %eq3A_1412 = arith.constant 2 : i32
        %eq3A_1413 = vector.broadcast %eq3A_1412 : i32 to vector<16xi32>
        %eq3A_1414 = arith.cmpi eq, %iota3A, %eq3A_1413 : vector<16xi32>
        %select_n3A_1415 = arith.select %eq3A_1414, %add3A_1411, %select_n3A_1367 : vector<16xi1>, vector<16xf32>
        %lt3A_1416 = arith.constant 0 : i32
        %lt3A_1417 = vector.broadcast %lt3A_1416 : i32 to vector<16xi32>
        %lt3A_1418 = arith.cmpi slt, %xor3A_46, %lt3A_1417 : vector<16xi32>
        %add3A_1419 = arith.constant 16 : i32
        %add3A_1420 = vector.broadcast %add3A_1419 : i32 to vector<16xi32>
        %add3A_1421 = arith.addi %xor3A_46, %add3A_1420 : vector<16xi32>
        %select_n3A_1422 = arith.select %lt3A_1418, %add3A_1421, %xor3A_46 : vector<16xi1>, vector<16xi32>
        %broadcast_in_dim3A_1423 = vector.shape_cast %select_n3A_1422 : vector<16xi32> to vector<16x1xi32>
        %gather3A_1424 = vector.shape_cast %broadcast_in_dim3A_1423 : vector<16x1xi32> to vector<16xi32>
        %gather3A_1425 = tpu.dynamic_gather %mul3A_1215[%gather3A_1424] in [0] : vector<16xf32>, vector<16xi32> -> vector<16xf32>
        %add3A_1426 = arith.addf %mul3A_1215, %gather3A_1425 : vector<16xf32>
        %lt3A_1427 = arith.constant 0 : i32
        %lt3A_1428 = vector.broadcast %lt3A_1427 : i32 to vector<16xi32>
        %lt3A_1429 = arith.cmpi slt, %xor3A_49, %lt3A_1428 : vector<16xi32>
        %add3A_1430 = arith.constant 16 : i32
        %add3A_1431 = vector.broadcast %add3A_1430 : i32 to vector<16xi32>
        %add3A_1432 = arith.addi %xor3A_49, %add3A_1431 : vector<16xi32>
        %select_n3A_1433 = arith.select %lt3A_1429, %add3A_1432, %xor3A_49 : vector<16xi1>, vector<16xi32>
        %broadcast_in_dim3A_1434 = vector.shape_cast %select_n3A_1433 : vector<16xi32> to vector<16x1xi32>
        %gather3A_1435 = vector.shape_cast %broadcast_in_dim3A_1434 : vector<16x1xi32> to vector<16xi32>
        %gather3A_1436 = tpu.dynamic_gather %add3A_1426[%gather3A_1435] in [0] : vector<16xf32>, vector<16xi32> -> vector<16xf32>
        %add3A_1437 = arith.addf %add3A_1426, %gather3A_1436 : vector<16xf32>
        %lt3A_1438 = arith.constant 0 : i32
        %lt3A_1439 = vector.broadcast %lt3A_1438 : i32 to vector<16xi32>
        %lt3A_1440 = arith.cmpi slt, %xor3A_52, %lt3A_1439 : vector<16xi32>
        %add3A_1441 = arith.constant 16 : i32
        %add3A_1442 = vector.broadcast %add3A_1441 : i32 to vector<16xi32>
        %add3A_1443 = arith.addi %xor3A_52, %add3A_1442 : vector<16xi32>
        %select_n3A_1444 = arith.select %lt3A_1440, %add3A_1443, %xor3A_52 : vector<16xi1>, vector<16xi32>
        %broadcast_in_dim3A_1445 = vector.shape_cast %select_n3A_1444 : vector<16xi32> to vector<16x1xi32>
        %gather3A_1446 = vector.shape_cast %broadcast_in_dim3A_1445 : vector<16x1xi32> to vector<16xi32>
        %gather3A_1447 = tpu.dynamic_gather %add3A_1437[%gather3A_1446] in [0] : vector<16xf32>, vector<16xi32> -> vector<16xf32>
        %add3A_1448 = arith.addf %add3A_1437, %gather3A_1447 : vector<16xf32>
        %lt3A_1449 = arith.constant 0 : i32
        %lt3A_1450 = vector.broadcast %lt3A_1449 : i32 to vector<16xi32>
        %lt3A_1451 = arith.cmpi slt, %xor3A_55, %lt3A_1450 : vector<16xi32>
        %add3A_1452 = arith.constant 16 : i32
        %add3A_1453 = vector.broadcast %add3A_1452 : i32 to vector<16xi32>
        %add3A_1454 = arith.addi %xor3A_55, %add3A_1453 : vector<16xi32>
        %select_n3A_1455 = arith.select %lt3A_1451, %add3A_1454, %xor3A_55 : vector<16xi1>, vector<16xi32>
        %broadcast_in_dim3A_1456 = vector.shape_cast %select_n3A_1455 : vector<16xi32> to vector<16x1xi32>
        %gather3A_1457 = vector.shape_cast %broadcast_in_dim3A_1456 : vector<16x1xi32> to vector<16xi32>
        %gather3A_1458 = tpu.dynamic_gather %add3A_1448[%gather3A_1457] in [0] : vector<16xf32>, vector<16xi32> -> vector<16xf32>
        %add3A_1459 = arith.addf %add3A_1448, %gather3A_1458 : vector<16xf32>
        %eq3A_1460 = arith.constant 3 : i32
        %eq3A_1461 = vector.broadcast %eq3A_1460 : i32 to vector<16xi32>
        %eq3A_1462 = arith.cmpi eq, %iota3A, %eq3A_1461 : vector<16xi32>
        %select_n3A_1463 = arith.select %eq3A_1462, %add3A_1459, %select_n3A_1415 : vector<16xi1>, vector<16xf32>
        %lt3A_1464 = arith.constant 0 : i32
        %lt3A_1465 = vector.broadcast %lt3A_1464 : i32 to vector<16xi32>
        %lt3A_1466 = arith.cmpi slt, %xor3A_46, %lt3A_1465 : vector<16xi32>
        %add3A_1467 = arith.constant 16 : i32
        %add3A_1468 = vector.broadcast %add3A_1467 : i32 to vector<16xi32>
        %add3A_1469 = arith.addi %xor3A_46, %add3A_1468 : vector<16xi32>
        %select_n3A_1470 = arith.select %lt3A_1466, %add3A_1469, %xor3A_46 : vector<16xi1>, vector<16xi32>
        %broadcast_in_dim3A_1471 = vector.shape_cast %select_n3A_1470 : vector<16xi32> to vector<16x1xi32>
        %gather3A_1472 = vector.shape_cast %broadcast_in_dim3A_1471 : vector<16x1xi32> to vector<16xi32>
        %gather3A_1473 = tpu.dynamic_gather %mul3A_1229[%gather3A_1472] in [0] : vector<16xf32>, vector<16xi32> -> vector<16xf32>
        %add3A_1474 = arith.addf %mul3A_1229, %gather3A_1473 : vector<16xf32>
        %lt3A_1475 = arith.constant 0 : i32
        %lt3A_1476 = vector.broadcast %lt3A_1475 : i32 to vector<16xi32>
        %lt3A_1477 = arith.cmpi slt, %xor3A_49, %lt3A_1476 : vector<16xi32>
        %add3A_1478 = arith.constant 16 : i32
        %add3A_1479 = vector.broadcast %add3A_1478 : i32 to vector<16xi32>
        %add3A_1480 = arith.addi %xor3A_49, %add3A_1479 : vector<16xi32>
        %select_n3A_1481 = arith.select %lt3A_1477, %add3A_1480, %xor3A_49 : vector<16xi1>, vector<16xi32>
        %broadcast_in_dim3A_1482 = vector.shape_cast %select_n3A_1481 : vector<16xi32> to vector<16x1xi32>
        %gather3A_1483 = vector.shape_cast %broadcast_in_dim3A_1482 : vector<16x1xi32> to vector<16xi32>
        %gather3A_1484 = tpu.dynamic_gather %add3A_1474[%gather3A_1483] in [0] : vector<16xf32>, vector<16xi32> -> vector<16xf32>
        %add3A_1485 = arith.addf %add3A_1474, %gather3A_1484 : vector<16xf32>
        %lt3A_1486 = arith.constant 0 : i32
        %lt3A_1487 = vector.broadcast %lt3A_1486 : i32 to vector<16xi32>
        %lt3A_1488 = arith.cmpi slt, %xor3A_52, %lt3A_1487 : vector<16xi32>
        %add3A_1489 = arith.constant 16 : i32
        %add3A_1490 = vector.broadcast %add3A_1489 : i32 to vector<16xi32>
        %add3A_1491 = arith.addi %xor3A_52, %add3A_1490 : vector<16xi32>
        %select_n3A_1492 = arith.select %lt3A_1488, %add3A_1491, %xor3A_52 : vector<16xi1>, vector<16xi32>
        %broadcast_in_dim3A_1493 = vector.shape_cast %select_n3A_1492 : vector<16xi32> to vector<16x1xi32>
        %gather3A_1494 = vector.shape_cast %broadcast_in_dim3A_1493 : vector<16x1xi32> to vector<16xi32>
        %gather3A_1495 = tpu.dynamic_gather %add3A_1485[%gather3A_1494] in [0] : vector<16xf32>, vector<16xi32> -> vector<16xf32>
        %add3A_1496 = arith.addf %add3A_1485, %gather3A_1495 : vector<16xf32>
        %lt3A_1497 = arith.constant 0 : i32
        %lt3A_1498 = vector.broadcast %lt3A_1497 : i32 to vector<16xi32>
        %lt3A_1499 = arith.cmpi slt, %xor3A_55, %lt3A_1498 : vector<16xi32>
        %add3A_1500 = arith.constant 16 : i32
        %add3A_1501 = vector.broadcast %add3A_1500 : i32 to vector<16xi32>
        %add3A_1502 = arith.addi %xor3A_55, %add3A_1501 : vector<16xi32>
        %select_n3A_1503 = arith.select %lt3A_1499, %add3A_1502, %xor3A_55 : vector<16xi1>, vector<16xi32>
        %broadcast_in_dim3A_1504 = vector.shape_cast %select_n3A_1503 : vector<16xi32> to vector<16x1xi32>
        %gather3A_1505 = vector.shape_cast %broadcast_in_dim3A_1504 : vector<16x1xi32> to vector<16xi32>
        %gather3A_1506 = tpu.dynamic_gather %add3A_1496[%gather3A_1505] in [0] : vector<16xf32>, vector<16xi32> -> vector<16xf32>
        %add3A_1507 = arith.addf %add3A_1496, %gather3A_1506 : vector<16xf32>
        %eq3A_1508 = arith.constant 4 : i32
        %eq3A_1509 = vector.broadcast %eq3A_1508 : i32 to vector<16xi32>
        %eq3A_1510 = arith.cmpi eq, %iota3A, %eq3A_1509 : vector<16xi32>
        %select_n3A_1511 = arith.select %eq3A_1510, %add3A_1507, %select_n3A_1463 : vector<16xi1>, vector<16xf32>
        %lt3A_1512 = arith.constant 0 : i32
        %lt3A_1513 = vector.broadcast %lt3A_1512 : i32 to vector<16xi32>
        %lt3A_1514 = arith.cmpi slt, %xor3A_46, %lt3A_1513 : vector<16xi32>
        %add3A_1515 = arith.constant 16 : i32
        %add3A_1516 = vector.broadcast %add3A_1515 : i32 to vector<16xi32>
        %add3A_1517 = arith.addi %xor3A_46, %add3A_1516 : vector<16xi32>
        %select_n3A_1518 = arith.select %lt3A_1514, %add3A_1517, %xor3A_46 : vector<16xi1>, vector<16xi32>
        %broadcast_in_dim3A_1519 = vector.shape_cast %select_n3A_1518 : vector<16xi32> to vector<16x1xi32>
        %gather3A_1520 = vector.shape_cast %broadcast_in_dim3A_1519 : vector<16x1xi32> to vector<16xi32>
        %gather3A_1521 = tpu.dynamic_gather %mul3A_1243[%gather3A_1520] in [0] : vector<16xf32>, vector<16xi32> -> vector<16xf32>
        %add3A_1522 = arith.addf %mul3A_1243, %gather3A_1521 : vector<16xf32>
        %lt3A_1523 = arith.constant 0 : i32
        %lt3A_1524 = vector.broadcast %lt3A_1523 : i32 to vector<16xi32>
        %lt3A_1525 = arith.cmpi slt, %xor3A_49, %lt3A_1524 : vector<16xi32>
        %add3A_1526 = arith.constant 16 : i32
        %add3A_1527 = vector.broadcast %add3A_1526 : i32 to vector<16xi32>
        %add3A_1528 = arith.addi %xor3A_49, %add3A_1527 : vector<16xi32>
        %select_n3A_1529 = arith.select %lt3A_1525, %add3A_1528, %xor3A_49 : vector<16xi1>, vector<16xi32>
        %broadcast_in_dim3A_1530 = vector.shape_cast %select_n3A_1529 : vector<16xi32> to vector<16x1xi32>
        %gather3A_1531 = vector.shape_cast %broadcast_in_dim3A_1530 : vector<16x1xi32> to vector<16xi32>
        %gather3A_1532 = tpu.dynamic_gather %add3A_1522[%gather3A_1531] in [0] : vector<16xf32>, vector<16xi32> -> vector<16xf32>
        %add3A_1533 = arith.addf %add3A_1522, %gather3A_1532 : vector<16xf32>
        %lt3A_1534 = arith.constant 0 : i32
        %lt3A_1535 = vector.broadcast %lt3A_1534 : i32 to vector<16xi32>
        %lt3A_1536 = arith.cmpi slt, %xor3A_52, %lt3A_1535 : vector<16xi32>
        %add3A_1537 = arith.constant 16 : i32
        %add3A_1538 = vector.broadcast %add3A_1537 : i32 to vector<16xi32>
        %add3A_1539 = arith.addi %xor3A_52, %add3A_1538 : vector<16xi32>
        %select_n3A_1540 = arith.select %lt3A_1536, %add3A_1539, %xor3A_52 : vector<16xi1>, vector<16xi32>
        %broadcast_in_dim3A_1541 = vector.shape_cast %select_n3A_1540 : vector<16xi32> to vector<16x1xi32>
        %gather3A_1542 = vector.shape_cast %broadcast_in_dim3A_1541 : vector<16x1xi32> to vector<16xi32>
        %gather3A_1543 = tpu.dynamic_gather %add3A_1533[%gather3A_1542] in [0] : vector<16xf32>, vector<16xi32> -> vector<16xf32>
        %add3A_1544 = arith.addf %add3A_1533, %gather3A_1543 : vector<16xf32>
        %lt3A_1545 = arith.constant 0 : i32
        %lt3A_1546 = vector.broadcast %lt3A_1545 : i32 to vector<16xi32>
        %lt3A_1547 = arith.cmpi slt, %xor3A_55, %lt3A_1546 : vector<16xi32>
        %add3A_1548 = arith.constant 16 : i32
        %add3A_1549 = vector.broadcast %add3A_1548 : i32 to vector<16xi32>
        %add3A_1550 = arith.addi %xor3A_55, %add3A_1549 : vector<16xi32>
        %select_n3A_1551 = arith.select %lt3A_1547, %add3A_1550, %xor3A_55 : vector<16xi1>, vector<16xi32>
        %broadcast_in_dim3A_1552 = vector.shape_cast %select_n3A_1551 : vector<16xi32> to vector<16x1xi32>
        %gather3A_1553 = vector.shape_cast %broadcast_in_dim3A_1552 : vector<16x1xi32> to vector<16xi32>
        %gather3A_1554 = tpu.dynamic_gather %add3A_1544[%gather3A_1553] in [0] : vector<16xf32>, vector<16xi32> -> vector<16xf32>
        %add3A_1555 = arith.addf %add3A_1544, %gather3A_1554 : vector<16xf32>
        %eq3A_1556 = arith.constant 5 : i32
        %eq3A_1557 = vector.broadcast %eq3A_1556 : i32 to vector<16xi32>
        %eq3A_1558 = arith.cmpi eq, %iota3A, %eq3A_1557 : vector<16xi32>
        %select_n3A_1559 = arith.select %eq3A_1558, %add3A_1555, %select_n3A_1511 : vector<16xi1>, vector<16xf32>
        %lt3A_1560 = arith.constant 0 : i32
        %lt3A_1561 = vector.broadcast %lt3A_1560 : i32 to vector<16xi32>
        %lt3A_1562 = arith.cmpi slt, %xor3A_46, %lt3A_1561 : vector<16xi32>
        %add3A_1563 = arith.constant 16 : i32
        %add3A_1564 = vector.broadcast %add3A_1563 : i32 to vector<16xi32>
        %add3A_1565 = arith.addi %xor3A_46, %add3A_1564 : vector<16xi32>
        %select_n3A_1566 = arith.select %lt3A_1562, %add3A_1565, %xor3A_46 : vector<16xi1>, vector<16xi32>
        %broadcast_in_dim3A_1567 = vector.shape_cast %select_n3A_1566 : vector<16xi32> to vector<16x1xi32>
        %gather3A_1568 = vector.shape_cast %broadcast_in_dim3A_1567 : vector<16x1xi32> to vector<16xi32>
        %gather3A_1569 = tpu.dynamic_gather %mul3A_1257[%gather3A_1568] in [0] : vector<16xf32>, vector<16xi32> -> vector<16xf32>
        %add3A_1570 = arith.addf %mul3A_1257, %gather3A_1569 : vector<16xf32>
        %lt3A_1571 = arith.constant 0 : i32
        %lt3A_1572 = vector.broadcast %lt3A_1571 : i32 to vector<16xi32>
        %lt3A_1573 = arith.cmpi slt, %xor3A_49, %lt3A_1572 : vector<16xi32>
        %add3A_1574 = arith.constant 16 : i32
        %add3A_1575 = vector.broadcast %add3A_1574 : i32 to vector<16xi32>
        %add3A_1576 = arith.addi %xor3A_49, %add3A_1575 : vector<16xi32>
        %select_n3A_1577 = arith.select %lt3A_1573, %add3A_1576, %xor3A_49 : vector<16xi1>, vector<16xi32>
        %broadcast_in_dim3A_1578 = vector.shape_cast %select_n3A_1577 : vector<16xi32> to vector<16x1xi32>
        %gather3A_1579 = vector.shape_cast %broadcast_in_dim3A_1578 : vector<16x1xi32> to vector<16xi32>
        %gather3A_1580 = tpu.dynamic_gather %add3A_1570[%gather3A_1579] in [0] : vector<16xf32>, vector<16xi32> -> vector<16xf32>
        %add3A_1581 = arith.addf %add3A_1570, %gather3A_1580 : vector<16xf32>
        %lt3A_1582 = arith.constant 0 : i32
        %lt3A_1583 = vector.broadcast %lt3A_1582 : i32 to vector<16xi32>
        %lt3A_1584 = arith.cmpi slt, %xor3A_52, %lt3A_1583 : vector<16xi32>
        %add3A_1585 = arith.constant 16 : i32
        %add3A_1586 = vector.broadcast %add3A_1585 : i32 to vector<16xi32>
        %add3A_1587 = arith.addi %xor3A_52, %add3A_1586 : vector<16xi32>
        %select_n3A_1588 = arith.select %lt3A_1584, %add3A_1587, %xor3A_52 : vector<16xi1>, vector<16xi32>
        %broadcast_in_dim3A_1589 = vector.shape_cast %select_n3A_1588 : vector<16xi32> to vector<16x1xi32>
        %gather3A_1590 = vector.shape_cast %broadcast_in_dim3A_1589 : vector<16x1xi32> to vector<16xi32>
        %gather3A_1591 = tpu.dynamic_gather %add3A_1581[%gather3A_1590] in [0] : vector<16xf32>, vector<16xi32> -> vector<16xf32>
        %add3A_1592 = arith.addf %add3A_1581, %gather3A_1591 : vector<16xf32>
        %lt3A_1593 = arith.constant 0 : i32
        %lt3A_1594 = vector.broadcast %lt3A_1593 : i32 to vector<16xi32>
        %lt3A_1595 = arith.cmpi slt, %xor3A_55, %lt3A_1594 : vector<16xi32>
        %add3A_1596 = arith.constant 16 : i32
        %add3A_1597 = vector.broadcast %add3A_1596 : i32 to vector<16xi32>
        %add3A_1598 = arith.addi %xor3A_55, %add3A_1597 : vector<16xi32>
        %select_n3A_1599 = arith.select %lt3A_1595, %add3A_1598, %xor3A_55 : vector<16xi1>, vector<16xi32>
        %broadcast_in_dim3A_1600 = vector.shape_cast %select_n3A_1599 : vector<16xi32> to vector<16x1xi32>
        %gather3A_1601 = vector.shape_cast %broadcast_in_dim3A_1600 : vector<16x1xi32> to vector<16xi32>
        %gather3A_1602 = tpu.dynamic_gather %add3A_1592[%gather3A_1601] in [0] : vector<16xf32>, vector<16xi32> -> vector<16xf32>
        %add3A_1603 = arith.addf %add3A_1592, %gather3A_1602 : vector<16xf32>
        %eq3A_1604 = arith.constant 6 : i32
        %eq3A_1605 = vector.broadcast %eq3A_1604 : i32 to vector<16xi32>
        %eq3A_1606 = arith.cmpi eq, %iota3A, %eq3A_1605 : vector<16xi32>
        %select_n3A_1607 = arith.select %eq3A_1606, %add3A_1603, %select_n3A_1559 : vector<16xi1>, vector<16xf32>
        %lt3A_1608 = arith.constant 0 : i32
        %lt3A_1609 = vector.broadcast %lt3A_1608 : i32 to vector<16xi32>
        %lt3A_1610 = arith.cmpi slt, %xor3A_46, %lt3A_1609 : vector<16xi32>
        %add3A_1611 = arith.constant 16 : i32
        %add3A_1612 = vector.broadcast %add3A_1611 : i32 to vector<16xi32>
        %add3A_1613 = arith.addi %xor3A_46, %add3A_1612 : vector<16xi32>
        %select_n3A_1614 = arith.select %lt3A_1610, %add3A_1613, %xor3A_46 : vector<16xi1>, vector<16xi32>
        %broadcast_in_dim3A_1615 = vector.shape_cast %select_n3A_1614 : vector<16xi32> to vector<16x1xi32>
        %gather3A_1616 = vector.shape_cast %broadcast_in_dim3A_1615 : vector<16x1xi32> to vector<16xi32>
        %gather3A_1617 = tpu.dynamic_gather %mul3A_1271[%gather3A_1616] in [0] : vector<16xf32>, vector<16xi32> -> vector<16xf32>
        %add3A_1618 = arith.addf %mul3A_1271, %gather3A_1617 : vector<16xf32>
        %lt3A_1619 = arith.constant 0 : i32
        %lt3A_1620 = vector.broadcast %lt3A_1619 : i32 to vector<16xi32>
        %lt3A_1621 = arith.cmpi slt, %xor3A_49, %lt3A_1620 : vector<16xi32>
        %add3A_1622 = arith.constant 16 : i32
        %add3A_1623 = vector.broadcast %add3A_1622 : i32 to vector<16xi32>
        %add3A_1624 = arith.addi %xor3A_49, %add3A_1623 : vector<16xi32>
        %select_n3A_1625 = arith.select %lt3A_1621, %add3A_1624, %xor3A_49 : vector<16xi1>, vector<16xi32>
        %broadcast_in_dim3A_1626 = vector.shape_cast %select_n3A_1625 : vector<16xi32> to vector<16x1xi32>
        %gather3A_1627 = vector.shape_cast %broadcast_in_dim3A_1626 : vector<16x1xi32> to vector<16xi32>
        %gather3A_1628 = tpu.dynamic_gather %add3A_1618[%gather3A_1627] in [0] : vector<16xf32>, vector<16xi32> -> vector<16xf32>
        %add3A_1629 = arith.addf %add3A_1618, %gather3A_1628 : vector<16xf32>
        %lt3A_1630 = arith.constant 0 : i32
        %lt3A_1631 = vector.broadcast %lt3A_1630 : i32 to vector<16xi32>
        %lt3A_1632 = arith.cmpi slt, %xor3A_52, %lt3A_1631 : vector<16xi32>
        %add3A_1633 = arith.constant 16 : i32
        %add3A_1634 = vector.broadcast %add3A_1633 : i32 to vector<16xi32>
        %add3A_1635 = arith.addi %xor3A_52, %add3A_1634 : vector<16xi32>
        %select_n3A_1636 = arith.select %lt3A_1632, %add3A_1635, %xor3A_52 : vector<16xi1>, vector<16xi32>
        %broadcast_in_dim3A_1637 = vector.shape_cast %select_n3A_1636 : vector<16xi32> to vector<16x1xi32>
        %gather3A_1638 = vector.shape_cast %broadcast_in_dim3A_1637 : vector<16x1xi32> to vector<16xi32>
        %gather3A_1639 = tpu.dynamic_gather %add3A_1629[%gather3A_1638] in [0] : vector<16xf32>, vector<16xi32> -> vector<16xf32>
        %add3A_1640 = arith.addf %add3A_1629, %gather3A_1639 : vector<16xf32>
        %lt3A_1641 = arith.constant 0 : i32
        %lt3A_1642 = vector.broadcast %lt3A_1641 : i32 to vector<16xi32>
        %lt3A_1643 = arith.cmpi slt, %xor3A_55, %lt3A_1642 : vector<16xi32>
        %add3A_1644 = arith.constant 16 : i32
        %add3A_1645 = vector.broadcast %add3A_1644 : i32 to vector<16xi32>
        %add3A_1646 = arith.addi %xor3A_55, %add3A_1645 : vector<16xi32>
        %select_n3A_1647 = arith.select %lt3A_1643, %add3A_1646, %xor3A_55 : vector<16xi1>, vector<16xi32>
        %broadcast_in_dim3A_1648 = vector.shape_cast %select_n3A_1647 : vector<16xi32> to vector<16x1xi32>
        %gather3A_1649 = vector.shape_cast %broadcast_in_dim3A_1648 : vector<16x1xi32> to vector<16xi32>
        %gather3A_1650 = tpu.dynamic_gather %add3A_1640[%gather3A_1649] in [0] : vector<16xf32>, vector<16xi32> -> vector<16xf32>
        %add3A_1651 = arith.addf %add3A_1640, %gather3A_1650 : vector<16xf32>
        %eq3A_1652 = arith.constant 7 : i32
        %eq3A_1653 = vector.broadcast %eq3A_1652 : i32 to vector<16xi32>
        %eq3A_1654 = arith.cmpi eq, %iota3A, %eq3A_1653 : vector<16xi32>
        %select_n3A_1655 = arith.select %eq3A_1654, %add3A_1651, %select_n3A_1607 : vector<16xi1>, vector<16xf32>
        %exp3A_1656 = math.exp %select_n3A_1655 : vector<16xf32>
        %jit3A_1657 = arith.constant 0.000000e+00 : f32
        %broadcast_in_dim3A_1658 = vector.broadcast %jit3A_1657 : f32 to vector<16xf32>
        %select_n3A_1659 = arith.select %lt3A_44, %exp3A_1656, %broadcast_in_dim3A_1658 : vector<16xi1>, vector<16xf32>
        %slice3A_1660 = vector.extract_strided_slice %select_n3A_1659 {offsets = [0], sizes = [1], strides = [1]} : vector<16xf32> to vector<1xf32>
        %squeeze3A_1661 = vector.extract %slice3A_1660[0] : f32 from vector<1xf32>
        %mul3A_1662 = vector.broadcast %squeeze3A_1661 : f32 to vector<16xf32>
        %mul3A_1663 = arith.mulf %get3A_1163, %mul3A_1662 : vector<16xf32>
        %swap3A_1664 = arith.index_cast %add3A_1159 : i32 to index
        %swap3A_1665 = arith.constant 0 : index
        %swap3A_1666 = tpu.vector_load %arg21[%swap3A_1664, %swap3A_1665] {strides = array<i32>} : memref<80x128xf32, #tpu.memory_space<vmem>>, vector<1x16xf32>,
        %swap3A_1667 = vector.shape_cast %swap3A_1666 : vector<1x16xf32> to vector<16xf32>
        %swap3A_1668 = vector.shape_cast %mul3A_1663 : vector<16xf32> to vector<1x16xf32>
        tpu.vector_store %arg21[%swap3A_1664, %swap3A_1665], %swap3A_1668 {strides = array<i32>} : memref<80x128xf32, #tpu.memory_space<vmem>>, vector<1x16xf32>,
        %slice3A_1669 = vector.extract_strided_slice %select_n3A_1659 {offsets = [1], sizes = [1], strides = [1]} : vector<16xf32> to vector<1xf32>
        %squeeze3A_1670 = vector.extract %slice3A_1669[0] : f32 from vector<1xf32>
        %mul3A_1671 = vector.broadcast %squeeze3A_1670 : f32 to vector<16xf32>
        %mul3A_1672 = arith.mulf %get3A_1177, %mul3A_1671 : vector<16xf32>
        %swap3A_1673 = arith.index_cast %add3A_1159 : i32 to index
        %swap3A_1674 = arith.constant 16 : index
        %swap3A_1675 = tpu.vector_load %arg21[%swap3A_1673, %swap3A_1674] {strides = array<i32>} : memref<80x128xf32, #tpu.memory_space<vmem>>, vector<1x16xf32>,
        %swap3A_1676 = vector.shape_cast %swap3A_1675 : vector<1x16xf32> to vector<16xf32>
        %swap3A_1677 = vector.shape_cast %mul3A_1672 : vector<16xf32> to vector<1x16xf32>
        tpu.vector_store %arg21[%swap3A_1673, %swap3A_1674], %swap3A_1677 {strides = array<i32>} : memref<80x128xf32, #tpu.memory_space<vmem>>, vector<1x16xf32>,
        %slice3A_1678 = vector.extract_strided_slice %select_n3A_1659 {offsets = [2], sizes = [1], strides = [1]} : vector<16xf32> to vector<1xf32>
        %squeeze3A_1679 = vector.extract %slice3A_1678[0] : f32 from vector<1xf32>
        %mul3A_1680 = vector.broadcast %squeeze3A_1679 : f32 to vector<16xf32>
        %mul3A_1681 = arith.mulf %get3A_1191, %mul3A_1680 : vector<16xf32>
        %swap3A_1682 = arith.index_cast %add3A_1159 : i32 to index
        %swap3A_1683 = arith.constant 32 : index
        %swap3A_1684 = tpu.vector_load %arg21[%swap3A_1682, %swap3A_1683] {strides = array<i32>} : memref<80x128xf32, #tpu.memory_space<vmem>>, vector<1x16xf32>,
        %swap3A_1685 = vector.shape_cast %swap3A_1684 : vector<1x16xf32> to vector<16xf32>
        %swap3A_1686 = vector.shape_cast %mul3A_1681 : vector<16xf32> to vector<1x16xf32>
        tpu.vector_store %arg21[%swap3A_1682, %swap3A_1683], %swap3A_1686 {strides = array<i32>} : memref<80x128xf32, #tpu.memory_space<vmem>>, vector<1x16xf32>,
        %slice3A_1687 = vector.extract_strided_slice %select_n3A_1659 {offsets = [3], sizes = [1], strides = [1]} : vector<16xf32> to vector<1xf32>
        %squeeze3A_1688 = vector.extract %slice3A_1687[0] : f32 from vector<1xf32>
        %mul3A_1689 = vector.broadcast %squeeze3A_1688 : f32 to vector<16xf32>
        %mul3A_1690 = arith.mulf %get3A_1205, %mul3A_1689 : vector<16xf32>
        %swap3A_1691 = arith.index_cast %add3A_1159 : i32 to index
        %swap3A_1692 = arith.constant 48 : index
        %swap3A_1693 = tpu.vector_load %arg21[%swap3A_1691, %swap3A_1692] {strides = array<i32>} : memref<80x128xf32, #tpu.memory_space<vmem>>, vector<1x16xf32>,
        %swap3A_1694 = vector.shape_cast %swap3A_1693 : vector<1x16xf32> to vector<16xf32>
        %swap3A_1695 = vector.shape_cast %mul3A_1690 : vector<16xf32> to vector<1x16xf32>
        tpu.vector_store %arg21[%swap3A_1691, %swap3A_1692], %swap3A_1695 {strides = array<i32>} : memref<80x128xf32, #tpu.memory_space<vmem>>, vector<1x16xf32>,
        %slice3A_1696 = vector.extract_strided_slice %select_n3A_1659 {offsets = [4], sizes = [1], strides = [1]} : vector<16xf32> to vector<1xf32>
        %squeeze3A_1697 = vector.extract %slice3A_1696[0] : f32 from vector<1xf32>
        %mul3A_1698 = vector.broadcast %squeeze3A_1697 : f32 to vector<16xf32>
        %mul3A_1699 = arith.mulf %get3A_1219, %mul3A_1698 : vector<16xf32>
        %swap3A_1700 = arith.index_cast %add3A_1159 : i32 to index
        %swap3A_1701 = arith.constant 64 : index
        %swap3A_1702 = tpu.vector_load %arg21[%swap3A_1700, %swap3A_1701] {strides = array<i32>} : memref<80x128xf32, #tpu.memory_space<vmem>>, vector<1x16xf32>,
        %swap3A_1703 = vector.shape_cast %swap3A_1702 : vector<1x16xf32> to vector<16xf32>
        %swap3A_1704 = vector.shape_cast %mul3A_1699 : vector<16xf32> to vector<1x16xf32>
        tpu.vector_store %arg21[%swap3A_1700, %swap3A_1701], %swap3A_1704 {strides = array<i32>} : memref<80x128xf32, #tpu.memory_space<vmem>>, vector<1x16xf32>,
        %slice3A_1705 = vector.extract_strided_slice %select_n3A_1659 {offsets = [5], sizes = [1], strides = [1]} : vector<16xf32> to vector<1xf32>
        %squeeze3A_1706 = vector.extract %slice3A_1705[0] : f32 from vector<1xf32>
        %mul3A_1707 = vector.broadcast %squeeze3A_1706 : f32 to vector<16xf32>
        %mul3A_1708 = arith.mulf %get3A_1233, %mul3A_1707 : vector<16xf32>
        %swap3A_1709 = arith.index_cast %add3A_1159 : i32 to index
        %swap3A_1710 = arith.constant 80 : index
        %swap3A_1711 = tpu.vector_load %arg21[%swap3A_1709, %swap3A_1710] {strides = array<i32>} : memref<80x128xf32, #tpu.memory_space<vmem>>, vector<1x16xf32>,
        %swap3A_1712 = vector.shape_cast %swap3A_1711 : vector<1x16xf32> to vector<16xf32>
        %swap3A_1713 = vector.shape_cast %mul3A_1708 : vector<16xf32> to vector<1x16xf32>
        tpu.vector_store %arg21[%swap3A_1709, %swap3A_1710], %swap3A_1713 {strides = array<i32>} : memref<80x128xf32, #tpu.memory_space<vmem>>, vector<1x16xf32>,
        %slice3A_1714 = vector.extract_strided_slice %select_n3A_1659 {offsets = [6], sizes = [1], strides = [1]} : vector<16xf32> to vector<1xf32>
        %squeeze3A_1715 = vector.extract %slice3A_1714[0] : f32 from vector<1xf32>
        %mul3A_1716 = vector.broadcast %squeeze3A_1715 : f32 to vector<16xf32>
        %mul3A_1717 = arith.mulf %get3A_1247, %mul3A_1716 : vector<16xf32>
        %swap3A_1718 = arith.index_cast %add3A_1159 : i32 to index
        %swap3A_1719 = arith.constant 96 : index
        %swap3A_1720 = tpu.vector_load %arg21[%swap3A_1718, %swap3A_1719] {strides = array<i32>} : memref<80x128xf32, #tpu.memory_space<vmem>>, vector<1x16xf32>,
        %swap3A_1721 = vector.shape_cast %swap3A_1720 : vector<1x16xf32> to vector<16xf32>
        %swap3A_1722 = vector.shape_cast %mul3A_1717 : vector<16xf32> to vector<1x16xf32>
        tpu.vector_store %arg21[%swap3A_1718, %swap3A_1719], %swap3A_1722 {strides = array<i32>} : memref<80x128xf32, #tpu.memory_space<vmem>>, vector<1x16xf32>,
        %slice3A_1723 = vector.extract_strided_slice %select_n3A_1659 {offsets = [7], sizes = [1], strides = [1]} : vector<16xf32> to vector<1xf32>
        %squeeze3A_1724 = vector.extract %slice3A_1723[0] : f32 from vector<1xf32>
        %mul3A_1725 = vector.broadcast %squeeze3A_1724 : f32 to vector<16xf32>
        %mul3A_1726 = arith.mulf %get3A_1261, %mul3A_1725 : vector<16xf32>
        %swap3A_1727 = arith.index_cast %add3A_1159 : i32 to index
        %swap3A_1728 = arith.constant 112 : index
        %swap3A_1729 = tpu.vector_load %arg21[%swap3A_1727, %swap3A_1728] {strides = array<i32>} : memref<80x128xf32, #tpu.memory_space<vmem>>, vector<1x16xf32>,
        %swap3A_1730 = vector.shape_cast %swap3A_1729 : vector<1x16xf32> to vector<16xf32>
        %swap3A_1731 = vector.shape_cast %mul3A_1726 : vector<16xf32> to vector<1x16xf32>
        tpu.vector_store %arg21[%swap3A_1727, %swap3A_1728], %swap3A_1731 {strides = array<i32>} : memref<80x128xf32, #tpu.memory_space<vmem>>, vector<1x16xf32>,
        %jit3A_1732 = arith.constant 16 : i32
        %div3A_1733 = arith.divsi %scan3A_1157, %jit3A_1732 : i32
        %sign3A_1734 = arith.constant 0 : i32
        %sign3A_1735 = arith.cmpi sgt, %scan3A_1157, %sign3A_1734 : i32
        %sign3A_1736 = arith.extui %sign3A_1735 : i1 to i32
        %sign3A_1737 = arith.constant 0 : i32
        %sign3A_1738 = arith.cmpi slt, %scan3A_1157, %sign3A_1737 : i32
        %sign3A_1739 = arith.extui %sign3A_1738 : i1 to i32
        %sign3A_1740 = arith.subi %sign3A_1736, %sign3A_1739 : i32
        %sign3A_1741 = arith.constant 0 : i32
        %sign3A_1742 = arith.cmpi sgt, %jit3A_1732, %sign3A_1741 : i32
        %sign3A_1743 = arith.extui %sign3A_1742 : i1 to i32
        %sign3A_1744 = arith.constant 0 : i32
        %sign3A_1745 = arith.cmpi slt, %jit3A_1732, %sign3A_1744 : i32
        %sign3A_1746 = arith.extui %sign3A_1745 : i1 to i32
        %sign3A_1747 = arith.subi %sign3A_1743, %sign3A_1746 : i32
        %ne3A_1748 = arith.cmpi ne, %sign3A_1740, %sign3A_1747 : i32
        %rem3A_1749 = arith.remsi %scan3A_1157, %jit3A_1732 : i32
        %ne3A_1750 = arith.constant 0 : i32
        %ne3A_1751 = arith.cmpi ne, %rem3A_1749, %ne3A_1750 : i32
        %and3A_1752 = arith.andi %ne3A_1748, %ne3A_1751 : i1
        %sub3A_1753 = arith.constant 1 : i32
        %sub3A_1754 = arith.subi %div3A_1733, %sub3A_1753 : i32
        %select_n3A_1755 = arith.select %and3A_1752, %sub3A_1754, %div3A_1733 : i32
        %mul3A_1756 = arith.constant 16 : i32
        %mul3A_1757 = arith.muli %select_n3A_1755, %mul3A_1756 : i32
        %multiple_of3A_1758 = tpu.assume_multiple %mul3A_1757, 8 : i32
        %get3A_1759 = arith.index_cast %multiple_of3A_1758 : i32 to index
        %get3A_1760 = tpu.vector_load %arg15[%get3A_1759] {strides = array<i32>} : memref<48xi32, #tpu.memory_space<vmem>>, vector<16xi32>,
        %get3A_1761 = vector.shape_cast %get3A_1760 : vector<16xi32> to vector<16xi32>
        %mul3A_1762 = arith.constant 0 : i32
        %mul3A_1763 = vector.broadcast %mul3A_1762 : i32 to vector<16xi32>
        %mul3A_1764 = arith.muli %iota3A, %mul3A_1763 : vector<16xi32>
        %sub3A_1765 = arith.subi %scan3A_1157, %multiple_of3A_1758 : i32
        %add3A_1766 = vector.broadcast %sub3A_1765 : i32 to vector<16xi32>
        %add3A_1767 = arith.addi %mul3A_1764, %add3A_1766 : vector<16xi32>
        %lt3A_1768 = arith.constant 0 : i32
        %lt3A_1769 = vector.broadcast %lt3A_1768 : i32 to vector<16xi32>
        %lt3A_1770 = arith.cmpi slt, %add3A_1767, %lt3A_1769 : vector<16xi32>
        %add3A_1771 = arith.constant 16 : i32
        %add3A_1772 = vector.broadcast %add3A_1771 : i32 to vector<16xi32>
        %add3A_1773 = arith.addi %add3A_1767, %add3A_1772 : vector<16xi32>
        %select_n3A_1774 = arith.select %lt3A_1770, %add3A_1773, %add3A_1767 : vector<16xi1>, vector<16xi32>
        %broadcast_in_dim3A_1775 = vector.shape_cast %select_n3A_1774 : vector<16xi32> to vector<16x1xi32>
        %gather3A_1776 = vector.shape_cast %broadcast_in_dim3A_1775 : vector<16x1xi32> to vector<16xi32>
        %gather3A_1777 = tpu.dynamic_gather %get3A_1761[%gather3A_1776] in [0] : vector<16xi32>, vector<16xi32> -> vector<16xi32>
        %convert_element_type3A_1778 = arith.sitofp %gather3A_1777 : vector<16xi32> to vector<16xf32>
        %sub3A_1779 = arith.constant 0.000000e+00 : f32
        %sub3A_1780 = vector.broadcast %sub3A_1779 : f32 to vector<16xf32>
        %sub3A_1781 = arith.subf %convert_element_type3A_1778, %sub3A_1780 : vector<16xf32>
        %abs3A_1782 = math.absf %sub3A_1781 : vector<16xf32>
        %sub3A_1783 = arith.constant 1.000000e+00 : f32
        %sub3A_1784 = vector.broadcast %sub3A_1783 : f32 to vector<16xf32>
        %sub3A_1785 = arith.subf %sub3A_1784, %abs3A_1782 : vector<16xf32>
        %max3A_1786 = arith.constant 0.000000e+00 : f32
        %max3A_1787 = vector.broadcast %max3A_1786 : f32 to vector<16xf32>
        %max3A_1788 = arith.maximumf %max3A_1787, %sub3A_1785 : vector<16xf32>
        %mul3A_1789 = arith.mulf %select_n3A_1659, %max3A_1788 : vector<16xf32>
        %swap3A_1790 = arith.index_cast %add3A_1159 : i32 to index
        %swap3A_1791 = arith.constant 0 : index
        %swap3A_1792 = tpu.vector_load %arg20[%swap3A_1790, %swap3A_1791] {strides = array<i32>} : memref<80x128xf32, #tpu.memory_space<vmem>>, vector<1x16xf32>,
        %swap3A_1793 = vector.shape_cast %swap3A_1792 : vector<1x16xf32> to vector<16xf32>
        %swap3A_1794 = vector.shape_cast %mul3A_1789 : vector<16xf32> to vector<1x16xf32>
        tpu.vector_store %arg20[%swap3A_1790, %swap3A_1791], %swap3A_1794 {strides = array<i32>} : memref<80x128xf32, #tpu.memory_space<vmem>>, vector<1x16xf32>,
        %sub3A_1795 = arith.constant 1.000000e+00 : f32
        %sub3A_1796 = vector.broadcast %sub3A_1795 : f32 to vector<16xf32>
        %sub3A_1797 = arith.subf %convert_element_type3A_1778, %sub3A_1796 : vector<16xf32>
        %abs3A_1798 = math.absf %sub3A_1797 : vector<16xf32>
        %sub3A_1799 = arith.constant 1.000000e+00 : f32
        %sub3A_1800 = vector.broadcast %sub3A_1799 : f32 to vector<16xf32>
        %sub3A_1801 = arith.subf %sub3A_1800, %abs3A_1798 : vector<16xf32>
        %max3A_1802 = arith.constant 0.000000e+00 : f32
        %max3A_1803 = vector.broadcast %max3A_1802 : f32 to vector<16xf32>
        %max3A_1804 = arith.maximumf %max3A_1803, %sub3A_1801 : vector<16xf32>
        %mul3A_1805 = arith.mulf %select_n3A_1659, %max3A_1804 : vector<16xf32>
        %swap3A_1806 = arith.index_cast %add3A_1159 : i32 to index
        %swap3A_1807 = arith.constant 16 : index
        %swap3A_1808 = tpu.vector_load %arg20[%swap3A_1806, %swap3A_1807] {strides = array<i32>} : memref<80x128xf32, #tpu.memory_space<vmem>>, vector<1x16xf32>,
        %swap3A_1809 = vector.shape_cast %swap3A_1808 : vector<1x16xf32> to vector<16xf32>
        %swap3A_1810 = vector.shape_cast %mul3A_1805 : vector<16xf32> to vector<1x16xf32>
        tpu.vector_store %arg20[%swap3A_1806, %swap3A_1807], %swap3A_1810 {strides = array<i32>} : memref<80x128xf32, #tpu.memory_space<vmem>>, vector<1x16xf32>,
        %sub3A_1811 = arith.constant 2.000000e+00 : f32
        %sub3A_1812 = vector.broadcast %sub3A_1811 : f32 to vector<16xf32>
        %sub3A_1813 = arith.subf %convert_element_type3A_1778, %sub3A_1812 : vector<16xf32>
        %abs3A_1814 = math.absf %sub3A_1813 : vector<16xf32>
        %sub3A_1815 = arith.constant 1.000000e+00 : f32
        %sub3A_1816 = vector.broadcast %sub3A_1815 : f32 to vector<16xf32>
        %sub3A_1817 = arith.subf %sub3A_1816, %abs3A_1814 : vector<16xf32>
        %max3A_1818 = arith.constant 0.000000e+00 : f32
        %max3A_1819 = vector.broadcast %max3A_1818 : f32 to vector<16xf32>
        %max3A_1820 = arith.maximumf %max3A_1819, %sub3A_1817 : vector<16xf32>
        %mul3A_1821 = arith.mulf %select_n3A_1659, %max3A_1820 : vector<16xf32>
        %swap3A_1822 = arith.index_cast %add3A_1159 : i32 to index
        %swap3A_1823 = arith.constant 32 : index
        %swap3A_1824 = tpu.vector_load %arg20[%swap3A_1822, %swap3A_1823] {strides = array<i32>} : memref<80x128xf32, #tpu.memory_space<vmem>>, vector<1x16xf32>,
        %swap3A_1825 = vector.shape_cast %swap3A_1824 : vector<1x16xf32> to vector<16xf32>
        %swap3A_1826 = vector.shape_cast %mul3A_1821 : vector<16xf32> to vector<1x16xf32>
        tpu.vector_store %arg20[%swap3A_1822, %swap3A_1823], %swap3A_1826 {strides = array<i32>} : memref<80x128xf32, #tpu.memory_space<vmem>>, vector<1x16xf32>,
        %sub3A_1827 = arith.constant 3.000000e+00 : f32
        %sub3A_1828 = vector.broadcast %sub3A_1827 : f32 to vector<16xf32>
        %sub3A_1829 = arith.subf %convert_element_type3A_1778, %sub3A_1828 : vector<16xf32>
        %abs3A_1830 = math.absf %sub3A_1829 : vector<16xf32>
        %sub3A_1831 = arith.constant 1.000000e+00 : f32
        %sub3A_1832 = vector.broadcast %sub3A_1831 : f32 to vector<16xf32>
        %sub3A_1833 = arith.subf %sub3A_1832, %abs3A_1830 : vector<16xf32>
        %max3A_1834 = arith.constant 0.000000e+00 : f32
        %max3A_1835 = vector.broadcast %max3A_1834 : f32 to vector<16xf32>
        %max3A_1836 = arith.maximumf %max3A_1835, %sub3A_1833 : vector<16xf32>
        %mul3A_1837 = arith.mulf %select_n3A_1659, %max3A_1836 : vector<16xf32>
        %swap3A_1838 = arith.index_cast %add3A_1159 : i32 to index
        %swap3A_1839 = arith.constant 48 : index
        %swap3A_1840 = tpu.vector_load %arg20[%swap3A_1838, %swap3A_1839] {strides = array<i32>} : memref<80x128xf32, #tpu.memory_space<vmem>>, vector<1x16xf32>,
        %swap3A_1841 = vector.shape_cast %swap3A_1840 : vector<1x16xf32> to vector<16xf32>
        %swap3A_1842 = vector.shape_cast %mul3A_1837 : vector<16xf32> to vector<1x16xf32>
        tpu.vector_store %arg20[%swap3A_1838, %swap3A_1839], %swap3A_1842 {strides = array<i32>} : memref<80x128xf32, #tpu.memory_space<vmem>>, vector<1x16xf32>,
        %sub3A_1843 = arith.constant 4.000000e+00 : f32
        %sub3A_1844 = vector.broadcast %sub3A_1843 : f32 to vector<16xf32>
        %sub3A_1845 = arith.subf %convert_element_type3A_1778, %sub3A_1844 : vector<16xf32>
        %abs3A_1846 = math.absf %sub3A_1845 : vector<16xf32>
        %sub3A_1847 = arith.constant 1.000000e+00 : f32
        %sub3A_1848 = vector.broadcast %sub3A_1847 : f32 to vector<16xf32>
        %sub3A_1849 = arith.subf %sub3A_1848, %abs3A_1846 : vector<16xf32>
        %max3A_1850 = arith.constant 0.000000e+00 : f32
        %max3A_1851 = vector.broadcast %max3A_1850 : f32 to vector<16xf32>
        %max3A_1852 = arith.maximumf %max3A_1851, %sub3A_1849 : vector<16xf32>
        %mul3A_1853 = arith.mulf %select_n3A_1659, %max3A_1852 : vector<16xf32>
        %swap3A_1854 = arith.index_cast %add3A_1159 : i32 to index
        %swap3A_1855 = arith.constant 64 : index
        %swap3A_1856 = tpu.vector_load %arg20[%swap3A_1854, %swap3A_1855] {strides = array<i32>} : memref<80x128xf32, #tpu.memory_space<vmem>>, vector<1x16xf32>,
        %swap3A_1857 = vector.shape_cast %swap3A_1856 : vector<1x16xf32> to vector<16xf32>
        %swap3A_1858 = vector.shape_cast %mul3A_1853 : vector<16xf32> to vector<1x16xf32>
        tpu.vector_store %arg20[%swap3A_1854, %swap3A_1855], %swap3A_1858 {strides = array<i32>} : memref<80x128xf32, #tpu.memory_space<vmem>>, vector<1x16xf32>,
        %sub3A_1859 = arith.constant 5.000000e+00 : f32
        %sub3A_1860 = vector.broadcast %sub3A_1859 : f32 to vector<16xf32>
        %sub3A_1861 = arith.subf %convert_element_type3A_1778, %sub3A_1860 : vector<16xf32>
        %abs3A_1862 = math.absf %sub3A_1861 : vector<16xf32>
        %sub3A_1863 = arith.constant 1.000000e+00 : f32
        %sub3A_1864 = vector.broadcast %sub3A_1863 : f32 to vector<16xf32>
        %sub3A_1865 = arith.subf %sub3A_1864, %abs3A_1862 : vector<16xf32>
        %max3A_1866 = arith.constant 0.000000e+00 : f32
        %max3A_1867 = vector.broadcast %max3A_1866 : f32 to vector<16xf32>
        %max3A_1868 = arith.maximumf %max3A_1867, %sub3A_1865 : vector<16xf32>
        %mul3A_1869 = arith.mulf %select_n3A_1659, %max3A_1868 : vector<16xf32>
        %swap3A_1870 = arith.index_cast %add3A_1159 : i32 to index
        %swap3A_1871 = arith.constant 80 : index
        %swap3A_1872 = tpu.vector_load %arg20[%swap3A_1870, %swap3A_1871] {strides = array<i32>} : memref<80x128xf32, #tpu.memory_space<vmem>>, vector<1x16xf32>,
        %swap3A_1873 = vector.shape_cast %swap3A_1872 : vector<1x16xf32> to vector<16xf32>
        %swap3A_1874 = vector.shape_cast %mul3A_1869 : vector<16xf32> to vector<1x16xf32>
        tpu.vector_store %arg20[%swap3A_1870, %swap3A_1871], %swap3A_1874 {strides = array<i32>} : memref<80x128xf32, #tpu.memory_space<vmem>>, vector<1x16xf32>,
        %sub3A_1875 = arith.constant 6.000000e+00 : f32
        %sub3A_1876 = vector.broadcast %sub3A_1875 : f32 to vector<16xf32>
        %sub3A_1877 = arith.subf %convert_element_type3A_1778, %sub3A_1876 : vector<16xf32>
        %abs3A_1878 = math.absf %sub3A_1877 : vector<16xf32>
        %sub3A_1879 = arith.constant 1.000000e+00 : f32
        %sub3A_1880 = vector.broadcast %sub3A_1879 : f32 to vector<16xf32>
        %sub3A_1881 = arith.subf %sub3A_1880, %abs3A_1878 : vector<16xf32>
        %max3A_1882 = arith.constant 0.000000e+00 : f32
        %max3A_1883 = vector.broadcast %max3A_1882 : f32 to vector<16xf32>
        %max3A_1884 = arith.maximumf %max3A_1883, %sub3A_1881 : vector<16xf32>
        %mul3A_1885 = arith.mulf %select_n3A_1659, %max3A_1884 : vector<16xf32>
        %swap3A_1886 = arith.index_cast %add3A_1159 : i32 to index
        %swap3A_1887 = arith.constant 96 : index
        %swap3A_1888 = tpu.vector_load %arg20[%swap3A_1886, %swap3A_1887] {strides = array<i32>} : memref<80x128xf32, #tpu.memory_space<vmem>>, vector<1x16xf32>,
        %swap3A_1889 = vector.shape_cast %swap3A_1888 : vector<1x16xf32> to vector<16xf32>
        %swap3A_1890 = vector.shape_cast %mul3A_1885 : vector<16xf32> to vector<1x16xf32>
        tpu.vector_store %arg20[%swap3A_1886, %swap3A_1887], %swap3A_1890 {strides = array<i32>} : memref<80x128xf32, #tpu.memory_space<vmem>>, vector<1x16xf32>,
        %sub3A_1891 = arith.constant 7.000000e+00 : f32
        %sub3A_1892 = vector.broadcast %sub3A_1891 : f32 to vector<16xf32>
        %sub3A_1893 = arith.subf %convert_element_type3A_1778, %sub3A_1892 : vector<16xf32>
        %abs3A_1894 = math.absf %sub3A_1893 : vector<16xf32>
        %sub3A_1895 = arith.constant 1.000000e+00 : f32
        %sub3A_1896 = vector.broadcast %sub3A_1895 : f32 to vector<16xf32>
        %sub3A_1897 = arith.subf %sub3A_1896, %abs3A_1894 : vector<16xf32>
        %max3A_1898 = arith.constant 0.000000e+00 : f32
        %max3A_1899 = vector.broadcast %max3A_1898 : f32 to vector<16xf32>
        %max3A_1900 = arith.maximumf %max3A_1899, %sub3A_1897 : vector<16xf32>
        %mul3A_1901 = arith.mulf %select_n3A_1659, %max3A_1900 : vector<16xf32>
        %swap3A_1902 = arith.index_cast %add3A_1159 : i32 to index
        %swap3A_1903 = arith.constant 112 : index
        %swap3A_1904 = tpu.vector_load %arg20[%swap3A_1902, %swap3A_1903] {strides = array<i32>} : memref<80x128xf32, #tpu.memory_space<vmem>>, vector<1x16xf32>,
        %swap3A_1905 = vector.shape_cast %swap3A_1904 : vector<1x16xf32> to vector<16xf32>
        %swap3A_1906 = vector.shape_cast %mul3A_1901 : vector<16xf32> to vector<1x16xf32>
        tpu.vector_store %arg20[%swap3A_1902, %swap3A_1903], %swap3A_1906 {strides = array<i32>} : memref<80x128xf32, #tpu.memory_space<vmem>>, vector<1x16xf32>,
        %scan3A_1907 = arith.constant 0 : i32
        scf.yield %scan3A_1907 : i32
      }
      %scan3A_301 = arith.constant 40 : i32
      "tpu.region"() ({
        %run_scoped3A = tpu.sem_alloc : memref<!tpu.dma_semaphore, #tpu.memory_space<semaphore_mem>>
        %dma_start3A_412 = arith.constant 0 : i32
        %dma_start3A_413 = arith.constant 0 : i32
        %dma_start3A_414 = tpu.memref_slice %arg21[%dma_start3A_412, %dma_start3A_413] : memref<80x128xf32, #tpu.memory_space<vmem>> -> memref<40x128xf32, #tpu.memory_space<vmem>>
        %dma_start3A_415 = arith.constant 0 : i32
        %dma_start3A_416 = arith.constant 0 : i32
        %dma_start3A_417 = tpu.memref_slice %arg10[%dma_start3A_415, %dma_start3A_416] : memref<11520x128xf32, #tpu.memory_space<vmem_shared>> -> memref<11520x128xf32, #tpu.memory_space<vmem_shared>>
        tpu.enqueue_indirect_dma source(%dma_start3A_414 : memref<40x128xf32, #tpu.memory_space<vmem>>) target(%dma_start3A_417 : memref<11520x128xf32, #tpu.memory_space<vmem_shared>>) offsets(%arg13 : memref<40xi32, #tpu.memory_space<vmem>>) semaphore(%run_scoped3A : memref<!tpu.dma_semaphore, #tpu.memory_space<semaphore_mem>>) {add = true}
        %dma_wait3A_418 = arith.constant 0 : i32
        %dma_wait3A_419 = arith.constant 0 : i32
        %dma_wait3A_420 = tpu.memref_slice %arg21[%dma_wait3A_418, %dma_wait3A_419] : memref<80x128xf32, #tpu.memory_space<vmem>> -> memref<40x128xf32, #tpu.memory_space<vmem>>
        %dma_wait3A_421 = arith.constant 0 : i32
        %dma_wait3A_422 = arith.constant 0 : i32
        %dma_wait3A_423 = tpu.memref_slice %arg10[%dma_wait3A_421, %dma_wait3A_422] : memref<11520x128xf32, #tpu.memory_space<vmem_shared>> -> memref<11520x128xf32, #tpu.memory_space<vmem_shared>>
        tpu.wait_indirect_dma semaphore(%run_scoped3A : memref<!tpu.dma_semaphore, #tpu.memory_space<semaphore_mem>>) src(%dma_wait3A_420 : memref<40x128xf32, #tpu.memory_space<vmem>>) dst(%dma_wait3A_423 : memref<11520x128xf32, #tpu.memory_space<vmem_shared>>)
        tpu.yield
      }) : () -> ()
      "tpu.region"() ({
        %run_scoped3A = tpu.sem_alloc : memref<!tpu.dma_semaphore, #tpu.memory_space<semaphore_mem>>
        %dma_start3A_412 = arith.constant 0 : i32
        %dma_start3A_413 = arith.constant 0 : i32
        %dma_start3A_414 = tpu.memref_slice %arg20[%dma_start3A_412, %dma_start3A_413] : memref<80x128xf32, #tpu.memory_space<vmem>> -> memref<40x128xf32, #tpu.memory_space<vmem>>
        %dma_start3A_415 = arith.constant 0 : i32
        %dma_start3A_416 = arith.constant 0 : i32
        %dma_start3A_417 = tpu.memref_slice %arg10[%dma_start3A_415, %dma_start3A_416] : memref<11520x128xf32, #tpu.memory_space<vmem_shared>> -> memref<11520x128xf32, #tpu.memory_space<vmem_shared>>
        tpu.enqueue_indirect_dma source(%dma_start3A_414 : memref<40x128xf32, #tpu.memory_space<vmem>>) target(%dma_start3A_417 : memref<11520x128xf32, #tpu.memory_space<vmem_shared>>) offsets(%arg14 : memref<40xi32, #tpu.memory_space<vmem>>) semaphore(%run_scoped3A : memref<!tpu.dma_semaphore, #tpu.memory_space<semaphore_mem>>) {add = true}
        %dma_wait3A_418 = arith.constant 0 : i32
        %dma_wait3A_419 = arith.constant 0 : i32
        %dma_wait3A_420 = tpu.memref_slice %arg20[%dma_wait3A_418, %dma_wait3A_419] : memref<80x128xf32, #tpu.memory_space<vmem>> -> memref<40x128xf32, #tpu.memory_space<vmem>>
        %dma_wait3A_421 = arith.constant 0 : i32
        %dma_wait3A_422 = arith.constant 0 : i32
        %dma_wait3A_423 = tpu.memref_slice %arg10[%dma_wait3A_421, %dma_wait3A_422] : memref<11520x128xf32, #tpu.memory_space<vmem_shared>> -> memref<11520x128xf32, #tpu.memory_space<vmem_shared>>
        tpu.wait_indirect_dma semaphore(%run_scoped3A : memref<!tpu.dma_semaphore, #tpu.memory_space<semaphore_mem>>) src(%dma_wait3A_420 : memref<40x128xf32, #tpu.memory_space<vmem>>) dst(%dma_wait3A_423 : memref<11520x128xf32, #tpu.memory_space<vmem_shared>>)
        tpu.yield
      }) : () -> ()
      %add3A_302 = arith.constant 2 : i32
      %add3A_303 = arith.addi %mul3A_238, %add3A_302 : i32
      %rem3A_304 = arith.constant 250 : i32
      %rem3A_305 = arith.remsi %add3A_303, %rem3A_304 : i32
      %mul3A_306 = arith.constant 10000 : i32
      %mul3A_307 = arith.muli %add3A, %mul3A_306 : i32
      %mul3A_308 = arith.constant 40 : i32
      %mul3A_309 = arith.muli %rem3A_305, %mul3A_308 : i32
      %add3A_310 = arith.addi %mul3A_307, %mul3A_309 : i32
      %multiple_of3A_311 = tpu.assume_multiple %add3A_310, 8 : i32
      %dma_start3A_312 = tpu.memref_slice %arg4[%multiple_of3A_311] : memref<320000xi32, #tpu.memory_space<hbm>> -> memref<40xi32, #tpu.memory_space<hbm>>
      %dma_start3A_313 = tpu.memref_slice %arg4[%multiple_of3A_311] : memref<320000xi32, #tpu.memory_space<hbm>> -> memref<40xi32, #tpu.memory_space<hbm>>
      tpu.enqueue_dma source(%dma_start3A_313 : memref<40xi32, #tpu.memory_space<hbm>>) target(%arg12 : memref<40xi32, #tpu.memory_space<vmem>>) target_semaphore(%arg22 : memref<!tpu.dma_semaphore, #tpu.memory_space<semaphore_mem>>)
      %dma_start3A_314 = tpu.memref_slice %arg5[%multiple_of3A_311] : memref<320000xi32, #tpu.memory_space<hbm>> -> memref<40xi32, #tpu.memory_space<hbm>>
      %dma_start3A_315 = tpu.memref_slice %arg5[%multiple_of3A_311] : memref<320000xi32, #tpu.memory_space<hbm>> -> memref<40xi32, #tpu.memory_space<hbm>>
      tpu.enqueue_dma source(%dma_start3A_315 : memref<40xi32, #tpu.memory_space<hbm>>) target(%arg13 : memref<40xi32, #tpu.memory_space<vmem>>) target_semaphore(%arg22 : memref<!tpu.dma_semaphore, #tpu.memory_space<semaphore_mem>>)
      %dma_start3A_316 = tpu.memref_slice %arg6[%multiple_of3A_311] : memref<320000xi32, #tpu.memory_space<hbm>> -> memref<40xi32, #tpu.memory_space<hbm>>
      %dma_start3A_317 = tpu.memref_slice %arg6[%multiple_of3A_311] : memref<320000xi32, #tpu.memory_space<hbm>> -> memref<40xi32, #tpu.memory_space<hbm>>
      tpu.enqueue_dma source(%dma_start3A_317 : memref<40xi32, #tpu.memory_space<hbm>>) target(%arg14 : memref<40xi32, #tpu.memory_space<vmem>>) target_semaphore(%arg22 : memref<!tpu.dma_semaphore, #tpu.memory_space<semaphore_mem>>)
      %dma_start3A_318 = arith.constant 0 : i32
      %dma_start3A_319 = tpu.memref_slice %arg15[%dma_start3A_318] : memref<48xi32, #tpu.memory_space<vmem>> -> memref<40xi32, #tpu.memory_space<vmem>>
      %dma_start3A_320 = tpu.memref_slice %arg7[%multiple_of3A_311] : memref<320000xi32, #tpu.memory_space<hbm>> -> memref<40xi32, #tpu.memory_space<hbm>>
      %dma_start3A_321 = arith.constant 0 : i32
      %dma_start3A_322 = tpu.memref_slice %arg15[%dma_start3A_321] : memref<48xi32, #tpu.memory_space<vmem>> -> memref<40xi32, #tpu.memory_space<vmem>>
      %dma_start3A_323 = tpu.memref_slice %arg7[%multiple_of3A_311] : memref<320000xi32, #tpu.memory_space<hbm>> -> memref<40xi32, #tpu.memory_space<hbm>>
      tpu.enqueue_dma source(%dma_start3A_323 : memref<40xi32, #tpu.memory_space<hbm>>) target(%dma_start3A_322 : memref<40xi32, #tpu.memory_space<vmem>>) target_semaphore(%arg22 : memref<!tpu.dma_semaphore, #tpu.memory_space<semaphore_mem>>)
      %add3A_324 = arith.constant 1 : i32
      %add3A_325 = arith.addi %mul3A_238, %add3A_324 : i32
      %dma_wait3A_326 = arith.constant 40 : i32
      %dma_wait3A_327 = arith.constant 0 : i32
      %dma_wait3A_328 = tpu.memref_slice %arg20[%dma_wait3A_326, %dma_wait3A_327] : memref<80x128xf32, #tpu.memory_space<vmem>> -> memref<40x128xf32, #tpu.memory_space<vmem>>
      %dma_wait3A_329 = arith.constant 0 : i32
      %dma_wait3A_330 = arith.constant 0 : i32
      %dma_wait3A_331 = tpu.memref_slice %arg2[%dma_wait3A_329, %dma_wait3A_330] : memref<10000x128xf32, #tpu.memory_space<hbm>> -> memref<40x128xf32, #tpu.memory_space<hbm>>
      %dma_wait3A_332 = arith.constant 40 : i32
      %dma_wait3A_333 = arith.constant 0 : i32
      %dma_wait3A_334 = tpu.memref_slice %arg20[%dma_wait3A_332, %dma_wait3A_333] : memref<80x128xf32, #tpu.memory_space<vmem>> -> memref<40x128xf32, #tpu.memory_space<vmem>>
      %dma_wait3A_335 = arith.constant 0 : i32
      %dma_wait3A_336 = arith.constant 0 : i32
      %dma_wait3A_337 = tpu.memref_slice %arg2[%dma_wait3A_335, %dma_wait3A_336] : memref<10000x128xf32, #tpu.memory_space<hbm>> -> memref<40x128xf32, #tpu.memory_space<hbm>>
      tpu.wait_dma2 semaphore(%arg25 : memref<!tpu.dma_semaphore, #tpu.memory_space<semaphore_mem>>) src(%dma_wait3A_337 : memref<40x128xf32, #tpu.memory_space<hbm>>) dst(%dma_wait3A_334 : memref<40x128xf32, #tpu.memory_space<vmem>>)
      %dma_wait3A_338 = arith.constant 40 : i32
      %dma_wait3A_339 = arith.constant 0 : i32
      %dma_wait3A_340 = tpu.memref_slice %arg21[%dma_wait3A_338, %dma_wait3A_339] : memref<80x128xf32, #tpu.memory_space<vmem>> -> memref<40x128xf32, #tpu.memory_space<vmem>>
      %dma_wait3A_341 = arith.constant 0 : i32
      %dma_wait3A_342 = arith.constant 0 : i32
      %dma_wait3A_343 = tpu.memref_slice %arg3[%dma_wait3A_341, %dma_wait3A_342] : memref<10000x128xf32, #tpu.memory_space<hbm>> -> memref<40x128xf32, #tpu.memory_space<hbm>>
      %dma_wait3A_344 = arith.constant 40 : i32
      %dma_wait3A_345 = arith.constant 0 : i32
      %dma_wait3A_346 = tpu.memref_slice %arg21[%dma_wait3A_344, %dma_wait3A_345] : memref<80x128xf32, #tpu.memory_space<vmem>> -> memref<40x128xf32, #tpu.memory_space<vmem>>
      %dma_wait3A_347 = arith.constant 0 : i32
      %dma_wait3A_348 = arith.constant 0 : i32
      %dma_wait3A_349 = tpu.memref_slice %arg3[%dma_wait3A_347, %dma_wait3A_348] : memref<10000x128xf32, #tpu.memory_space<hbm>> -> memref<40x128xf32, #tpu.memory_space<hbm>>
      tpu.wait_dma2 semaphore(%arg25 : memref<!tpu.dma_semaphore, #tpu.memory_space<semaphore_mem>>) src(%dma_wait3A_349 : memref<40x128xf32, #tpu.memory_space<hbm>>) dst(%dma_wait3A_346 : memref<40x128xf32, #tpu.memory_space<vmem>>)
      %dma_wait3A_350 = arith.constant 0 : i32
      %dma_wait3A_351 = tpu.memref_slice %arg4[%dma_wait3A_350] : memref<320000xi32, #tpu.memory_space<hbm>> -> memref<40xi32, #tpu.memory_space<hbm>>
      %dma_wait3A_352 = arith.constant 0 : i32
      %dma_wait3A_353 = tpu.memref_slice %arg4[%dma_wait3A_352] : memref<320000xi32, #tpu.memory_space<hbm>> -> memref<40xi32, #tpu.memory_space<hbm>>
      tpu.wait_dma2 semaphore(%arg22 : memref<!tpu.dma_semaphore, #tpu.memory_space<semaphore_mem>>) src(%dma_wait3A_353 : memref<40xi32, #tpu.memory_space<hbm>>) dst(%arg12 : memref<40xi32, #tpu.memory_space<vmem>>)
      %dma_wait3A_354 = arith.constant 0 : i32
      %dma_wait3A_355 = tpu.memref_slice %arg5[%dma_wait3A_354] : memref<320000xi32, #tpu.memory_space<hbm>> -> memref<40xi32, #tpu.memory_space<hbm>>
      %dma_wait3A_356 = arith.constant 0 : i32
      %dma_wait3A_357 = tpu.memref_slice %arg5[%dma_wait3A_356] : memref<320000xi32, #tpu.memory_space<hbm>> -> memref<40xi32, #tpu.memory_space<hbm>>
      tpu.wait_dma2 semaphore(%arg22 : memref<!tpu.dma_semaphore, #tpu.memory_space<semaphore_mem>>) src(%dma_wait3A_357 : memref<40xi32, #tpu.memory_space<hbm>>) dst(%arg13 : memref<40xi32, #tpu.memory_space<vmem>>)
      %dma_wait3A_358 = arith.constant 0 : i32
      %dma_wait3A_359 = tpu.memref_slice %arg6[%dma_wait3A_358] : memref<320000xi32, #tpu.memory_space<hbm>> -> memref<40xi32, #tpu.memory_space<hbm>>
      %dma_wait3A_360 = arith.constant 0 : i32
      %dma_wait3A_361 = tpu.memref_slice %arg6[%dma_wait3A_360] : memref<320000xi32, #tpu.memory_space<hbm>> -> memref<40xi32, #tpu.memory_space<hbm>>
      tpu.wait_dma2 semaphore(%arg22 : memref<!tpu.dma_semaphore, #tpu.memory_space<semaphore_mem>>) src(%dma_wait3A_361 : memref<40xi32, #tpu.memory_space<hbm>>) dst(%arg14 : memref<40xi32, #tpu.memory_space<vmem>>)
      %dma_wait3A_362 = arith.constant 0 : i32
      %dma_wait3A_363 = tpu.memref_slice %arg15[%dma_wait3A_362] : memref<48xi32, #tpu.memory_space<vmem>> -> memref<40xi32, #tpu.memory_space<vmem>>
      %dma_wait3A_364 = arith.constant 0 : i32
      %dma_wait3A_365 = tpu.memref_slice %arg7[%dma_wait3A_364] : memref<320000xi32, #tpu.memory_space<hbm>> -> memref<40xi32, #tpu.memory_space<hbm>>
      %dma_wait3A_366 = arith.constant 0 : i32
      %dma_wait3A_367 = tpu.memref_slice %arg15[%dma_wait3A_366] : memref<48xi32, #tpu.memory_space<vmem>> -> memref<40xi32, #tpu.memory_space<vmem>>
      %dma_wait3A_368 = arith.constant 0 : i32
      %dma_wait3A_369 = tpu.memref_slice %arg7[%dma_wait3A_368] : memref<320000xi32, #tpu.memory_space<hbm>> -> memref<40xi32, #tpu.memory_space<hbm>>
      tpu.wait_dma2 semaphore(%arg22 : memref<!tpu.dma_semaphore, #tpu.memory_space<semaphore_mem>>) src(%dma_wait3A_369 : memref<40xi32, #tpu.memory_space<hbm>>) dst(%dma_wait3A_367 : memref<40xi32, #tpu.memory_space<vmem>>)
      %dma_start3A_370 = arith.constant 0 : i32
      %dma_start3A_371 = arith.constant 0 : i32
      %dma_start3A_372 = tpu.memref_slice %arg20[%dma_start3A_370, %dma_start3A_371] : memref<80x128xf32, #tpu.memory_space<vmem>> -> memref<40x128xf32, #tpu.memory_space<vmem>>
      %dma_start3A_373 = arith.constant 0 : i32
      %dma_start3A_374 = arith.constant 0 : i32
      %dma_start3A_375 = tpu.memref_slice %arg2[%dma_start3A_373, %dma_start3A_374] : memref<10000x128xf32, #tpu.memory_space<hbm>> -> memref<10000x128xf32, #tpu.memory_space<hbm>>
      tpu.enqueue_indirect_dma source(%dma_start3A_375 : memref<10000x128xf32, #tpu.memory_space<hbm>>) target(%dma_start3A_372 : memref<40x128xf32, #tpu.memory_space<vmem>>) offsets(%arg12 : memref<40xi32, #tpu.memory_space<vmem>>) semaphore(%arg24 : memref<!tpu.dma_semaphore, #tpu.memory_space<semaphore_mem>>)
      %dma_start3A_376 = arith.constant 0 : i32
      %dma_start3A_377 = arith.constant 0 : i32
      %dma_start3A_378 = tpu.memref_slice %arg21[%dma_start3A_376, %dma_start3A_377] : memref<80x128xf32, #tpu.memory_space<vmem>> -> memref<40x128xf32, #tpu.memory_space<vmem>>
      %dma_start3A_379 = arith.constant 0 : i32
      %dma_start3A_380 = arith.constant 0 : i32
      %dma_start3A_381 = tpu.memref_slice %arg3[%dma_start3A_379, %dma_start3A_380] : memref<10000x128xf32, #tpu.memory_space<hbm>> -> memref<10000x128xf32, #tpu.memory_space<hbm>>
      tpu.enqueue_indirect_dma source(%dma_start3A_381 : memref<10000x128xf32, #tpu.memory_space<hbm>>) target(%dma_start3A_378 : memref<40x128xf32, #tpu.memory_space<vmem>>) offsets(%arg13 : memref<40xi32, #tpu.memory_space<vmem>>) semaphore(%arg24 : memref<!tpu.dma_semaphore, #tpu.memory_space<semaphore_mem>>)
      %scan3A_382 = arith.constant 0 : i32
      %scan3A_383 = arith.constant 0 : i32
      %scan3A_384 = arith.constant 40 : i32
      %scan3A_385 = arith.addi %scan3A_383, %scan3A_384 : i32
      %scan3A_386 = arith.constant 2 : i32
      %scan3A_387 = scf.for %scan3A_412 = %scan3A_383 to %scan3A_385 step %scan3A_386 iter_args(%scan3A_413 = %scan3A_382) -> (i32)  : i32 {
        %add3A_414 = arith.constant 40 : i32
        %add3A_415 = arith.addi %add3A_414, %scan3A_412 : i32
        %get3A_416 = arith.index_cast %add3A_415 : i32 to index
        %get3A_417 = arith.constant 0 : index
        %get3A_418 = tpu.vector_load %arg20[%get3A_416, %get3A_417] {strides = array<i32>} : memref<80x128xf32, #tpu.memory_space<vmem>>, vector<1x16xf32>,
        %get3A_419 = vector.shape_cast %get3A_418 : vector<1x16xf32> to vector<16xf32>
        %get3A_420 = arith.index_cast %add3A_415 : i32 to index
        %get3A_421 = arith.constant 0 : index
        %get3A_422 = tpu.vector_load %arg21[%get3A_420, %get3A_421] {strides = array<i32>} : memref<80x128xf32, #tpu.memory_space<vmem>>, vector<1x16xf32>,
        %get3A_423 = vector.shape_cast %get3A_422 : vector<1x16xf32> to vector<16xf32>
        %add3A_424 = arith.addf %get3A_419, %get3A_423 : vector<16xf32>
        %mul3A_425 = arith.constant 2.000000e-01 : f32
        %mul3A_426 = vector.broadcast %mul3A_425 : f32 to vector<16xf32>
        %mul3A_427 = arith.mulf %mul3A_426, %add3A_424 : vector<16xf32>
        %max3A = arith.maximumf %add3A_424, %mul3A_427 : vector<16xf32>
        %mul3A_428 = arith.mulf %max3A, %get3A_114 : vector<16xf32>
        %get3A_429 = arith.index_cast %add3A_415 : i32 to index
        %get3A_430 = arith.constant 16 : index
        %get3A_431 = tpu.vector_load %arg20[%get3A_429, %get3A_430] {strides = array<i32>} : memref<80x128xf32, #tpu.memory_space<vmem>>, vector<1x16xf32>,
        %get3A_432 = vector.shape_cast %get3A_431 : vector<1x16xf32> to vector<16xf32>
        %get3A_433 = arith.index_cast %add3A_415 : i32 to index
        %get3A_434 = arith.constant 16 : index
        %get3A_435 = tpu.vector_load %arg21[%get3A_433, %get3A_434] {strides = array<i32>} : memref<80x128xf32, #tpu.memory_space<vmem>>, vector<1x16xf32>,
        %get3A_436 = vector.shape_cast %get3A_435 : vector<1x16xf32> to vector<16xf32>
        %add3A_437 = arith.addf %get3A_432, %get3A_436 : vector<16xf32>
        %mul3A_438 = arith.constant 2.000000e-01 : f32
        %mul3A_439 = vector.broadcast %mul3A_438 : f32 to vector<16xf32>
        %mul3A_440 = arith.mulf %mul3A_439, %add3A_437 : vector<16xf32>
        %max3A_441 = arith.maximumf %add3A_437, %mul3A_440 : vector<16xf32>
        %mul3A_442 = arith.mulf %max3A_441, %get3A_119 : vector<16xf32>
        %get3A_443 = arith.index_cast %add3A_415 : i32 to index
        %get3A_444 = arith.constant 32 : index
        %get3A_445 = tpu.vector_load %arg20[%get3A_443, %get3A_444] {strides = array<i32>} : memref<80x128xf32, #tpu.memory_space<vmem>>, vector<1x16xf32>,
        %get3A_446 = vector.shape_cast %get3A_445 : vector<1x16xf32> to vector<16xf32>
        %get3A_447 = arith.index_cast %add3A_415 : i32 to index
        %get3A_448 = arith.constant 32 : index
        %get3A_449 = tpu.vector_load %arg21[%get3A_447, %get3A_448] {strides = array<i32>} : memref<80x128xf32, #tpu.memory_space<vmem>>, vector<1x16xf32>,
        %get3A_450 = vector.shape_cast %get3A_449 : vector<1x16xf32> to vector<16xf32>
        %add3A_451 = arith.addf %get3A_446, %get3A_450 : vector<16xf32>
        %mul3A_452 = arith.constant 2.000000e-01 : f32
        %mul3A_453 = vector.broadcast %mul3A_452 : f32 to vector<16xf32>
        %mul3A_454 = arith.mulf %mul3A_453, %add3A_451 : vector<16xf32>
        %max3A_455 = arith.maximumf %add3A_451, %mul3A_454 : vector<16xf32>
        %mul3A_456 = arith.mulf %max3A_455, %get3A_124 : vector<16xf32>
        %get3A_457 = arith.index_cast %add3A_415 : i32 to index
        %get3A_458 = arith.constant 48 : index
        %get3A_459 = tpu.vector_load %arg20[%get3A_457, %get3A_458] {strides = array<i32>} : memref<80x128xf32, #tpu.memory_space<vmem>>, vector<1x16xf32>,
        %get3A_460 = vector.shape_cast %get3A_459 : vector<1x16xf32> to vector<16xf32>
        %get3A_461 = arith.index_cast %add3A_415 : i32 to index
        %get3A_462 = arith.constant 48 : index
        %get3A_463 = tpu.vector_load %arg21[%get3A_461, %get3A_462] {strides = array<i32>} : memref<80x128xf32, #tpu.memory_space<vmem>>, vector<1x16xf32>,
        %get3A_464 = vector.shape_cast %get3A_463 : vector<1x16xf32> to vector<16xf32>
        %add3A_465 = arith.addf %get3A_460, %get3A_464 : vector<16xf32>
        %mul3A_466 = arith.constant 2.000000e-01 : f32
        %mul3A_467 = vector.broadcast %mul3A_466 : f32 to vector<16xf32>
        %mul3A_468 = arith.mulf %mul3A_467, %add3A_465 : vector<16xf32>
        %max3A_469 = arith.maximumf %add3A_465, %mul3A_468 : vector<16xf32>
        %mul3A_470 = arith.mulf %max3A_469, %get3A_129 : vector<16xf32>
        %get3A_471 = arith.index_cast %add3A_415 : i32 to index
        %get3A_472 = arith.constant 64 : index
        %get3A_473 = tpu.vector_load %arg20[%get3A_471, %get3A_472] {strides = array<i32>} : memref<80x128xf32, #tpu.memory_space<vmem>>, vector<1x16xf32>,
        %get3A_474 = vector.shape_cast %get3A_473 : vector<1x16xf32> to vector<16xf32>
        %get3A_475 = arith.index_cast %add3A_415 : i32 to index
        %get3A_476 = arith.constant 64 : index
        %get3A_477 = tpu.vector_load %arg21[%get3A_475, %get3A_476] {strides = array<i32>} : memref<80x128xf32, #tpu.memory_space<vmem>>, vector<1x16xf32>,
        %get3A_478 = vector.shape_cast %get3A_477 : vector<1x16xf32> to vector<16xf32>
        %add3A_479 = arith.addf %get3A_474, %get3A_478 : vector<16xf32>
        %mul3A_480 = arith.constant 2.000000e-01 : f32
        %mul3A_481 = vector.broadcast %mul3A_480 : f32 to vector<16xf32>
        %mul3A_482 = arith.mulf %mul3A_481, %add3A_479 : vector<16xf32>
        %max3A_483 = arith.maximumf %add3A_479, %mul3A_482 : vector<16xf32>
        %mul3A_484 = arith.mulf %max3A_483, %get3A_134 : vector<16xf32>
        %get3A_485 = arith.index_cast %add3A_415 : i32 to index
        %get3A_486 = arith.constant 80 : index
        %get3A_487 = tpu.vector_load %arg20[%get3A_485, %get3A_486] {strides = array<i32>} : memref<80x128xf32, #tpu.memory_space<vmem>>, vector<1x16xf32>,
        %get3A_488 = vector.shape_cast %get3A_487 : vector<1x16xf32> to vector<16xf32>
        %get3A_489 = arith.index_cast %add3A_415 : i32 to index
        %get3A_490 = arith.constant 80 : index
        %get3A_491 = tpu.vector_load %arg21[%get3A_489, %get3A_490] {strides = array<i32>} : memref<80x128xf32, #tpu.memory_space<vmem>>, vector<1x16xf32>,
        %get3A_492 = vector.shape_cast %get3A_491 : vector<1x16xf32> to vector<16xf32>
        %add3A_493 = arith.addf %get3A_488, %get3A_492 : vector<16xf32>
        %mul3A_494 = arith.constant 2.000000e-01 : f32
        %mul3A_495 = vector.broadcast %mul3A_494 : f32 to vector<16xf32>
        %mul3A_496 = arith.mulf %mul3A_495, %add3A_493 : vector<16xf32>
        %max3A_497 = arith.maximumf %add3A_493, %mul3A_496 : vector<16xf32>
        %mul3A_498 = arith.mulf %max3A_497, %get3A_139 : vector<16xf32>
        %get3A_499 = arith.index_cast %add3A_415 : i32 to index
        %get3A_500 = arith.constant 96 : index
        %get3A_501 = tpu.vector_load %arg20[%get3A_499, %get3A_500] {strides = array<i32>} : memref<80x128xf32, #tpu.memory_space<vmem>>, vector<1x16xf32>,
        %get3A_502 = vector.shape_cast %get3A_501 : vector<1x16xf32> to vector<16xf32>
        %get3A_503 = arith.index_cast %add3A_415 : i32 to index
        %get3A_504 = arith.constant 96 : index
        %get3A_505 = tpu.vector_load %arg21[%get3A_503, %get3A_504] {strides = array<i32>} : memref<80x128xf32, #tpu.memory_space<vmem>>, vector<1x16xf32>,
        %get3A_506 = vector.shape_cast %get3A_505 : vector<1x16xf32> to vector<16xf32>
        %add3A_507 = arith.addf %get3A_502, %get3A_506 : vector<16xf32>
        %mul3A_508 = arith.constant 2.000000e-01 : f32
        %mul3A_509 = vector.broadcast %mul3A_508 : f32 to vector<16xf32>
        %mul3A_510 = arith.mulf %mul3A_509, %add3A_507 : vector<16xf32>
        %max3A_511 = arith.maximumf %add3A_507, %mul3A_510 : vector<16xf32>
        %mul3A_512 = arith.mulf %max3A_511, %get3A_144 : vector<16xf32>
        %get3A_513 = arith.index_cast %add3A_415 : i32 to index
        %get3A_514 = arith.constant 112 : index
        %get3A_515 = tpu.vector_load %arg20[%get3A_513, %get3A_514] {strides = array<i32>} : memref<80x128xf32, #tpu.memory_space<vmem>>, vector<1x16xf32>,
        %get3A_516 = vector.shape_cast %get3A_515 : vector<1x16xf32> to vector<16xf32>
        %get3A_517 = arith.index_cast %add3A_415 : i32 to index
        %get3A_518 = arith.constant 112 : index
        %get3A_519 = tpu.vector_load %arg21[%get3A_517, %get3A_518] {strides = array<i32>} : memref<80x128xf32, #tpu.memory_space<vmem>>, vector<1x16xf32>,
        %get3A_520 = vector.shape_cast %get3A_519 : vector<1x16xf32> to vector<16xf32>
        %add3A_521 = arith.addf %get3A_516, %get3A_520 : vector<16xf32>
        %mul3A_522 = arith.constant 2.000000e-01 : f32
        %mul3A_523 = vector.broadcast %mul3A_522 : f32 to vector<16xf32>
        %mul3A_524 = arith.mulf %mul3A_523, %add3A_521 : vector<16xf32>
        %max3A_525 = arith.maximumf %add3A_521, %mul3A_524 : vector<16xf32>
        %mul3A_526 = arith.mulf %max3A_525, %get3A_149 : vector<16xf32>
        %lt3A_527 = arith.constant 0 : i32
        %lt3A_528 = vector.broadcast %lt3A_527 : i32 to vector<16xi32>
        %lt3A_529 = arith.cmpi slt, %xor3A_46, %lt3A_528 : vector<16xi32>
        %add3A_530 = arith.constant 16 : i32
        %add3A_531 = vector.broadcast %add3A_530 : i32 to vector<16xi32>
        %add3A_532 = arith.addi %xor3A_46, %add3A_531 : vector<16xi32>
        %select_n3A_533 = arith.select %lt3A_529, %add3A_532, %xor3A_46 : vector<16xi1>, vector<16xi32>
        %broadcast_in_dim3A_534 = vector.shape_cast %select_n3A_533 : vector<16xi32> to vector<16x1xi32>
        %gather3A = vector.shape_cast %broadcast_in_dim3A_534 : vector<16x1xi32> to vector<16xi32>
        %gather3A_535 = tpu.dynamic_gather %mul3A_428[%gather3A] in [0] : vector<16xf32>, vector<16xi32> -> vector<16xf32>
        %add3A_536 = arith.addf %mul3A_428, %gather3A_535 : vector<16xf32>
        %lt3A_537 = arith.constant 0 : i32
        %lt3A_538 = vector.broadcast %lt3A_537 : i32 to vector<16xi32>
        %lt3A_539 = arith.cmpi slt, %xor3A_49, %lt3A_538 : vector<16xi32>
        %add3A_540 = arith.constant 16 : i32
        %add3A_541 = vector.broadcast %add3A_540 : i32 to vector<16xi32>
        %add3A_542 = arith.addi %xor3A_49, %add3A_541 : vector<16xi32>
        %select_n3A_543 = arith.select %lt3A_539, %add3A_542, %xor3A_49 : vector<16xi1>, vector<16xi32>
        %broadcast_in_dim3A_544 = vector.shape_cast %select_n3A_543 : vector<16xi32> to vector<16x1xi32>
        %gather3A_545 = vector.shape_cast %broadcast_in_dim3A_544 : vector<16x1xi32> to vector<16xi32>
        %gather3A_546 = tpu.dynamic_gather %add3A_536[%gather3A_545] in [0] : vector<16xf32>, vector<16xi32> -> vector<16xf32>
        %add3A_547 = arith.addf %add3A_536, %gather3A_546 : vector<16xf32>
        %lt3A_548 = arith.constant 0 : i32
        %lt3A_549 = vector.broadcast %lt3A_548 : i32 to vector<16xi32>
        %lt3A_550 = arith.cmpi slt, %xor3A_52, %lt3A_549 : vector<16xi32>
        %add3A_551 = arith.constant 16 : i32
        %add3A_552 = vector.broadcast %add3A_551 : i32 to vector<16xi32>
        %add3A_553 = arith.addi %xor3A_52, %add3A_552 : vector<16xi32>
        %select_n3A_554 = arith.select %lt3A_550, %add3A_553, %xor3A_52 : vector<16xi1>, vector<16xi32>
        %broadcast_in_dim3A_555 = vector.shape_cast %select_n3A_554 : vector<16xi32> to vector<16x1xi32>
        %gather3A_556 = vector.shape_cast %broadcast_in_dim3A_555 : vector<16x1xi32> to vector<16xi32>
        %gather3A_557 = tpu.dynamic_gather %add3A_547[%gather3A_556] in [0] : vector<16xf32>, vector<16xi32> -> vector<16xf32>
        %add3A_558 = arith.addf %add3A_547, %gather3A_557 : vector<16xf32>
        %lt3A_559 = arith.constant 0 : i32
        %lt3A_560 = vector.broadcast %lt3A_559 : i32 to vector<16xi32>
        %lt3A_561 = arith.cmpi slt, %xor3A_55, %lt3A_560 : vector<16xi32>
        %add3A_562 = arith.constant 16 : i32
        %add3A_563 = vector.broadcast %add3A_562 : i32 to vector<16xi32>
        %add3A_564 = arith.addi %xor3A_55, %add3A_563 : vector<16xi32>
        %select_n3A_565 = arith.select %lt3A_561, %add3A_564, %xor3A_55 : vector<16xi1>, vector<16xi32>
        %broadcast_in_dim3A_566 = vector.shape_cast %select_n3A_565 : vector<16xi32> to vector<16x1xi32>
        %gather3A_567 = vector.shape_cast %broadcast_in_dim3A_566 : vector<16x1xi32> to vector<16xi32>
        %gather3A_568 = tpu.dynamic_gather %add3A_558[%gather3A_567] in [0] : vector<16xf32>, vector<16xi32> -> vector<16xf32>
        %add3A_569 = arith.addf %add3A_558, %gather3A_568 : vector<16xf32>
        %eq3A_570 = arith.constant 0 : i32
        %eq3A_571 = vector.broadcast %eq3A_570 : i32 to vector<16xi32>
        %eq3A_572 = arith.cmpi eq, %iota3A, %eq3A_571 : vector<16xi32>
        %select_n3A_573 = arith.select %eq3A_572, %add3A_569, %broadcast_in_dim3A_110 : vector<16xi1>, vector<16xf32>
        %lt3A_574 = arith.constant 0 : i32
        %lt3A_575 = vector.broadcast %lt3A_574 : i32 to vector<16xi32>
        %lt3A_576 = arith.cmpi slt, %xor3A_46, %lt3A_575 : vector<16xi32>
        %add3A_577 = arith.constant 16 : i32
        %add3A_578 = vector.broadcast %add3A_577 : i32 to vector<16xi32>
        %add3A_579 = arith.addi %xor3A_46, %add3A_578 : vector<16xi32>
        %select_n3A_580 = arith.select %lt3A_576, %add3A_579, %xor3A_46 : vector<16xi1>, vector<16xi32>
        %broadcast_in_dim3A_581 = vector.shape_cast %select_n3A_580 : vector<16xi32> to vector<16x1xi32>
        %gather3A_582 = vector.shape_cast %broadcast_in_dim3A_581 : vector<16x1xi32> to vector<16xi32>
        %gather3A_583 = tpu.dynamic_gather %mul3A_442[%gather3A_582] in [0] : vector<16xf32>, vector<16xi32> -> vector<16xf32>
        %add3A_584 = arith.addf %mul3A_442, %gather3A_583 : vector<16xf32>
        %lt3A_585 = arith.constant 0 : i32
        %lt3A_586 = vector.broadcast %lt3A_585 : i32 to vector<16xi32>
        %lt3A_587 = arith.cmpi slt, %xor3A_49, %lt3A_586 : vector<16xi32>
        %add3A_588 = arith.constant 16 : i32
        %add3A_589 = vector.broadcast %add3A_588 : i32 to vector<16xi32>
        %add3A_590 = arith.addi %xor3A_49, %add3A_589 : vector<16xi32>
        %select_n3A_591 = arith.select %lt3A_587, %add3A_590, %xor3A_49 : vector<16xi1>, vector<16xi32>
        %broadcast_in_dim3A_592 = vector.shape_cast %select_n3A_591 : vector<16xi32> to vector<16x1xi32>
        %gather3A_593 = vector.shape_cast %broadcast_in_dim3A_592 : vector<16x1xi32> to vector<16xi32>
        %gather3A_594 = tpu.dynamic_gather %add3A_584[%gather3A_593] in [0] : vector<16xf32>, vector<16xi32> -> vector<16xf32>
        %add3A_595 = arith.addf %add3A_584, %gather3A_594 : vector<16xf32>
        %lt3A_596 = arith.constant 0 : i32
        %lt3A_597 = vector.broadcast %lt3A_596 : i32 to vector<16xi32>
        %lt3A_598 = arith.cmpi slt, %xor3A_52, %lt3A_597 : vector<16xi32>
        %add3A_599 = arith.constant 16 : i32
        %add3A_600 = vector.broadcast %add3A_599 : i32 to vector<16xi32>
        %add3A_601 = arith.addi %xor3A_52, %add3A_600 : vector<16xi32>
        %select_n3A_602 = arith.select %lt3A_598, %add3A_601, %xor3A_52 : vector<16xi1>, vector<16xi32>
        %broadcast_in_dim3A_603 = vector.shape_cast %select_n3A_602 : vector<16xi32> to vector<16x1xi32>
        %gather3A_604 = vector.shape_cast %broadcast_in_dim3A_603 : vector<16x1xi32> to vector<16xi32>
        %gather3A_605 = tpu.dynamic_gather %add3A_595[%gather3A_604] in [0] : vector<16xf32>, vector<16xi32> -> vector<16xf32>
        %add3A_606 = arith.addf %add3A_595, %gather3A_605 : vector<16xf32>
        %lt3A_607 = arith.constant 0 : i32
        %lt3A_608 = vector.broadcast %lt3A_607 : i32 to vector<16xi32>
        %lt3A_609 = arith.cmpi slt, %xor3A_55, %lt3A_608 : vector<16xi32>
        %add3A_610 = arith.constant 16 : i32
        %add3A_611 = vector.broadcast %add3A_610 : i32 to vector<16xi32>
        %add3A_612 = arith.addi %xor3A_55, %add3A_611 : vector<16xi32>
        %select_n3A_613 = arith.select %lt3A_609, %add3A_612, %xor3A_55 : vector<16xi1>, vector<16xi32>
        %broadcast_in_dim3A_614 = vector.shape_cast %select_n3A_613 : vector<16xi32> to vector<16x1xi32>
        %gather3A_615 = vector.shape_cast %broadcast_in_dim3A_614 : vector<16x1xi32> to vector<16xi32>
        %gather3A_616 = tpu.dynamic_gather %add3A_606[%gather3A_615] in [0] : vector<16xf32>, vector<16xi32> -> vector<16xf32>
        %add3A_617 = arith.addf %add3A_606, %gather3A_616 : vector<16xf32>
        %eq3A_618 = arith.constant 1 : i32
        %eq3A_619 = vector.broadcast %eq3A_618 : i32 to vector<16xi32>
        %eq3A_620 = arith.cmpi eq, %iota3A, %eq3A_619 : vector<16xi32>
        %select_n3A_621 = arith.select %eq3A_620, %add3A_617, %select_n3A_573 : vector<16xi1>, vector<16xf32>
        %lt3A_622 = arith.constant 0 : i32
        %lt3A_623 = vector.broadcast %lt3A_622 : i32 to vector<16xi32>
        %lt3A_624 = arith.cmpi slt, %xor3A_46, %lt3A_623 : vector<16xi32>
        %add3A_625 = arith.constant 16 : i32
        %add3A_626 = vector.broadcast %add3A_625 : i32 to vector<16xi32>
        %add3A_627 = arith.addi %xor3A_46, %add3A_626 : vector<16xi32>
        %select_n3A_628 = arith.select %lt3A_624, %add3A_627, %xor3A_46 : vector<16xi1>, vector<16xi32>
        %broadcast_in_dim3A_629 = vector.shape_cast %select_n3A_628 : vector<16xi32> to vector<16x1xi32>
        %gather3A_630 = vector.shape_cast %broadcast_in_dim3A_629 : vector<16x1xi32> to vector<16xi32>
        %gather3A_631 = tpu.dynamic_gather %mul3A_456[%gather3A_630] in [0] : vector<16xf32>, vector<16xi32> -> vector<16xf32>
        %add3A_632 = arith.addf %mul3A_456, %gather3A_631 : vector<16xf32>
        %lt3A_633 = arith.constant 0 : i32
        %lt3A_634 = vector.broadcast %lt3A_633 : i32 to vector<16xi32>
        %lt3A_635 = arith.cmpi slt, %xor3A_49, %lt3A_634 : vector<16xi32>
        %add3A_636 = arith.constant 16 : i32
        %add3A_637 = vector.broadcast %add3A_636 : i32 to vector<16xi32>
        %add3A_638 = arith.addi %xor3A_49, %add3A_637 : vector<16xi32>
        %select_n3A_639 = arith.select %lt3A_635, %add3A_638, %xor3A_49 : vector<16xi1>, vector<16xi32>
        %broadcast_in_dim3A_640 = vector.shape_cast %select_n3A_639 : vector<16xi32> to vector<16x1xi32>
        %gather3A_641 = vector.shape_cast %broadcast_in_dim3A_640 : vector<16x1xi32> to vector<16xi32>
        %gather3A_642 = tpu.dynamic_gather %add3A_632[%gather3A_641] in [0] : vector<16xf32>, vector<16xi32> -> vector<16xf32>
        %add3A_643 = arith.addf %add3A_632, %gather3A_642 : vector<16xf32>
        %lt3A_644 = arith.constant 0 : i32
        %lt3A_645 = vector.broadcast %lt3A_644 : i32 to vector<16xi32>
        %lt3A_646 = arith.cmpi slt, %xor3A_52, %lt3A_645 : vector<16xi32>
        %add3A_647 = arith.constant 16 : i32
        %add3A_648 = vector.broadcast %add3A_647 : i32 to vector<16xi32>
        %add3A_649 = arith.addi %xor3A_52, %add3A_648 : vector<16xi32>
        %select_n3A_650 = arith.select %lt3A_646, %add3A_649, %xor3A_52 : vector<16xi1>, vector<16xi32>
        %broadcast_in_dim3A_651 = vector.shape_cast %select_n3A_650 : vector<16xi32> to vector<16x1xi32>
        %gather3A_652 = vector.shape_cast %broadcast_in_dim3A_651 : vector<16x1xi32> to vector<16xi32>
        %gather3A_653 = tpu.dynamic_gather %add3A_643[%gather3A_652] in [0] : vector<16xf32>, vector<16xi32> -> vector<16xf32>
        %add3A_654 = arith.addf %add3A_643, %gather3A_653 : vector<16xf32>
        %lt3A_655 = arith.constant 0 : i32
        %lt3A_656 = vector.broadcast %lt3A_655 : i32 to vector<16xi32>
        %lt3A_657 = arith.cmpi slt, %xor3A_55, %lt3A_656 : vector<16xi32>
        %add3A_658 = arith.constant 16 : i32
        %add3A_659 = vector.broadcast %add3A_658 : i32 to vector<16xi32>
        %add3A_660 = arith.addi %xor3A_55, %add3A_659 : vector<16xi32>
        %select_n3A_661 = arith.select %lt3A_657, %add3A_660, %xor3A_55 : vector<16xi1>, vector<16xi32>
        %broadcast_in_dim3A_662 = vector.shape_cast %select_n3A_661 : vector<16xi32> to vector<16x1xi32>
        %gather3A_663 = vector.shape_cast %broadcast_in_dim3A_662 : vector<16x1xi32> to vector<16xi32>
        %gather3A_664 = tpu.dynamic_gather %add3A_654[%gather3A_663] in [0] : vector<16xf32>, vector<16xi32> -> vector<16xf32>
        %add3A_665 = arith.addf %add3A_654, %gather3A_664 : vector<16xf32>
        %eq3A_666 = arith.constant 2 : i32
        %eq3A_667 = vector.broadcast %eq3A_666 : i32 to vector<16xi32>
        %eq3A_668 = arith.cmpi eq, %iota3A, %eq3A_667 : vector<16xi32>
        %select_n3A_669 = arith.select %eq3A_668, %add3A_665, %select_n3A_621 : vector<16xi1>, vector<16xf32>
        %lt3A_670 = arith.constant 0 : i32
        %lt3A_671 = vector.broadcast %lt3A_670 : i32 to vector<16xi32>
        %lt3A_672 = arith.cmpi slt, %xor3A_46, %lt3A_671 : vector<16xi32>
        %add3A_673 = arith.constant 16 : i32
        %add3A_674 = vector.broadcast %add3A_673 : i32 to vector<16xi32>
        %add3A_675 = arith.addi %xor3A_46, %add3A_674 : vector<16xi32>
        %select_n3A_676 = arith.select %lt3A_672, %add3A_675, %xor3A_46 : vector<16xi1>, vector<16xi32>
        %broadcast_in_dim3A_677 = vector.shape_cast %select_n3A_676 : vector<16xi32> to vector<16x1xi32>
        %gather3A_678 = vector.shape_cast %broadcast_in_dim3A_677 : vector<16x1xi32> to vector<16xi32>
        %gather3A_679 = tpu.dynamic_gather %mul3A_470[%gather3A_678] in [0] : vector<16xf32>, vector<16xi32> -> vector<16xf32>
        %add3A_680 = arith.addf %mul3A_470, %gather3A_679 : vector<16xf32>
        %lt3A_681 = arith.constant 0 : i32
        %lt3A_682 = vector.broadcast %lt3A_681 : i32 to vector<16xi32>
        %lt3A_683 = arith.cmpi slt, %xor3A_49, %lt3A_682 : vector<16xi32>
        %add3A_684 = arith.constant 16 : i32
        %add3A_685 = vector.broadcast %add3A_684 : i32 to vector<16xi32>
        %add3A_686 = arith.addi %xor3A_49, %add3A_685 : vector<16xi32>
        %select_n3A_687 = arith.select %lt3A_683, %add3A_686, %xor3A_49 : vector<16xi1>, vector<16xi32>
        %broadcast_in_dim3A_688 = vector.shape_cast %select_n3A_687 : vector<16xi32> to vector<16x1xi32>
        %gather3A_689 = vector.shape_cast %broadcast_in_dim3A_688 : vector<16x1xi32> to vector<16xi32>
        %gather3A_690 = tpu.dynamic_gather %add3A_680[%gather3A_689] in [0] : vector<16xf32>, vector<16xi32> -> vector<16xf32>
        %add3A_691 = arith.addf %add3A_680, %gather3A_690 : vector<16xf32>
        %lt3A_692 = arith.constant 0 : i32
        %lt3A_693 = vector.broadcast %lt3A_692 : i32 to vector<16xi32>
        %lt3A_694 = arith.cmpi slt, %xor3A_52, %lt3A_693 : vector<16xi32>
        %add3A_695 = arith.constant 16 : i32
        %add3A_696 = vector.broadcast %add3A_695 : i32 to vector<16xi32>
        %add3A_697 = arith.addi %xor3A_52, %add3A_696 : vector<16xi32>
        %select_n3A_698 = arith.select %lt3A_694, %add3A_697, %xor3A_52 : vector<16xi1>, vector<16xi32>
        %broadcast_in_dim3A_699 = vector.shape_cast %select_n3A_698 : vector<16xi32> to vector<16x1xi32>
        %gather3A_700 = vector.shape_cast %broadcast_in_dim3A_699 : vector<16x1xi32> to vector<16xi32>
        %gather3A_701 = tpu.dynamic_gather %add3A_691[%gather3A_700] in [0] : vector<16xf32>, vector<16xi32> -> vector<16xf32>
        %add3A_702 = arith.addf %add3A_691, %gather3A_701 : vector<16xf32>
        %lt3A_703 = arith.constant 0 : i32
        %lt3A_704 = vector.broadcast %lt3A_703 : i32 to vector<16xi32>
        %lt3A_705 = arith.cmpi slt, %xor3A_55, %lt3A_704 : vector<16xi32>
        %add3A_706 = arith.constant 16 : i32
        %add3A_707 = vector.broadcast %add3A_706 : i32 to vector<16xi32>
        %add3A_708 = arith.addi %xor3A_55, %add3A_707 : vector<16xi32>
        %select_n3A_709 = arith.select %lt3A_705, %add3A_708, %xor3A_55 : vector<16xi1>, vector<16xi32>
        %broadcast_in_dim3A_710 = vector.shape_cast %select_n3A_709 : vector<16xi32> to vector<16x1xi32>
        %gather3A_711 = vector.shape_cast %broadcast_in_dim3A_710 : vector<16x1xi32> to vector<16xi32>
        %gather3A_712 = tpu.dynamic_gather %add3A_702[%gather3A_711] in [0] : vector<16xf32>, vector<16xi32> -> vector<16xf32>
        %add3A_713 = arith.addf %add3A_702, %gather3A_712 : vector<16xf32>
        %eq3A_714 = arith.constant 3 : i32
        %eq3A_715 = vector.broadcast %eq3A_714 : i32 to vector<16xi32>
        %eq3A_716 = arith.cmpi eq, %iota3A, %eq3A_715 : vector<16xi32>
        %select_n3A_717 = arith.select %eq3A_716, %add3A_713, %select_n3A_669 : vector<16xi1>, vector<16xf32>
        %lt3A_718 = arith.constant 0 : i32
        %lt3A_719 = vector.broadcast %lt3A_718 : i32 to vector<16xi32>
        %lt3A_720 = arith.cmpi slt, %xor3A_46, %lt3A_719 : vector<16xi32>
        %add3A_721 = arith.constant 16 : i32
        %add3A_722 = vector.broadcast %add3A_721 : i32 to vector<16xi32>
        %add3A_723 = arith.addi %xor3A_46, %add3A_722 : vector<16xi32>
        %select_n3A_724 = arith.select %lt3A_720, %add3A_723, %xor3A_46 : vector<16xi1>, vector<16xi32>
        %broadcast_in_dim3A_725 = vector.shape_cast %select_n3A_724 : vector<16xi32> to vector<16x1xi32>
        %gather3A_726 = vector.shape_cast %broadcast_in_dim3A_725 : vector<16x1xi32> to vector<16xi32>
        %gather3A_727 = tpu.dynamic_gather %mul3A_484[%gather3A_726] in [0] : vector<16xf32>, vector<16xi32> -> vector<16xf32>
        %add3A_728 = arith.addf %mul3A_484, %gather3A_727 : vector<16xf32>
        %lt3A_729 = arith.constant 0 : i32
        %lt3A_730 = vector.broadcast %lt3A_729 : i32 to vector<16xi32>
        %lt3A_731 = arith.cmpi slt, %xor3A_49, %lt3A_730 : vector<16xi32>
        %add3A_732 = arith.constant 16 : i32
        %add3A_733 = vector.broadcast %add3A_732 : i32 to vector<16xi32>
        %add3A_734 = arith.addi %xor3A_49, %add3A_733 : vector<16xi32>
        %select_n3A_735 = arith.select %lt3A_731, %add3A_734, %xor3A_49 : vector<16xi1>, vector<16xi32>
        %broadcast_in_dim3A_736 = vector.shape_cast %select_n3A_735 : vector<16xi32> to vector<16x1xi32>
        %gather3A_737 = vector.shape_cast %broadcast_in_dim3A_736 : vector<16x1xi32> to vector<16xi32>
        %gather3A_738 = tpu.dynamic_gather %add3A_728[%gather3A_737] in [0] : vector<16xf32>, vector<16xi32> -> vector<16xf32>
        %add3A_739 = arith.addf %add3A_728, %gather3A_738 : vector<16xf32>
        %lt3A_740 = arith.constant 0 : i32
        %lt3A_741 = vector.broadcast %lt3A_740 : i32 to vector<16xi32>
        %lt3A_742 = arith.cmpi slt, %xor3A_52, %lt3A_741 : vector<16xi32>
        %add3A_743 = arith.constant 16 : i32
        %add3A_744 = vector.broadcast %add3A_743 : i32 to vector<16xi32>
        %add3A_745 = arith.addi %xor3A_52, %add3A_744 : vector<16xi32>
        %select_n3A_746 = arith.select %lt3A_742, %add3A_745, %xor3A_52 : vector<16xi1>, vector<16xi32>
        %broadcast_in_dim3A_747 = vector.shape_cast %select_n3A_746 : vector<16xi32> to vector<16x1xi32>
        %gather3A_748 = vector.shape_cast %broadcast_in_dim3A_747 : vector<16x1xi32> to vector<16xi32>
        %gather3A_749 = tpu.dynamic_gather %add3A_739[%gather3A_748] in [0] : vector<16xf32>, vector<16xi32> -> vector<16xf32>
        %add3A_750 = arith.addf %add3A_739, %gather3A_749 : vector<16xf32>
        %lt3A_751 = arith.constant 0 : i32
        %lt3A_752 = vector.broadcast %lt3A_751 : i32 to vector<16xi32>
        %lt3A_753 = arith.cmpi slt, %xor3A_55, %lt3A_752 : vector<16xi32>
        %add3A_754 = arith.constant 16 : i32
        %add3A_755 = vector.broadcast %add3A_754 : i32 to vector<16xi32>
        %add3A_756 = arith.addi %xor3A_55, %add3A_755 : vector<16xi32>
        %select_n3A_757 = arith.select %lt3A_753, %add3A_756, %xor3A_55 : vector<16xi1>, vector<16xi32>
        %broadcast_in_dim3A_758 = vector.shape_cast %select_n3A_757 : vector<16xi32> to vector<16x1xi32>
        %gather3A_759 = vector.shape_cast %broadcast_in_dim3A_758 : vector<16x1xi32> to vector<16xi32>
        %gather3A_760 = tpu.dynamic_gather %add3A_750[%gather3A_759] in [0] : vector<16xf32>, vector<16xi32> -> vector<16xf32>
        %add3A_761 = arith.addf %add3A_750, %gather3A_760 : vector<16xf32>
        %eq3A_762 = arith.constant 4 : i32
        %eq3A_763 = vector.broadcast %eq3A_762 : i32 to vector<16xi32>
        %eq3A_764 = arith.cmpi eq, %iota3A, %eq3A_763 : vector<16xi32>
        %select_n3A_765 = arith.select %eq3A_764, %add3A_761, %select_n3A_717 : vector<16xi1>, vector<16xf32>
        %lt3A_766 = arith.constant 0 : i32
        %lt3A_767 = vector.broadcast %lt3A_766 : i32 to vector<16xi32>
        %lt3A_768 = arith.cmpi slt, %xor3A_46, %lt3A_767 : vector<16xi32>
        %add3A_769 = arith.constant 16 : i32
        %add3A_770 = vector.broadcast %add3A_769 : i32 to vector<16xi32>
        %add3A_771 = arith.addi %xor3A_46, %add3A_770 : vector<16xi32>
        %select_n3A_772 = arith.select %lt3A_768, %add3A_771, %xor3A_46 : vector<16xi1>, vector<16xi32>
        %broadcast_in_dim3A_773 = vector.shape_cast %select_n3A_772 : vector<16xi32> to vector<16x1xi32>
        %gather3A_774 = vector.shape_cast %broadcast_in_dim3A_773 : vector<16x1xi32> to vector<16xi32>
        %gather3A_775 = tpu.dynamic_gather %mul3A_498[%gather3A_774] in [0] : vector<16xf32>, vector<16xi32> -> vector<16xf32>
        %add3A_776 = arith.addf %mul3A_498, %gather3A_775 : vector<16xf32>
        %lt3A_777 = arith.constant 0 : i32
        %lt3A_778 = vector.broadcast %lt3A_777 : i32 to vector<16xi32>
        %lt3A_779 = arith.cmpi slt, %xor3A_49, %lt3A_778 : vector<16xi32>
        %add3A_780 = arith.constant 16 : i32
        %add3A_781 = vector.broadcast %add3A_780 : i32 to vector<16xi32>
        %add3A_782 = arith.addi %xor3A_49, %add3A_781 : vector<16xi32>
        %select_n3A_783 = arith.select %lt3A_779, %add3A_782, %xor3A_49 : vector<16xi1>, vector<16xi32>
        %broadcast_in_dim3A_784 = vector.shape_cast %select_n3A_783 : vector<16xi32> to vector<16x1xi32>
        %gather3A_785 = vector.shape_cast %broadcast_in_dim3A_784 : vector<16x1xi32> to vector<16xi32>
        %gather3A_786 = tpu.dynamic_gather %add3A_776[%gather3A_785] in [0] : vector<16xf32>, vector<16xi32> -> vector<16xf32>
        %add3A_787 = arith.addf %add3A_776, %gather3A_786 : vector<16xf32>
        %lt3A_788 = arith.constant 0 : i32
        %lt3A_789 = vector.broadcast %lt3A_788 : i32 to vector<16xi32>
        %lt3A_790 = arith.cmpi slt, %xor3A_52, %lt3A_789 : vector<16xi32>
        %add3A_791 = arith.constant 16 : i32
        %add3A_792 = vector.broadcast %add3A_791 : i32 to vector<16xi32>
        %add3A_793 = arith.addi %xor3A_52, %add3A_792 : vector<16xi32>
        %select_n3A_794 = arith.select %lt3A_790, %add3A_793, %xor3A_52 : vector<16xi1>, vector<16xi32>
        %broadcast_in_dim3A_795 = vector.shape_cast %select_n3A_794 : vector<16xi32> to vector<16x1xi32>
        %gather3A_796 = vector.shape_cast %broadcast_in_dim3A_795 : vector<16x1xi32> to vector<16xi32>
        %gather3A_797 = tpu.dynamic_gather %add3A_787[%gather3A_796] in [0] : vector<16xf32>, vector<16xi32> -> vector<16xf32>
        %add3A_798 = arith.addf %add3A_787, %gather3A_797 : vector<16xf32>
        %lt3A_799 = arith.constant 0 : i32
        %lt3A_800 = vector.broadcast %lt3A_799 : i32 to vector<16xi32>
        %lt3A_801 = arith.cmpi slt, %xor3A_55, %lt3A_800 : vector<16xi32>
        %add3A_802 = arith.constant 16 : i32
        %add3A_803 = vector.broadcast %add3A_802 : i32 to vector<16xi32>
        %add3A_804 = arith.addi %xor3A_55, %add3A_803 : vector<16xi32>
        %select_n3A_805 = arith.select %lt3A_801, %add3A_804, %xor3A_55 : vector<16xi1>, vector<16xi32>
        %broadcast_in_dim3A_806 = vector.shape_cast %select_n3A_805 : vector<16xi32> to vector<16x1xi32>
        %gather3A_807 = vector.shape_cast %broadcast_in_dim3A_806 : vector<16x1xi32> to vector<16xi32>
        %gather3A_808 = tpu.dynamic_gather %add3A_798[%gather3A_807] in [0] : vector<16xf32>, vector<16xi32> -> vector<16xf32>
        %add3A_809 = arith.addf %add3A_798, %gather3A_808 : vector<16xf32>
        %eq3A_810 = arith.constant 5 : i32
        %eq3A_811 = vector.broadcast %eq3A_810 : i32 to vector<16xi32>
        %eq3A_812 = arith.cmpi eq, %iota3A, %eq3A_811 : vector<16xi32>
        %select_n3A_813 = arith.select %eq3A_812, %add3A_809, %select_n3A_765 : vector<16xi1>, vector<16xf32>
        %lt3A_814 = arith.constant 0 : i32
        %lt3A_815 = vector.broadcast %lt3A_814 : i32 to vector<16xi32>
        %lt3A_816 = arith.cmpi slt, %xor3A_46, %lt3A_815 : vector<16xi32>
        %add3A_817 = arith.constant 16 : i32
        %add3A_818 = vector.broadcast %add3A_817 : i32 to vector<16xi32>
        %add3A_819 = arith.addi %xor3A_46, %add3A_818 : vector<16xi32>
        %select_n3A_820 = arith.select %lt3A_816, %add3A_819, %xor3A_46 : vector<16xi1>, vector<16xi32>
        %broadcast_in_dim3A_821 = vector.shape_cast %select_n3A_820 : vector<16xi32> to vector<16x1xi32>
        %gather3A_822 = vector.shape_cast %broadcast_in_dim3A_821 : vector<16x1xi32> to vector<16xi32>
        %gather3A_823 = tpu.dynamic_gather %mul3A_512[%gather3A_822] in [0] : vector<16xf32>, vector<16xi32> -> vector<16xf32>
        %add3A_824 = arith.addf %mul3A_512, %gather3A_823 : vector<16xf32>
        %lt3A_825 = arith.constant 0 : i32
        %lt3A_826 = vector.broadcast %lt3A_825 : i32 to vector<16xi32>
        %lt3A_827 = arith.cmpi slt, %xor3A_49, %lt3A_826 : vector<16xi32>
        %add3A_828 = arith.constant 16 : i32
        %add3A_829 = vector.broadcast %add3A_828 : i32 to vector<16xi32>
        %add3A_830 = arith.addi %xor3A_49, %add3A_829 : vector<16xi32>
        %select_n3A_831 = arith.select %lt3A_827, %add3A_830, %xor3A_49 : vector<16xi1>, vector<16xi32>
        %broadcast_in_dim3A_832 = vector.shape_cast %select_n3A_831 : vector<16xi32> to vector<16x1xi32>
        %gather3A_833 = vector.shape_cast %broadcast_in_dim3A_832 : vector<16x1xi32> to vector<16xi32>
        %gather3A_834 = tpu.dynamic_gather %add3A_824[%gather3A_833] in [0] : vector<16xf32>, vector<16xi32> -> vector<16xf32>
        %add3A_835 = arith.addf %add3A_824, %gather3A_834 : vector<16xf32>
        %lt3A_836 = arith.constant 0 : i32
        %lt3A_837 = vector.broadcast %lt3A_836 : i32 to vector<16xi32>
        %lt3A_838 = arith.cmpi slt, %xor3A_52, %lt3A_837 : vector<16xi32>
        %add3A_839 = arith.constant 16 : i32
        %add3A_840 = vector.broadcast %add3A_839 : i32 to vector<16xi32>
        %add3A_841 = arith.addi %xor3A_52, %add3A_840 : vector<16xi32>
        %select_n3A_842 = arith.select %lt3A_838, %add3A_841, %xor3A_52 : vector<16xi1>, vector<16xi32>
        %broadcast_in_dim3A_843 = vector.shape_cast %select_n3A_842 : vector<16xi32> to vector<16x1xi32>
        %gather3A_844 = vector.shape_cast %broadcast_in_dim3A_843 : vector<16x1xi32> to vector<16xi32>
        %gather3A_845 = tpu.dynamic_gather %add3A_835[%gather3A_844] in [0] : vector<16xf32>, vector<16xi32> -> vector<16xf32>
        %add3A_846 = arith.addf %add3A_835, %gather3A_845 : vector<16xf32>
        %lt3A_847 = arith.constant 0 : i32
        %lt3A_848 = vector.broadcast %lt3A_847 : i32 to vector<16xi32>
        %lt3A_849 = arith.cmpi slt, %xor3A_55, %lt3A_848 : vector<16xi32>
        %add3A_850 = arith.constant 16 : i32
        %add3A_851 = vector.broadcast %add3A_850 : i32 to vector<16xi32>
        %add3A_852 = arith.addi %xor3A_55, %add3A_851 : vector<16xi32>
        %select_n3A_853 = arith.select %lt3A_849, %add3A_852, %xor3A_55 : vector<16xi1>, vector<16xi32>
        %broadcast_in_dim3A_854 = vector.shape_cast %select_n3A_853 : vector<16xi32> to vector<16x1xi32>
        %gather3A_855 = vector.shape_cast %broadcast_in_dim3A_854 : vector<16x1xi32> to vector<16xi32>
        %gather3A_856 = tpu.dynamic_gather %add3A_846[%gather3A_855] in [0] : vector<16xf32>, vector<16xi32> -> vector<16xf32>
        %add3A_857 = arith.addf %add3A_846, %gather3A_856 : vector<16xf32>
        %eq3A_858 = arith.constant 6 : i32
        %eq3A_859 = vector.broadcast %eq3A_858 : i32 to vector<16xi32>
        %eq3A_860 = arith.cmpi eq, %iota3A, %eq3A_859 : vector<16xi32>
        %select_n3A_861 = arith.select %eq3A_860, %add3A_857, %select_n3A_813 : vector<16xi1>, vector<16xf32>
        %lt3A_862 = arith.constant 0 : i32
        %lt3A_863 = vector.broadcast %lt3A_862 : i32 to vector<16xi32>
        %lt3A_864 = arith.cmpi slt, %xor3A_46, %lt3A_863 : vector<16xi32>
        %add3A_865 = arith.constant 16 : i32
        %add3A_866 = vector.broadcast %add3A_865 : i32 to vector<16xi32>
        %add3A_867 = arith.addi %xor3A_46, %add3A_866 : vector<16xi32>
        %select_n3A_868 = arith.select %lt3A_864, %add3A_867, %xor3A_46 : vector<16xi1>, vector<16xi32>
        %broadcast_in_dim3A_869 = vector.shape_cast %select_n3A_868 : vector<16xi32> to vector<16x1xi32>
        %gather3A_870 = vector.shape_cast %broadcast_in_dim3A_869 : vector<16x1xi32> to vector<16xi32>
        %gather3A_871 = tpu.dynamic_gather %mul3A_526[%gather3A_870] in [0] : vector<16xf32>, vector<16xi32> -> vector<16xf32>
        %add3A_872 = arith.addf %mul3A_526, %gather3A_871 : vector<16xf32>
        %lt3A_873 = arith.constant 0 : i32
        %lt3A_874 = vector.broadcast %lt3A_873 : i32 to vector<16xi32>
        %lt3A_875 = arith.cmpi slt, %xor3A_49, %lt3A_874 : vector<16xi32>
        %add3A_876 = arith.constant 16 : i32
        %add3A_877 = vector.broadcast %add3A_876 : i32 to vector<16xi32>
        %add3A_878 = arith.addi %xor3A_49, %add3A_877 : vector<16xi32>
        %select_n3A_879 = arith.select %lt3A_875, %add3A_878, %xor3A_49 : vector<16xi1>, vector<16xi32>
        %broadcast_in_dim3A_880 = vector.shape_cast %select_n3A_879 : vector<16xi32> to vector<16x1xi32>
        %gather3A_881 = vector.shape_cast %broadcast_in_dim3A_880 : vector<16x1xi32> to vector<16xi32>
        %gather3A_882 = tpu.dynamic_gather %add3A_872[%gather3A_881] in [0] : vector<16xf32>, vector<16xi32> -> vector<16xf32>
        %add3A_883 = arith.addf %add3A_872, %gather3A_882 : vector<16xf32>
        %lt3A_884 = arith.constant 0 : i32
        %lt3A_885 = vector.broadcast %lt3A_884 : i32 to vector<16xi32>
        %lt3A_886 = arith.cmpi slt, %xor3A_52, %lt3A_885 : vector<16xi32>
        %add3A_887 = arith.constant 16 : i32
        %add3A_888 = vector.broadcast %add3A_887 : i32 to vector<16xi32>
        %add3A_889 = arith.addi %xor3A_52, %add3A_888 : vector<16xi32>
        %select_n3A_890 = arith.select %lt3A_886, %add3A_889, %xor3A_52 : vector<16xi1>, vector<16xi32>
        %broadcast_in_dim3A_891 = vector.shape_cast %select_n3A_890 : vector<16xi32> to vector<16x1xi32>
        %gather3A_892 = vector.shape_cast %broadcast_in_dim3A_891 : vector<16x1xi32> to vector<16xi32>
        %gather3A_893 = tpu.dynamic_gather %add3A_883[%gather3A_892] in [0] : vector<16xf32>, vector<16xi32> -> vector<16xf32>
        %add3A_894 = arith.addf %add3A_883, %gather3A_893 : vector<16xf32>
        %lt3A_895 = arith.constant 0 : i32
        %lt3A_896 = vector.broadcast %lt3A_895 : i32 to vector<16xi32>
        %lt3A_897 = arith.cmpi slt, %xor3A_55, %lt3A_896 : vector<16xi32>
        %add3A_898 = arith.constant 16 : i32
        %add3A_899 = vector.broadcast %add3A_898 : i32 to vector<16xi32>
        %add3A_900 = arith.addi %xor3A_55, %add3A_899 : vector<16xi32>
        %select_n3A_901 = arith.select %lt3A_897, %add3A_900, %xor3A_55 : vector<16xi1>, vector<16xi32>
        %broadcast_in_dim3A_902 = vector.shape_cast %select_n3A_901 : vector<16xi32> to vector<16x1xi32>
        %gather3A_903 = vector.shape_cast %broadcast_in_dim3A_902 : vector<16x1xi32> to vector<16xi32>
        %gather3A_904 = tpu.dynamic_gather %add3A_894[%gather3A_903] in [0] : vector<16xf32>, vector<16xi32> -> vector<16xf32>
        %add3A_905 = arith.addf %add3A_894, %gather3A_904 : vector<16xf32>
        %eq3A_906 = arith.constant 7 : i32
        %eq3A_907 = vector.broadcast %eq3A_906 : i32 to vector<16xi32>
        %eq3A_908 = arith.cmpi eq, %iota3A, %eq3A_907 : vector<16xi32>
        %select_n3A_909 = arith.select %eq3A_908, %add3A_905, %select_n3A_861 : vector<16xi1>, vector<16xf32>
        %exp3A = math.exp %select_n3A_909 : vector<16xf32>
        %jit3A_910 = arith.constant 0.000000e+00 : f32
        %broadcast_in_dim3A_911 = vector.broadcast %jit3A_910 : f32 to vector<16xf32>
        %select_n3A_912 = arith.select %lt3A_44, %exp3A, %broadcast_in_dim3A_911 : vector<16xi1>, vector<16xf32>
        %slice3A = vector.extract_strided_slice %select_n3A_912 {offsets = [0], sizes = [1], strides = [1]} : vector<16xf32> to vector<1xf32>
        %squeeze3A = vector.extract %slice3A[0] : f32 from vector<1xf32>
        %mul3A_913 = vector.broadcast %squeeze3A : f32 to vector<16xf32>
        %mul3A_914 = arith.mulf %get3A_419, %mul3A_913 : vector<16xf32>
        %swap3A = arith.index_cast %add3A_415 : i32 to index
        %swap3A_915 = arith.constant 0 : index
        %swap3A_916 = tpu.vector_load %arg21[%swap3A, %swap3A_915] {strides = array<i32>} : memref<80x128xf32, #tpu.memory_space<vmem>>, vector<1x16xf32>,
        %swap3A_917 = vector.shape_cast %swap3A_916 : vector<1x16xf32> to vector<16xf32>
        %swap3A_918 = vector.shape_cast %mul3A_914 : vector<16xf32> to vector<1x16xf32>
        tpu.vector_store %arg21[%swap3A, %swap3A_915], %swap3A_918 {strides = array<i32>} : memref<80x128xf32, #tpu.memory_space<vmem>>, vector<1x16xf32>,
        %slice3A_919 = vector.extract_strided_slice %select_n3A_912 {offsets = [1], sizes = [1], strides = [1]} : vector<16xf32> to vector<1xf32>
        %squeeze3A_920 = vector.extract %slice3A_919[0] : f32 from vector<1xf32>
        %mul3A_921 = vector.broadcast %squeeze3A_920 : f32 to vector<16xf32>
        %mul3A_922 = arith.mulf %get3A_432, %mul3A_921 : vector<16xf32>
        %swap3A_923 = arith.index_cast %add3A_415 : i32 to index
        %swap3A_924 = arith.constant 16 : index
        %swap3A_925 = tpu.vector_load %arg21[%swap3A_923, %swap3A_924] {strides = array<i32>} : memref<80x128xf32, #tpu.memory_space<vmem>>, vector<1x16xf32>,
        %swap3A_926 = vector.shape_cast %swap3A_925 : vector<1x16xf32> to vector<16xf32>
        %swap3A_927 = vector.shape_cast %mul3A_922 : vector<16xf32> to vector<1x16xf32>
        tpu.vector_store %arg21[%swap3A_923, %swap3A_924], %swap3A_927 {strides = array<i32>} : memref<80x128xf32, #tpu.memory_space<vmem>>, vector<1x16xf32>,
        %slice3A_928 = vector.extract_strided_slice %select_n3A_912 {offsets = [2], sizes = [1], strides = [1]} : vector<16xf32> to vector<1xf32>
        %squeeze3A_929 = vector.extract %slice3A_928[0] : f32 from vector<1xf32>
        %mul3A_930 = vector.broadcast %squeeze3A_929 : f32 to vector<16xf32>
        %mul3A_931 = arith.mulf %get3A_446, %mul3A_930 : vector<16xf32>
        %swap3A_932 = arith.index_cast %add3A_415 : i32 to index
        %swap3A_933 = arith.constant 32 : index
        %swap3A_934 = tpu.vector_load %arg21[%swap3A_932, %swap3A_933] {strides = array<i32>} : memref<80x128xf32, #tpu.memory_space<vmem>>, vector<1x16xf32>,
        %swap3A_935 = vector.shape_cast %swap3A_934 : vector<1x16xf32> to vector<16xf32>
        %swap3A_936 = vector.shape_cast %mul3A_931 : vector<16xf32> to vector<1x16xf32>
        tpu.vector_store %arg21[%swap3A_932, %swap3A_933], %swap3A_936 {strides = array<i32>} : memref<80x128xf32, #tpu.memory_space<vmem>>, vector<1x16xf32>,
        %slice3A_937 = vector.extract_strided_slice %select_n3A_912 {offsets = [3], sizes = [1], strides = [1]} : vector<16xf32> to vector<1xf32>
        %squeeze3A_938 = vector.extract %slice3A_937[0] : f32 from vector<1xf32>
        %mul3A_939 = vector.broadcast %squeeze3A_938 : f32 to vector<16xf32>
        %mul3A_940 = arith.mulf %get3A_460, %mul3A_939 : vector<16xf32>
        %swap3A_941 = arith.index_cast %add3A_415 : i32 to index
        %swap3A_942 = arith.constant 48 : index
        %swap3A_943 = tpu.vector_load %arg21[%swap3A_941, %swap3A_942] {strides = array<i32>} : memref<80x128xf32, #tpu.memory_space<vmem>>, vector<1x16xf32>,
        %swap3A_944 = vector.shape_cast %swap3A_943 : vector<1x16xf32> to vector<16xf32>
        %swap3A_945 = vector.shape_cast %mul3A_940 : vector<16xf32> to vector<1x16xf32>
        tpu.vector_store %arg21[%swap3A_941, %swap3A_942], %swap3A_945 {strides = array<i32>} : memref<80x128xf32, #tpu.memory_space<vmem>>, vector<1x16xf32>,
        %slice3A_946 = vector.extract_strided_slice %select_n3A_912 {offsets = [4], sizes = [1], strides = [1]} : vector<16xf32> to vector<1xf32>
        %squeeze3A_947 = vector.extract %slice3A_946[0] : f32 from vector<1xf32>
        %mul3A_948 = vector.broadcast %squeeze3A_947 : f32 to vector<16xf32>
        %mul3A_949 = arith.mulf %get3A_474, %mul3A_948 : vector<16xf32>
        %swap3A_950 = arith.index_cast %add3A_415 : i32 to index
        %swap3A_951 = arith.constant 64 : index
        %swap3A_952 = tpu.vector_load %arg21[%swap3A_950, %swap3A_951] {strides = array<i32>} : memref<80x128xf32, #tpu.memory_space<vmem>>, vector<1x16xf32>,
        %swap3A_953 = vector.shape_cast %swap3A_952 : vector<1x16xf32> to vector<16xf32>
        %swap3A_954 = vector.shape_cast %mul3A_949 : vector<16xf32> to vector<1x16xf32>
        tpu.vector_store %arg21[%swap3A_950, %swap3A_951], %swap3A_954 {strides = array<i32>} : memref<80x128xf32, #tpu.memory_space<vmem>>, vector<1x16xf32>,
        %slice3A_955 = vector.extract_strided_slice %select_n3A_912 {offsets = [5], sizes = [1], strides = [1]} : vector<16xf32> to vector<1xf32>
        %squeeze3A_956 = vector.extract %slice3A_955[0] : f32 from vector<1xf32>
        %mul3A_957 = vector.broadcast %squeeze3A_956 : f32 to vector<16xf32>
        %mul3A_958 = arith.mulf %get3A_488, %mul3A_957 : vector<16xf32>
        %swap3A_959 = arith.index_cast %add3A_415 : i32 to index
        %swap3A_960 = arith.constant 80 : index
        %swap3A_961 = tpu.vector_load %arg21[%swap3A_959, %swap3A_960] {strides = array<i32>} : memref<80x128xf32, #tpu.memory_space<vmem>>, vector<1x16xf32>,
        %swap3A_962 = vector.shape_cast %swap3A_961 : vector<1x16xf32> to vector<16xf32>
        %swap3A_963 = vector.shape_cast %mul3A_958 : vector<16xf32> to vector<1x16xf32>
        tpu.vector_store %arg21[%swap3A_959, %swap3A_960], %swap3A_963 {strides = array<i32>} : memref<80x128xf32, #tpu.memory_space<vmem>>, vector<1x16xf32>,
        %slice3A_964 = vector.extract_strided_slice %select_n3A_912 {offsets = [6], sizes = [1], strides = [1]} : vector<16xf32> to vector<1xf32>
        %squeeze3A_965 = vector.extract %slice3A_964[0] : f32 from vector<1xf32>
        %mul3A_966 = vector.broadcast %squeeze3A_965 : f32 to vector<16xf32>
        %mul3A_967 = arith.mulf %get3A_502, %mul3A_966 : vector<16xf32>
        %swap3A_968 = arith.index_cast %add3A_415 : i32 to index
        %swap3A_969 = arith.constant 96 : index
        %swap3A_970 = tpu.vector_load %arg21[%swap3A_968, %swap3A_969] {strides = array<i32>} : memref<80x128xf32, #tpu.memory_space<vmem>>, vector<1x16xf32>,
        %swap3A_971 = vector.shape_cast %swap3A_970 : vector<1x16xf32> to vector<16xf32>
        %swap3A_972 = vector.shape_cast %mul3A_967 : vector<16xf32> to vector<1x16xf32>
        tpu.vector_store %arg21[%swap3A_968, %swap3A_969], %swap3A_972 {strides = array<i32>} : memref<80x128xf32, #tpu.memory_space<vmem>>, vector<1x16xf32>,
        %slice3A_973 = vector.extract_strided_slice %select_n3A_912 {offsets = [7], sizes = [1], strides = [1]} : vector<16xf32> to vector<1xf32>
        %squeeze3A_974 = vector.extract %slice3A_973[0] : f32 from vector<1xf32>
        %mul3A_975 = vector.broadcast %squeeze3A_974 : f32 to vector<16xf32>
        %mul3A_976 = arith.mulf %get3A_516, %mul3A_975 : vector<16xf32>
        %swap3A_977 = arith.index_cast %add3A_415 : i32 to index
        %swap3A_978 = arith.constant 112 : index
        %swap3A_979 = tpu.vector_load %arg21[%swap3A_977, %swap3A_978] {strides = array<i32>} : memref<80x128xf32, #tpu.memory_space<vmem>>, vector<1x16xf32>,
        %swap3A_980 = vector.shape_cast %swap3A_979 : vector<1x16xf32> to vector<16xf32>
        %swap3A_981 = vector.shape_cast %mul3A_976 : vector<16xf32> to vector<1x16xf32>
        tpu.vector_store %arg21[%swap3A_977, %swap3A_978], %swap3A_981 {strides = array<i32>} : memref<80x128xf32, #tpu.memory_space<vmem>>, vector<1x16xf32>,
        %jit3A_982 = arith.constant 16 : i32
        %div3A_983 = arith.divsi %scan3A_412, %jit3A_982 : i32
        %sign3A_984 = arith.constant 0 : i32
        %sign3A_985 = arith.cmpi sgt, %scan3A_412, %sign3A_984 : i32
        %sign3A_986 = arith.extui %sign3A_985 : i1 to i32
        %sign3A_987 = arith.constant 0 : i32
        %sign3A_988 = arith.cmpi slt, %scan3A_412, %sign3A_987 : i32
        %sign3A_989 = arith.extui %sign3A_988 : i1 to i32
        %sign3A_990 = arith.subi %sign3A_986, %sign3A_989 : i32
        %sign3A_991 = arith.constant 0 : i32
        %sign3A_992 = arith.cmpi sgt, %jit3A_982, %sign3A_991 : i32
        %sign3A_993 = arith.extui %sign3A_992 : i1 to i32
        %sign3A_994 = arith.constant 0 : i32
        %sign3A_995 = arith.cmpi slt, %jit3A_982, %sign3A_994 : i32
        %sign3A_996 = arith.extui %sign3A_995 : i1 to i32
        %sign3A_997 = arith.subi %sign3A_993, %sign3A_996 : i32
        %ne3A_998 = arith.cmpi ne, %sign3A_990, %sign3A_997 : i32
        %rem3A_999 = arith.remsi %scan3A_412, %jit3A_982 : i32
        %ne3A_1000 = arith.constant 0 : i32
        %ne3A_1001 = arith.cmpi ne, %rem3A_999, %ne3A_1000 : i32
        %and3A_1002 = arith.andi %ne3A_998, %ne3A_1001 : i1
        %sub3A_1003 = arith.constant 1 : i32
        %sub3A_1004 = arith.subi %div3A_983, %sub3A_1003 : i32
        %select_n3A_1005 = arith.select %and3A_1002, %sub3A_1004, %div3A_983 : i32
        %mul3A_1006 = arith.constant 16 : i32
        %mul3A_1007 = arith.muli %select_n3A_1005, %mul3A_1006 : i32
        %multiple_of3A_1008 = tpu.assume_multiple %mul3A_1007, 8 : i32
        %get3A_1009 = arith.index_cast %multiple_of3A_1008 : i32 to index
        %get3A_1010 = tpu.vector_load %arg19[%get3A_1009] {strides = array<i32>} : memref<48xi32, #tpu.memory_space<vmem>>, vector<16xi32>,
        %get3A_1011 = vector.shape_cast %get3A_1010 : vector<16xi32> to vector<16xi32>
        %mul3A_1012 = arith.constant 0 : i32
        %mul3A_1013 = vector.broadcast %mul3A_1012 : i32 to vector<16xi32>
        %mul3A_1014 = arith.muli %iota3A, %mul3A_1013 : vector<16xi32>
        %sub3A_1015 = arith.subi %scan3A_412, %multiple_of3A_1008 : i32
        %add3A_1016 = vector.broadcast %sub3A_1015 : i32 to vector<16xi32>
        %add3A_1017 = arith.addi %mul3A_1014, %add3A_1016 : vector<16xi32>
        %lt3A_1018 = arith.constant 0 : i32
        %lt3A_1019 = vector.broadcast %lt3A_1018 : i32 to vector<16xi32>
        %lt3A_1020 = arith.cmpi slt, %add3A_1017, %lt3A_1019 : vector<16xi32>
        %add3A_1021 = arith.constant 16 : i32
        %add3A_1022 = vector.broadcast %add3A_1021 : i32 to vector<16xi32>
        %add3A_1023 = arith.addi %add3A_1017, %add3A_1022 : vector<16xi32>
        %select_n3A_1024 = arith.select %lt3A_1020, %add3A_1023, %add3A_1017 : vector<16xi1>, vector<16xi32>
        %broadcast_in_dim3A_1025 = vector.shape_cast %select_n3A_1024 : vector<16xi32> to vector<16x1xi32>
        %gather3A_1026 = vector.shape_cast %broadcast_in_dim3A_1025 : vector<16x1xi32> to vector<16xi32>
        %gather3A_1027 = tpu.dynamic_gather %get3A_1011[%gather3A_1026] in [0] : vector<16xi32>, vector<16xi32> -> vector<16xi32>
        %convert_element_type3A = arith.sitofp %gather3A_1027 : vector<16xi32> to vector<16xf32>
        %sub3A_1028 = arith.constant 0.000000e+00 : f32
        %sub3A_1029 = vector.broadcast %sub3A_1028 : f32 to vector<16xf32>
        %sub3A_1030 = arith.subf %convert_element_type3A, %sub3A_1029 : vector<16xf32>
        %abs3A = math.absf %sub3A_1030 : vector<16xf32>
        %sub3A_1031 = arith.constant 1.000000e+00 : f32
        %sub3A_1032 = vector.broadcast %sub3A_1031 : f32 to vector<16xf32>
        %sub3A_1033 = arith.subf %sub3A_1032, %abs3A : vector<16xf32>
        %max3A_1034 = arith.constant 0.000000e+00 : f32
        %max3A_1035 = vector.broadcast %max3A_1034 : f32 to vector<16xf32>
        %max3A_1036 = arith.maximumf %max3A_1035, %sub3A_1033 : vector<16xf32>
        %mul3A_1037 = arith.mulf %select_n3A_912, %max3A_1036 : vector<16xf32>
        %swap3A_1038 = arith.index_cast %add3A_415 : i32 to index
        %swap3A_1039 = arith.constant 0 : index
        %swap3A_1040 = tpu.vector_load %arg20[%swap3A_1038, %swap3A_1039] {strides = array<i32>} : memref<80x128xf32, #tpu.memory_space<vmem>>, vector<1x16xf32>,
        %swap3A_1041 = vector.shape_cast %swap3A_1040 : vector<1x16xf32> to vector<16xf32>
        %swap3A_1042 = vector.shape_cast %mul3A_1037 : vector<16xf32> to vector<1x16xf32>
        tpu.vector_store %arg20[%swap3A_1038, %swap3A_1039], %swap3A_1042 {strides = array<i32>} : memref<80x128xf32, #tpu.memory_space<vmem>>, vector<1x16xf32>,
        %sub3A_1043 = arith.constant 1.000000e+00 : f32
        %sub3A_1044 = vector.broadcast %sub3A_1043 : f32 to vector<16xf32>
        %sub3A_1045 = arith.subf %convert_element_type3A, %sub3A_1044 : vector<16xf32>
        %abs3A_1046 = math.absf %sub3A_1045 : vector<16xf32>
        %sub3A_1047 = arith.constant 1.000000e+00 : f32
        %sub3A_1048 = vector.broadcast %sub3A_1047 : f32 to vector<16xf32>
        %sub3A_1049 = arith.subf %sub3A_1048, %abs3A_1046 : vector<16xf32>
        %max3A_1050 = arith.constant 0.000000e+00 : f32
        %max3A_1051 = vector.broadcast %max3A_1050 : f32 to vector<16xf32>
        %max3A_1052 = arith.maximumf %max3A_1051, %sub3A_1049 : vector<16xf32>
        %mul3A_1053 = arith.mulf %select_n3A_912, %max3A_1052 : vector<16xf32>
        %swap3A_1054 = arith.index_cast %add3A_415 : i32 to index
        %swap3A_1055 = arith.constant 16 : index
        %swap3A_1056 = tpu.vector_load %arg20[%swap3A_1054, %swap3A_1055] {strides = array<i32>} : memref<80x128xf32, #tpu.memory_space<vmem>>, vector<1x16xf32>,
        %swap3A_1057 = vector.shape_cast %swap3A_1056 : vector<1x16xf32> to vector<16xf32>
        %swap3A_1058 = vector.shape_cast %mul3A_1053 : vector<16xf32> to vector<1x16xf32>
        tpu.vector_store %arg20[%swap3A_1054, %swap3A_1055], %swap3A_1058 {strides = array<i32>} : memref<80x128xf32, #tpu.memory_space<vmem>>, vector<1x16xf32>,
        %sub3A_1059 = arith.constant 2.000000e+00 : f32
        %sub3A_1060 = vector.broadcast %sub3A_1059 : f32 to vector<16xf32>
        %sub3A_1061 = arith.subf %convert_element_type3A, %sub3A_1060 : vector<16xf32>
        %abs3A_1062 = math.absf %sub3A_1061 : vector<16xf32>
        %sub3A_1063 = arith.constant 1.000000e+00 : f32
        %sub3A_1064 = vector.broadcast %sub3A_1063 : f32 to vector<16xf32>
        %sub3A_1065 = arith.subf %sub3A_1064, %abs3A_1062 : vector<16xf32>
        %max3A_1066 = arith.constant 0.000000e+00 : f32
        %max3A_1067 = vector.broadcast %max3A_1066 : f32 to vector<16xf32>
        %max3A_1068 = arith.maximumf %max3A_1067, %sub3A_1065 : vector<16xf32>
        %mul3A_1069 = arith.mulf %select_n3A_912, %max3A_1068 : vector<16xf32>
        %swap3A_1070 = arith.index_cast %add3A_415 : i32 to index
        %swap3A_1071 = arith.constant 32 : index
        %swap3A_1072 = tpu.vector_load %arg20[%swap3A_1070, %swap3A_1071] {strides = array<i32>} : memref<80x128xf32, #tpu.memory_space<vmem>>, vector<1x16xf32>,
        %swap3A_1073 = vector.shape_cast %swap3A_1072 : vector<1x16xf32> to vector<16xf32>
        %swap3A_1074 = vector.shape_cast %mul3A_1069 : vector<16xf32> to vector<1x16xf32>
        tpu.vector_store %arg20[%swap3A_1070, %swap3A_1071], %swap3A_1074 {strides = array<i32>} : memref<80x128xf32, #tpu.memory_space<vmem>>, vector<1x16xf32>,
        %sub3A_1075 = arith.constant 3.000000e+00 : f32
        %sub3A_1076 = vector.broadcast %sub3A_1075 : f32 to vector<16xf32>
        %sub3A_1077 = arith.subf %convert_element_type3A, %sub3A_1076 : vector<16xf32>
        %abs3A_1078 = math.absf %sub3A_1077 : vector<16xf32>
        %sub3A_1079 = arith.constant 1.000000e+00 : f32
        %sub3A_1080 = vector.broadcast %sub3A_1079 : f32 to vector<16xf32>
        %sub3A_1081 = arith.subf %sub3A_1080, %abs3A_1078 : vector<16xf32>
        %max3A_1082 = arith.constant 0.000000e+00 : f32
        %max3A_1083 = vector.broadcast %max3A_1082 : f32 to vector<16xf32>
        %max3A_1084 = arith.maximumf %max3A_1083, %sub3A_1081 : vector<16xf32>
        %mul3A_1085 = arith.mulf %select_n3A_912, %max3A_1084 : vector<16xf32>
        %swap3A_1086 = arith.index_cast %add3A_415 : i32 to index
        %swap3A_1087 = arith.constant 48 : index
        %swap3A_1088 = tpu.vector_load %arg20[%swap3A_1086, %swap3A_1087] {strides = array<i32>} : memref<80x128xf32, #tpu.memory_space<vmem>>, vector<1x16xf32>,
        %swap3A_1089 = vector.shape_cast %swap3A_1088 : vector<1x16xf32> to vector<16xf32>
        %swap3A_1090 = vector.shape_cast %mul3A_1085 : vector<16xf32> to vector<1x16xf32>
        tpu.vector_store %arg20[%swap3A_1086, %swap3A_1087], %swap3A_1090 {strides = array<i32>} : memref<80x128xf32, #tpu.memory_space<vmem>>, vector<1x16xf32>,
        %sub3A_1091 = arith.constant 4.000000e+00 : f32
        %sub3A_1092 = vector.broadcast %sub3A_1091 : f32 to vector<16xf32>
        %sub3A_1093 = arith.subf %convert_element_type3A, %sub3A_1092 : vector<16xf32>
        %abs3A_1094 = math.absf %sub3A_1093 : vector<16xf32>
        %sub3A_1095 = arith.constant 1.000000e+00 : f32
        %sub3A_1096 = vector.broadcast %sub3A_1095 : f32 to vector<16xf32>
        %sub3A_1097 = arith.subf %sub3A_1096, %abs3A_1094 : vector<16xf32>
        %max3A_1098 = arith.constant 0.000000e+00 : f32
        %max3A_1099 = vector.broadcast %max3A_1098 : f32 to vector<16xf32>
        %max3A_1100 = arith.maximumf %max3A_1099, %sub3A_1097 : vector<16xf32>
        %mul3A_1101 = arith.mulf %select_n3A_912, %max3A_1100 : vector<16xf32>
        %swap3A_1102 = arith.index_cast %add3A_415 : i32 to index
        %swap3A_1103 = arith.constant 64 : index
        %swap3A_1104 = tpu.vector_load %arg20[%swap3A_1102, %swap3A_1103] {strides = array<i32>} : memref<80x128xf32, #tpu.memory_space<vmem>>, vector<1x16xf32>,
        %swap3A_1105 = vector.shape_cast %swap3A_1104 : vector<1x16xf32> to vector<16xf32>
        %swap3A_1106 = vector.shape_cast %mul3A_1101 : vector<16xf32> to vector<1x16xf32>
        tpu.vector_store %arg20[%swap3A_1102, %swap3A_1103], %swap3A_1106 {strides = array<i32>} : memref<80x128xf32, #tpu.memory_space<vmem>>, vector<1x16xf32>,
        %sub3A_1107 = arith.constant 5.000000e+00 : f32
        %sub3A_1108 = vector.broadcast %sub3A_1107 : f32 to vector<16xf32>
        %sub3A_1109 = arith.subf %convert_element_type3A, %sub3A_1108 : vector<16xf32>
        %abs3A_1110 = math.absf %sub3A_1109 : vector<16xf32>
        %sub3A_1111 = arith.constant 1.000000e+00 : f32
        %sub3A_1112 = vector.broadcast %sub3A_1111 : f32 to vector<16xf32>
        %sub3A_1113 = arith.subf %sub3A_1112, %abs3A_1110 : vector<16xf32>
        %max3A_1114 = arith.constant 0.000000e+00 : f32
        %max3A_1115 = vector.broadcast %max3A_1114 : f32 to vector<16xf32>
        %max3A_1116 = arith.maximumf %max3A_1115, %sub3A_1113 : vector<16xf32>
        %mul3A_1117 = arith.mulf %select_n3A_912, %max3A_1116 : vector<16xf32>
        %swap3A_1118 = arith.index_cast %add3A_415 : i32 to index
        %swap3A_1119 = arith.constant 80 : index
        %swap3A_1120 = tpu.vector_load %arg20[%swap3A_1118, %swap3A_1119] {strides = array<i32>} : memref<80x128xf32, #tpu.memory_space<vmem>>, vector<1x16xf32>,
        %swap3A_1121 = vector.shape_cast %swap3A_1120 : vector<1x16xf32> to vector<16xf32>
        %swap3A_1122 = vector.shape_cast %mul3A_1117 : vector<16xf32> to vector<1x16xf32>
        tpu.vector_store %arg20[%swap3A_1118, %swap3A_1119], %swap3A_1122 {strides = array<i32>} : memref<80x128xf32, #tpu.memory_space<vmem>>, vector<1x16xf32>,
        %sub3A_1123 = arith.constant 6.000000e+00 : f32
        %sub3A_1124 = vector.broadcast %sub3A_1123 : f32 to vector<16xf32>
        %sub3A_1125 = arith.subf %convert_element_type3A, %sub3A_1124 : vector<16xf32>
        %abs3A_1126 = math.absf %sub3A_1125 : vector<16xf32>
        %sub3A_1127 = arith.constant 1.000000e+00 : f32
        %sub3A_1128 = vector.broadcast %sub3A_1127 : f32 to vector<16xf32>
        %sub3A_1129 = arith.subf %sub3A_1128, %abs3A_1126 : vector<16xf32>
        %max3A_1130 = arith.constant 0.000000e+00 : f32
        %max3A_1131 = vector.broadcast %max3A_1130 : f32 to vector<16xf32>
        %max3A_1132 = arith.maximumf %max3A_1131, %sub3A_1129 : vector<16xf32>
        %mul3A_1133 = arith.mulf %select_n3A_912, %max3A_1132 : vector<16xf32>
        %swap3A_1134 = arith.index_cast %add3A_415 : i32 to index
        %swap3A_1135 = arith.constant 96 : index
        %swap3A_1136 = tpu.vector_load %arg20[%swap3A_1134, %swap3A_1135] {strides = array<i32>} : memref<80x128xf32, #tpu.memory_space<vmem>>, vector<1x16xf32>,
        %swap3A_1137 = vector.shape_cast %swap3A_1136 : vector<1x16xf32> to vector<16xf32>
        %swap3A_1138 = vector.shape_cast %mul3A_1133 : vector<16xf32> to vector<1x16xf32>
        tpu.vector_store %arg20[%swap3A_1134, %swap3A_1135], %swap3A_1138 {strides = array<i32>} : memref<80x128xf32, #tpu.memory_space<vmem>>, vector<1x16xf32>,
        %sub3A_1139 = arith.constant 7.000000e+00 : f32
        %sub3A_1140 = vector.broadcast %sub3A_1139 : f32 to vector<16xf32>
        %sub3A_1141 = arith.subf %convert_element_type3A, %sub3A_1140 : vector<16xf32>
        %abs3A_1142 = math.absf %sub3A_1141 : vector<16xf32>
        %sub3A_1143 = arith.constant 1.000000e+00 : f32
        %sub3A_1144 = vector.broadcast %sub3A_1143 : f32 to vector<16xf32>
        %sub3A_1145 = arith.subf %sub3A_1144, %abs3A_1142 : vector<16xf32>
        %max3A_1146 = arith.constant 0.000000e+00 : f32
        %max3A_1147 = vector.broadcast %max3A_1146 : f32 to vector<16xf32>
        %max3A_1148 = arith.maximumf %max3A_1147, %sub3A_1145 : vector<16xf32>
        %mul3A_1149 = arith.mulf %select_n3A_912, %max3A_1148 : vector<16xf32>
        %swap3A_1150 = arith.index_cast %add3A_415 : i32 to index
        %swap3A_1151 = arith.constant 112 : index
        %swap3A_1152 = tpu.vector_load %arg20[%swap3A_1150, %swap3A_1151] {strides = array<i32>} : memref<80x128xf32, #tpu.memory_space<vmem>>, vector<1x16xf32>,
        %swap3A_1153 = vector.shape_cast %swap3A_1152 : vector<1x16xf32> to vector<16xf32>
        %swap3A_1154 = vector.shape_cast %mul3A_1149 : vector<16xf32> to vector<1x16xf32>
        tpu.vector_store %arg20[%swap3A_1150, %swap3A_1151], %swap3A_1154 {strides = array<i32>} : memref<80x128xf32, #tpu.memory_space<vmem>>, vector<1x16xf32>,
        %scan3A_1155 = arith.constant 0 : i32
        %scan3A_1156 = arith.constant 1 : i32
        %scan3A_1157 = arith.addi %scan3A_412, %scan3A_1156 : i32
        %add3A_1158 = arith.constant 40 : i32
        %add3A_1159 = arith.addi %add3A_1158, %scan3A_1157 : i32
        %get3A_1160 = arith.index_cast %add3A_1159 : i32 to index
        %get3A_1161 = arith.constant 0 : index
        %get3A_1162 = tpu.vector_load %arg20[%get3A_1160, %get3A_1161] {strides = array<i32>} : memref<80x128xf32, #tpu.memory_space<vmem>>, vector<1x16xf32>,
        %get3A_1163 = vector.shape_cast %get3A_1162 : vector<1x16xf32> to vector<16xf32>
        %get3A_1164 = arith.index_cast %add3A_1159 : i32 to index
        %get3A_1165 = arith.constant 0 : index
        %get3A_1166 = tpu.vector_load %arg21[%get3A_1164, %get3A_1165] {strides = array<i32>} : memref<80x128xf32, #tpu.memory_space<vmem>>, vector<1x16xf32>,
        %get3A_1167 = vector.shape_cast %get3A_1166 : vector<1x16xf32> to vector<16xf32>
        %add3A_1168 = arith.addf %get3A_1163, %get3A_1167 : vector<16xf32>
        %mul3A_1169 = arith.constant 2.000000e-01 : f32
        %mul3A_1170 = vector.broadcast %mul3A_1169 : f32 to vector<16xf32>
        %mul3A_1171 = arith.mulf %mul3A_1170, %add3A_1168 : vector<16xf32>
        %max3A_1172 = arith.maximumf %add3A_1168, %mul3A_1171 : vector<16xf32>
        %mul3A_1173 = arith.mulf %max3A_1172, %get3A_114 : vector<16xf32>
        %get3A_1174 = arith.index_cast %add3A_1159 : i32 to index
        %get3A_1175 = arith.constant 16 : index
        %get3A_1176 = tpu.vector_load %arg20[%get3A_1174, %get3A_1175] {strides = array<i32>} : memref<80x128xf32, #tpu.memory_space<vmem>>, vector<1x16xf32>,
        %get3A_1177 = vector.shape_cast %get3A_1176 : vector<1x16xf32> to vector<16xf32>
        %get3A_1178 = arith.index_cast %add3A_1159 : i32 to index
        %get3A_1179 = arith.constant 16 : index
        %get3A_1180 = tpu.vector_load %arg21[%get3A_1178, %get3A_1179] {strides = array<i32>} : memref<80x128xf32, #tpu.memory_space<vmem>>, vector<1x16xf32>,
        %get3A_1181 = vector.shape_cast %get3A_1180 : vector<1x16xf32> to vector<16xf32>
        %add3A_1182 = arith.addf %get3A_1177, %get3A_1181 : vector<16xf32>
        %mul3A_1183 = arith.constant 2.000000e-01 : f32
        %mul3A_1184 = vector.broadcast %mul3A_1183 : f32 to vector<16xf32>
        %mul3A_1185 = arith.mulf %mul3A_1184, %add3A_1182 : vector<16xf32>
        %max3A_1186 = arith.maximumf %add3A_1182, %mul3A_1185 : vector<16xf32>
        %mul3A_1187 = arith.mulf %max3A_1186, %get3A_119 : vector<16xf32>
        %get3A_1188 = arith.index_cast %add3A_1159 : i32 to index
        %get3A_1189 = arith.constant 32 : index
        %get3A_1190 = tpu.vector_load %arg20[%get3A_1188, %get3A_1189] {strides = array<i32>} : memref<80x128xf32, #tpu.memory_space<vmem>>, vector<1x16xf32>,
        %get3A_1191 = vector.shape_cast %get3A_1190 : vector<1x16xf32> to vector<16xf32>
        %get3A_1192 = arith.index_cast %add3A_1159 : i32 to index
        %get3A_1193 = arith.constant 32 : index
        %get3A_1194 = tpu.vector_load %arg21[%get3A_1192, %get3A_1193] {strides = array<i32>} : memref<80x128xf32, #tpu.memory_space<vmem>>, vector<1x16xf32>,
        %get3A_1195 = vector.shape_cast %get3A_1194 : vector<1x16xf32> to vector<16xf32>
        %add3A_1196 = arith.addf %get3A_1191, %get3A_1195 : vector<16xf32>
        %mul3A_1197 = arith.constant 2.000000e-01 : f32
        %mul3A_1198 = vector.broadcast %mul3A_1197 : f32 to vector<16xf32>
        %mul3A_1199 = arith.mulf %mul3A_1198, %add3A_1196 : vector<16xf32>
        %max3A_1200 = arith.maximumf %add3A_1196, %mul3A_1199 : vector<16xf32>
        %mul3A_1201 = arith.mulf %max3A_1200, %get3A_124 : vector<16xf32>
        %get3A_1202 = arith.index_cast %add3A_1159 : i32 to index
        %get3A_1203 = arith.constant 48 : index
        %get3A_1204 = tpu.vector_load %arg20[%get3A_1202, %get3A_1203] {strides = array<i32>} : memref<80x128xf32, #tpu.memory_space<vmem>>, vector<1x16xf32>,
        %get3A_1205 = vector.shape_cast %get3A_1204 : vector<1x16xf32> to vector<16xf32>
        %get3A_1206 = arith.index_cast %add3A_1159 : i32 to index
        %get3A_1207 = arith.constant 48 : index
        %get3A_1208 = tpu.vector_load %arg21[%get3A_1206, %get3A_1207] {strides = array<i32>} : memref<80x128xf32, #tpu.memory_space<vmem>>, vector<1x16xf32>,
        %get3A_1209 = vector.shape_cast %get3A_1208 : vector<1x16xf32> to vector<16xf32>
        %add3A_1210 = arith.addf %get3A_1205, %get3A_1209 : vector<16xf32>
        %mul3A_1211 = arith.constant 2.000000e-01 : f32
        %mul3A_1212 = vector.broadcast %mul3A_1211 : f32 to vector<16xf32>
        %mul3A_1213 = arith.mulf %mul3A_1212, %add3A_1210 : vector<16xf32>
        %max3A_1214 = arith.maximumf %add3A_1210, %mul3A_1213 : vector<16xf32>
        %mul3A_1215 = arith.mulf %max3A_1214, %get3A_129 : vector<16xf32>
        %get3A_1216 = arith.index_cast %add3A_1159 : i32 to index
        %get3A_1217 = arith.constant 64 : index
        %get3A_1218 = tpu.vector_load %arg20[%get3A_1216, %get3A_1217] {strides = array<i32>} : memref<80x128xf32, #tpu.memory_space<vmem>>, vector<1x16xf32>,
        %get3A_1219 = vector.shape_cast %get3A_1218 : vector<1x16xf32> to vector<16xf32>
        %get3A_1220 = arith.index_cast %add3A_1159 : i32 to index
        %get3A_1221 = arith.constant 64 : index
        %get3A_1222 = tpu.vector_load %arg21[%get3A_1220, %get3A_1221] {strides = array<i32>} : memref<80x128xf32, #tpu.memory_space<vmem>>, vector<1x16xf32>,
        %get3A_1223 = vector.shape_cast %get3A_1222 : vector<1x16xf32> to vector<16xf32>
        %add3A_1224 = arith.addf %get3A_1219, %get3A_1223 : vector<16xf32>
        %mul3A_1225 = arith.constant 2.000000e-01 : f32
        %mul3A_1226 = vector.broadcast %mul3A_1225 : f32 to vector<16xf32>
        %mul3A_1227 = arith.mulf %mul3A_1226, %add3A_1224 : vector<16xf32>
        %max3A_1228 = arith.maximumf %add3A_1224, %mul3A_1227 : vector<16xf32>
        %mul3A_1229 = arith.mulf %max3A_1228, %get3A_134 : vector<16xf32>
        %get3A_1230 = arith.index_cast %add3A_1159 : i32 to index
        %get3A_1231 = arith.constant 80 : index
        %get3A_1232 = tpu.vector_load %arg20[%get3A_1230, %get3A_1231] {strides = array<i32>} : memref<80x128xf32, #tpu.memory_space<vmem>>, vector<1x16xf32>,
        %get3A_1233 = vector.shape_cast %get3A_1232 : vector<1x16xf32> to vector<16xf32>
        %get3A_1234 = arith.index_cast %add3A_1159 : i32 to index
        %get3A_1235 = arith.constant 80 : index
        %get3A_1236 = tpu.vector_load %arg21[%get3A_1234, %get3A_1235] {strides = array<i32>} : memref<80x128xf32, #tpu.memory_space<vmem>>, vector<1x16xf32>,
        %get3A_1237 = vector.shape_cast %get3A_1236 : vector<1x16xf32> to vector<16xf32>
        %add3A_1238 = arith.addf %get3A_1233, %get3A_1237 : vector<16xf32>
        %mul3A_1239 = arith.constant 2.000000e-01 : f32
        %mul3A_1240 = vector.broadcast %mul3A_1239 : f32 to vector<16xf32>
        %mul3A_1241 = arith.mulf %mul3A_1240, %add3A_1238 : vector<16xf32>
        %max3A_1242 = arith.maximumf %add3A_1238, %mul3A_1241 : vector<16xf32>
        %mul3A_1243 = arith.mulf %max3A_1242, %get3A_139 : vector<16xf32>
        %get3A_1244 = arith.index_cast %add3A_1159 : i32 to index
        %get3A_1245 = arith.constant 96 : index
        %get3A_1246 = tpu.vector_load %arg20[%get3A_1244, %get3A_1245] {strides = array<i32>} : memref<80x128xf32, #tpu.memory_space<vmem>>, vector<1x16xf32>,
        %get3A_1247 = vector.shape_cast %get3A_1246 : vector<1x16xf32> to vector<16xf32>
        %get3A_1248 = arith.index_cast %add3A_1159 : i32 to index
        %get3A_1249 = arith.constant 96 : index
        %get3A_1250 = tpu.vector_load %arg21[%get3A_1248, %get3A_1249] {strides = array<i32>} : memref<80x128xf32, #tpu.memory_space<vmem>>, vector<1x16xf32>,
        %get3A_1251 = vector.shape_cast %get3A_1250 : vector<1x16xf32> to vector<16xf32>
        %add3A_1252 = arith.addf %get3A_1247, %get3A_1251 : vector<16xf32>
        %mul3A_1253 = arith.constant 2.000000e-01 : f32
        %mul3A_1254 = vector.broadcast %mul3A_1253 : f32 to vector<16xf32>
        %mul3A_1255 = arith.mulf %mul3A_1254, %add3A_1252 : vector<16xf32>
        %max3A_1256 = arith.maximumf %add3A_1252, %mul3A_1255 : vector<16xf32>
        %mul3A_1257 = arith.mulf %max3A_1256, %get3A_144 : vector<16xf32>
        %get3A_1258 = arith.index_cast %add3A_1159 : i32 to index
        %get3A_1259 = arith.constant 112 : index
        %get3A_1260 = tpu.vector_load %arg20[%get3A_1258, %get3A_1259] {strides = array<i32>} : memref<80x128xf32, #tpu.memory_space<vmem>>, vector<1x16xf32>,
        %get3A_1261 = vector.shape_cast %get3A_1260 : vector<1x16xf32> to vector<16xf32>
        %get3A_1262 = arith.index_cast %add3A_1159 : i32 to index
        %get3A_1263 = arith.constant 112 : index
        %get3A_1264 = tpu.vector_load %arg21[%get3A_1262, %get3A_1263] {strides = array<i32>} : memref<80x128xf32, #tpu.memory_space<vmem>>, vector<1x16xf32>,
        %get3A_1265 = vector.shape_cast %get3A_1264 : vector<1x16xf32> to vector<16xf32>
        %add3A_1266 = arith.addf %get3A_1261, %get3A_1265 : vector<16xf32>
        %mul3A_1267 = arith.constant 2.000000e-01 : f32
        %mul3A_1268 = vector.broadcast %mul3A_1267 : f32 to vector<16xf32>
        %mul3A_1269 = arith.mulf %mul3A_1268, %add3A_1266 : vector<16xf32>
        %max3A_1270 = arith.maximumf %add3A_1266, %mul3A_1269 : vector<16xf32>
        %mul3A_1271 = arith.mulf %max3A_1270, %get3A_149 : vector<16xf32>
        %lt3A_1272 = arith.constant 0 : i32
        %lt3A_1273 = vector.broadcast %lt3A_1272 : i32 to vector<16xi32>
        %lt3A_1274 = arith.cmpi slt, %xor3A_46, %lt3A_1273 : vector<16xi32>
        %add3A_1275 = arith.constant 16 : i32
        %add3A_1276 = vector.broadcast %add3A_1275 : i32 to vector<16xi32>
        %add3A_1277 = arith.addi %xor3A_46, %add3A_1276 : vector<16xi32>
        %select_n3A_1278 = arith.select %lt3A_1274, %add3A_1277, %xor3A_46 : vector<16xi1>, vector<16xi32>
        %broadcast_in_dim3A_1279 = vector.shape_cast %select_n3A_1278 : vector<16xi32> to vector<16x1xi32>
        %gather3A_1280 = vector.shape_cast %broadcast_in_dim3A_1279 : vector<16x1xi32> to vector<16xi32>
        %gather3A_1281 = tpu.dynamic_gather %mul3A_1173[%gather3A_1280] in [0] : vector<16xf32>, vector<16xi32> -> vector<16xf32>
        %add3A_1282 = arith.addf %mul3A_1173, %gather3A_1281 : vector<16xf32>
        %lt3A_1283 = arith.constant 0 : i32
        %lt3A_1284 = vector.broadcast %lt3A_1283 : i32 to vector<16xi32>
        %lt3A_1285 = arith.cmpi slt, %xor3A_49, %lt3A_1284 : vector<16xi32>
        %add3A_1286 = arith.constant 16 : i32
        %add3A_1287 = vector.broadcast %add3A_1286 : i32 to vector<16xi32>
        %add3A_1288 = arith.addi %xor3A_49, %add3A_1287 : vector<16xi32>
        %select_n3A_1289 = arith.select %lt3A_1285, %add3A_1288, %xor3A_49 : vector<16xi1>, vector<16xi32>
        %broadcast_in_dim3A_1290 = vector.shape_cast %select_n3A_1289 : vector<16xi32> to vector<16x1xi32>
        %gather3A_1291 = vector.shape_cast %broadcast_in_dim3A_1290 : vector<16x1xi32> to vector<16xi32>
        %gather3A_1292 = tpu.dynamic_gather %add3A_1282[%gather3A_1291] in [0] : vector<16xf32>, vector<16xi32> -> vector<16xf32>
        %add3A_1293 = arith.addf %add3A_1282, %gather3A_1292 : vector<16xf32>
        %lt3A_1294 = arith.constant 0 : i32
        %lt3A_1295 = vector.broadcast %lt3A_1294 : i32 to vector<16xi32>
        %lt3A_1296 = arith.cmpi slt, %xor3A_52, %lt3A_1295 : vector<16xi32>
        %add3A_1297 = arith.constant 16 : i32
        %add3A_1298 = vector.broadcast %add3A_1297 : i32 to vector<16xi32>
        %add3A_1299 = arith.addi %xor3A_52, %add3A_1298 : vector<16xi32>
        %select_n3A_1300 = arith.select %lt3A_1296, %add3A_1299, %xor3A_52 : vector<16xi1>, vector<16xi32>
        %broadcast_in_dim3A_1301 = vector.shape_cast %select_n3A_1300 : vector<16xi32> to vector<16x1xi32>
        %gather3A_1302 = vector.shape_cast %broadcast_in_dim3A_1301 : vector<16x1xi32> to vector<16xi32>
        %gather3A_1303 = tpu.dynamic_gather %add3A_1293[%gather3A_1302] in [0] : vector<16xf32>, vector<16xi32> -> vector<16xf32>
        %add3A_1304 = arith.addf %add3A_1293, %gather3A_1303 : vector<16xf32>
        %lt3A_1305 = arith.constant 0 : i32
        %lt3A_1306 = vector.broadcast %lt3A_1305 : i32 to vector<16xi32>
        %lt3A_1307 = arith.cmpi slt, %xor3A_55, %lt3A_1306 : vector<16xi32>
        %add3A_1308 = arith.constant 16 : i32
        %add3A_1309 = vector.broadcast %add3A_1308 : i32 to vector<16xi32>
        %add3A_1310 = arith.addi %xor3A_55, %add3A_1309 : vector<16xi32>
        %select_n3A_1311 = arith.select %lt3A_1307, %add3A_1310, %xor3A_55 : vector<16xi1>, vector<16xi32>
        %broadcast_in_dim3A_1312 = vector.shape_cast %select_n3A_1311 : vector<16xi32> to vector<16x1xi32>
        %gather3A_1313 = vector.shape_cast %broadcast_in_dim3A_1312 : vector<16x1xi32> to vector<16xi32>
        %gather3A_1314 = tpu.dynamic_gather %add3A_1304[%gather3A_1313] in [0] : vector<16xf32>, vector<16xi32> -> vector<16xf32>
        %add3A_1315 = arith.addf %add3A_1304, %gather3A_1314 : vector<16xf32>
        %eq3A_1316 = arith.constant 0 : i32
        %eq3A_1317 = vector.broadcast %eq3A_1316 : i32 to vector<16xi32>
        %eq3A_1318 = arith.cmpi eq, %iota3A, %eq3A_1317 : vector<16xi32>
        %select_n3A_1319 = arith.select %eq3A_1318, %add3A_1315, %broadcast_in_dim3A_110 : vector<16xi1>, vector<16xf32>
        %lt3A_1320 = arith.constant 0 : i32
        %lt3A_1321 = vector.broadcast %lt3A_1320 : i32 to vector<16xi32>
        %lt3A_1322 = arith.cmpi slt, %xor3A_46, %lt3A_1321 : vector<16xi32>
        %add3A_1323 = arith.constant 16 : i32
        %add3A_1324 = vector.broadcast %add3A_1323 : i32 to vector<16xi32>
        %add3A_1325 = arith.addi %xor3A_46, %add3A_1324 : vector<16xi32>
        %select_n3A_1326 = arith.select %lt3A_1322, %add3A_1325, %xor3A_46 : vector<16xi1>, vector<16xi32>
        %broadcast_in_dim3A_1327 = vector.shape_cast %select_n3A_1326 : vector<16xi32> to vector<16x1xi32>
        %gather3A_1328 = vector.shape_cast %broadcast_in_dim3A_1327 : vector<16x1xi32> to vector<16xi32>
        %gather3A_1329 = tpu.dynamic_gather %mul3A_1187[%gather3A_1328] in [0] : vector<16xf32>, vector<16xi32> -> vector<16xf32>
        %add3A_1330 = arith.addf %mul3A_1187, %gather3A_1329 : vector<16xf32>
        %lt3A_1331 = arith.constant 0 : i32
        %lt3A_1332 = vector.broadcast %lt3A_1331 : i32 to vector<16xi32>
        %lt3A_1333 = arith.cmpi slt, %xor3A_49, %lt3A_1332 : vector<16xi32>
        %add3A_1334 = arith.constant 16 : i32
        %add3A_1335 = vector.broadcast %add3A_1334 : i32 to vector<16xi32>
        %add3A_1336 = arith.addi %xor3A_49, %add3A_1335 : vector<16xi32>
        %select_n3A_1337 = arith.select %lt3A_1333, %add3A_1336, %xor3A_49 : vector<16xi1>, vector<16xi32>
        %broadcast_in_dim3A_1338 = vector.shape_cast %select_n3A_1337 : vector<16xi32> to vector<16x1xi32>
        %gather3A_1339 = vector.shape_cast %broadcast_in_dim3A_1338 : vector<16x1xi32> to vector<16xi32>
        %gather3A_1340 = tpu.dynamic_gather %add3A_1330[%gather3A_1339] in [0] : vector<16xf32>, vector<16xi32> -> vector<16xf32>
        %add3A_1341 = arith.addf %add3A_1330, %gather3A_1340 : vector<16xf32>
        %lt3A_1342 = arith.constant 0 : i32
        %lt3A_1343 = vector.broadcast %lt3A_1342 : i32 to vector<16xi32>
        %lt3A_1344 = arith.cmpi slt, %xor3A_52, %lt3A_1343 : vector<16xi32>
        %add3A_1345 = arith.constant 16 : i32
        %add3A_1346 = vector.broadcast %add3A_1345 : i32 to vector<16xi32>
        %add3A_1347 = arith.addi %xor3A_52, %add3A_1346 : vector<16xi32>
        %select_n3A_1348 = arith.select %lt3A_1344, %add3A_1347, %xor3A_52 : vector<16xi1>, vector<16xi32>
        %broadcast_in_dim3A_1349 = vector.shape_cast %select_n3A_1348 : vector<16xi32> to vector<16x1xi32>
        %gather3A_1350 = vector.shape_cast %broadcast_in_dim3A_1349 : vector<16x1xi32> to vector<16xi32>
        %gather3A_1351 = tpu.dynamic_gather %add3A_1341[%gather3A_1350] in [0] : vector<16xf32>, vector<16xi32> -> vector<16xf32>
        %add3A_1352 = arith.addf %add3A_1341, %gather3A_1351 : vector<16xf32>
        %lt3A_1353 = arith.constant 0 : i32
        %lt3A_1354 = vector.broadcast %lt3A_1353 : i32 to vector<16xi32>
        %lt3A_1355 = arith.cmpi slt, %xor3A_55, %lt3A_1354 : vector<16xi32>
        %add3A_1356 = arith.constant 16 : i32
        %add3A_1357 = vector.broadcast %add3A_1356 : i32 to vector<16xi32>
        %add3A_1358 = arith.addi %xor3A_55, %add3A_1357 : vector<16xi32>
        %select_n3A_1359 = arith.select %lt3A_1355, %add3A_1358, %xor3A_55 : vector<16xi1>, vector<16xi32>
        %broadcast_in_dim3A_1360 = vector.shape_cast %select_n3A_1359 : vector<16xi32> to vector<16x1xi32>
        %gather3A_1361 = vector.shape_cast %broadcast_in_dim3A_1360 : vector<16x1xi32> to vector<16xi32>
        %gather3A_1362 = tpu.dynamic_gather %add3A_1352[%gather3A_1361] in [0] : vector<16xf32>, vector<16xi32> -> vector<16xf32>
        %add3A_1363 = arith.addf %add3A_1352, %gather3A_1362 : vector<16xf32>
        %eq3A_1364 = arith.constant 1 : i32
        %eq3A_1365 = vector.broadcast %eq3A_1364 : i32 to vector<16xi32>
        %eq3A_1366 = arith.cmpi eq, %iota3A, %eq3A_1365 : vector<16xi32>
        %select_n3A_1367 = arith.select %eq3A_1366, %add3A_1363, %select_n3A_1319 : vector<16xi1>, vector<16xf32>
        %lt3A_1368 = arith.constant 0 : i32
        %lt3A_1369 = vector.broadcast %lt3A_1368 : i32 to vector<16xi32>
        %lt3A_1370 = arith.cmpi slt, %xor3A_46, %lt3A_1369 : vector<16xi32>
        %add3A_1371 = arith.constant 16 : i32
        %add3A_1372 = vector.broadcast %add3A_1371 : i32 to vector<16xi32>
        %add3A_1373 = arith.addi %xor3A_46, %add3A_1372 : vector<16xi32>
        %select_n3A_1374 = arith.select %lt3A_1370, %add3A_1373, %xor3A_46 : vector<16xi1>, vector<16xi32>
        %broadcast_in_dim3A_1375 = vector.shape_cast %select_n3A_1374 : vector<16xi32> to vector<16x1xi32>
        %gather3A_1376 = vector.shape_cast %broadcast_in_dim3A_1375 : vector<16x1xi32> to vector<16xi32>
        %gather3A_1377 = tpu.dynamic_gather %mul3A_1201[%gather3A_1376] in [0] : vector<16xf32>, vector<16xi32> -> vector<16xf32>
        %add3A_1378 = arith.addf %mul3A_1201, %gather3A_1377 : vector<16xf32>
        %lt3A_1379 = arith.constant 0 : i32
        %lt3A_1380 = vector.broadcast %lt3A_1379 : i32 to vector<16xi32>
        %lt3A_1381 = arith.cmpi slt, %xor3A_49, %lt3A_1380 : vector<16xi32>
        %add3A_1382 = arith.constant 16 : i32
        %add3A_1383 = vector.broadcast %add3A_1382 : i32 to vector<16xi32>
        %add3A_1384 = arith.addi %xor3A_49, %add3A_1383 : vector<16xi32>
        %select_n3A_1385 = arith.select %lt3A_1381, %add3A_1384, %xor3A_49 : vector<16xi1>, vector<16xi32>
        %broadcast_in_dim3A_1386 = vector.shape_cast %select_n3A_1385 : vector<16xi32> to vector<16x1xi32>
        %gather3A_1387 = vector.shape_cast %broadcast_in_dim3A_1386 : vector<16x1xi32> to vector<16xi32>
        %gather3A_1388 = tpu.dynamic_gather %add3A_1378[%gather3A_1387] in [0] : vector<16xf32>, vector<16xi32> -> vector<16xf32>
        %add3A_1389 = arith.addf %add3A_1378, %gather3A_1388 : vector<16xf32>
        %lt3A_1390 = arith.constant 0 : i32
        %lt3A_1391 = vector.broadcast %lt3A_1390 : i32 to vector<16xi32>
        %lt3A_1392 = arith.cmpi slt, %xor3A_52, %lt3A_1391 : vector<16xi32>
        %add3A_1393 = arith.constant 16 : i32
        %add3A_1394 = vector.broadcast %add3A_1393 : i32 to vector<16xi32>
        %add3A_1395 = arith.addi %xor3A_52, %add3A_1394 : vector<16xi32>
        %select_n3A_1396 = arith.select %lt3A_1392, %add3A_1395, %xor3A_52 : vector<16xi1>, vector<16xi32>
        %broadcast_in_dim3A_1397 = vector.shape_cast %select_n3A_1396 : vector<16xi32> to vector<16x1xi32>
        %gather3A_1398 = vector.shape_cast %broadcast_in_dim3A_1397 : vector<16x1xi32> to vector<16xi32>
        %gather3A_1399 = tpu.dynamic_gather %add3A_1389[%gather3A_1398] in [0] : vector<16xf32>, vector<16xi32> -> vector<16xf32>
        %add3A_1400 = arith.addf %add3A_1389, %gather3A_1399 : vector<16xf32>
        %lt3A_1401 = arith.constant 0 : i32
        %lt3A_1402 = vector.broadcast %lt3A_1401 : i32 to vector<16xi32>
        %lt3A_1403 = arith.cmpi slt, %xor3A_55, %lt3A_1402 : vector<16xi32>
        %add3A_1404 = arith.constant 16 : i32
        %add3A_1405 = vector.broadcast %add3A_1404 : i32 to vector<16xi32>
        %add3A_1406 = arith.addi %xor3A_55, %add3A_1405 : vector<16xi32>
        %select_n3A_1407 = arith.select %lt3A_1403, %add3A_1406, %xor3A_55 : vector<16xi1>, vector<16xi32>
        %broadcast_in_dim3A_1408 = vector.shape_cast %select_n3A_1407 : vector<16xi32> to vector<16x1xi32>
        %gather3A_1409 = vector.shape_cast %broadcast_in_dim3A_1408 : vector<16x1xi32> to vector<16xi32>
        %gather3A_1410 = tpu.dynamic_gather %add3A_1400[%gather3A_1409] in [0] : vector<16xf32>, vector<16xi32> -> vector<16xf32>
        %add3A_1411 = arith.addf %add3A_1400, %gather3A_1410 : vector<16xf32>
        %eq3A_1412 = arith.constant 2 : i32
        %eq3A_1413 = vector.broadcast %eq3A_1412 : i32 to vector<16xi32>
        %eq3A_1414 = arith.cmpi eq, %iota3A, %eq3A_1413 : vector<16xi32>
        %select_n3A_1415 = arith.select %eq3A_1414, %add3A_1411, %select_n3A_1367 : vector<16xi1>, vector<16xf32>
        %lt3A_1416 = arith.constant 0 : i32
        %lt3A_1417 = vector.broadcast %lt3A_1416 : i32 to vector<16xi32>
        %lt3A_1418 = arith.cmpi slt, %xor3A_46, %lt3A_1417 : vector<16xi32>
        %add3A_1419 = arith.constant 16 : i32
        %add3A_1420 = vector.broadcast %add3A_1419 : i32 to vector<16xi32>
        %add3A_1421 = arith.addi %xor3A_46, %add3A_1420 : vector<16xi32>
        %select_n3A_1422 = arith.select %lt3A_1418, %add3A_1421, %xor3A_46 : vector<16xi1>, vector<16xi32>
        %broadcast_in_dim3A_1423 = vector.shape_cast %select_n3A_1422 : vector<16xi32> to vector<16x1xi32>
        %gather3A_1424 = vector.shape_cast %broadcast_in_dim3A_1423 : vector<16x1xi32> to vector<16xi32>
        %gather3A_1425 = tpu.dynamic_gather %mul3A_1215[%gather3A_1424] in [0] : vector<16xf32>, vector<16xi32> -> vector<16xf32>
        %add3A_1426 = arith.addf %mul3A_1215, %gather3A_1425 : vector<16xf32>
        %lt3A_1427 = arith.constant 0 : i32
        %lt3A_1428 = vector.broadcast %lt3A_1427 : i32 to vector<16xi32>
        %lt3A_1429 = arith.cmpi slt, %xor3A_49, %lt3A_1428 : vector<16xi32>
        %add3A_1430 = arith.constant 16 : i32
        %add3A_1431 = vector.broadcast %add3A_1430 : i32 to vector<16xi32>
        %add3A_1432 = arith.addi %xor3A_49, %add3A_1431 : vector<16xi32>
        %select_n3A_1433 = arith.select %lt3A_1429, %add3A_1432, %xor3A_49 : vector<16xi1>, vector<16xi32>
        %broadcast_in_dim3A_1434 = vector.shape_cast %select_n3A_1433 : vector<16xi32> to vector<16x1xi32>
        %gather3A_1435 = vector.shape_cast %broadcast_in_dim3A_1434 : vector<16x1xi32> to vector<16xi32>
        %gather3A_1436 = tpu.dynamic_gather %add3A_1426[%gather3A_1435] in [0] : vector<16xf32>, vector<16xi32> -> vector<16xf32>
        %add3A_1437 = arith.addf %add3A_1426, %gather3A_1436 : vector<16xf32>
        %lt3A_1438 = arith.constant 0 : i32
        %lt3A_1439 = vector.broadcast %lt3A_1438 : i32 to vector<16xi32>
        %lt3A_1440 = arith.cmpi slt, %xor3A_52, %lt3A_1439 : vector<16xi32>
        %add3A_1441 = arith.constant 16 : i32
        %add3A_1442 = vector.broadcast %add3A_1441 : i32 to vector<16xi32>
        %add3A_1443 = arith.addi %xor3A_52, %add3A_1442 : vector<16xi32>
        %select_n3A_1444 = arith.select %lt3A_1440, %add3A_1443, %xor3A_52 : vector<16xi1>, vector<16xi32>
        %broadcast_in_dim3A_1445 = vector.shape_cast %select_n3A_1444 : vector<16xi32> to vector<16x1xi32>
        %gather3A_1446 = vector.shape_cast %broadcast_in_dim3A_1445 : vector<16x1xi32> to vector<16xi32>
        %gather3A_1447 = tpu.dynamic_gather %add3A_1437[%gather3A_1446] in [0] : vector<16xf32>, vector<16xi32> -> vector<16xf32>
        %add3A_1448 = arith.addf %add3A_1437, %gather3A_1447 : vector<16xf32>
        %lt3A_1449 = arith.constant 0 : i32
        %lt3A_1450 = vector.broadcast %lt3A_1449 : i32 to vector<16xi32>
        %lt3A_1451 = arith.cmpi slt, %xor3A_55, %lt3A_1450 : vector<16xi32>
        %add3A_1452 = arith.constant 16 : i32
        %add3A_1453 = vector.broadcast %add3A_1452 : i32 to vector<16xi32>
        %add3A_1454 = arith.addi %xor3A_55, %add3A_1453 : vector<16xi32>
        %select_n3A_1455 = arith.select %lt3A_1451, %add3A_1454, %xor3A_55 : vector<16xi1>, vector<16xi32>
        %broadcast_in_dim3A_1456 = vector.shape_cast %select_n3A_1455 : vector<16xi32> to vector<16x1xi32>
        %gather3A_1457 = vector.shape_cast %broadcast_in_dim3A_1456 : vector<16x1xi32> to vector<16xi32>
        %gather3A_1458 = tpu.dynamic_gather %add3A_1448[%gather3A_1457] in [0] : vector<16xf32>, vector<16xi32> -> vector<16xf32>
        %add3A_1459 = arith.addf %add3A_1448, %gather3A_1458 : vector<16xf32>
        %eq3A_1460 = arith.constant 3 : i32
        %eq3A_1461 = vector.broadcast %eq3A_1460 : i32 to vector<16xi32>
        %eq3A_1462 = arith.cmpi eq, %iota3A, %eq3A_1461 : vector<16xi32>
        %select_n3A_1463 = arith.select %eq3A_1462, %add3A_1459, %select_n3A_1415 : vector<16xi1>, vector<16xf32>
        %lt3A_1464 = arith.constant 0 : i32
        %lt3A_1465 = vector.broadcast %lt3A_1464 : i32 to vector<16xi32>
        %lt3A_1466 = arith.cmpi slt, %xor3A_46, %lt3A_1465 : vector<16xi32>
        %add3A_1467 = arith.constant 16 : i32
        %add3A_1468 = vector.broadcast %add3A_1467 : i32 to vector<16xi32>
        %add3A_1469 = arith.addi %xor3A_46, %add3A_1468 : vector<16xi32>
        %select_n3A_1470 = arith.select %lt3A_1466, %add3A_1469, %xor3A_46 : vector<16xi1>, vector<16xi32>
        %broadcast_in_dim3A_1471 = vector.shape_cast %select_n3A_1470 : vector<16xi32> to vector<16x1xi32>
        %gather3A_1472 = vector.shape_cast %broadcast_in_dim3A_1471 : vector<16x1xi32> to vector<16xi32>
        %gather3A_1473 = tpu.dynamic_gather %mul3A_1229[%gather3A_1472] in [0] : vector<16xf32>, vector<16xi32> -> vector<16xf32>
        %add3A_1474 = arith.addf %mul3A_1229, %gather3A_1473 : vector<16xf32>
        %lt3A_1475 = arith.constant 0 : i32
        %lt3A_1476 = vector.broadcast %lt3A_1475 : i32 to vector<16xi32>
        %lt3A_1477 = arith.cmpi slt, %xor3A_49, %lt3A_1476 : vector<16xi32>
        %add3A_1478 = arith.constant 16 : i32
        %add3A_1479 = vector.broadcast %add3A_1478 : i32 to vector<16xi32>
        %add3A_1480 = arith.addi %xor3A_49, %add3A_1479 : vector<16xi32>
        %select_n3A_1481 = arith.select %lt3A_1477, %add3A_1480, %xor3A_49 : vector<16xi1>, vector<16xi32>
        %broadcast_in_dim3A_1482 = vector.shape_cast %select_n3A_1481 : vector<16xi32> to vector<16x1xi32>
        %gather3A_1483 = vector.shape_cast %broadcast_in_dim3A_1482 : vector<16x1xi32> to vector<16xi32>
        %gather3A_1484 = tpu.dynamic_gather %add3A_1474[%gather3A_1483] in [0] : vector<16xf32>, vector<16xi32> -> vector<16xf32>
        %add3A_1485 = arith.addf %add3A_1474, %gather3A_1484 : vector<16xf32>
        %lt3A_1486 = arith.constant 0 : i32
        %lt3A_1487 = vector.broadcast %lt3A_1486 : i32 to vector<16xi32>
        %lt3A_1488 = arith.cmpi slt, %xor3A_52, %lt3A_1487 : vector<16xi32>
        %add3A_1489 = arith.constant 16 : i32
        %add3A_1490 = vector.broadcast %add3A_1489 : i32 to vector<16xi32>
        %add3A_1491 = arith.addi %xor3A_52, %add3A_1490 : vector<16xi32>
        %select_n3A_1492 = arith.select %lt3A_1488, %add3A_1491, %xor3A_52 : vector<16xi1>, vector<16xi32>
        %broadcast_in_dim3A_1493 = vector.shape_cast %select_n3A_1492 : vector<16xi32> to vector<16x1xi32>
        %gather3A_1494 = vector.shape_cast %broadcast_in_dim3A_1493 : vector<16x1xi32> to vector<16xi32>
        %gather3A_1495 = tpu.dynamic_gather %add3A_1485[%gather3A_1494] in [0] : vector<16xf32>, vector<16xi32> -> vector<16xf32>
        %add3A_1496 = arith.addf %add3A_1485, %gather3A_1495 : vector<16xf32>
        %lt3A_1497 = arith.constant 0 : i32
        %lt3A_1498 = vector.broadcast %lt3A_1497 : i32 to vector<16xi32>
        %lt3A_1499 = arith.cmpi slt, %xor3A_55, %lt3A_1498 : vector<16xi32>
        %add3A_1500 = arith.constant 16 : i32
        %add3A_1501 = vector.broadcast %add3A_1500 : i32 to vector<16xi32>
        %add3A_1502 = arith.addi %xor3A_55, %add3A_1501 : vector<16xi32>
        %select_n3A_1503 = arith.select %lt3A_1499, %add3A_1502, %xor3A_55 : vector<16xi1>, vector<16xi32>
        %broadcast_in_dim3A_1504 = vector.shape_cast %select_n3A_1503 : vector<16xi32> to vector<16x1xi32>
        %gather3A_1505 = vector.shape_cast %broadcast_in_dim3A_1504 : vector<16x1xi32> to vector<16xi32>
        %gather3A_1506 = tpu.dynamic_gather %add3A_1496[%gather3A_1505] in [0] : vector<16xf32>, vector<16xi32> -> vector<16xf32>
        %add3A_1507 = arith.addf %add3A_1496, %gather3A_1506 : vector<16xf32>
        %eq3A_1508 = arith.constant 4 : i32
        %eq3A_1509 = vector.broadcast %eq3A_1508 : i32 to vector<16xi32>
        %eq3A_1510 = arith.cmpi eq, %iota3A, %eq3A_1509 : vector<16xi32>
        %select_n3A_1511 = arith.select %eq3A_1510, %add3A_1507, %select_n3A_1463 : vector<16xi1>, vector<16xf32>
        %lt3A_1512 = arith.constant 0 : i32
        %lt3A_1513 = vector.broadcast %lt3A_1512 : i32 to vector<16xi32>
        %lt3A_1514 = arith.cmpi slt, %xor3A_46, %lt3A_1513 : vector<16xi32>
        %add3A_1515 = arith.constant 16 : i32
        %add3A_1516 = vector.broadcast %add3A_1515 : i32 to vector<16xi32>
        %add3A_1517 = arith.addi %xor3A_46, %add3A_1516 : vector<16xi32>
        %select_n3A_1518 = arith.select %lt3A_1514, %add3A_1517, %xor3A_46 : vector<16xi1>, vector<16xi32>
        %broadcast_in_dim3A_1519 = vector.shape_cast %select_n3A_1518 : vector<16xi32> to vector<16x1xi32>
        %gather3A_1520 = vector.shape_cast %broadcast_in_dim3A_1519 : vector<16x1xi32> to vector<16xi32>
        %gather3A_1521 = tpu.dynamic_gather %mul3A_1243[%gather3A_1520] in [0] : vector<16xf32>, vector<16xi32> -> vector<16xf32>
        %add3A_1522 = arith.addf %mul3A_1243, %gather3A_1521 : vector<16xf32>
        %lt3A_1523 = arith.constant 0 : i32
        %lt3A_1524 = vector.broadcast %lt3A_1523 : i32 to vector<16xi32>
        %lt3A_1525 = arith.cmpi slt, %xor3A_49, %lt3A_1524 : vector<16xi32>
        %add3A_1526 = arith.constant 16 : i32
        %add3A_1527 = vector.broadcast %add3A_1526 : i32 to vector<16xi32>
        %add3A_1528 = arith.addi %xor3A_49, %add3A_1527 : vector<16xi32>
        %select_n3A_1529 = arith.select %lt3A_1525, %add3A_1528, %xor3A_49 : vector<16xi1>, vector<16xi32>
        %broadcast_in_dim3A_1530 = vector.shape_cast %select_n3A_1529 : vector<16xi32> to vector<16x1xi32>
        %gather3A_1531 = vector.shape_cast %broadcast_in_dim3A_1530 : vector<16x1xi32> to vector<16xi32>
        %gather3A_1532 = tpu.dynamic_gather %add3A_1522[%gather3A_1531] in [0] : vector<16xf32>, vector<16xi32> -> vector<16xf32>
        %add3A_1533 = arith.addf %add3A_1522, %gather3A_1532 : vector<16xf32>
        %lt3A_1534 = arith.constant 0 : i32
        %lt3A_1535 = vector.broadcast %lt3A_1534 : i32 to vector<16xi32>
        %lt3A_1536 = arith.cmpi slt, %xor3A_52, %lt3A_1535 : vector<16xi32>
        %add3A_1537 = arith.constant 16 : i32
        %add3A_1538 = vector.broadcast %add3A_1537 : i32 to vector<16xi32>
        %add3A_1539 = arith.addi %xor3A_52, %add3A_1538 : vector<16xi32>
        %select_n3A_1540 = arith.select %lt3A_1536, %add3A_1539, %xor3A_52 : vector<16xi1>, vector<16xi32>
        %broadcast_in_dim3A_1541 = vector.shape_cast %select_n3A_1540 : vector<16xi32> to vector<16x1xi32>
        %gather3A_1542 = vector.shape_cast %broadcast_in_dim3A_1541 : vector<16x1xi32> to vector<16xi32>
        %gather3A_1543 = tpu.dynamic_gather %add3A_1533[%gather3A_1542] in [0] : vector<16xf32>, vector<16xi32> -> vector<16xf32>
        %add3A_1544 = arith.addf %add3A_1533, %gather3A_1543 : vector<16xf32>
        %lt3A_1545 = arith.constant 0 : i32
        %lt3A_1546 = vector.broadcast %lt3A_1545 : i32 to vector<16xi32>
        %lt3A_1547 = arith.cmpi slt, %xor3A_55, %lt3A_1546 : vector<16xi32>
        %add3A_1548 = arith.constant 16 : i32
        %add3A_1549 = vector.broadcast %add3A_1548 : i32 to vector<16xi32>
        %add3A_1550 = arith.addi %xor3A_55, %add3A_1549 : vector<16xi32>
        %select_n3A_1551 = arith.select %lt3A_1547, %add3A_1550, %xor3A_55 : vector<16xi1>, vector<16xi32>
        %broadcast_in_dim3A_1552 = vector.shape_cast %select_n3A_1551 : vector<16xi32> to vector<16x1xi32>
        %gather3A_1553 = vector.shape_cast %broadcast_in_dim3A_1552 : vector<16x1xi32> to vector<16xi32>
        %gather3A_1554 = tpu.dynamic_gather %add3A_1544[%gather3A_1553] in [0] : vector<16xf32>, vector<16xi32> -> vector<16xf32>
        %add3A_1555 = arith.addf %add3A_1544, %gather3A_1554 : vector<16xf32>
        %eq3A_1556 = arith.constant 5 : i32
        %eq3A_1557 = vector.broadcast %eq3A_1556 : i32 to vector<16xi32>
        %eq3A_1558 = arith.cmpi eq, %iota3A, %eq3A_1557 : vector<16xi32>
        %select_n3A_1559 = arith.select %eq3A_1558, %add3A_1555, %select_n3A_1511 : vector<16xi1>, vector<16xf32>
        %lt3A_1560 = arith.constant 0 : i32
        %lt3A_1561 = vector.broadcast %lt3A_1560 : i32 to vector<16xi32>
        %lt3A_1562 = arith.cmpi slt, %xor3A_46, %lt3A_1561 : vector<16xi32>
        %add3A_1563 = arith.constant 16 : i32
        %add3A_1564 = vector.broadcast %add3A_1563 : i32 to vector<16xi32>
        %add3A_1565 = arith.addi %xor3A_46, %add3A_1564 : vector<16xi32>
        %select_n3A_1566 = arith.select %lt3A_1562, %add3A_1565, %xor3A_46 : vector<16xi1>, vector<16xi32>
        %broadcast_in_dim3A_1567 = vector.shape_cast %select_n3A_1566 : vector<16xi32> to vector<16x1xi32>
        %gather3A_1568 = vector.shape_cast %broadcast_in_dim3A_1567 : vector<16x1xi32> to vector<16xi32>
        %gather3A_1569 = tpu.dynamic_gather %mul3A_1257[%gather3A_1568] in [0] : vector<16xf32>, vector<16xi32> -> vector<16xf32>
        %add3A_1570 = arith.addf %mul3A_1257, %gather3A_1569 : vector<16xf32>
        %lt3A_1571 = arith.constant 0 : i32
        %lt3A_1572 = vector.broadcast %lt3A_1571 : i32 to vector<16xi32>
        %lt3A_1573 = arith.cmpi slt, %xor3A_49, %lt3A_1572 : vector<16xi32>
        %add3A_1574 = arith.constant 16 : i32
        %add3A_1575 = vector.broadcast %add3A_1574 : i32 to vector<16xi32>
        %add3A_1576 = arith.addi %xor3A_49, %add3A_1575 : vector<16xi32>
        %select_n3A_1577 = arith.select %lt3A_1573, %add3A_1576, %xor3A_49 : vector<16xi1>, vector<16xi32>
        %broadcast_in_dim3A_1578 = vector.shape_cast %select_n3A_1577 : vector<16xi32> to vector<16x1xi32>
        %gather3A_1579 = vector.shape_cast %broadcast_in_dim3A_1578 : vector<16x1xi32> to vector<16xi32>
        %gather3A_1580 = tpu.dynamic_gather %add3A_1570[%gather3A_1579] in [0] : vector<16xf32>, vector<16xi32> -> vector<16xf32>
        %add3A_1581 = arith.addf %add3A_1570, %gather3A_1580 : vector<16xf32>
        %lt3A_1582 = arith.constant 0 : i32
        %lt3A_1583 = vector.broadcast %lt3A_1582 : i32 to vector<16xi32>
        %lt3A_1584 = arith.cmpi slt, %xor3A_52, %lt3A_1583 : vector<16xi32>
        %add3A_1585 = arith.constant 16 : i32
        %add3A_1586 = vector.broadcast %add3A_1585 : i32 to vector<16xi32>
        %add3A_1587 = arith.addi %xor3A_52, %add3A_1586 : vector<16xi32>
        %select_n3A_1588 = arith.select %lt3A_1584, %add3A_1587, %xor3A_52 : vector<16xi1>, vector<16xi32>
        %broadcast_in_dim3A_1589 = vector.shape_cast %select_n3A_1588 : vector<16xi32> to vector<16x1xi32>
        %gather3A_1590 = vector.shape_cast %broadcast_in_dim3A_1589 : vector<16x1xi32> to vector<16xi32>
        %gather3A_1591 = tpu.dynamic_gather %add3A_1581[%gather3A_1590] in [0] : vector<16xf32>, vector<16xi32> -> vector<16xf32>
        %add3A_1592 = arith.addf %add3A_1581, %gather3A_1591 : vector<16xf32>
        %lt3A_1593 = arith.constant 0 : i32
        %lt3A_1594 = vector.broadcast %lt3A_1593 : i32 to vector<16xi32>
        %lt3A_1595 = arith.cmpi slt, %xor3A_55, %lt3A_1594 : vector<16xi32>
        %add3A_1596 = arith.constant 16 : i32
        %add3A_1597 = vector.broadcast %add3A_1596 : i32 to vector<16xi32>
        %add3A_1598 = arith.addi %xor3A_55, %add3A_1597 : vector<16xi32>
        %select_n3A_1599 = arith.select %lt3A_1595, %add3A_1598, %xor3A_55 : vector<16xi1>, vector<16xi32>
        %broadcast_in_dim3A_1600 = vector.shape_cast %select_n3A_1599 : vector<16xi32> to vector<16x1xi32>
        %gather3A_1601 = vector.shape_cast %broadcast_in_dim3A_1600 : vector<16x1xi32> to vector<16xi32>
        %gather3A_1602 = tpu.dynamic_gather %add3A_1592[%gather3A_1601] in [0] : vector<16xf32>, vector<16xi32> -> vector<16xf32>
        %add3A_1603 = arith.addf %add3A_1592, %gather3A_1602 : vector<16xf32>
        %eq3A_1604 = arith.constant 6 : i32
        %eq3A_1605 = vector.broadcast %eq3A_1604 : i32 to vector<16xi32>
        %eq3A_1606 = arith.cmpi eq, %iota3A, %eq3A_1605 : vector<16xi32>
        %select_n3A_1607 = arith.select %eq3A_1606, %add3A_1603, %select_n3A_1559 : vector<16xi1>, vector<16xf32>
        %lt3A_1608 = arith.constant 0 : i32
        %lt3A_1609 = vector.broadcast %lt3A_1608 : i32 to vector<16xi32>
        %lt3A_1610 = arith.cmpi slt, %xor3A_46, %lt3A_1609 : vector<16xi32>
        %add3A_1611 = arith.constant 16 : i32
        %add3A_1612 = vector.broadcast %add3A_1611 : i32 to vector<16xi32>
        %add3A_1613 = arith.addi %xor3A_46, %add3A_1612 : vector<16xi32>
        %select_n3A_1614 = arith.select %lt3A_1610, %add3A_1613, %xor3A_46 : vector<16xi1>, vector<16xi32>
        %broadcast_in_dim3A_1615 = vector.shape_cast %select_n3A_1614 : vector<16xi32> to vector<16x1xi32>
        %gather3A_1616 = vector.shape_cast %broadcast_in_dim3A_1615 : vector<16x1xi32> to vector<16xi32>
        %gather3A_1617 = tpu.dynamic_gather %mul3A_1271[%gather3A_1616] in [0] : vector<16xf32>, vector<16xi32> -> vector<16xf32>
        %add3A_1618 = arith.addf %mul3A_1271, %gather3A_1617 : vector<16xf32>
        %lt3A_1619 = arith.constant 0 : i32
        %lt3A_1620 = vector.broadcast %lt3A_1619 : i32 to vector<16xi32>
        %lt3A_1621 = arith.cmpi slt, %xor3A_49, %lt3A_1620 : vector<16xi32>
        %add3A_1622 = arith.constant 16 : i32
        %add3A_1623 = vector.broadcast %add3A_1622 : i32 to vector<16xi32>
        %add3A_1624 = arith.addi %xor3A_49, %add3A_1623 : vector<16xi32>
        %select_n3A_1625 = arith.select %lt3A_1621, %add3A_1624, %xor3A_49 : vector<16xi1>, vector<16xi32>
        %broadcast_in_dim3A_1626 = vector.shape_cast %select_n3A_1625 : vector<16xi32> to vector<16x1xi32>
        %gather3A_1627 = vector.shape_cast %broadcast_in_dim3A_1626 : vector<16x1xi32> to vector<16xi32>
        %gather3A_1628 = tpu.dynamic_gather %add3A_1618[%gather3A_1627] in [0] : vector<16xf32>, vector<16xi32> -> vector<16xf32>
        %add3A_1629 = arith.addf %add3A_1618, %gather3A_1628 : vector<16xf32>
        %lt3A_1630 = arith.constant 0 : i32
        %lt3A_1631 = vector.broadcast %lt3A_1630 : i32 to vector<16xi32>
        %lt3A_1632 = arith.cmpi slt, %xor3A_52, %lt3A_1631 : vector<16xi32>
        %add3A_1633 = arith.constant 16 : i32
        %add3A_1634 = vector.broadcast %add3A_1633 : i32 to vector<16xi32>
        %add3A_1635 = arith.addi %xor3A_52, %add3A_1634 : vector<16xi32>
        %select_n3A_1636 = arith.select %lt3A_1632, %add3A_1635, %xor3A_52 : vector<16xi1>, vector<16xi32>
        %broadcast_in_dim3A_1637 = vector.shape_cast %select_n3A_1636 : vector<16xi32> to vector<16x1xi32>
        %gather3A_1638 = vector.shape_cast %broadcast_in_dim3A_1637 : vector<16x1xi32> to vector<16xi32>
        %gather3A_1639 = tpu.dynamic_gather %add3A_1629[%gather3A_1638] in [0] : vector<16xf32>, vector<16xi32> -> vector<16xf32>
        %add3A_1640 = arith.addf %add3A_1629, %gather3A_1639 : vector<16xf32>
        %lt3A_1641 = arith.constant 0 : i32
        %lt3A_1642 = vector.broadcast %lt3A_1641 : i32 to vector<16xi32>
        %lt3A_1643 = arith.cmpi slt, %xor3A_55, %lt3A_1642 : vector<16xi32>
        %add3A_1644 = arith.constant 16 : i32
        %add3A_1645 = vector.broadcast %add3A_1644 : i32 to vector<16xi32>
        %add3A_1646 = arith.addi %xor3A_55, %add3A_1645 : vector<16xi32>
        %select_n3A_1647 = arith.select %lt3A_1643, %add3A_1646, %xor3A_55 : vector<16xi1>, vector<16xi32>
        %broadcast_in_dim3A_1648 = vector.shape_cast %select_n3A_1647 : vector<16xi32> to vector<16x1xi32>
        %gather3A_1649 = vector.shape_cast %broadcast_in_dim3A_1648 : vector<16x1xi32> to vector<16xi32>
        %gather3A_1650 = tpu.dynamic_gather %add3A_1640[%gather3A_1649] in [0] : vector<16xf32>, vector<16xi32> -> vector<16xf32>
        %add3A_1651 = arith.addf %add3A_1640, %gather3A_1650 : vector<16xf32>
        %eq3A_1652 = arith.constant 7 : i32
        %eq3A_1653 = vector.broadcast %eq3A_1652 : i32 to vector<16xi32>
        %eq3A_1654 = arith.cmpi eq, %iota3A, %eq3A_1653 : vector<16xi32>
        %select_n3A_1655 = arith.select %eq3A_1654, %add3A_1651, %select_n3A_1607 : vector<16xi1>, vector<16xf32>
        %exp3A_1656 = math.exp %select_n3A_1655 : vector<16xf32>
        %jit3A_1657 = arith.constant 0.000000e+00 : f32
        %broadcast_in_dim3A_1658 = vector.broadcast %jit3A_1657 : f32 to vector<16xf32>
        %select_n3A_1659 = arith.select %lt3A_44, %exp3A_1656, %broadcast_in_dim3A_1658 : vector<16xi1>, vector<16xf32>
        %slice3A_1660 = vector.extract_strided_slice %select_n3A_1659 {offsets = [0], sizes = [1], strides = [1]} : vector<16xf32> to vector<1xf32>
        %squeeze3A_1661 = vector.extract %slice3A_1660[0] : f32 from vector<1xf32>
        %mul3A_1662 = vector.broadcast %squeeze3A_1661 : f32 to vector<16xf32>
        %mul3A_1663 = arith.mulf %get3A_1163, %mul3A_1662 : vector<16xf32>
        %swap3A_1664 = arith.index_cast %add3A_1159 : i32 to index
        %swap3A_1665 = arith.constant 0 : index
        %swap3A_1666 = tpu.vector_load %arg21[%swap3A_1664, %swap3A_1665] {strides = array<i32>} : memref<80x128xf32, #tpu.memory_space<vmem>>, vector<1x16xf32>,
        %swap3A_1667 = vector.shape_cast %swap3A_1666 : vector<1x16xf32> to vector<16xf32>
        %swap3A_1668 = vector.shape_cast %mul3A_1663 : vector<16xf32> to vector<1x16xf32>
        tpu.vector_store %arg21[%swap3A_1664, %swap3A_1665], %swap3A_1668 {strides = array<i32>} : memref<80x128xf32, #tpu.memory_space<vmem>>, vector<1x16xf32>,
        %slice3A_1669 = vector.extract_strided_slice %select_n3A_1659 {offsets = [1], sizes = [1], strides = [1]} : vector<16xf32> to vector<1xf32>
        %squeeze3A_1670 = vector.extract %slice3A_1669[0] : f32 from vector<1xf32>
        %mul3A_1671 = vector.broadcast %squeeze3A_1670 : f32 to vector<16xf32>
        %mul3A_1672 = arith.mulf %get3A_1177, %mul3A_1671 : vector<16xf32>
        %swap3A_1673 = arith.index_cast %add3A_1159 : i32 to index
        %swap3A_1674 = arith.constant 16 : index
        %swap3A_1675 = tpu.vector_load %arg21[%swap3A_1673, %swap3A_1674] {strides = array<i32>} : memref<80x128xf32, #tpu.memory_space<vmem>>, vector<1x16xf32>,
        %swap3A_1676 = vector.shape_cast %swap3A_1675 : vector<1x16xf32> to vector<16xf32>
        %swap3A_1677 = vector.shape_cast %mul3A_1672 : vector<16xf32> to vector<1x16xf32>
        tpu.vector_store %arg21[%swap3A_1673, %swap3A_1674], %swap3A_1677 {strides = array<i32>} : memref<80x128xf32, #tpu.memory_space<vmem>>, vector<1x16xf32>,
        %slice3A_1678 = vector.extract_strided_slice %select_n3A_1659 {offsets = [2], sizes = [1], strides = [1]} : vector<16xf32> to vector<1xf32>
        %squeeze3A_1679 = vector.extract %slice3A_1678[0] : f32 from vector<1xf32>
        %mul3A_1680 = vector.broadcast %squeeze3A_1679 : f32 to vector<16xf32>
        %mul3A_1681 = arith.mulf %get3A_1191, %mul3A_1680 : vector<16xf32>
        %swap3A_1682 = arith.index_cast %add3A_1159 : i32 to index
        %swap3A_1683 = arith.constant 32 : index
        %swap3A_1684 = tpu.vector_load %arg21[%swap3A_1682, %swap3A_1683] {strides = array<i32>} : memref<80x128xf32, #tpu.memory_space<vmem>>, vector<1x16xf32>,
        %swap3A_1685 = vector.shape_cast %swap3A_1684 : vector<1x16xf32> to vector<16xf32>
        %swap3A_1686 = vector.shape_cast %mul3A_1681 : vector<16xf32> to vector<1x16xf32>
        tpu.vector_store %arg21[%swap3A_1682, %swap3A_1683], %swap3A_1686 {strides = array<i32>} : memref<80x128xf32, #tpu.memory_space<vmem>>, vector<1x16xf32>,
        %slice3A_1687 = vector.extract_strided_slice %select_n3A_1659 {offsets = [3], sizes = [1], strides = [1]} : vector<16xf32> to vector<1xf32>
        %squeeze3A_1688 = vector.extract %slice3A_1687[0] : f32 from vector<1xf32>
        %mul3A_1689 = vector.broadcast %squeeze3A_1688 : f32 to vector<16xf32>
        %mul3A_1690 = arith.mulf %get3A_1205, %mul3A_1689 : vector<16xf32>
        %swap3A_1691 = arith.index_cast %add3A_1159 : i32 to index
        %swap3A_1692 = arith.constant 48 : index
        %swap3A_1693 = tpu.vector_load %arg21[%swap3A_1691, %swap3A_1692] {strides = array<i32>} : memref<80x128xf32, #tpu.memory_space<vmem>>, vector<1x16xf32>,
        %swap3A_1694 = vector.shape_cast %swap3A_1693 : vector<1x16xf32> to vector<16xf32>
        %swap3A_1695 = vector.shape_cast %mul3A_1690 : vector<16xf32> to vector<1x16xf32>
        tpu.vector_store %arg21[%swap3A_1691, %swap3A_1692], %swap3A_1695 {strides = array<i32>} : memref<80x128xf32, #tpu.memory_space<vmem>>, vector<1x16xf32>,
        %slice3A_1696 = vector.extract_strided_slice %select_n3A_1659 {offsets = [4], sizes = [1], strides = [1]} : vector<16xf32> to vector<1xf32>
        %squeeze3A_1697 = vector.extract %slice3A_1696[0] : f32 from vector<1xf32>
        %mul3A_1698 = vector.broadcast %squeeze3A_1697 : f32 to vector<16xf32>
        %mul3A_1699 = arith.mulf %get3A_1219, %mul3A_1698 : vector<16xf32>
        %swap3A_1700 = arith.index_cast %add3A_1159 : i32 to index
        %swap3A_1701 = arith.constant 64 : index
        %swap3A_1702 = tpu.vector_load %arg21[%swap3A_1700, %swap3A_1701] {strides = array<i32>} : memref<80x128xf32, #tpu.memory_space<vmem>>, vector<1x16xf32>,
        %swap3A_1703 = vector.shape_cast %swap3A_1702 : vector<1x16xf32> to vector<16xf32>
        %swap3A_1704 = vector.shape_cast %mul3A_1699 : vector<16xf32> to vector<1x16xf32>
        tpu.vector_store %arg21[%swap3A_1700, %swap3A_1701], %swap3A_1704 {strides = array<i32>} : memref<80x128xf32, #tpu.memory_space<vmem>>, vector<1x16xf32>,
        %slice3A_1705 = vector.extract_strided_slice %select_n3A_1659 {offsets = [5], sizes = [1], strides = [1]} : vector<16xf32> to vector<1xf32>
        %squeeze3A_1706 = vector.extract %slice3A_1705[0] : f32 from vector<1xf32>
        %mul3A_1707 = vector.broadcast %squeeze3A_1706 : f32 to vector<16xf32>
        %mul3A_1708 = arith.mulf %get3A_1233, %mul3A_1707 : vector<16xf32>
        %swap3A_1709 = arith.index_cast %add3A_1159 : i32 to index
        %swap3A_1710 = arith.constant 80 : index
        %swap3A_1711 = tpu.vector_load %arg21[%swap3A_1709, %swap3A_1710] {strides = array<i32>} : memref<80x128xf32, #tpu.memory_space<vmem>>, vector<1x16xf32>,
        %swap3A_1712 = vector.shape_cast %swap3A_1711 : vector<1x16xf32> to vector<16xf32>
        %swap3A_1713 = vector.shape_cast %mul3A_1708 : vector<16xf32> to vector<1x16xf32>
        tpu.vector_store %arg21[%swap3A_1709, %swap3A_1710], %swap3A_1713 {strides = array<i32>} : memref<80x128xf32, #tpu.memory_space<vmem>>, vector<1x16xf32>,
        %slice3A_1714 = vector.extract_strided_slice %select_n3A_1659 {offsets = [6], sizes = [1], strides = [1]} : vector<16xf32> to vector<1xf32>
        %squeeze3A_1715 = vector.extract %slice3A_1714[0] : f32 from vector<1xf32>
        %mul3A_1716 = vector.broadcast %squeeze3A_1715 : f32 to vector<16xf32>
        %mul3A_1717 = arith.mulf %get3A_1247, %mul3A_1716 : vector<16xf32>
        %swap3A_1718 = arith.index_cast %add3A_1159 : i32 to index
        %swap3A_1719 = arith.constant 96 : index
        %swap3A_1720 = tpu.vector_load %arg21[%swap3A_1718, %swap3A_1719] {strides = array<i32>} : memref<80x128xf32, #tpu.memory_space<vmem>>, vector<1x16xf32>,
        %swap3A_1721 = vector.shape_cast %swap3A_1720 : vector<1x16xf32> to vector<16xf32>
        %swap3A_1722 = vector.shape_cast %mul3A_1717 : vector<16xf32> to vector<1x16xf32>
        tpu.vector_store %arg21[%swap3A_1718, %swap3A_1719], %swap3A_1722 {strides = array<i32>} : memref<80x128xf32, #tpu.memory_space<vmem>>, vector<1x16xf32>,
        %slice3A_1723 = vector.extract_strided_slice %select_n3A_1659 {offsets = [7], sizes = [1], strides = [1]} : vector<16xf32> to vector<1xf32>
        %squeeze3A_1724 = vector.extract %slice3A_1723[0] : f32 from vector<1xf32>
        %mul3A_1725 = vector.broadcast %squeeze3A_1724 : f32 to vector<16xf32>
        %mul3A_1726 = arith.mulf %get3A_1261, %mul3A_1725 : vector<16xf32>
        %swap3A_1727 = arith.index_cast %add3A_1159 : i32 to index
        %swap3A_1728 = arith.constant 112 : index
        %swap3A_1729 = tpu.vector_load %arg21[%swap3A_1727, %swap3A_1728] {strides = array<i32>} : memref<80x128xf32, #tpu.memory_space<vmem>>, vector<1x16xf32>,
        %swap3A_1730 = vector.shape_cast %swap3A_1729 : vector<1x16xf32> to vector<16xf32>
        %swap3A_1731 = vector.shape_cast %mul3A_1726 : vector<16xf32> to vector<1x16xf32>
        tpu.vector_store %arg21[%swap3A_1727, %swap3A_1728], %swap3A_1731 {strides = array<i32>} : memref<80x128xf32, #tpu.memory_space<vmem>>, vector<1x16xf32>,
        %jit3A_1732 = arith.constant 16 : i32
        %div3A_1733 = arith.divsi %scan3A_1157, %jit3A_1732 : i32
        %sign3A_1734 = arith.constant 0 : i32
        %sign3A_1735 = arith.cmpi sgt, %scan3A_1157, %sign3A_1734 : i32
        %sign3A_1736 = arith.extui %sign3A_1735 : i1 to i32
        %sign3A_1737 = arith.constant 0 : i32
        %sign3A_1738 = arith.cmpi slt, %scan3A_1157, %sign3A_1737 : i32
        %sign3A_1739 = arith.extui %sign3A_1738 : i1 to i32
        %sign3A_1740 = arith.subi %sign3A_1736, %sign3A_1739 : i32
        %sign3A_1741 = arith.constant 0 : i32
        %sign3A_1742 = arith.cmpi sgt, %jit3A_1732, %sign3A_1741 : i32
        %sign3A_1743 = arith.extui %sign3A_1742 : i1 to i32
        %sign3A_1744 = arith.constant 0 : i32
        %sign3A_1745 = arith.cmpi slt, %jit3A_1732, %sign3A_1744 : i32
        %sign3A_1746 = arith.extui %sign3A_1745 : i1 to i32
        %sign3A_1747 = arith.subi %sign3A_1743, %sign3A_1746 : i32
        %ne3A_1748 = arith.cmpi ne, %sign3A_1740, %sign3A_1747 : i32
        %rem3A_1749 = arith.remsi %scan3A_1157, %jit3A_1732 : i32
        %ne3A_1750 = arith.constant 0 : i32
        %ne3A_1751 = arith.cmpi ne, %rem3A_1749, %ne3A_1750 : i32
        %and3A_1752 = arith.andi %ne3A_1748, %ne3A_1751 : i1
        %sub3A_1753 = arith.constant 1 : i32
        %sub3A_1754 = arith.subi %div3A_1733, %sub3A_1753 : i32
        %select_n3A_1755 = arith.select %and3A_1752, %sub3A_1754, %div3A_1733 : i32
        %mul3A_1756 = arith.constant 16 : i32
        %mul3A_1757 = arith.muli %select_n3A_1755, %mul3A_1756 : i32
        %multiple_of3A_1758 = tpu.assume_multiple %mul3A_1757, 8 : i32
        %get3A_1759 = arith.index_cast %multiple_of3A_1758 : i32 to index
        %get3A_1760 = tpu.vector_load %arg19[%get3A_1759] {strides = array<i32>} : memref<48xi32, #tpu.memory_space<vmem>>, vector<16xi32>,
        %get3A_1761 = vector.shape_cast %get3A_1760 : vector<16xi32> to vector<16xi32>
        %mul3A_1762 = arith.constant 0 : i32
        %mul3A_1763 = vector.broadcast %mul3A_1762 : i32 to vector<16xi32>
        %mul3A_1764 = arith.muli %iota3A, %mul3A_1763 : vector<16xi32>
        %sub3A_1765 = arith.subi %scan3A_1157, %multiple_of3A_1758 : i32
        %add3A_1766 = vector.broadcast %sub3A_1765 : i32 to vector<16xi32>
        %add3A_1767 = arith.addi %mul3A_1764, %add3A_1766 : vector<16xi32>
        %lt3A_1768 = arith.constant 0 : i32
        %lt3A_1769 = vector.broadcast %lt3A_1768 : i32 to vector<16xi32>
        %lt3A_1770 = arith.cmpi slt, %add3A_1767, %lt3A_1769 : vector<16xi32>
        %add3A_1771 = arith.constant 16 : i32
        %add3A_1772 = vector.broadcast %add3A_1771 : i32 to vector<16xi32>
        %add3A_1773 = arith.addi %add3A_1767, %add3A_1772 : vector<16xi32>
        %select_n3A_1774 = arith.select %lt3A_1770, %add3A_1773, %add3A_1767 : vector<16xi1>, vector<16xi32>
        %broadcast_in_dim3A_1775 = vector.shape_cast %select_n3A_1774 : vector<16xi32> to vector<16x1xi32>
        %gather3A_1776 = vector.shape_cast %broadcast_in_dim3A_1775 : vector<16x1xi32> to vector<16xi32>
        %gather3A_1777 = tpu.dynamic_gather %get3A_1761[%gather3A_1776] in [0] : vector<16xi32>, vector<16xi32> -> vector<16xi32>
        %convert_element_type3A_1778 = arith.sitofp %gather3A_1777 : vector<16xi32> to vector<16xf32>
        %sub3A_1779 = arith.constant 0.000000e+00 : f32
        %sub3A_1780 = vector.broadcast %sub3A_1779 : f32 to vector<16xf32>
        %sub3A_1781 = arith.subf %convert_element_type3A_1778, %sub3A_1780 : vector<16xf32>
        %abs3A_1782 = math.absf %sub3A_1781 : vector<16xf32>
        %sub3A_1783 = arith.constant 1.000000e+00 : f32
        %sub3A_1784 = vector.broadcast %sub3A_1783 : f32 to vector<16xf32>
        %sub3A_1785 = arith.subf %sub3A_1784, %abs3A_1782 : vector<16xf32>
        %max3A_1786 = arith.constant 0.000000e+00 : f32
        %max3A_1787 = vector.broadcast %max3A_1786 : f32 to vector<16xf32>
        %max3A_1788 = arith.maximumf %max3A_1787, %sub3A_1785 : vector<16xf32>
        %mul3A_1789 = arith.mulf %select_n3A_1659, %max3A_1788 : vector<16xf32>
        %swap3A_1790 = arith.index_cast %add3A_1159 : i32 to index
        %swap3A_1791 = arith.constant 0 : index
        %swap3A_1792 = tpu.vector_load %arg20[%swap3A_1790, %swap3A_1791] {strides = array<i32>} : memref<80x128xf32, #tpu.memory_space<vmem>>, vector<1x16xf32>,
        %swap3A_1793 = vector.shape_cast %swap3A_1792 : vector<1x16xf32> to vector<16xf32>
        %swap3A_1794 = vector.shape_cast %mul3A_1789 : vector<16xf32> to vector<1x16xf32>
        tpu.vector_store %arg20[%swap3A_1790, %swap3A_1791], %swap3A_1794 {strides = array<i32>} : memref<80x128xf32, #tpu.memory_space<vmem>>, vector<1x16xf32>,
        %sub3A_1795 = arith.constant 1.000000e+00 : f32
        %sub3A_1796 = vector.broadcast %sub3A_1795 : f32 to vector<16xf32>
        %sub3A_1797 = arith.subf %convert_element_type3A_1778, %sub3A_1796 : vector<16xf32>
        %abs3A_1798 = math.absf %sub3A_1797 : vector<16xf32>
        %sub3A_1799 = arith.constant 1.000000e+00 : f32
        %sub3A_1800 = vector.broadcast %sub3A_1799 : f32 to vector<16xf32>
        %sub3A_1801 = arith.subf %sub3A_1800, %abs3A_1798 : vector<16xf32>
        %max3A_1802 = arith.constant 0.000000e+00 : f32
        %max3A_1803 = vector.broadcast %max3A_1802 : f32 to vector<16xf32>
        %max3A_1804 = arith.maximumf %max3A_1803, %sub3A_1801 : vector<16xf32>
        %mul3A_1805 = arith.mulf %select_n3A_1659, %max3A_1804 : vector<16xf32>
        %swap3A_1806 = arith.index_cast %add3A_1159 : i32 to index
        %swap3A_1807 = arith.constant 16 : index
        %swap3A_1808 = tpu.vector_load %arg20[%swap3A_1806, %swap3A_1807] {strides = array<i32>} : memref<80x128xf32, #tpu.memory_space<vmem>>, vector<1x16xf32>,
        %swap3A_1809 = vector.shape_cast %swap3A_1808 : vector<1x16xf32> to vector<16xf32>
        %swap3A_1810 = vector.shape_cast %mul3A_1805 : vector<16xf32> to vector<1x16xf32>
        tpu.vector_store %arg20[%swap3A_1806, %swap3A_1807], %swap3A_1810 {strides = array<i32>} : memref<80x128xf32, #tpu.memory_space<vmem>>, vector<1x16xf32>,
        %sub3A_1811 = arith.constant 2.000000e+00 : f32
        %sub3A_1812 = vector.broadcast %sub3A_1811 : f32 to vector<16xf32>
        %sub3A_1813 = arith.subf %convert_element_type3A_1778, %sub3A_1812 : vector<16xf32>
        %abs3A_1814 = math.absf %sub3A_1813 : vector<16xf32>
        %sub3A_1815 = arith.constant 1.000000e+00 : f32
        %sub3A_1816 = vector.broadcast %sub3A_1815 : f32 to vector<16xf32>
        %sub3A_1817 = arith.subf %sub3A_1816, %abs3A_1814 : vector<16xf32>
        %max3A_1818 = arith.constant 0.000000e+00 : f32
        %max3A_1819 = vector.broadcast %max3A_1818 : f32 to vector<16xf32>
        %max3A_1820 = arith.maximumf %max3A_1819, %sub3A_1817 : vector<16xf32>
        %mul3A_1821 = arith.mulf %select_n3A_1659, %max3A_1820 : vector<16xf32>
        %swap3A_1822 = arith.index_cast %add3A_1159 : i32 to index
        %swap3A_1823 = arith.constant 32 : index
        %swap3A_1824 = tpu.vector_load %arg20[%swap3A_1822, %swap3A_1823] {strides = array<i32>} : memref<80x128xf32, #tpu.memory_space<vmem>>, vector<1x16xf32>,
        %swap3A_1825 = vector.shape_cast %swap3A_1824 : vector<1x16xf32> to vector<16xf32>
        %swap3A_1826 = vector.shape_cast %mul3A_1821 : vector<16xf32> to vector<1x16xf32>
        tpu.vector_store %arg20[%swap3A_1822, %swap3A_1823], %swap3A_1826 {strides = array<i32>} : memref<80x128xf32, #tpu.memory_space<vmem>>, vector<1x16xf32>,
        %sub3A_1827 = arith.constant 3.000000e+00 : f32
        %sub3A_1828 = vector.broadcast %sub3A_1827 : f32 to vector<16xf32>
        %sub3A_1829 = arith.subf %convert_element_type3A_1778, %sub3A_1828 : vector<16xf32>
        %abs3A_1830 = math.absf %sub3A_1829 : vector<16xf32>
        %sub3A_1831 = arith.constant 1.000000e+00 : f32
        %sub3A_1832 = vector.broadcast %sub3A_1831 : f32 to vector<16xf32>
        %sub3A_1833 = arith.subf %sub3A_1832, %abs3A_1830 : vector<16xf32>
        %max3A_1834 = arith.constant 0.000000e+00 : f32
        %max3A_1835 = vector.broadcast %max3A_1834 : f32 to vector<16xf32>
        %max3A_1836 = arith.maximumf %max3A_1835, %sub3A_1833 : vector<16xf32>
        %mul3A_1837 = arith.mulf %select_n3A_1659, %max3A_1836 : vector<16xf32>
        %swap3A_1838 = arith.index_cast %add3A_1159 : i32 to index
        %swap3A_1839 = arith.constant 48 : index
        %swap3A_1840 = tpu.vector_load %arg20[%swap3A_1838, %swap3A_1839] {strides = array<i32>} : memref<80x128xf32, #tpu.memory_space<vmem>>, vector<1x16xf32>,
        %swap3A_1841 = vector.shape_cast %swap3A_1840 : vector<1x16xf32> to vector<16xf32>
        %swap3A_1842 = vector.shape_cast %mul3A_1837 : vector<16xf32> to vector<1x16xf32>
        tpu.vector_store %arg20[%swap3A_1838, %swap3A_1839], %swap3A_1842 {strides = array<i32>} : memref<80x128xf32, #tpu.memory_space<vmem>>, vector<1x16xf32>,
        %sub3A_1843 = arith.constant 4.000000e+00 : f32
        %sub3A_1844 = vector.broadcast %sub3A_1843 : f32 to vector<16xf32>
        %sub3A_1845 = arith.subf %convert_element_type3A_1778, %sub3A_1844 : vector<16xf32>
        %abs3A_1846 = math.absf %sub3A_1845 : vector<16xf32>
        %sub3A_1847 = arith.constant 1.000000e+00 : f32
        %sub3A_1848 = vector.broadcast %sub3A_1847 : f32 to vector<16xf32>
        %sub3A_1849 = arith.subf %sub3A_1848, %abs3A_1846 : vector<16xf32>
        %max3A_1850 = arith.constant 0.000000e+00 : f32
        %max3A_1851 = vector.broadcast %max3A_1850 : f32 to vector<16xf32>
        %max3A_1852 = arith.maximumf %max3A_1851, %sub3A_1849 : vector<16xf32>
        %mul3A_1853 = arith.mulf %select_n3A_1659, %max3A_1852 : vector<16xf32>
        %swap3A_1854 = arith.index_cast %add3A_1159 : i32 to index
        %swap3A_1855 = arith.constant 64 : index
        %swap3A_1856 = tpu.vector_load %arg20[%swap3A_1854, %swap3A_1855] {strides = array<i32>} : memref<80x128xf32, #tpu.memory_space<vmem>>, vector<1x16xf32>,
        %swap3A_1857 = vector.shape_cast %swap3A_1856 : vector<1x16xf32> to vector<16xf32>
        %swap3A_1858 = vector.shape_cast %mul3A_1853 : vector<16xf32> to vector<1x16xf32>
        tpu.vector_store %arg20[%swap3A_1854, %swap3A_1855], %swap3A_1858 {strides = array<i32>} : memref<80x128xf32, #tpu.memory_space<vmem>>, vector<1x16xf32>,
        %sub3A_1859 = arith.constant 5.000000e+00 : f32
        %sub3A_1860 = vector.broadcast %sub3A_1859 : f32 to vector<16xf32>
        %sub3A_1861 = arith.subf %convert_element_type3A_1778, %sub3A_1860 : vector<16xf32>
        %abs3A_1862 = math.absf %sub3A_1861 : vector<16xf32>
        %sub3A_1863 = arith.constant 1.000000e+00 : f32
        %sub3A_1864 = vector.broadcast %sub3A_1863 : f32 to vector<16xf32>
        %sub3A_1865 = arith.subf %sub3A_1864, %abs3A_1862 : vector<16xf32>
        %max3A_1866 = arith.constant 0.000000e+00 : f32
        %max3A_1867 = vector.broadcast %max3A_1866 : f32 to vector<16xf32>
        %max3A_1868 = arith.maximumf %max3A_1867, %sub3A_1865 : vector<16xf32>
        %mul3A_1869 = arith.mulf %select_n3A_1659, %max3A_1868 : vector<16xf32>
        %swap3A_1870 = arith.index_cast %add3A_1159 : i32 to index
        %swap3A_1871 = arith.constant 80 : index
        %swap3A_1872 = tpu.vector_load %arg20[%swap3A_1870, %swap3A_1871] {strides = array<i32>} : memref<80x128xf32, #tpu.memory_space<vmem>>, vector<1x16xf32>,
        %swap3A_1873 = vector.shape_cast %swap3A_1872 : vector<1x16xf32> to vector<16xf32>
        %swap3A_1874 = vector.shape_cast %mul3A_1869 : vector<16xf32> to vector<1x16xf32>
        tpu.vector_store %arg20[%swap3A_1870, %swap3A_1871], %swap3A_1874 {strides = array<i32>} : memref<80x128xf32, #tpu.memory_space<vmem>>, vector<1x16xf32>,
        %sub3A_1875 = arith.constant 6.000000e+00 : f32
        %sub3A_1876 = vector.broadcast %sub3A_1875 : f32 to vector<16xf32>
        %sub3A_1877 = arith.subf %convert_element_type3A_1778, %sub3A_1876 : vector<16xf32>
        %abs3A_1878 = math.absf %sub3A_1877 : vector<16xf32>
        %sub3A_1879 = arith.constant 1.000000e+00 : f32
        %sub3A_1880 = vector.broadcast %sub3A_1879 : f32 to vector<16xf32>
        %sub3A_1881 = arith.subf %sub3A_1880, %abs3A_1878 : vector<16xf32>
        %max3A_1882 = arith.constant 0.000000e+00 : f32
        %max3A_1883 = vector.broadcast %max3A_1882 : f32 to vector<16xf32>
        %max3A_1884 = arith.maximumf %max3A_1883, %sub3A_1881 : vector<16xf32>
        %mul3A_1885 = arith.mulf %select_n3A_1659, %max3A_1884 : vector<16xf32>
        %swap3A_1886 = arith.index_cast %add3A_1159 : i32 to index
        %swap3A_1887 = arith.constant 96 : index
        %swap3A_1888 = tpu.vector_load %arg20[%swap3A_1886, %swap3A_1887] {strides = array<i32>} : memref<80x128xf32, #tpu.memory_space<vmem>>, vector<1x16xf32>,
        %swap3A_1889 = vector.shape_cast %swap3A_1888 : vector<1x16xf32> to vector<16xf32>
        %swap3A_1890 = vector.shape_cast %mul3A_1885 : vector<16xf32> to vector<1x16xf32>
        tpu.vector_store %arg20[%swap3A_1886, %swap3A_1887], %swap3A_1890 {strides = array<i32>} : memref<80x128xf32, #tpu.memory_space<vmem>>, vector<1x16xf32>,
        %sub3A_1891 = arith.constant 7.000000e+00 : f32
        %sub3A_1892 = vector.broadcast %sub3A_1891 : f32 to vector<16xf32>
        %sub3A_1893 = arith.subf %convert_element_type3A_1778, %sub3A_1892 : vector<16xf32>
        %abs3A_1894 = math.absf %sub3A_1893 : vector<16xf32>
        %sub3A_1895 = arith.constant 1.000000e+00 : f32
        %sub3A_1896 = vector.broadcast %sub3A_1895 : f32 to vector<16xf32>
        %sub3A_1897 = arith.subf %sub3A_1896, %abs3A_1894 : vector<16xf32>
        %max3A_1898 = arith.constant 0.000000e+00 : f32
        %max3A_1899 = vector.broadcast %max3A_1898 : f32 to vector<16xf32>
        %max3A_1900 = arith.maximumf %max3A_1899, %sub3A_1897 : vector<16xf32>
        %mul3A_1901 = arith.mulf %select_n3A_1659, %max3A_1900 : vector<16xf32>
        %swap3A_1902 = arith.index_cast %add3A_1159 : i32 to index
        %swap3A_1903 = arith.constant 112 : index
        %swap3A_1904 = tpu.vector_load %arg20[%swap3A_1902, %swap3A_1903] {strides = array<i32>} : memref<80x128xf32, #tpu.memory_space<vmem>>, vector<1x16xf32>,
        %swap3A_1905 = vector.shape_cast %swap3A_1904 : vector<1x16xf32> to vector<16xf32>
        %swap3A_1906 = vector.shape_cast %mul3A_1901 : vector<16xf32> to vector<1x16xf32>
        tpu.vector_store %arg20[%swap3A_1902, %swap3A_1903], %swap3A_1906 {strides = array<i32>} : memref<80x128xf32, #tpu.memory_space<vmem>>, vector<1x16xf32>,
        %scan3A_1907 = arith.constant 0 : i32
        scf.yield %scan3A_1907 : i32
      }
      %scan3A_388 = arith.constant 40 : i32
      "tpu.region"() ({
        %run_scoped3A = tpu.sem_alloc : memref<!tpu.dma_semaphore, #tpu.memory_space<semaphore_mem>>
        %dma_start3A_412 = arith.constant 40 : i32
        %dma_start3A_413 = arith.constant 0 : i32
        %dma_start3A_414 = tpu.memref_slice %arg21[%dma_start3A_412, %dma_start3A_413] : memref<80x128xf32, #tpu.memory_space<vmem>> -> memref<40x128xf32, #tpu.memory_space<vmem>>
        %dma_start3A_415 = arith.constant 0 : i32
        %dma_start3A_416 = arith.constant 0 : i32
        %dma_start3A_417 = tpu.memref_slice %arg10[%dma_start3A_415, %dma_start3A_416] : memref<11520x128xf32, #tpu.memory_space<vmem_shared>> -> memref<11520x128xf32, #tpu.memory_space<vmem_shared>>
        tpu.enqueue_indirect_dma source(%dma_start3A_414 : memref<40x128xf32, #tpu.memory_space<vmem>>) target(%dma_start3A_417 : memref<11520x128xf32, #tpu.memory_space<vmem_shared>>) offsets(%arg17 : memref<40xi32, #tpu.memory_space<vmem>>) semaphore(%run_scoped3A : memref<!tpu.dma_semaphore, #tpu.memory_space<semaphore_mem>>) {add = true}
        %dma_wait3A_418 = arith.constant 40 : i32
        %dma_wait3A_419 = arith.constant 0 : i32
        %dma_wait3A_420 = tpu.memref_slice %arg21[%dma_wait3A_418, %dma_wait3A_419] : memref<80x128xf32, #tpu.memory_space<vmem>> -> memref<40x128xf32, #tpu.memory_space<vmem>>
        %dma_wait3A_421 = arith.constant 0 : i32
        %dma_wait3A_422 = arith.constant 0 : i32
        %dma_wait3A_423 = tpu.memref_slice %arg10[%dma_wait3A_421, %dma_wait3A_422] : memref<11520x128xf32, #tpu.memory_space<vmem_shared>> -> memref<11520x128xf32, #tpu.memory_space<vmem_shared>>
        tpu.wait_indirect_dma semaphore(%run_scoped3A : memref<!tpu.dma_semaphore, #tpu.memory_space<semaphore_mem>>) src(%dma_wait3A_420 : memref<40x128xf32, #tpu.memory_space<vmem>>) dst(%dma_wait3A_423 : memref<11520x128xf32, #tpu.memory_space<vmem_shared>>)
        tpu.yield
      }) : () -> ()
      "tpu.region"() ({
        %run_scoped3A = tpu.sem_alloc : memref<!tpu.dma_semaphore, #tpu.memory_space<semaphore_mem>>
        %dma_start3A_412 = arith.constant 40 : i32
        %dma_start3A_413 = arith.constant 0 : i32
        %dma_start3A_414 = tpu.memref_slice %arg20[%dma_start3A_412, %dma_start3A_413] : memref<80x128xf32, #tpu.memory_space<vmem>> -> memref<40x128xf32, #tpu.memory_space<vmem>>
        %dma_start3A_415 = arith.constant 0 : i32
        %dma_start3A_416 = arith.constant 0 : i32
        %dma_start3A_417 = tpu.memref_slice %arg10[%dma_start3A_415, %dma_start3A_416] : memref<11520x128xf32, #tpu.memory_space<vmem_shared>> -> memref<11520x128xf32, #tpu.memory_space<vmem_shared>>
        tpu.enqueue_indirect_dma source(%dma_start3A_414 : memref<40x128xf32, #tpu.memory_space<vmem>>) target(%dma_start3A_417 : memref<11520x128xf32, #tpu.memory_space<vmem_shared>>) offsets(%arg18 : memref<40xi32, #tpu.memory_space<vmem>>) semaphore(%run_scoped3A : memref<!tpu.dma_semaphore, #tpu.memory_space<semaphore_mem>>) {add = true}
        %dma_wait3A_418 = arith.constant 40 : i32
        %dma_wait3A_419 = arith.constant 0 : i32
        %dma_wait3A_420 = tpu.memref_slice %arg20[%dma_wait3A_418, %dma_wait3A_419] : memref<80x128xf32, #tpu.memory_space<vmem>> -> memref<40x128xf32, #tpu.memory_space<vmem>>
        %dma_wait3A_421 = arith.constant 0 : i32
        %dma_wait3A_422 = arith.constant 0 : i32
        %dma_wait3A_423 = tpu.memref_slice %arg10[%dma_wait3A_421, %dma_wait3A_422] : memref<11520x128xf32, #tpu.memory_space<vmem_shared>> -> memref<11520x128xf32, #tpu.memory_space<vmem_shared>>
        tpu.wait_indirect_dma semaphore(%run_scoped3A : memref<!tpu.dma_semaphore, #tpu.memory_space<semaphore_mem>>) src(%dma_wait3A_420 : memref<40x128xf32, #tpu.memory_space<vmem>>) dst(%dma_wait3A_423 : memref<11520x128xf32, #tpu.memory_space<vmem_shared>>)
        tpu.yield
      }) : () -> ()
      %add3A_389 = arith.constant 2 : i32
      %add3A_390 = arith.addi %add3A_325, %add3A_389 : i32
      %rem3A_391 = arith.constant 250 : i32
      %rem3A_392 = arith.remsi %add3A_390, %rem3A_391 : i32
      %mul3A_393 = arith.constant 10000 : i32
      %mul3A_394 = arith.muli %add3A, %mul3A_393 : i32
      %mul3A_395 = arith.constant 40 : i32
      %mul3A_396 = arith.muli %rem3A_392, %mul3A_395 : i32
      %add3A_397 = arith.addi %mul3A_394, %mul3A_396 : i32
      %multiple_of3A_398 = tpu.assume_multiple %add3A_397, 8 : i32
      %dma_start3A_399 = tpu.memref_slice %arg4[%multiple_of3A_398] : memref<320000xi32, #tpu.memory_space<hbm>> -> memref<40xi32, #tpu.memory_space<hbm>>
      %dma_start3A_400 = tpu.memref_slice %arg4[%multiple_of3A_398] : memref<320000xi32, #tpu.memory_space<hbm>> -> memref<40xi32, #tpu.memory_space<hbm>>
      tpu.enqueue_dma source(%dma_start3A_400 : memref<40xi32, #tpu.memory_space<hbm>>) target(%arg16 : memref<40xi32, #tpu.memory_space<vmem>>) target_semaphore(%arg23 : memref<!tpu.dma_semaphore, #tpu.memory_space<semaphore_mem>>)
      %dma_start3A_401 = tpu.memref_slice %arg5[%multiple_of3A_398] : memref<320000xi32, #tpu.memory_space<hbm>> -> memref<40xi32, #tpu.memory_space<hbm>>
      %dma_start3A_402 = tpu.memref_slice %arg5[%multiple_of3A_398] : memref<320000xi32, #tpu.memory_space<hbm>> -> memref<40xi32, #tpu.memory_space<hbm>>
      tpu.enqueue_dma source(%dma_start3A_402 : memref<40xi32, #tpu.memory_space<hbm>>) target(%arg17 : memref<40xi32, #tpu.memory_space<vmem>>) target_semaphore(%arg23 : memref<!tpu.dma_semaphore, #tpu.memory_space<semaphore_mem>>)
      %dma_start3A_403 = tpu.memref_slice %arg6[%multiple_of3A_398] : memref<320000xi32, #tpu.memory_space<hbm>> -> memref<40xi32, #tpu.memory_space<hbm>>
      %dma_start3A_404 = tpu.memref_slice %arg6[%multiple_of3A_398] : memref<320000xi32, #tpu.memory_space<hbm>> -> memref<40xi32, #tpu.memory_space<hbm>>
      tpu.enqueue_dma source(%dma_start3A_404 : memref<40xi32, #tpu.memory_space<hbm>>) target(%arg18 : memref<40xi32, #tpu.memory_space<vmem>>) target_semaphore(%arg23 : memref<!tpu.dma_semaphore, #tpu.memory_space<semaphore_mem>>)
      %dma_start3A_405 = arith.constant 0 : i32
      %dma_start3A_406 = tpu.memref_slice %arg19[%dma_start3A_405] : memref<48xi32, #tpu.memory_space<vmem>> -> memref<40xi32, #tpu.memory_space<vmem>>
      %dma_start3A_407 = tpu.memref_slice %arg7[%multiple_of3A_398] : memref<320000xi32, #tpu.memory_space<hbm>> -> memref<40xi32, #tpu.memory_space<hbm>>
      %dma_start3A_408 = arith.constant 0 : i32
      %dma_start3A_409 = tpu.memref_slice %arg19[%dma_start3A_408] : memref<48xi32, #tpu.memory_space<vmem>> -> memref<40xi32, #tpu.memory_space<vmem>>
      %dma_start3A_410 = tpu.memref_slice %arg7[%multiple_of3A_398] : memref<320000xi32, #tpu.memory_space<hbm>> -> memref<40xi32, #tpu.memory_space<hbm>>
      tpu.enqueue_dma source(%dma_start3A_410 : memref<40xi32, #tpu.memory_space<hbm>>) target(%dma_start3A_409 : memref<40xi32, #tpu.memory_space<vmem>>) target_semaphore(%arg23 : memref<!tpu.dma_semaphore, #tpu.memory_space<semaphore_mem>>)
      %scan3A_411 = arith.constant 0 : i32
      scf.yield %scan3A_411 : i32
    }
    %scan3A_188 = arith.constant 125 : i32
    %dma_wait3A = arith.constant 0 : i32
    %dma_wait3A_189 = arith.constant 0 : i32
    %dma_wait3A_190 = tpu.memref_slice %arg20[%dma_wait3A, %dma_wait3A_189] : memref<80x128xf32, #tpu.memory_space<vmem>> -> memref<40x128xf32, #tpu.memory_space<vmem>>
    %dma_wait3A_191 = arith.constant 0 : i32
    %dma_wait3A_192 = arith.constant 0 : i32
    %dma_wait3A_193 = tpu.memref_slice %arg2[%dma_wait3A_191, %dma_wait3A_192] : memref<10000x128xf32, #tpu.memory_space<hbm>> -> memref<40x128xf32, #tpu.memory_space<hbm>>
    %dma_wait3A_194 = arith.constant 0 : i32
    %dma_wait3A_195 = arith.constant 0 : i32
    %dma_wait3A_196 = tpu.memref_slice %arg20[%dma_wait3A_194, %dma_wait3A_195] : memref<80x128xf32, #tpu.memory_space<vmem>> -> memref<40x128xf32, #tpu.memory_space<vmem>>
    %dma_wait3A_197 = arith.constant 0 : i32
    %dma_wait3A_198 = arith.constant 0 : i32
    %dma_wait3A_199 = tpu.memref_slice %arg2[%dma_wait3A_197, %dma_wait3A_198] : memref<10000x128xf32, #tpu.memory_space<hbm>> -> memref<40x128xf32, #tpu.memory_space<hbm>>
    tpu.wait_dma2 semaphore(%arg24 : memref<!tpu.dma_semaphore, #tpu.memory_space<semaphore_mem>>) src(%dma_wait3A_199 : memref<40x128xf32, #tpu.memory_space<hbm>>) dst(%dma_wait3A_196 : memref<40x128xf32, #tpu.memory_space<vmem>>)
    %dma_wait3A_200 = arith.constant 0 : i32
    %dma_wait3A_201 = arith.constant 0 : i32
    %dma_wait3A_202 = tpu.memref_slice %arg21[%dma_wait3A_200, %dma_wait3A_201] : memref<80x128xf32, #tpu.memory_space<vmem>> -> memref<40x128xf32, #tpu.memory_space<vmem>>
    %dma_wait3A_203 = arith.constant 0 : i32
    %dma_wait3A_204 = arith.constant 0 : i32
    %dma_wait3A_205 = tpu.memref_slice %arg3[%dma_wait3A_203, %dma_wait3A_204] : memref<10000x128xf32, #tpu.memory_space<hbm>> -> memref<40x128xf32, #tpu.memory_space<hbm>>
    %dma_wait3A_206 = arith.constant 0 : i32
    %dma_wait3A_207 = arith.constant 0 : i32
    %dma_wait3A_208 = tpu.memref_slice %arg21[%dma_wait3A_206, %dma_wait3A_207] : memref<80x128xf32, #tpu.memory_space<vmem>> -> memref<40x128xf32, #tpu.memory_space<vmem>>
    %dma_wait3A_209 = arith.constant 0 : i32
    %dma_wait3A_210 = arith.constant 0 : i32
    %dma_wait3A_211 = tpu.memref_slice %arg3[%dma_wait3A_209, %dma_wait3A_210] : memref<10000x128xf32, #tpu.memory_space<hbm>> -> memref<40x128xf32, #tpu.memory_space<hbm>>
    tpu.wait_dma2 semaphore(%arg24 : memref<!tpu.dma_semaphore, #tpu.memory_space<semaphore_mem>>) src(%dma_wait3A_211 : memref<40x128xf32, #tpu.memory_space<hbm>>) dst(%dma_wait3A_208 : memref<40x128xf32, #tpu.memory_space<vmem>>)
    %dma_wait3A_212 = arith.constant 0 : i32
    %dma_wait3A_213 = tpu.memref_slice %arg4[%dma_wait3A_212] : memref<320000xi32, #tpu.memory_space<hbm>> -> memref<40xi32, #tpu.memory_space<hbm>>
    %dma_wait3A_214 = arith.constant 0 : i32
    %dma_wait3A_215 = tpu.memref_slice %arg4[%dma_wait3A_214] : memref<320000xi32, #tpu.memory_space<hbm>> -> memref<40xi32, #tpu.memory_space<hbm>>
    tpu.wait_dma2 semaphore(%arg23 : memref<!tpu.dma_semaphore, #tpu.memory_space<semaphore_mem>>) src(%dma_wait3A_215 : memref<40xi32, #tpu.memory_space<hbm>>) dst(%arg16 : memref<40xi32, #tpu.memory_space<vmem>>)
    %dma_wait3A_216 = arith.constant 0 : i32
    %dma_wait3A_217 = tpu.memref_slice %arg5[%dma_wait3A_216] : memref<320000xi32, #tpu.memory_space<hbm>> -> memref<40xi32, #tpu.memory_space<hbm>>
    %dma_wait3A_218 = arith.constant 0 : i32
    %dma_wait3A_219 = tpu.memref_slice %arg5[%dma_wait3A_218] : memref<320000xi32, #tpu.memory_space<hbm>> -> memref<40xi32, #tpu.memory_space<hbm>>
    tpu.wait_dma2 semaphore(%arg23 : memref<!tpu.dma_semaphore, #tpu.memory_space<semaphore_mem>>) src(%dma_wait3A_219 : memref<40xi32, #tpu.memory_space<hbm>>) dst(%arg17 : memref<40xi32, #tpu.memory_space<vmem>>)
    %dma_wait3A_220 = arith.constant 0 : i32
    %dma_wait3A_221 = tpu.memref_slice %arg6[%dma_wait3A_220] : memref<320000xi32, #tpu.memory_space<hbm>> -> memref<40xi32, #tpu.memory_space<hbm>>
    %dma_wait3A_222 = arith.constant 0 : i32
    %dma_wait3A_223 = tpu.memref_slice %arg6[%dma_wait3A_222] : memref<320000xi32, #tpu.memory_space<hbm>> -> memref<40xi32, #tpu.memory_space<hbm>>
    tpu.wait_dma2 semaphore(%arg23 : memref<!tpu.dma_semaphore, #tpu.memory_space<semaphore_mem>>) src(%dma_wait3A_223 : memref<40xi32, #tpu.memory_space<hbm>>) dst(%arg18 : memref<40xi32, #tpu.memory_space<vmem>>)
    %dma_wait3A_224 = arith.constant 0 : i32
    %dma_wait3A_225 = tpu.memref_slice %arg19[%dma_wait3A_224] : memref<48xi32, #tpu.memory_space<vmem>> -> memref<40xi32, #tpu.memory_space<vmem>>
    %dma_wait3A_226 = arith.constant 0 : i32
    %dma_wait3A_227 = tpu.memref_slice %arg7[%dma_wait3A_226] : memref<320000xi32, #tpu.memory_space<hbm>> -> memref<40xi32, #tpu.memory_space<hbm>>
    %dma_wait3A_228 = arith.constant 0 : i32
    %dma_wait3A_229 = tpu.memref_slice %arg19[%dma_wait3A_228] : memref<48xi32, #tpu.memory_space<vmem>> -> memref<40xi32, #tpu.memory_space<vmem>>
    %dma_wait3A_230 = arith.constant 0 : i32
    %dma_wait3A_231 = tpu.memref_slice %arg7[%dma_wait3A_230] : memref<320000xi32, #tpu.memory_space<hbm>> -> memref<40xi32, #tpu.memory_space<hbm>>
    tpu.wait_dma2 semaphore(%arg23 : memref<!tpu.dma_semaphore, #tpu.memory_space<semaphore_mem>>) src(%dma_wait3A_231 : memref<40xi32, #tpu.memory_space<hbm>>) dst(%dma_wait3A_229 : memref<40xi32, #tpu.memory_space<vmem>>)
    %barrier3A_232 = arith.constant 0 : index
    tpu.barrier barrier_id(%barrier3A_232)
    %mul3A_233 = arith.constant 720 : i32
    %mul3A_234 = arith.muli %arg1, %mul3A_233 : i32
    "tpu.region"() ({
      %run_scoped3A = tpu.sem_alloc : memref<!tpu.dma_semaphore, #tpu.memory_space<semaphore_mem>>
      %dma_start3A_235 = arith.constant 0 : i32
      %dma_start3A_236 = tpu.memref_slice %arg9[%arg0, %mul3A_234, %dma_start3A_235] : memref<2x11520x128xf32, #tpu.memory_space<hbm>> -> memref<1x720x128xf32, #tpu.memory_space<hbm>>
      %dma_start3A_237 = tpu.memref_squeeze %dma_start3A_236 : memref<1x720x128xf32, #tpu.memory_space<hbm>> -> memref<720x128xf32, #tpu.memory_space<hbm>>
      %dma_start3A_238 = arith.constant 0 : i32
      %dma_start3A_239 = tpu.memref_slice %arg10[%mul3A_234, %dma_start3A_238] : memref<11520x128xf32, #tpu.memory_space<vmem_shared>> -> memref<720x128xf32, #tpu.memory_space<vmem_shared>>
      tpu.enqueue_dma source(%dma_start3A_239 : memref<720x128xf32, #tpu.memory_space<vmem_shared>>) target(%dma_start3A_237 : memref<720x128xf32, #tpu.memory_space<hbm>>) target_semaphore(%run_scoped3A : memref<!tpu.dma_semaphore, #tpu.memory_space<semaphore_mem>>)
      %dma_wait3A_240 = arith.constant 0 : i32
      %dma_wait3A_241 = tpu.memref_slice %arg9[%arg0, %mul3A_234, %dma_wait3A_240] : memref<2x11520x128xf32, #tpu.memory_space<hbm>> -> memref<1x720x128xf32, #tpu.memory_space<hbm>>
      %dma_wait3A_242 = tpu.memref_squeeze %dma_wait3A_241 : memref<1x720x128xf32, #tpu.memory_space<hbm>> -> memref<720x128xf32, #tpu.memory_space<hbm>>
      %dma_wait3A_243 = arith.constant 0 : i32
      %dma_wait3A_244 = tpu.memref_slice %arg10[%mul3A_234, %dma_wait3A_243] : memref<11520x128xf32, #tpu.memory_space<vmem_shared>> -> memref<720x128xf32, #tpu.memory_space<vmem_shared>>
      tpu.wait_dma2 semaphore(%run_scoped3A : memref<!tpu.dma_semaphore, #tpu.memory_space<semaphore_mem>>) src(%dma_wait3A_244 : memref<720x128xf32, #tpu.memory_space<vmem_shared>>) dst(%dma_wait3A_242 : memref<720x128xf32, #tpu.memory_space<hbm>>)
      tpu.yield
    }) : () -> ()
    return
  }
}

module attributes {stable_mosaic.version = 14 : i64} {
  func.func @_pre_body(%arg0: i32, %arg1: memref<2000x128xf32, #tpu.memory_space<vmem>>, %arg2: memref<128x128xf32, #tpu.memory_space<vmem>>, %arg3: memref<1x128xf32, #tpu.memory_space<vmem>>, %arg4: memref<2000x128xf32, #tpu.memory_space<vmem>>, %arg5: memref<128x128xf32, #tpu.memory_space<vmem>>, %arg6: memref<1x128xf32, #tpu.memory_space<vmem>>, %arg7: memref<2000x128xf32, #tpu.memory_space<vmem>>, %arg8: memref<2000x128xf32, #tpu.memory_space<vmem>>) attributes {dimension_semantics = [#tpu.dimension_semantics<arbitrary>], iteration_bounds = array<i64: 5>, scalar_prefetch = 0 : i64, scratch_operands = 0 : i64, tpu.core_type = #tpu.core_type<tc>, window_params = [{transform_indices = @transform_0, window_bounds = array<i64: 2000, 128>}, {pipeline_mode = #tpu.pipeline_mode<synchronous>, transform_indices = @transform_1, window_bounds = array<i64: 128, 128>}, {pipeline_mode = #tpu.pipeline_mode<synchronous>, transform_indices = @transform_2, window_bounds = array<i64: 1, 128>}, {transform_indices = @transform_3, window_bounds = array<i64: 2000, 128>}, {pipeline_mode = #tpu.pipeline_mode<synchronous>, transform_indices = @transform_4, window_bounds = array<i64: 128, 128>}, {pipeline_mode = #tpu.pipeline_mode<synchronous>, transform_indices = @transform_5, window_bounds = array<i64: 1, 128>}, {transform_indices = @transform_6, window_bounds = array<i64: 2000, 128>}, {transform_indices = @transform_7, window_bounds = array<i64: 2000, 128>}]} {
    %get3A = arith.constant 0 : index
    %get3A_0 = arith.constant 0 : index
    %get3A_1 = vector.load %arg1[%get3A, %get3A_0] : memref<2000x128xf32, #tpu.memory_space<vmem>>, vector<2000x128xf32>
    %get3A_2 = arith.constant 0 : index
    %get3A_3 = arith.constant 0 : index
    %get3A_4 = vector.load %arg2[%get3A_2, %get3A_3] : memref<128x128xf32, #tpu.memory_space<vmem>>, vector<128x128xf32>
    %dot_general3A = arith.constant dense<0.000000e+00> : vector<2000x128xf32>
    %dot_general3A_5 = tpu.matmul %get3A_1, %get3A_4, %dot_general3A {dimension_numbers = #tpu.dot_dimension_numbers<[1], [0], [0], [1], [0, 0, 1, 1], [], []>, transpose_lhs_hint = false} : vector<2000x128xf32>, vector<128x128xf32>, vector<2000x128xf32> -> vector<2000x128xf32>
    %get3A_6 = arith.constant 0 : index
    %get3A_7 = arith.constant 0 : index
    %get3A_8 = vector.load %arg3[%get3A_6, %get3A_7] : memref<1x128xf32, #tpu.memory_space<vmem>>, vector<1x128xf32>
    %add3A = vector.broadcast %get3A_8 : vector<1x128xf32> to vector<2000x128xf32>
    %add3A_9 = arith.addf %dot_general3A_5, %add3A : vector<2000x128xf32>
    %swap3A = arith.constant 0 : index
    %swap3A_10 = arith.constant 0 : index
    %swap3A_11 = vector.load %arg7[%swap3A, %swap3A_10] : memref<2000x128xf32, #tpu.memory_space<vmem>>, vector<2000x128xf32>
    tpu.vector_store %arg7[%swap3A, %swap3A_10], %add3A_9 {strides = array<i32>} : memref<2000x128xf32, #tpu.memory_space<vmem>>, vector<2000x128xf32>,
    %get3A_12 = arith.constant 0 : index
    %get3A_13 = arith.constant 0 : index
    %get3A_14 = vector.load %arg4[%get3A_12, %get3A_13] : memref<2000x128xf32, #tpu.memory_space<vmem>>, vector<2000x128xf32>
    %get3A_15 = arith.constant 0 : index
    %get3A_16 = arith.constant 0 : index
    %get3A_17 = vector.load %arg5[%get3A_15, %get3A_16] : memref<128x128xf32, #tpu.memory_space<vmem>>, vector<128x128xf32>
    %dot_general3A_18 = arith.constant dense<0.000000e+00> : vector<2000x128xf32>
    %dot_general3A_19 = tpu.matmul %get3A_14, %get3A_17, %dot_general3A_18 {dimension_numbers = #tpu.dot_dimension_numbers<[1], [0], [0], [1], [0, 0, 1, 1], [], []>, transpose_lhs_hint = false} : vector<2000x128xf32>, vector<128x128xf32>, vector<2000x128xf32> -> vector<2000x128xf32>
    %get3A_20 = arith.constant 0 : index
    %get3A_21 = arith.constant 0 : index
    %get3A_22 = vector.load %arg6[%get3A_20, %get3A_21] : memref<1x128xf32, #tpu.memory_space<vmem>>, vector<1x128xf32>
    %add3A_23 = vector.broadcast %get3A_22 : vector<1x128xf32> to vector<2000x128xf32>
    %add3A_24 = arith.addf %dot_general3A_19, %add3A_23 : vector<2000x128xf32>
    %swap3A_25 = arith.constant 0 : index
    %swap3A_26 = arith.constant 0 : index
    %swap3A_27 = vector.load %arg8[%swap3A_25, %swap3A_26] : memref<2000x128xf32, #tpu.memory_space<vmem>>, vector<2000x128xf32>
    tpu.vector_store %arg8[%swap3A_25, %swap3A_26], %add3A_24 {strides = array<i32>} : memref<2000x128xf32, #tpu.memory_space<vmem>>, vector<2000x128xf32>,
    return
  }
  func.func @transform_0(%arg0: i32) -> (i32, i32) {
    %c0_i32 = arith.constant 0 : i32
    %c0_i32_0 = arith.constant 0 : i32
    return %arg0, %c0_i32 : i32, i32
  }
  func.func @transform_1(%arg0: i32) -> (i32, i32) {
    %c0_i32 = arith.constant 0 : i32
    %c0_i32_0 = arith.constant 0 : i32
    %c0_i32_1 = arith.constant 0 : i32
    return %c0_i32, %c0_i32_0 : i32, i32
  }
  func.func @transform_2(%arg0: i32) -> (i32, i32) {
    %c0_i32 = arith.constant 0 : i32
    %c0_i32_0 = arith.constant 0 : i32
    %c0_i32_1 = arith.constant 0 : i32
    return %c0_i32, %c0_i32_0 : i32, i32
  }
  func.func @transform_3(%arg0: i32) -> (i32, i32) {
    %c0_i32 = arith.constant 0 : i32
    %c0_i32_0 = arith.constant 0 : i32
    return %arg0, %c0_i32 : i32, i32
  }
  func.func @transform_4(%arg0: i32) -> (i32, i32) {
    %c0_i32 = arith.constant 0 : i32
    %c0_i32_0 = arith.constant 0 : i32
    %c0_i32_1 = arith.constant 0 : i32
    return %c0_i32, %c0_i32_0 : i32, i32
  }
  func.func @transform_5(%arg0: i32) -> (i32, i32) {
    %c0_i32 = arith.constant 0 : i32
    %c0_i32_0 = arith.constant 0 : i32
    %c0_i32_1 = arith.constant 0 : i32
    return %c0_i32, %c0_i32_0 : i32, i32
  }
  func.func @transform_6(%arg0: i32) -> (i32, i32) {
    %c0_i32 = arith.constant 0 : i32
    %c0_i32_0 = arith.constant 0 : i32
    return %arg0, %c0_i32 : i32, i32
  }
  func.func @transform_7(%arg0: i32) -> (i32, i32) {
    %c0_i32 = arith.constant 0 : i32
    %c0_i32_0 = arith.constant 0 : i32
    return %arg0, %c0_i32 : i32, i32
  }
}

module attributes {stable_mosaic.version = 14 : i64} {
  func.func @_post_body(%arg0: i32, %arg1: memref<2x2000x128xf32, #tpu.memory_space<vmem>>, %arg2: memref<2x2000x16xf32, #tpu.memory_space<vmem>>, %arg3: memref<2000x128xf32, #tpu.memory_space<vmem>>, %arg4: memref<2000x128xf32, #tpu.memory_space<vmem>>, %arg5: memref<128x384xf32, #tpu.memory_space<vmem>>, %arg6: memref<1x384xf32, #tpu.memory_space<vmem>>, %arg7: memref<128x384xf32, #tpu.memory_space<vmem>>, %arg8: memref<1x384xf32, #tpu.memory_space<vmem>>, %arg9: memref<128x32xf32, #tpu.memory_space<vmem>>, %arg10: memref<1x32xf32, #tpu.memory_space<vmem>>, %arg11: memref<16x128xf32, #tpu.memory_space<vmem>>, %arg12: memref<2000x32xf32, #tpu.memory_space<vmem>>, %arg13: memref<2000x128xf32, #tpu.memory_space<vmem>>) attributes {dimension_semantics = [#tpu.dimension_semantics<arbitrary>], iteration_bounds = array<i64: 5>, scalar_prefetch = 0 : i64, scratch_operands = 0 : i64, tpu.core_type = #tpu.core_type<tc>, window_params = [{transform_indices = @transform_0, window_bounds = array<i64: 2, 2000, 128>}, {transform_indices = @transform_1, window_bounds = array<i64: 2, 2000, 16>}, {transform_indices = @transform_2, window_bounds = array<i64: 2000, 128>}, {transform_indices = @transform_3, window_bounds = array<i64: 2000, 128>}, {pipeline_mode = #tpu.pipeline_mode<synchronous>, transform_indices = @transform_4, window_bounds = array<i64: 128, 384>}, {pipeline_mode = #tpu.pipeline_mode<synchronous>, transform_indices = @transform_5, window_bounds = array<i64: 1, 384>}, {pipeline_mode = #tpu.pipeline_mode<synchronous>, transform_indices = @transform_6, window_bounds = array<i64: 128, 384>}, {pipeline_mode = #tpu.pipeline_mode<synchronous>, transform_indices = @transform_7, window_bounds = array<i64: 1, 384>}, {pipeline_mode = #tpu.pipeline_mode<synchronous>, transform_indices = @transform_8, window_bounds = array<i64: 128, 32>}, {pipeline_mode = #tpu.pipeline_mode<synchronous>, transform_indices = @transform_9, window_bounds = array<i64: 1, 32>}, {pipeline_mode = #tpu.pipeline_mode<synchronous>, transform_indices = @transform_10, window_bounds = array<i64: 16, 128>}, {transform_indices = @transform_11, window_bounds = array<i64: 2000, 32>}, {transform_indices = @transform_12, window_bounds = array<i64: 2000, 128>}]} {
    %get3A = arith.constant 0 : index
    %get3A_0 = arith.constant 0 : index
    %get3A_1 = arith.constant 0 : index
    %get3A_2 = vector.load %arg1[%get3A, %get3A_0, %get3A_1] : memref<2x2000x128xf32, #tpu.memory_space<vmem>>, vector<1x2000x128xf32>
    %get3A_3 = vector.shape_cast %get3A_2 : vector<1x2000x128xf32> to vector<2000x128xf32>
    %get3A_4 = arith.constant 1 : index
    %get3A_5 = arith.constant 0 : index
    %get3A_6 = arith.constant 0 : index
    %get3A_7 = vector.load %arg1[%get3A_4, %get3A_5, %get3A_6] : memref<2x2000x128xf32, #tpu.memory_space<vmem>>, vector<1x2000x128xf32>
    %get3A_8 = vector.shape_cast %get3A_7 : vector<1x2000x128xf32> to vector<2000x128xf32>
    %add3A = arith.addf %get3A_3, %get3A_8 : vector<2000x128xf32>
    %get3A_9 = arith.constant 0 : index
    %get3A_10 = arith.constant 0 : index
    %get3A_11 = arith.constant 0 : index
    %get3A_12 = vector.load %arg2[%get3A_9, %get3A_10, %get3A_11] : memref<2x2000x16xf32, #tpu.memory_space<vmem>>, vector<1x2000x16xf32>
    %get3A_13 = vector.shape_cast %get3A_12 : vector<1x2000x16xf32> to vector<2000x16xf32>
    %get3A_14 = arith.constant 1 : index
    %get3A_15 = arith.constant 0 : index
    %get3A_16 = arith.constant 0 : index
    %get3A_17 = vector.load %arg2[%get3A_14, %get3A_15, %get3A_16] : memref<2x2000x16xf32, #tpu.memory_space<vmem>>, vector<1x2000x16xf32>
    %get3A_18 = vector.shape_cast %get3A_17 : vector<1x2000x16xf32> to vector<2000x16xf32>
    %add3A_19 = arith.addf %get3A_13, %get3A_18 : vector<2000x16xf32>
    %add3A_20 = arith.constant 9.99999971E-10 : f32
    %add3A_21 = vector.broadcast %add3A_20 : f32 to vector<2000x16xf32>
    %add3A_22 = arith.addf %add3A_19, %add3A_21 : vector<2000x16xf32>
    %get3A_23 = arith.constant 0 : index
    %get3A_24 = arith.constant 0 : index
    %get3A_25 = vector.load %arg11[%get3A_23, %get3A_24] : memref<16x128xf32, #tpu.memory_space<vmem>>, vector<16x128xf32>
    %dot_general3A = arith.constant dense<0.000000e+00> : vector<2000x128xf32>
    %dot_general3A_26 = tpu.matmul %add3A_22, %get3A_25, %dot_general3A {dimension_numbers = #tpu.dot_dimension_numbers<[1], [0], [0], [1], [0, 0, 1, 1], [], []>, transpose_lhs_hint = false} : vector<2000x16xf32>, vector<16x128xf32>, vector<2000x128xf32> -> vector<2000x128xf32>
    %div3A = arith.divf %add3A, %dot_general3A_26 : vector<2000x128xf32>
    %get3A_27 = arith.constant 0 : index
    %get3A_28 = arith.constant 0 : index
    %get3A_29 = vector.load %arg3[%get3A_27, %get3A_28] : memref<2000x128xf32, #tpu.memory_space<vmem>>, vector<2000x128xf32>
    %add3A_30 = arith.addf %div3A, %get3A_29 : vector<2000x128xf32>
    %max3A = arith.constant 0.000000e+00 : f32
    %max3A_31 = vector.broadcast %max3A : f32 to vector<2000x128xf32>
    %max3A_32 = arith.maximumf %add3A_30, %max3A_31 : vector<2000x128xf32>
    %get3A_33 = arith.constant 0 : index
    %get3A_34 = arith.constant 0 : index
    %get3A_35 = vector.load %arg5[%get3A_33, %get3A_34] : memref<128x384xf32, #tpu.memory_space<vmem>>, vector<128x384xf32>
    %dot_general3A_36 = arith.constant dense<0.000000e+00> : vector<2000x384xf32>
    %dot_general3A_37 = tpu.matmul %max3A_32, %get3A_35, %dot_general3A_36 {dimension_numbers = #tpu.dot_dimension_numbers<[1], [0], [0], [1], [0, 0, 1, 1], [], []>, transpose_lhs_hint = false} : vector<2000x128xf32>, vector<128x384xf32>, vector<2000x384xf32> -> vector<2000x384xf32>
    %get3A_38 = arith.constant 0 : index
    %get3A_39 = arith.constant 0 : index
    %get3A_40 = vector.load %arg6[%get3A_38, %get3A_39] : memref<1x384xf32, #tpu.memory_space<vmem>>, vector<1x384xf32>
    %add3A_41 = vector.broadcast %get3A_40 : vector<1x384xf32> to vector<2000x384xf32>
    %add3A_42 = arith.addf %dot_general3A_37, %add3A_41 : vector<2000x384xf32>
    %get3A_43 = arith.constant 0 : index
    %get3A_44 = arith.constant 0 : index
    %get3A_45 = vector.load %arg4[%get3A_43, %get3A_44] : memref<2000x128xf32, #tpu.memory_space<vmem>>, vector<2000x128xf32>
    %get3A_46 = arith.constant 0 : index
    %get3A_47 = arith.constant 0 : index
    %get3A_48 = vector.load %arg7[%get3A_46, %get3A_47] : memref<128x384xf32, #tpu.memory_space<vmem>>, vector<128x384xf32>
    %dot_general3A_49 = arith.constant dense<0.000000e+00> : vector<2000x384xf32>
    %dot_general3A_50 = tpu.matmul %get3A_45, %get3A_48, %dot_general3A_49 {dimension_numbers = #tpu.dot_dimension_numbers<[1], [0], [0], [1], [0, 0, 1, 1], [], []>, transpose_lhs_hint = false} : vector<2000x128xf32>, vector<128x384xf32>, vector<2000x384xf32> -> vector<2000x384xf32>
    %get3A_51 = arith.constant 0 : index
    %get3A_52 = arith.constant 0 : index
    %get3A_53 = vector.load %arg8[%get3A_51, %get3A_52] : memref<1x384xf32, #tpu.memory_space<vmem>>, vector<1x384xf32>
    %add3A_54 = vector.broadcast %get3A_53 : vector<1x384xf32> to vector<2000x384xf32>
    %add3A_55 = arith.addf %dot_general3A_50, %add3A_54 : vector<2000x384xf32>
    %slice3A = vector.extract_strided_slice %add3A_42 {offsets = [0, 0], sizes = [2000, 128], strides = [1, 1]} : vector<2000x384xf32> to vector<2000x128xf32>
    %slice3A_56 = vector.extract_strided_slice %add3A_55 {offsets = [0, 0], sizes = [2000, 128], strides = [1, 1]} : vector<2000x384xf32> to vector<2000x128xf32>
    %add3A_57 = arith.addf %slice3A, %slice3A_56 : vector<2000x128xf32>
    %logistic3A = arith.negf %add3A_57 : vector<2000x128xf32>
    %logistic3A_58 = math.exp %logistic3A : vector<2000x128xf32>
    %logistic3A_59 = arith.constant 1.000000e+00 : f32
    %logistic3A_60 = vector.broadcast %logistic3A_59 : f32 to vector<2000x128xf32>
    %logistic3A_61 = arith.addf %logistic3A_60, %logistic3A_58 : vector<2000x128xf32>
    %logistic3A_62 = arith.divf %logistic3A_60, %logistic3A_61 : vector<2000x128xf32>
    %slice3A_63 = vector.extract_strided_slice %add3A_42 {offsets = [0, 128], sizes = [2000, 128], strides = [1, 1]} : vector<2000x384xf32> to vector<2000x128xf32>
    %slice3A_64 = vector.extract_strided_slice %add3A_55 {offsets = [0, 128], sizes = [2000, 128], strides = [1, 1]} : vector<2000x384xf32> to vector<2000x128xf32>
    %add3A_65 = arith.addf %slice3A_63, %slice3A_64 : vector<2000x128xf32>
    %logistic3A_66 = arith.negf %add3A_65 : vector<2000x128xf32>
    %logistic3A_67 = math.exp %logistic3A_66 : vector<2000x128xf32>
    %logistic3A_68 = arith.constant 1.000000e+00 : f32
    %logistic3A_69 = vector.broadcast %logistic3A_68 : f32 to vector<2000x128xf32>
    %logistic3A_70 = arith.addf %logistic3A_69, %logistic3A_67 : vector<2000x128xf32>
    %logistic3A_71 = arith.divf %logistic3A_69, %logistic3A_70 : vector<2000x128xf32>
    %slice3A_72 = vector.extract_strided_slice %add3A_42 {offsets = [0, 256], sizes = [2000, 128], strides = [1, 1]} : vector<2000x384xf32> to vector<2000x128xf32>
    %slice3A_73 = vector.extract_strided_slice %add3A_55 {offsets = [0, 256], sizes = [2000, 128], strides = [1, 1]} : vector<2000x384xf32> to vector<2000x128xf32>
    %mul3A = arith.mulf %logistic3A_62, %slice3A_73 : vector<2000x128xf32>
    %add3A_74 = arith.addf %slice3A_72, %mul3A : vector<2000x128xf32>
    %tanh3A = math.tanh %add3A_74 : vector<2000x128xf32>
    %sub3A = arith.constant 1.000000e+00 : f32
    %sub3A_75 = vector.broadcast %sub3A : f32 to vector<2000x128xf32>
    %sub3A_76 = arith.subf %sub3A_75, %logistic3A_71 : vector<2000x128xf32>
    %mul3A_77 = arith.mulf %sub3A_76, %tanh3A : vector<2000x128xf32>
    %get3A_78 = arith.constant 0 : index
    %get3A_79 = arith.constant 0 : index
    %get3A_80 = vector.load %arg4[%get3A_78, %get3A_79] : memref<2000x128xf32, #tpu.memory_space<vmem>>, vector<2000x128xf32>
    %mul3A_81 = arith.mulf %logistic3A_71, %get3A_80 : vector<2000x128xf32>
    %add3A_82 = arith.addf %mul3A_77, %mul3A_81 : vector<2000x128xf32>
    %swap3A = arith.constant 0 : index
    %swap3A_83 = arith.constant 0 : index
    %swap3A_84 = vector.load %arg13[%swap3A, %swap3A_83] : memref<2000x128xf32, #tpu.memory_space<vmem>>, vector<2000x128xf32>
    tpu.vector_store %arg13[%swap3A, %swap3A_83], %add3A_82 {strides = array<i32>} : memref<2000x128xf32, #tpu.memory_space<vmem>>, vector<2000x128xf32>,
    %get3A_85 = arith.constant 0 : index
    %get3A_86 = arith.constant 0 : index
    %get3A_87 = vector.load %arg9[%get3A_85, %get3A_86] : memref<128x32xf32, #tpu.memory_space<vmem>>, vector<128x32xf32>
    %dot_general3A_88 = arith.constant dense<0.000000e+00> : vector<2000x32xf32>
    %dot_general3A_89 = tpu.matmul %add3A_82, %get3A_87, %dot_general3A_88 {dimension_numbers = #tpu.dot_dimension_numbers<[1], [0], [0], [1], [0, 0, 1, 1], [], []>, transpose_lhs_hint = false} : vector<2000x128xf32>, vector<128x32xf32>, vector<2000x32xf32> -> vector<2000x32xf32>
    %get3A_90 = arith.constant 0 : index
    %get3A_91 = arith.constant 0 : index
    %get3A_92 = vector.load %arg10[%get3A_90, %get3A_91] : memref<1x32xf32, #tpu.memory_space<vmem>>, vector<1x32xf32>
    %add3A_93 = vector.broadcast %get3A_92 : vector<1x32xf32> to vector<2000x32xf32>
    %add3A_94 = arith.addf %dot_general3A_89, %add3A_93 : vector<2000x32xf32>
    %swap3A_95 = arith.constant 0 : index
    %swap3A_96 = arith.constant 0 : index
    %swap3A_97 = vector.load %arg12[%swap3A_95, %swap3A_96] : memref<2000x32xf32, #tpu.memory_space<vmem>>, vector<2000x32xf32>
    tpu.vector_store %arg12[%swap3A_95, %swap3A_96], %add3A_94 {strides = array<i32>} : memref<2000x32xf32, #tpu.memory_space<vmem>>, vector<2000x32xf32>,
    return
  }
  func.func @transform_0(%arg0: i32) -> (i32, i32, i32) {
    %c0_i32 = arith.constant 0 : i32
    %c0_i32_0 = arith.constant 0 : i32
    %c0_i32_1 = arith.constant 0 : i32
    return %c0_i32, %arg0, %c0_i32_0 : i32, i32, i32
  }
  func.func @transform_1(%arg0: i32) -> (i32, i32, i32) {
    %c0_i32 = arith.constant 0 : i32
    %c0_i32_0 = arith.constant 0 : i32
    %c0_i32_1 = arith.constant 0 : i32
    return %c0_i32, %arg0, %c0_i32_0 : i32, i32, i32
  }
  func.func @transform_2(%arg0: i32) -> (i32, i32) {
    %c0_i32 = arith.constant 0 : i32
    %c0_i32_0 = arith.constant 0 : i32
    return %arg0, %c0_i32 : i32, i32
  }
  func.func @transform_3(%arg0: i32) -> (i32, i32) {
    %c0_i32 = arith.constant 0 : i32
    %c0_i32_0 = arith.constant 0 : i32
    return %arg0, %c0_i32 : i32, i32
  }
  func.func @transform_4(%arg0: i32) -> (i32, i32) {
    %c0_i32 = arith.constant 0 : i32
    %c0_i32_0 = arith.constant 0 : i32
    %c0_i32_1 = arith.constant 0 : i32
    return %c0_i32, %c0_i32_0 : i32, i32
  }
  func.func @transform_5(%arg0: i32) -> (i32, i32) {
    %c0_i32 = arith.constant 0 : i32
    %c0_i32_0 = arith.constant 0 : i32
    %c0_i32_1 = arith.constant 0 : i32
    return %c0_i32, %c0_i32_0 : i32, i32
  }
  func.func @transform_6(%arg0: i32) -> (i32, i32) {
    %c0_i32 = arith.constant 0 : i32
    %c0_i32_0 = arith.constant 0 : i32
    %c0_i32_1 = arith.constant 0 : i32
    return %c0_i32, %c0_i32_0 : i32, i32
  }
  func.func @transform_7(%arg0: i32) -> (i32, i32) {
    %c0_i32 = arith.constant 0 : i32
    %c0_i32_0 = arith.constant 0 : i32
    %c0_i32_1 = arith.constant 0 : i32
    return %c0_i32, %c0_i32_0 : i32, i32
  }
  func.func @transform_8(%arg0: i32) -> (i32, i32) {
    %c0_i32 = arith.constant 0 : i32
    %c0_i32_0 = arith.constant 0 : i32
    %c0_i32_1 = arith.constant 0 : i32
    return %c0_i32, %c0_i32_0 : i32, i32
  }
  func.func @transform_9(%arg0: i32) -> (i32, i32) {
    %c0_i32 = arith.constant 0 : i32
    %c0_i32_0 = arith.constant 0 : i32
    %c0_i32_1 = arith.constant 0 : i32
    return %c0_i32, %c0_i32_0 : i32, i32
  }
  func.func @transform_10(%arg0: i32) -> (i32, i32) {
    %c0_i32 = arith.constant 0 : i32
    %c0_i32_0 = arith.constant 0 : i32
    %c0_i32_1 = arith.constant 0 : i32
    return %c0_i32, %c0_i32_0 : i32, i32
  }
  func.func @transform_11(%arg0: i32) -> (i32, i32) {
    %c0_i32 = arith.constant 0 : i32
    %c0_i32_0 = arith.constant 0 : i32
    return %arg0, %c0_i32 : i32, i32
  }
  func.func @transform_12(%arg0: i32) -> (i32, i32) {
    %c0_i32 = arith.constant 0 : i32
    %c0_i32_0 = arith.constant 0 : i32
    return %arg0, %c0_i32 : i32, i32
  }
}

</mosaic_0001>

<sc_bundles>
// kernel: kernel.5.cloned.1.call-start
scs
__scs_entry_jumppad:
0x0: {  	(pc) =	sbr.rel $0x88, $3  }
0x1: {  	(tag) =	ssettag $0x0;
	lr =	simm.s32 $0x1  }
0x2: {  	[smem:$0x3F92] =	sst lr;
	_ =	strace $0xD0000000  }
0x3: {  	_ = 	snop  }
0x4: {  	_ = 	snop  }
0x5: {  	_ = 	snop  }
0x6: {  	_ = 	snop  }
0x7: {  	_ = 	snop  }
__scs_overlays_trampoline_lowered:
0x8: {  	[smem:$0x3FA1] =	sst s0  }
0x9: {  	[smem:$0x3FA2] =	sst s1  }
0xa: {  	[smem:$0x3FA3] =	sst s2  }
0xb: {  	[smem:$0x3FA4] =	sst s3  }
0xc: {  	[smem:$0x3FA5] =	sst s4  }
0xd: {  	[smem:$0x3FA6] =	sst s5  }
0xe: {  	[smem:$0x3FA7] =	sst s6  }
0xf: {  	[smem:$0x3FA8] =	sst s7  }
0x10: {  	[smem:$0x3FA9] =	sst s8  }
0x11: {  	[smem:$0x3FAA] =	sst s9;
	s0 =	simm.s32 @!p0 $0x0  }
0x12: {  	s1 =	sld [smem:$0x3F90];
	s0 =	simm.s32 @p0 $0x1  }
0x13: {  	[smem:$0x3FAB] =	sst s0;
	s0 =	simm.s32 @!p1 $0x0  }
0x14: {  	s2 =	sld [smem:$0x3F8F];
	s0 =	simm.s32 @p1 $0x1  }
0x15: {  	[smem:$0x3FAC] =	sst s0;
	s0 =	simm.s32 @!p2 $0x0  }
0x16: {  	s3 =	sld [smem:$0x3FDB];
	s0 =	simm.s32 @p2 $0x1  }
0x17: {  	s4 =	simm.s32 $0x1BF5;
	[smem:$0x3FAE] =	sst s0  }
0x18: {  	s0 =	sld [smem:$0x3F91];
	_ =	swait.ge [sflag:s4], $0x0  }
0x19: {  	s7 =	sld [smem:$0x3F92]  }
0x1a: {  	s8 =	sadd.s32 $0xFFFFE003, lr  }
0x1b: {  	s9 =	sadd.s32 $0xFFFFFEF7, lr;
	s5 =	simm.s32 $0xFFFFFFFF;
	p2 =	slt.u32 s8, $0xFFFFF086  }
0x1c: {  	p1 =	slt.u32 s9, $0xF7A;
	s5 =	simm.s32 @!p2 $0x0  }
0x1d: {  	s5 =	simm.s32 @p1 $0x1;
	p0 =	seq.s32 s7, s2  }
0x1e: {  	s7 =	smul.u32 @!p0 $0xF7A, s2;
	p2 =	seq.s32 @!p0 s5, $0x0  }
0x1f: {  	s9 =	smul.u32 $0xF7A, s1;
	s8 =	simm.s32 @!p0 $0x1BF5;
	p2 =	por !p2, p0  }
0x20: {  	[sflag:s8] =	ssyncset.s32 @!p0 $0xFFFFF086;
	s6 =	sadd.s32 @!p0 s3, s7;
	s7 =	simm.s32 @!p0 $0x108  }
0x21: {  	s3 =	sadd.s32 s3, s9;
	s6 =	sadd.s32 @!p0 $0x88, s6;
	s7 =	simm.s32 @p2 $0x1082  }
0x22: {  	[simem:s7], [sflag:s8] =	dma.local @!p0 [hbm:s6], $0xF7A  }
0x23: {  	s9 =	sor.u32 $0xD0000000, s2;
	s6 =	simm.s32 $0x108;
	_ =	swait.ge @!p0 [sflag:s8], $0x0  }
0x24: {  	s3 =	sadd.s32 $0x88, s3;
	s6 =	simm.s32 @!p1 $0x1082;
	[sflag:s4] =	ssyncset.s32 $0xFFFFF086  }
0x25: {  	[simem:s6], [sflag:s4] =	dma.local [hbm:s3], $0xF7A  }
0x26: {  	[smem:$0x3F92] =	sst s1;
	(tag) =	ssettag s2;
	_ =	strace s9  }
0x27: {  	s1 =	sld [smem:$0x3FA2]  }
0x28: {  	s2 =	sld [smem:$0x3FA3]  }
0x29: {  	s4 =	sld [smem:$0x3FA5]  }
0x2a: {  	p0 =	seq.s32 s5, $0x0;
	s5 =	sld [smem:$0x3FA6]  }
0x2b: {  	s6 =	sld [smem:$0x3FA7]  }
0x2c: {  	s7 =	sld [smem:$0x3FA8]  }
0x2d: {  	s3 =	simm.s32 $0x108;
	s8 =	sld [smem:$0x3FA9]  }
0x2e: {  	s3 =	simm.s32 @!p0 $0x1082;
	s9 =	sld [smem:$0x3FAA]  }
0x2f: {  	lr =	sadd.s32 s0, s3;
	s0 =	sld [smem:$0x3FA1]  }
0x30: {  	s3 =	sld [smem:$0x3FA4]  }
0x31: {  	[smem:$0x3FAD] =	sst s10  }
0x32: {  	s10 =	sld [smem:$0x3FAB];
	_ =	sdelay $0x3  }
0x33: {  	p0 =	seq.s32 s10, $0x1;
	s10 =	sld [smem:$0x3FAD];
	_ =	sdelay $0x3  }
0x34: {  	[smem:$0x3FAD] =	sst s10  }
0x35: {  	s10 =	sld [smem:$0x3FAC];
	_ =	sdelay $0x3  }
0x36: {  	p1 =	seq.s32 s10, $0x1;
	s10 =	sld [smem:$0x3FAD];
	_ =	sdelay $0x3  }
0x37: {  	[smem:$0x3FAD] =	sst s10  }
0x38: {  	s10 =	sld [smem:$0x3FAE]  }
0x39: {  	_ = 	snop;
	(pc) =	sbr.ind lr, $3  }
0x3a: {  	_ = 	snop  }
0x3b: {  	_ = 	snop  }
0x3c: {  	p2 =	seq.s32 s10, $0x1;
	s10 =	sld [smem:$0x3FAD]  }
0x3d: {  	_ =	shalt  }
0x3e: {  	_ =	shalt  }
0x3f: {  	_ =	shalt  }
0x40: {  	_ =	shalt  }
0x41: {  	_ =	shalt  }
0x42: {  	_ =	shalt  }
0x43: {  	_ =	shalt  }
0x44: {  	_ =	shalt  }
0x45: {  	_ =	shalt  }
0x46: {  	_ =	shalt  }
0x47: {  	_ =	shalt  }
0x48: {  	_ =	shalt  }
0x49: {  	_ =	shalt  }
0x4a: {  	_ =	shalt  }
0x4b: {  	_ =	shalt  }
0x4c: {  	_ =	shalt  }
0x4d: {  	_ =	shalt  }
0x4e: {  	_ =	shalt  }
0x4f: {  	_ =	shalt  }
0x50: {  	_ =	shalt  }
0x51: {  	_ =	shalt  }
0x52: {  	_ =	shalt  }
0x53: {  	_ =	shalt  }
0x54: {  	_ =	shalt  }
0x55: {  	_ =	shalt  }
0x56: {  	_ =	shalt  }
0x57: {  	_ =	shalt  }
0x58: {  	_ =	shalt  }
0x59: {  	_ =	shalt  }
0x5a: {  	_ =	shalt  }
0x5b: {  	_ =	shalt  }
0x5c: {  	_ =	shalt  }
0x5d: {  	_ =	shalt  }
0x5e: {  	_ =	shalt  }
0x5f: {  	_ =	shalt  }
0x60: {  	_ =	shalt  }
0x61: {  	_ =	shalt  }
0x62: {  	_ =	shalt  }
0x63: {  	_ =	shalt  }
0x64: {  	_ =	shalt  }
0x65: {  	_ =	shalt  }
0x66: {  	_ =	shalt  }
0x67: {  	_ =	shalt  }
0x68: {  	_ =	shalt  }
0x69: {  	_ =	shalt  }
0x6a: {  	_ =	shalt  }
0x6b: {  	_ =	shalt  }
0x6c: {  	_ =	shalt  }
0x6d: {  	_ =	shalt  }
0x6e: {  	_ =	shalt  }
0x6f: {  	_ =	shalt  }
0x70: {  	_ =	shalt  }
0x71: {  	_ =	shalt  }
0x72: {  	_ =	shalt  }
0x73: {  	_ =	shalt  }
0x74: {  	_ =	shalt  }
0x75: {  	_ =	shalt  }
0x76: {  	_ =	shalt  }
0x77: {  	_ =	shalt  }
0x78: {  	_ =	shalt  }
0x79: {  	_ =	shalt  }
0x7a: {  	_ =	shalt  }
0x7b: {  	_ =	shalt  }
0x7c: {  	_ =	shalt  }
0x7d: {  	_ =	shalt  }
0x7e: {  	_ =	shalt  }
0x7f: {  	_ =	shalt  }
0x80: {  	_ =	shalt  }
0x81: {  	_ =	shalt  }
0x82: {  	_ =	shalt  }
0x83: {  	_ =	shalt  }
0x84: {  	_ =	shalt  }
0x85: {  	_ =	shalt  }
0x86: {  	_ =	shalt  }
0x87: {  	_ =	shalt  }
.Lfunc_end0:
.L_simem_size_0:
called_computation_lowered:
.L_overlay_start_0:
0x88: {  	s2 =	sld [smem:$0x3FD9]  }
0x89: {  	s3 =	sld [smem:$0x3FFE];
	_ =	sdelay $0x1  }
0x8a: {  	s1 =	srdreg.scid  }
0x8b: {  	s0 =	sand.u32 $0x1, s1  }
0x8c: {  	s14 =	sshll.u32 s0, $0xA;
	s2 =	sadd.s32 s3, s2  }
0x8d: {  	s2 =	sadd.s32 s2, s14  }
0x8e: {  	[smem:$0x3FB9] =	sst s2  }
0x8f: {  	_ = 	snop  }
0x90: {  	s2 =	sld [smem:$0x3FD0];
	_ =	sdelay $0x2  }
0x91: {  	s4 =	simm.s32 $0xA;
	s5 =	simm.s32 $0x10;
	s15 =	sld [smem:$0x3FC1]  }
0x92: {  	[smem:s5], [sflag:s4] =	dma.local [hbm:s2], $0x1  }
0x93: {  	_ =	swait.eq [sflag:s4], $0x1  }
0x94: {  	[sflag:s4] =	ssyncset.done $0x0  }
0x95: {  	s16 =	sld [smem:$0x10];
	[sflag:s4] =	ssyncadd.s32 $0xFFFFFFFF  }
0x96: {  	s17 =	sld [smem:$0x11];
	(tm) =	ssettm $0x1  }
0x97: {  	s18 =	sld [smem:$0x3FFB];
	_ =	sdelay $0x3  }
0x98: {  	_ =	strace s18  }
0x99: {  	s5 =	sld [smem:$0x3FFC];
	_ =	sdelay $0x3  }
0x9a: {  	_ =	strace s5  }
0x9b: {  	s5 =	sld [smem:$0x3FFD];
	_ =	sdelay $0x3  }
0x9c: {  	_ =	strace s5  }
0x9d: {  	_ =	strace $0x8FFFFFFF  }
0x9e: {  	s19 =	sld [smem:$0x3FDB];
	_ =	sdelay $0x1  }
0x9f: {  	s6 =	simm.s32 $_scs_section_size  }
0xa0: {  	s7 =	simm.s32 $_size__tile_overlayer_lowered;
	s8 =	simm.s32 $_tile_overlayer_lowered  }
0xa1: {  	s22 =	simm.s32 $0x1BFF;
	s21 =	sshll.u32 s8, $0x1;
	s5 =	sadd.s32 s6, s19  }
0xa2: {  	s9 =	simm.s32 $0x0;
	s20 =	sshll.u32 s7, $0x1;
	s7 =	sadd.s32 s21, s5  }
0xa3: {  	[timem:s9], [sflag:s22] =	dma.local [hbm:s7], s20  }
0xa4: {  	_ =	swait.ge [sflag:s22], s20  }
0xa5: {  	s6 =	ssub.s32 $0x0, s20;
	[sflag:s22] =	ssyncset.done $0x0  }
0xa6: {  	[sflag:s22] =	ssyncadd.s32 s6;
	_ =	sdelay $0x1  }
0xa7: {  	s23 =	simm.s32 $0x1B8B  }
0xa8: {  	_ =	swait.ge [sflag:s23], $0x1  }
0xa9: {  	[sflag:s23] =	ssyncset.done $0x0  }
0xaa: {  	s25 =	simm.s32 $0x1B8E;
	s24 =	sld [smem:$0x3FFE];
	[sflag:s23] =	ssyncadd.s32 $0xFFFFFFFF  }
0xab: {  	s26 =	simm.s32 $execute0_lowered;
	[smem:$0x3FD2] =	sst s25  }
0xac: {  	s7 =	sshll.u32 s26, $0x1;
	_ =	strace $0x80000046;
	[dreg:$0x1] =	wrdreg $0xFFFFFFFF  }
0xad: {  	s28 =	simm.s32 $_size_execute0_lowered;
	s5 =	sadd.s32 s5, s7;
	[dreg:$0x0] =	wrdreg $0x0  }
0xae: {  	s7 =	sshll.u32 s28, $0x1;
	[dreg:$0x2] =	wrdreg s5  }
0xaf: {  	[dreg:$0x3] =	wrdreg s7  }
0xb0: {  	[dreg:$0x4] =	wrdreg $0xC0  }
0xb1: {  	_ =	task [dreg:s9], $0x5FFFF  }
0xb2: {  	[dreg:$0x1] =	wrdreg $0xFFFFFFFF  }
0xb3: {  	[dreg:$0x0] =	wrdreg $0x60  }
0xb4: {  	[dreg:$0x2] =	wrdreg s17  }
0xb5: {  	[dreg:$0x3] =	wrdreg s24  }
0xb6: {  	[dreg:$0x4] =	wrdreg s16  }
0xb7: {  	[dreg:$0x5] =	wrdreg s15  }
0xb8: {  	[dreg:$0x6] =	wrdreg $0x0  }
0xb9: {  	[dreg:$0x7] =	wrdreg $0x9  }
0xba: {  	_ =	task.clear_ibuf [dreg:s9], $0x8FFFF;
	_ =	strace $0x90000046  }
0xbb: {  	s29 =	simm.s32 $0x9;
	_ =	strace $0x80000048  }
0xbc: {  	_ =	swait.ge [sflag:s29], $0x1  }
0xbd: {  	[sflag:s29] =	ssyncadd.s32 $0xFFFFFFFF  }
0xbe: {  	_ =	strace $0x90000048  }
0xbf: {  	_ =	sfence  }
0xc0: {  	s30 =	sld [smem:$0x0];
	_ =	sdelay $0x2  }
0xc1: {  	s31 =	sshll.u32 s1, $0xD;
	s1 =	sshrl.u32 s1, $0x2  }
0xc2: {  	s3 =	sand.u32 $0x4000, s31;
	s1 =	sadd.s32 s1, s30  }
0xc3: {  	s0 =	sor.u32 s3, s0;
	s1 =	sshll.u32 s1, $0x11  }
0xc4: {  	s0 =	sor.u32 s1, s0  }
0xc5: {  	s0 =	sadd.s32 $0x8F2B, s0  }
0xc6: {  	[sflag:s0] =	ssyncadd.remote.s32 $0x1  }
0xc7: {  	_ =	sfence.sel $0xFFFF  }
0xc8: {  	[dreg:$0x0] =	wrdreg $0xFFFFFFFF;
	(pc) =	sbr.abs _section_cstart, $3  }
0xc9: {  	[dreg:$0x1] =	wrdreg $0xFFFFFFFF  }
0xca: {  	_ =	task.clear_ibuf [dreg:s9], $0x2FFFF;
	_ =	strace $0x9FFFFFFF  }
0xcb: {  	(tm) =	ssettm $0x7FFFFFFF  }
tec
execute0_lowered:
.L_overlay_start_1:
0x0: {  	(tag) =	ssettag $0x1  }
0x1: {  	s0 =	rddreg [dreg:$0x1]  }
0x2: {  	s2 =	rddreg [dreg:$0x2]  }
0x3: {  	s4 =	rddreg [dreg:$0x4];
	s3 =	srdreg.scid  }
0x4: {  	s6 =	simm.s32 $0x0;
	s1 =	stileid.u32;
	s28 =	simm.s32 $0x1  }
0x5: {  	s3 =	sand.u32 $0x1, s3;
	[smem:$0x7FF] =	sst s6;
	s11 =	smul.u32 $0x5A000, s1  }
0x6: {  	s9 =	smul.u32 $0x16800, s1;
	s7 =	sadd.s32 $0x20200, s0;
	s8 =	sadd.s32 $0x2800, s0  }
0x7: {  	s5 =	smul.u32 $0x168000, s3;
	_ =	strace $0x80000047;
	s11 =	sshrl.u32 s11, $0x2  }
0x8: {  	s31 =	sshll.u32 s3, $0x4;
	s3 =	ssub.s32 $0x2, s3;
	s21 =	sadd.s32 s11, s4  }
0x9: {  	s13 =	sshrl.u32 s3, $0x1;
	s11 =	sadd.s32 $0x2800, s21;
	[dreg:$0x6] =	wrdreg s21  }
0xa: {  	s3 =	ssub.s32 s3, s13;
	s13 =	sadd.s32 $0x5000, s21;
	[dreg:$0x7] =	wrdreg s11  }
0xb: {  	s10 =	sadd.s32 $0xC600, s0;
	s14 =	sadd.s32 $0x7800, s21;
	[dreg:$0x8] =	wrdreg s13  }
0xc: {  	s5 =	sadd.s32 s9, s5;
	s24 =	smax.u32 s3, $0x1;
	[dreg:$0x9] =	wrdreg s14  }
0xd: {  	s9 =	sadd.s32 $0x16400, s0;
	s25 =	sadd.s32 $0xA000, s21;
	[dreg:$0x13] =	wrdreg s24  }
0xe: {  	s5 =	sshrl.u32 s5, $0x3;
	s26 =	sadd.s32 $0xC800, s21;
	[dreg:$0x14] =	wrdreg s25  }
0xf: {  	s29 =	sadd.s32 $0xF000, s21;
	s30 =	sadd.s32 $0x11800, s21;
	[dreg:$0x15] =	wrdreg s26  }
0x10: {  	v0 =	vimm.s32 $0xEFCDAB89;
	v1 =	vimm.s32 $0x67452301;
	v2 =	vimm.s32 $0xDCFE98BA;
	s3 =	simm.s32 $0x5;
	s0 =	sadd.s32 s5, s0;
	[dreg:$0x16] =	wrdreg s29  }
0x11: {  	v3 =	vimm.s32 $0x54761032;
	v4 =	vimm.s32 $0xBA98FEDC;
	v5 =	vimm.s32 $0x32107654;
	s5 =	sor.u32 s1, s31;
	s1 =	smov.u32 s2;
	[dreg:$0x17] =	wrdreg s30  }
0x12: {  	v6 =	vimm.s32 $0xFEDCBA98;
	s31 =	sadd.s32 $0x14000, s21;
	s13 =	simm.s32 $0x16C80;
	s12 =	smul.u32 $0x2710, s5  }
0x13: {  	v7 =	vimm.s32 $0x76543210;
	vm0 =	vmmov $0x1;
	s14 =	simm.s32 $0x16D00;
	s24 =	simm.s32 $0x18400;
	s25 =	simm.s32 $0x1AC00  }
0x14: {  	vm1 =	vcmask $0x320;
	vm2 =	vcmask $0x720;
	vm3 =	vcmask $0xB20;
	s0 =	sadd.s32 $0x47400, s0;
	[dreg:$0x18] =	wrdreg s31;
	s5 =	sshrl.u32 s12, $0x3  }
0x15: {  	vm4 =	vcmask $0xF20;
	vm5 =	vcmask $0x1320;
	vm6 =	vcmask $0x1720;
	s26 =	simm.s32 $0x4;
	[dreg:$0x12] =	wrdreg s0;
	s16 =	sadd.s32 s2, s5  }
0x16: {  	vm7 =	vcmask $0x1B20;
	v0 =	vunpack.c.l.s4.s8 v0;
	v1 =	vunpack.c.l.s4.s8 v1;
	s0 =	simm.s32 $0x19800;
	s17 =	sadd.s32 s8, s5;
	[dreg:$0xa] =	wrdreg s16  }
0x17: {  	v2 =	vunpack.c.l.s4.s8 v2;
	v3 =	vunpack.c.l.s4.s8 v3;
	v4 =	vunpack.c.l.s4.s8 v4;
	s15 =	sadd.s32 $0x28, s12;
	s18 =	sadd.s32 s9, s5;
	[dreg:$0xb] =	wrdreg s17  }
0x18: {  	v5 =	vunpack.c.l.s4.s8 v5;
	v6 =	vunpack.c.l.s4.s8 v6;
	v7 =	vunpack.c.l.s4.s8 v7;
	s11 =	sshrl.u32 s15, $0x3;
	s19 =	sadd.s32 s10, s5;
	[dreg:$0xc] =	wrdreg s18  }
0x19: {  	v0 =	vunpack.c.0.s8.s32 v0;
	v1 =	vunpack.c.0.s8.s32 v1;
	v2 =	vunpack.c.0.s8.s32 v2;
	s5 =	simm.s32 $0x16C00;
	[dreg:$0xd] =	wrdreg s19;
	s2 =	sadd.s32 s2, s11  }
0x1a: {  	v3 =	vunpack.c.0.s8.s32 v3;
	v4 =	vunpack.c.0.s8.s32 v4;
	v5 =	vunpack.c.0.s8.s32 v5;
	s20 =	sadd.s32 s8, s11;
	s22 =	sadd.s32 s9, s11;
	[dreg:$0xe] =	wrdreg s2  }
0x1b: {  	vm8 =	vmmov $0xff;
	v6 =	vunpack.c.0.s8.s32 v6;
	v1 =	vcombine.low v1, v0;
	s23 =	sadd.s32 s10, s11;
	s16 =	simm.s32 $0x28;
	[dreg:$0xf] =	wrdreg s20  }
0x1c: {  	v2 =	vcombine.low v3, v2;
	v3 =	vcombine.low v5, v4;
	v4 =	vunpack.c.0.s8.s32 v7;
	s17 =	simm.s32 $0x17000;
	s18 =	simm.s32 $0x16E00;
	[dreg:$0x10] =	wrdreg s22  }
0x1d: {  	v0 =	vimm.f32 $0.0e+00;
	v5 =	vand.u32 $0xF, v6;
	v1 =	vand.u32 $0xF, v1;
	s19 =	simm.s32 $0x16E80;
	s11 =	simm.s32 $0x0;
	[dreg:$0x11] =	wrdreg s23  }
0x1e: {  	v2 =	vand.u32 $0xF, v2;
	v3 =	vand.u32 $0xF, v3;
	v4 =	vcombine.low v5, v4;
	s20 =	simm.s32 $0x16F00;
	s22 =	simm.s32 $0x3;
	s23 =	simm.s32 $0x2  }
.LBB2_1:
0x1f: {  	[dreg:$0x19] =	wrdreg s11  }
0x20: {  	s2 =	rddreg [dreg:$0x3];
	s31 =	simm.s32 $0x16800  }
0x21: {  	[tilespmem:s31], [sflag:$0x5] =	stream.linear.gather [hbm4b:s2+s6], $0x400, $0x38;
	[tilespmem:$0x1C000] =	vst v63  }
0x22: {  	_ =	swait.ge [sflag:s3], $0x400  }
0x23: {  	[sflag:s3] =	ssyncset.done $0x0  }
0x24: {  	s11 =	simm.s32 $0x0;
	s15 =	simm.s32 $0x200;
	[sflag:s3] =	ssyncadd.s32 $0xFFFFFC00  }
.LBB2_2:
0x25: {  	p0 =	sne.s32 s15, $0x9E00;
	[tilespmem:s11+$0x17070] =	vst v0  }
0x26: {  	[tilespmem:s11+$0x19800] =	vst v0  }
0x27: {  	[tilespmem:s11+$0x17000] =	vst v0  }
0x28: {  	[tilespmem:s11+$0x19810] =	vst v0  }
0x29: {  	[tilespmem:s11+$0x17010] =	vst v0  }
0x2a: {  	[tilespmem:s11+$0x19820] =	vst v0  }
0x2b: {  	[tilespmem:s11+$0x17020] =	vst v0  }
0x2c: {  	[tilespmem:s11+$0x19830] =	vst v0  }
0x2d: {  	[tilespmem:s11+$0x17030] =	vst v0  }
0x2e: {  	[tilespmem:s11+$0x19840] =	vst v0  }
0x2f: {  	[tilespmem:s11+$0x17040] =	vst v0  }
.Ltmp0:
0x30: {  	[tilespmem:s11+$0x19850] =	vst v0;
	(pc) =	sbr.rel @p0 .LBB2_2-.Ltmp0, $4  }
0x31: {  	[tilespmem:s11+$0x17050] =	vst v0  }
0x32: {  	[tilespmem:s11+$0x19860] =	vst v0  }
0x33: {  	[tilespmem:s11+$0x17060] =	vst v0  }
0x34: {  	[tilespmem:s11+$0x19870] =	vst v0;
	s11 =	sshra.s32 s15, $0x2;
	s15 =	sadd.s32 $0x200, s15  }
0x35: {  	[tilespmem:s11+$0x17070] =	vst v0  }
0x36: {  	[tilespmem:s11+$0x19800] =	vst v0  }
0x37: {  	[tilespmem:s11+$0x17000] =	vst v0  }
0x38: {  	[tilespmem:s11+$0x19810] =	vst v0  }
0x39: {  	[tilespmem:s11+$0x17010] =	vst v0  }
0x3a: {  	[tilespmem:s11+$0x19820] =	vst v0  }
0x3b: {  	[tilespmem:s11+$0x17020] =	vst v0  }
0x3c: {  	[tilespmem:s11+$0x19830] =	vst v0  }
0x3d: {  	[tilespmem:s11+$0x17030] =	vst v0  }
0x3e: {  	[tilespmem:s11+$0x19840] =	vst v0  }
0x3f: {  	[tilespmem:s11+$0x17040] =	vst v0  }
0x40: {  	[tilespmem:s11+$0x19850] =	vst v0  }
0x41: {  	[tilespmem:s11+$0x17050] =	vst v0  }
0x42: {  	[tilespmem:s11+$0x19860] =	vst v0  }
0x43: {  	[tilespmem:s11+$0x17060] =	vst v0  }
0x44: {  	[tilespmem:s11+$0x19870] =	vst v0  }
0x45: {  	[spmem:s21] =	stream.linear.scatter [tilespmem:s0], [sflag:$0x5], $0x2800, $0x38;
	[tilespmem:$0x1C000] =	vst v63  }
0x46: {  	_ =	swait.ge [sflag:s3], $0x2800  }
0x47: {  	[sflag:s3] =	ssyncset.done $0x0  }
0x48: {  	s2 =	rddreg [dreg:$0x7];
	[sflag:s3] =	ssyncadd.s32 $0xFFFFD800  }
0x49: {  	[spmem:s2] =	stream.linear.scatter [tilespmem:s0], [sflag:$0x5], $0x2800, $0x38;
	[tilespmem:$0x1C000] =	vst v63  }
0x4a: {  	_ =	swait.ge [sflag:s3], $0x2800  }
0x4b: {  	[sflag:s3] =	ssyncset.done $0x0  }
0x4c: {  	s21 =	rddreg [dreg:$0x8];
	[sflag:s3] =	ssyncadd.s32 $0xFFFFD800  }
0x4d: {  	[spmem:s21] =	stream.linear.scatter [tilespmem:s0], [sflag:$0x5], $0x2800, $0x38;
	[tilespmem:$0x1C000] =	vst v63  }
0x4e: {  	_ =	swait.ge [sflag:s3], $0x2800  }
0x4f: {  	[sflag:s3] =	ssyncset.done $0x0  }
0x50: {  	s29 =	rddreg [dreg:$0x9];
	[sflag:s3] =	ssyncadd.s32 $0xFFFFD800  }
0x51: {  	[spmem:s29] =	stream.linear.scatter [tilespmem:s0], [sflag:$0x5], $0x2800, $0x38;
	[tilespmem:$0x1C000] =	vst v63  }
0x52: {  	_ =	swait.ge [sflag:s3], $0x2800  }
0x53: {  	[sflag:s3] =	ssyncset.done $0x0  }
0x54: {  	s31 =	rddreg [dreg:$0x14];
	[sflag:s3] =	ssyncadd.s32 $0xFFFFD800  }
0x55: {  	[spmem:s31] =	stream.linear.scatter [tilespmem:s0], [sflag:$0x5], $0x2800, $0x38;
	[tilespmem:$0x1C000] =	vst v63  }
0x56: {  	_ =	swait.ge [sflag:s3], $0x2800  }
0x57: {  	[sflag:s3] =	ssyncset.done $0x0  }
0x58: {  	s11 =	rddreg [dreg:$0x15];
	[sflag:s3] =	ssyncadd.s32 $0xFFFFD800  }
0x59: {  	[spmem:s11] =	stream.linear.scatter [tilespmem:s0], [sflag:$0x5], $0x2800, $0x38;
	[tilespmem:$0x1C000] =	vst v63  }
0x5a: {  	_ =	swait.ge [sflag:s3], $0x2800  }
0x5b: {  	[sflag:s3] =	ssyncset.done $0x0  }
0x5c: {  	s15 =	rddreg [dreg:$0x16];
	[sflag:s3] =	ssyncadd.s32 $0xFFFFD800  }
0x5d: {  	[spmem:s15] =	stream.linear.scatter [tilespmem:s0], [sflag:$0x5], $0x2800, $0x38;
	[tilespmem:$0x1C000] =	vst v63  }
0x5e: {  	_ =	swait.ge [sflag:s3], $0x2800  }
0x5f: {  	[sflag:s3] =	ssyncset.done $0x0  }
0x60: {  	s21 =	rddreg [dreg:$0x17];
	[sflag:s3] =	ssyncadd.s32 $0xFFFFD800  }
0x61: {  	[spmem:s21] =	stream.linear.scatter [tilespmem:s0], [sflag:$0x5], $0x2800, $0x38;
	[tilespmem:$0x1C000] =	vst v63  }
0x62: {  	_ =	swait.ge [sflag:s3], $0x2800  }
0x63: {  	[sflag:s3] =	ssyncset.done $0x0  }
0x64: {  	s29 =	rddreg [dreg:$0x18];
	[sflag:s3] =	ssyncadd.s32 $0xFFFFD800  }
0x65: {  	[spmem:s29] =	stream.linear.scatter [tilespmem:s0], [sflag:$0x5], $0x2800, $0x38;
	[tilespmem:$0x1C000] =	vst v63  }
0x66: {  	_ =	swait.ge [sflag:s3], $0x2800  }
0x67: {  	[sflag:s3] =	ssyncset.done $0x0  }
0x68: {  	[sflag:s3] =	ssyncadd.s32 $0xFFFFD800  }
0x69: {  	[bflag:$0x0] =	sbarrier.arrive $0xFFFF  }
0x6a: {  	v5 =	vld [tilespmem:$0x16800]  }
0x6b: {  	v6 =	vld [tilespmem:$0x16880]  }
0x6c: {  	v7 =	vld [tilespmem:$0x16900]  }
0x6d: {  	v8 =	vld [tilespmem:$0x16980]  }
0x6e: {  	v9 =	vld [tilespmem:$0x16A00]  }
0x6f: {  	v10 =	vld [tilespmem:$0x16A80]  }
0x70: {  	s30 =	simm.s32 $0x0;
	v11 =	vld [tilespmem:$0x16B00];
	s31 =	rddreg [dreg:$0xa]  }
0x71: {  	v12 =	vld [tilespmem:$0x16B80];
	[tilespmem:s5], [sflag:$0x5] =	stream.linear.gather [hbm4b:s31+s30], $0x28, $0x38  }
0x72: {  	_ =	swait.ge [sflag:s3], $0x28  }
0x73: {  	[sflag:s3] =	ssyncset.done $0x0  }
0x74: {  	s11 =	rddreg [dreg:$0xb];
	[sflag:s3] =	ssyncadd.s32 $0xFFFFFFD8  }
0x75: {  	[tilespmem:s13], [sflag:$0x5] =	stream.linear.gather [hbm4b:s11+s30], $0x28, $0x38;
	[tilespmem:$0x1C000] =	vst v63  }
0x76: {  	_ =	swait.ge [sflag:s3], $0x28  }
0x77: {  	[sflag:s3] =	ssyncset.done $0x0  }
0x78: {  	s15 =	rddreg [dreg:$0xc];
	[sflag:s3] =	ssyncadd.s32 $0xFFFFFFD8  }
0x79: {  	[tilespmem:s14], [sflag:$0x5] =	stream.linear.gather [hbm4b:s15+s30], $0x28, $0x38;
	[tilespmem:$0x1C000] =	vst v63  }
0x7a: {  	_ =	swait.ge [sflag:s3], $0x28  }
0x7b: {  	[sflag:s3] =	ssyncset.done $0x0  }
0x7c: {  	s29 =	simm.s32 $0x16D80;
	s21 =	rddreg [dreg:$0xd];
	[sflag:s3] =	ssyncadd.s32 $0xFFFFFFD8  }
0x7d: {  	[tilespmem:s29], [sflag:$0x5] =	stream.linear.gather [hbm4b:s21+s30], $0x28, $0x38;
	[tilespmem:$0x1C000] =	vst v63  }
0x7e: {  	_ =	swait.ge [sflag:s3], $0x28  }
0x7f: {  	[sflag:s3] =	ssyncset.done $0x0  }
0x80: {  	[sflag:s3] =	ssyncadd.s32 $0xFFFFFFD8  }
0x81: {  	s31 =	rddreg [dreg:$0x0]  }
0x82: {  	[tilespmem:s17], [sflag:$0x3] =	stream.indirect.gather [hbm4b:s31+s16], $0x80, s5, s16, $0xb8;
	[tilespmem:$0x1C000] =	vst v63  }
0x83: {  	_ = 	snop  }
0x84: {  	[tilespmem:s0], [sflag:$0x3] =	stream.indirect.gather [hbm4b:s7+s16], $0x80, s13, s16, $0xb8;
	[tilespmem:$0x1C000] =	vst v63  }
0x85: {  	s11 =	rddreg [dreg:$0xe]  }
0x86: {  	[tilespmem:s18], [sflag:$0x2] =	stream.linear.gather [hbm4b:s11+s30], $0x28, $0x38;
	[tilespmem:$0x1C000] =	vst v63  }
0x87: {  	s15 =	rddreg [dreg:$0xf]  }
0x88: {  	[tilespmem:s19], [sflag:$0x2] =	stream.linear.gather [hbm4b:s15+s30], $0x28, $0x38;
	[tilespmem:$0x1C000] =	vst v63  }
0x89: {  	s21 =	rddreg [dreg:$0x10]  }
0x8a: {  	[tilespmem:s20], [sflag:$0x2] =	stream.linear.gather [hbm4b:s21+s30], $0x28, $0x38;
	[tilespmem:$0x1C000] =	vst v63  }
0x8b: {  	s29 =	rddreg [dreg:$0x11];
	s31 =	simm.s32 $0x16F80  }
0x8c: {  	[tilespmem:s31], [sflag:$0x2] =	stream.linear.gather [hbm4b:s29+s30], $0x28, $0x38;
	[tilespmem:$0x1C000] =	vst v63  }
.LBB2_4:
0x8d: {  	_ =	swait.ge [sflag:s22], $0x1400  }
0x8e: {  	[sflag:s22] =	ssyncset.done $0x0  }
0x8f: {  	[sflag:s22] =	ssyncadd.s32 $0xFFFFEC00  }
0x90: {  	_ =	swait.ge [sflag:s22], $0x1400  }
0x91: {  	[sflag:s22] =	ssyncset.done $0x0  }
0x92: {  	[sflag:s22] =	ssyncadd.s32 $0xFFFFEC00  }
0x93: {  	_ =	swait.ge [sflag:s23], $0x28  }
0x94: {  	[sflag:s23] =	ssyncset.done $0x0  }
0x95: {  	[sflag:s23] =	ssyncadd.s32 $0xFFFFFFD8  }
0x96: {  	_ =	swait.ge [sflag:s23], $0x28  }
0x97: {  	[sflag:s23] =	ssyncset.done $0x0  }
0x98: {  	[sflag:s23] =	ssyncadd.s32 $0xFFFFFFD8  }
0x99: {  	_ =	swait.ge [sflag:s23], $0x28  }
0x9a: {  	[sflag:s23] =	ssyncset.done $0x0  }
0x9b: {  	[sflag:s23] =	ssyncadd.s32 $0xFFFFFFD8  }
0x9c: {  	_ =	swait.ge [sflag:s23], $0x28  }
0x9d: {  	[sflag:s23] =	ssyncset.done $0x0  }
0x9e: {  	[sflag:s23] =	ssyncadd.s32 $0xFFFFFFD8  }
0x9f: {  	s2 =	rddreg [dreg:$0x0]  }
0xa0: {  	[tilespmem:s24], [sflag:$0x4] =	stream.indirect.gather [hbm4b:s2+s16], $0x80, s18, s16, $0xb8;
	[tilespmem:$0x1C000] =	vst v63  }
0xa1: {  	s11 =	simm.s32 $0x19880;
	s31 =	simm.s32 $0x17080;
	s15 =	simm.s32 $0x0  }
0xa2: {  	[tilespmem:s25], [sflag:$0x4] =	stream.indirect.gather [hbm4b:s7+s16], $0x80, s19, s16, $0xb8;
	[tilespmem:$0x1C000] =	vst v63  }
.LBB2_5:
0xa3: {  	v13 =	vld [tilespmem:s31+$0xFFFFFF80]  }
0xa4: {  	v14 =	vld [tilespmem:s11+$0xFFFFFF80]  }
0xa5: {  	v15 =	vld [tilespmem:s31+$0xFFFFFF90]  }
0xa6: {  	v16 =	vld [tilespmem:s11+$0xFFFFFF90]  }
0xa7: {  	v17 =	vld [tilespmem:s31+$0xFFFFFFA0]  }
0xa8: {  	v18 =	vld [tilespmem:s11+$0xFFFFFFA0]  }
0xa9: {  	v20 =	vld [tilespmem:s31+$0xFFFFFFB0]  }
0xaa: {  	v22 =	vld [tilespmem:s11+$0xFFFFFFB0]  }
0xab: {  	v23 =	vld [tilespmem:s31+$0xFFFFFFD0]  }
0xac: {  	v24 =	vld [tilespmem:s11+$0xFFFFFFD0];
	_ =	sdelay $0x2  }
0xad: {  	v14 =	vadd.f32 v14, v13  }
0xae: {  	v16 =	vadd.f32 v16, v15;
	v18 =	vadd.f32 v18, v17  }
0xaf: {  	v32 =	vld [tilespmem:s11+$0xFFFFFFC0];
	v22 =	vadd.f32 v22, v20;
	v24 =	vadd.f32 v24, v23;
	v19 =	vmul.f32 $2.000000030e-01, v14  }
0xb0: {  	v28 =	vld [tilespmem:s31+$0xFFFFFFE0];
	v21 =	vmul.f32 $2.000000030e-01, v16;
	v27 =	vmul.f32 $2.000000030e-01, v18  }
0xb1: {  	v33 =	vld [tilespmem:s11+$0xFFFFFFE0];
	v34 =	vmul.f32 $2.000000030e-01, v22;
	v36 =	vmul.f32 $2.000000030e-01, v24;
	v14 =	vmax.f32 v14, v19  }
0xb2: {  	v30 =	vld [tilespmem:s11+$0xFFFFFFF0];
	v16 =	vmax.f32 v16, v21;
	v18 =	vmax.f32 v18, v27;
	v14 =	vmul.f32 v14, v5  }
0xb3: {  	v19 =	vld [tilespmem:s31+$0xFFFFFFC0];
	v22 =	vmax.f32 v22, v34;
	v16 =	vmul.f32 v16, v6;
	v18 =	vmul.f32 v18, v7  }
0xb4: {  	v27 =	vld [tilespmem:s31+$0xFFFFFFF0];
	v24 =	vmax.f32 v24, v36;
	v22 =	vmul.f32 v22, v8;
	v25 =	vperm.xlane v14, v1  }
0xb5: {  	v24 =	vmul.f32 v24, v10;
	v26 =	vperm.xlane v16, v1  }
0xb6: {  	v43 =	vperm.xlane v18, v1;
	v14 =	vadd.f32 v25, v14  }
0xb7: {  	v44 =	vperm.xlane v22, v1;
	v47 =	vperm.xlane v24, v1;
	v16 =	vadd.f32 v26, v16  }
0xb8: {  	v21 =	vadd.f32 v32, v19;
	v25 =	vadd.f32 v33, v28;
	v29 =	vperm.xlane v14, v2  }
0xb9: {  	v30 =	vadd.f32 v30, v27;
	v18 =	vadd.f32 v43, v18;
	v31 =	vperm.xlane v16, v2  }
0xba: {  	v46 =	vadd.f32 v44, v22;
	v35 =	vmul.f32 $2.000000030e-01, v21;
	v14 =	vadd.f32 v29, v14  }
0xbb: {  	v39 =	vmul.f32 $2.000000030e-01, v25;
	v40 =	vmul.f32 $2.000000030e-01, v30;
	v16 =	vadd.f32 v31, v16  }
0xbc: {  	v22 =	vadd.f32 v47, v24;
	v48 =	vperm.xlane v18, v2;
	v37 =	vperm.xlane v14, v3  }
0xbd: {  	v50 =	vperm.xlane v46, v2;
	v21 =	vmax.f32 v21, v35;
	v38 =	vperm.xlane v16, v3  }
0xbe: {  	v25 =	vmax.f32 v25, v39;
	v21 =	vmul.f32 v21, v9;
	v14 =	vadd.f32 v37, v14  }
0xbf: {  	v53 =	vperm.xlane v22, v2;
	v25 =	vmul.f32 v25, v11;
	v16 =	vadd.f32 v38, v16  }
0xc0: {  	v26 =	vmax.f32 v30, v40;
	v45 =	vperm.xlane v21, v1;
	v41 =	vperm.xlane v14, v4  }
0xc1: {  	v26 =	vmul.f32 v26, v12;
	v42 =	vperm.xlane v16, v4  }
0xc2: {  	v49 =	vperm.xlane v25, v1;
	v21 =	vadd.f32 v45, v21;
	v14 =	vadd.f32 v41, v14  }
0xc3: {  	v18 =	vadd.f32 v48, v18;
	v51 =	vperm.xlane v26, v1;
	v16 =	vadd.f32 v42, v16  }
0xc4: {  	v25 =	vadd.f32 v49, v25;
	v52 =	vperm.xlane v21, v2;
	v14 =	vnsel vm0, $0x0, v14  }
0xc5: {  	v24 =	vadd.f32 v51, v26;
	v14 =	vsel vm1, v14, v16;
	v16 =	vadd.f32 v50, v46  }
0xc6: {  	v54 =	vperm.xlane v18, v3;
	v55 =	vperm.xlane v25, v2;
	v21 =	vadd.f32 v52, v21  }
0xc7: {  	v22 =	vadd.f32 v53, v22;
	v56 =	vperm.xlane v24, v2;
	v31 =	vperm.xlane v16, v3  }
0xc8: {  	v18 =	vadd.f32 v54, v18;
	v25 =	vadd.f32 v55, v25;
	v57 =	vperm.xlane v21, v3  }
0xc9: {  	v58 =	vperm.xlane v22, v3;
	v24 =	vadd.f32 v56, v24;
	v16 =	vadd.f32 v31, v16  }
0xca: {  	v59 =	vperm.xlane v18, v4;
	v60 =	vperm.xlane v25, v3;
	v21 =	vadd.f32 v57, v21  }
0xcb: {  	v22 =	vadd.f32 v58, v22;
	v61 =	vperm.xlane v24, v3;
	v31 =	vperm.xlane v16, v4  }
0xcc: {  	v18 =	vadd.f32 v59, v18;
	v25 =	vadd.f32 v60, v25;
	v62 =	vperm.xlane v21, v4  }
0xcd: {  	v63 =	vperm.xlane v22, v4;
	v24 =	vadd.f32 v61, v24;
	v16 =	vadd.f32 v31, v16  }
0xce: {  	v14 =	vsel vm2, v14, v18;
	v30 =	vadd.f32 v62, v21;
	v31 =	vperm.xlane v25, v4  }
0xcf: {  	v32 =	vadd.f32 v63, v22;
	v33 =	vperm.xlane v24, v4;
	v14 =	vsel vm3, v14, v16  }
0xd0: {  	v34 =	vadd.f32 v31, v25;
	v14 =	vsel vm4, v14, v30  }
0xd1: {  	v35 =	vadd.f32 v33, v24;
	v14 =	vsel vm5, v14, v32  }
0xd2: {  	v14 =	vsel vm6, v14, v34  }
0xd3: {  	v14 =	vsel vm7, v14, v35  }
0xd4: {  	v14 =	vmul.f32 $1.442695020e+00, v14;
	_ =	sdelay $0x1  }
0xd5: {  	(erf) = vpow2.f32 v14;
	_ =	sdelay $0x8  }
0xd6: {  	v14 =	vpop (erf)  }
0xd7: {  	v36 =	vbroadcast v14, $0x0  }
0xd8: {  	v37 =	vbroadcast v14, $0x1  }
0xd9: {  	v38 =	vbroadcast v14, $0x2;
	v13 =	vmul.f32 v36, v13  }
0xda: {  	v39 =	vbroadcast v14, $0x3;
	v15 =	vmul.f32 v37, v15  }
0xdb: {  	v40 =	vbroadcast v14, $0x4;
	[tilespmem:s11+$0xFFFFFF80] =	vst v13;
	v13 =	vmul.f32 v38, v17  }
0xdc: {  	v41 =	vbroadcast v14, $0x5;
	[tilespmem:s11+$0xFFFFFF90] =	vst v15;
	v15 =	vmul.f32 v39, v20  }
0xdd: {  	v42 =	vbroadcast v14, $0x6;
	[tilespmem:s11+$0xFFFFFFA0] =	vst v13;
	v13 =	vmul.f32 v40, v19  }
0xde: {  	v43 =	vbroadcast v14, $0x7;
	[tilespmem:s11+$0xFFFFFFB0] =	vst v15;
	v15 =	vmul.f32 v41, v23  }
0xdf: {  	[tilespmem:s11+$0xFFFFFFC0] =	vst v13;
	v13 =	vmul.f32 v42, v28  }
0xe0: {  	[tilespmem:s11+$0xFFFFFFD0] =	vst v15;
	v15 =	vmul.f32 v43, v27  }
0xe1: {  	[tilespmem:s11+$0xFFFFFFE0] =	vst v13  }
0xe2: {  	s29 =	sand.u32 $0x30, s15;
	[tilespmem:s11+$0xFFFFFFF0] =	vst v15  }
0xe3: {  	v13 =	vld [tilespmem:s29+$0x16D80];
	_ =	sdelay $0x2  }
0xe4: {  	s21 =	sand.u32 $0xE, s15  }
0xe5: {  	v15 =	vmov s21  }
0xe6: {  	v13 =	vperm.xlane v13, v15;
	_ =	sdelay $0x1  }
0xe7: {  	v13 =	vcvt.s32.f32 v13;
	_ =	sdelay $0x1  }
0xe8: {  	v15 =	vadd.f32 $-1.000000000e+00, v13;
	v45 =	vadd.f32 $-2.000000000e+00, v13  }
0xe9: {  	v14 =	vnsel vm8, $0x0, v14;
	v46 =	vadd.f32 $-3.000000000e+00, v13;
	v47 =	vadd.f32 $-4.000000000e+00, v13  }
0xea: {  	v44 =	vand.u32 $0x7FFFFFFF, v13;
	v48 =	vadd.f32 $-5.000000000e+00, v13;
	v49 =	vadd.f32 $-6.000000000e+00, v13  }
0xeb: {  	v13 =	vadd.f32 $-7.000000000e+00, v13;
	v16 =	vsub.f32 $1.000000000e+00, v44;
	v15 =	vand.u32 $0x7FFFFFFF, v15  }
0xec: {  	v17 =	vand.u32 $0x7FFFFFFF, v45;
	v18 =	vand.u32 $0x7FFFFFFF, v46;
	v19 =	vand.u32 $0x7FFFFFFF, v47  }
0xed: {  	v20 =	vand.u32 $0x7FFFFFFF, v48;
	v52 =	vand.u32 $0x7FFFFFFF, v49;
	v15 =	vsub.f32 $1.000000000e+00, v15  }
0xee: {  	v13 =	vand.u32 $0x7FFFFFFF, v13;
	v16 =	vmax.f32 v16, $0.0e+00;
	v17 =	vsub.f32 $1.000000000e+00, v17  }
0xef: {  	v18 =	vsub.f32 $1.000000000e+00, v18;
	v16 =	vmul.f32 v16, v14;
	v15 =	vmax.f32 v15, $0.0e+00  }
0xf0: {  	v13 =	vsub.f32 $1.000000000e+00, v13;
	v17 =	vmax.f32 v17, $0.0e+00;
	v15 =	vmul.f32 v15, v14  }
0xf1: {  	v19 =	vsub.f32 $1.000000000e+00, v19;
	v18 =	vmax.f32 v18, $0.0e+00;
	v17 =	vmul.f32 v17, v14;
	[tilespmem:s31+$0xFFFFFF80] =	vst v16  }
0xf2: {  	v23 =	vld [tilespmem:s31+$0x50];
	v51 =	vsub.f32 $1.000000000e+00, v20;
	v13 =	vmax.f32 v13, $0.0e+00;
	v50 =	vmul.f32 v18, v14;
	[tilespmem:s31+$0xFFFFFF90] =	vst v15  }
0xf3: {  	v28 =	vld [tilespmem:s31+$0x60];
	v53 =	vsub.f32 $1.000000000e+00, v52;
	v13 =	vmul.f32 v13, v14;
	v15 =	vmax.f32 v19, $0.0e+00;
	[tilespmem:s31+$0xFFFFFFA0] =	vst v17  }
0xf4: {  	v20 =	vld [tilespmem:s31+$0x30];
	v54 =	vmax.f32 v51, $0.0e+00;
	[tilespmem:s31+$0xFFFFFFB0] =	vst v50;
	v15 =	vmul.f32 v15, v14  }
0xf5: {  	v56 =	vmax.f32 v53, $0.0e+00;
	v55 =	vmul.f32 v54, v14;
	[tilespmem:s31+$0xFFFFFFF0] =	vst v13;
	v13 =	vld [tilespmem:s31+$0x0]  }
0xf6: {  	v17 =	vld [tilespmem:s31+$0x20];
	[tilespmem:s31+$0xFFFFFFC0] =	vst v15;
	v15 =	vmul.f32 v56, v14  }
0xf7: {  	[tilespmem:s31+$0xFFFFFFD0] =	vst v55;
	v19 =	vld [tilespmem:s31+$0x40]  }
0xf8: {  	[tilespmem:s31+$0xFFFFFFE0] =	vst v15;
	v15 =	vld [tilespmem:s31+$0x10]  }
0xf9: {  	v14 =	vld [tilespmem:s11+$0x0]  }
0xfa: {  	v16 =	vld [tilespmem:s11+$0x10]  }
0xfb: {  	v57 =	vld [tilespmem:s11+$0x20]  }
0xfc: {  	v60 =	vld [tilespmem:s11+$0x30]  }
0xfd: {  	v61 =	vld [tilespmem:s11+$0x40]  }
0xfe: {  	v62 =	vld [tilespmem:s11+$0x50]  }
0xff: {  	v34 =	vld [tilespmem:s11+$0x60];
	_ =	sdelay $0x1  }
0x100: {  	v27 =	vld [tilespmem:s31+$0x70];
	v14 =	vadd.f32 v14, v13  }
0x101: {  	v37 =	vld [tilespmem:s11+$0x70];
	v16 =	vadd.f32 v16, v15;
	v18 =	vadd.f32 v57, v17  }
0x102: {  	v22 =	vadd.f32 v60, v20;
	v21 =	vadd.f32 v61, v19;
	v58 =	vmul.f32 $2.000000030e-01, v14  }
0x103: {  	v24 =	vadd.f32 v62, v23;
	v25 =	vadd.f32 v34, v28;
	v59 =	vmul.f32 $2.000000030e-01, v16  }
0x104: {  	v33 =	vmul.f32 $2.000000030e-01, v18;
	v35 =	vmul.f32 $2.000000030e-01, v22;
	v14 =	vmax.f32 v14, v58  }
0x105: {  	v39 =	vmul.f32 $2.000000030e-01, v21;
	v16 =	vmax.f32 v16, v59;
	v14 =	vmul.f32 v14, v5  }
0x106: {  	v30 =	vadd.f32 v37, v27;
	v40 =	vmul.f32 $2.000000030e-01, v24;
	v16 =	vmul.f32 v16, v6  }
0x107: {  	v43 =	vmul.f32 $2.000000030e-01, v25;
	v63 =	vperm.xlane v14, v1  }
0x108: {  	v44 =	vmul.f32 $2.000000030e-01, v30;
	v32 =	vperm.xlane v16, v1  }
0x109: {  	v18 =	vmax.f32 v18, v33;
	v22 =	vmax.f32 v22, v35;
	v14 =	vadd.f32 v63, v14  }
0x10a: {  	v21 =	vmax.f32 v21, v39;
	v24 =	vmax.f32 v24, v40;
	v16 =	vadd.f32 v32, v16  }
0x10b: {  	v25 =	vmax.f32 v25, v43;
	v18 =	vmul.f32 v18, v7;
	v36 =	vperm.xlane v14, v2  }
0x10c: {  	v26 =	vmax.f32 v30, v44;
	v22 =	vmul.f32 v22, v8;
	v38 =	vperm.xlane v16, v2  }
0x10d: {  	v21 =	vmul.f32 v21, v9;
	v24 =	vmul.f32 v24, v10;
	v14 =	vadd.f32 v36, v14  }
0x10e: {  	v25 =	vmul.f32 v25, v11;
	v26 =	vmul.f32 v26, v12;
	v16 =	vadd.f32 v38, v16  }
0x10f: {  	v47 =	vperm.xlane v18, v1;
	v41 =	vperm.xlane v14, v3  }
0x110: {  	v48 =	vperm.xlane v22, v1;
	v42 =	vperm.xlane v16, v3  }
0x111: {  	v49 =	vperm.xlane v21, v1;
	v51 =	vperm.xlane v24, v1;
	v14 =	vadd.f32 v41, v14  }
0x112: {  	v53 =	vperm.xlane v25, v1;
	v55 =	vperm.xlane v26, v1;
	v16 =	vadd.f32 v42, v16  }
0x113: {  	v18 =	vadd.f32 v47, v18;
	v50 =	vadd.f32 v48, v22;
	v45 =	vperm.xlane v14, v4  }
0x114: {  	v21 =	vadd.f32 v49, v21;
	v22 =	vadd.f32 v51, v24;
	v46 =	vperm.xlane v16, v4  }
0x115: {  	v25 =	vadd.f32 v53, v25;
	v52 =	vperm.xlane v18, v2;
	v14 =	vadd.f32 v45, v14  }
0x116: {  	v24 =	vadd.f32 v55, v26;
	v54 =	vperm.xlane v50, v2;
	v16 =	vadd.f32 v46, v16  }
0x117: {  	v56 =	vperm.xlane v21, v2;
	v18 =	vadd.f32 v52, v18;
	v14 =	vnsel vm0, $0x0, v14  }
0x118: {  	v57 =	vperm.xlane v22, v2;
	v14 =	vsel vm1, v14, v16;
	v16 =	vadd.f32 v54, v50  }
0x119: {  	v59 =	vperm.xlane v25, v2;
	v21 =	vadd.f32 v56, v21;
	v58 =	vperm.xlane v18, v3  }
0x11a: {  	v60 =	vperm.xlane v24, v2;
	v22 =	vadd.f32 v57, v22;
	v31 =	vperm.xlane v16, v3  }
0x11b: {  	v25 =	vadd.f32 v59, v25;
	v61 =	vperm.xlane v21, v3;
	v18 =	vadd.f32 v58, v18  }
0x11c: {  	v24 =	vadd.f32 v60, v24;
	v62 =	vperm.xlane v22, v3;
	v16 =	vadd.f32 v31, v16  }
0x11d: {  	v33 =	vperm.xlane v25, v3;
	v21 =	vadd.f32 v61, v21;
	v63 =	vperm.xlane v18, v4  }
0x11e: {  	v34 =	vperm.xlane v24, v3;
	v22 =	vadd.f32 v62, v22;
	v31 =	vperm.xlane v16, v4  }
0x11f: {  	v25 =	vadd.f32 v33, v25;
	v35 =	vperm.xlane v21, v4;
	v18 =	vadd.f32 v63, v18  }
0x120: {  	v24 =	vadd.f32 v34, v24;
	v36 =	vperm.xlane v22, v4;
	v16 =	vadd.f32 v31, v16  }
0x121: {  	v38 =	vperm.xlane v25, v4;
	v37 =	vadd.f32 v35, v21;
	v14 =	vsel vm2, v14, v18  }
0x122: {  	v40 =	vperm.xlane v24, v4;
	v39 =	vadd.f32 v36, v22;
	v14 =	vsel vm3, v14, v16  }
0x123: {  	v41 =	vadd.f32 v38, v25;
	v14 =	vsel vm4, v14, v37  }
0x124: {  	v42 =	vadd.f32 v40, v24;
	v14 =	vsel vm5, v14, v39  }
0x125: {  	v14 =	vsel vm6, v14, v41  }
0x126: {  	v14 =	vsel vm7, v14, v42  }
0x127: {  	v14 =	vmul.f32 $1.442695020e+00, v14;
	_ =	sdelay $0x1  }
0x128: {  	(erf) = vpow2.f32 v14;
	_ =	sdelay $0x8  }
0x129: {  	v14 =	vpop (erf)  }
0x12a: {  	v43 =	vbroadcast v14, $0x0  }
0x12b: {  	v44 =	vbroadcast v14, $0x1  }
0x12c: {  	v45 =	vbroadcast v14, $0x2;
	v13 =	vmul.f32 v43, v13  }
0x12d: {  	v46 =	vbroadcast v14, $0x3;
	v15 =	vmul.f32 v44, v15  }
0x12e: {  	v47 =	vbroadcast v14, $0x4;
	[tilespmem:s11+$0x0] =	vst v13;
	v13 =	vmul.f32 v45, v17  }
0x12f: {  	v48 =	vbroadcast v14, $0x5;
	[tilespmem:s11+$0x10] =	vst v15;
	v15 =	vmul.f32 v46, v20  }
0x130: {  	v49 =	vbroadcast v14, $0x6;
	[tilespmem:s11+$0x20] =	vst v13;
	v13 =	vmul.f32 v47, v19  }
0x131: {  	v50 =	vbroadcast v14, $0x7;
	[tilespmem:s11+$0x30] =	vst v15;
	v15 =	vmul.f32 v48, v23  }
0x132: {  	[tilespmem:s11+$0x40] =	vst v13;
	v13 =	vmul.f32 v49, v28  }
0x133: {  	[tilespmem:s11+$0x50] =	vst v15;
	v15 =	vmul.f32 v50, v27  }
0x134: {  	[tilespmem:s11+$0x60] =	vst v13  }
0x135: {  	[tilespmem:s11+$0x70] =	vst v15  }
0x136: {  	v13 =	vld [tilespmem:s29+$0x16D80];
	_ =	sdelay $0x1  }
0x137: {  	s2 =	sand.u32 $0xF, s15  }
0x138: {  	s21 =	sadd.s32 $0x1, s2  }
0x139: {  	v15 =	vmov s21  }
0x13a: {  	v13 =	vperm.xlane v13, v15;
	_ =	sdelay $0x1  }
0x13b: {  	v13 =	vcvt.s32.f32 v13;
	_ =	sdelay $0x1  }
0x13c: {  	v15 =	vadd.f32 $-1.000000000e+00, v13;
	v52 =	vadd.f32 $-2.000000000e+00, v13  }
0x13d: {  	v14 =	vnsel vm8, $0x0, v14;
	v53 =	vadd.f32 $-3.000000000e+00, v13;
	v54 =	vadd.f32 $-4.000000000e+00, v13  }
0x13e: {  	v51 =	vand.u32 $0x7FFFFFFF, v13;
	v55 =	vadd.f32 $-5.000000000e+00, v13;
	v56 =	vadd.f32 $-6.000000000e+00, v13  }
0x13f: {  	v13 =	vadd.f32 $-7.000000000e+00, v13;
	v16 =	vsub.f32 $1.000000000e+00, v51;
	v15 =	vand.u32 $0x7FFFFFFF, v15  }
0x140: {  	v17 =	vand.u32 $0x7FFFFFFF, v52;
	v18 =	vand.u32 $0x7FFFFFFF, v53;
	v19 =	vand.u32 $0x7FFFFFFF, v54  }
0x141: {  	v20 =	vand.u32 $0x7FFFFFFF, v55;
	v59 =	vand.u32 $0x7FFFFFFF, v56;
	v15 =	vsub.f32 $1.000000000e+00, v15  }
0x142: {  	v13 =	vand.u32 $0x7FFFFFFF, v13;
	v16 =	vmax.f32 v16, $0.0e+00;
	v17 =	vsub.f32 $1.000000000e+00, v17  }
0x143: {  	v18 =	vsub.f32 $1.000000000e+00, v18;
	v16 =	vmul.f32 v16, v14;
	v15 =	vmax.f32 v15, $0.0e+00  }
0x144: {  	v58 =	vsub.f32 $1.000000000e+00, v20;
	v17 =	vmax.f32 v17, $0.0e+00;
	v15 =	vmul.f32 v15, v14  }
0x145: {  	v19 =	vsub.f32 $1.000000000e+00, v19;
	v18 =	vmax.f32 v18, $0.0e+00;
	v17 =	vmul.f32 v17, v14;
	[tilespmem:s31+$0x0] =	vst v16  }
0x146: {  	v13 =	vsub.f32 $1.000000000e+00, v13;
	v61 =	vmax.f32 v58, $0.0e+00;
	v57 =	vmul.f32 v18, v14;
	[tilespmem:s31+$0x10] =	vst v15  }
0x147: {  	p0 =	slt.u32 s15, $0x26;
	v60 =	vsub.f32 $1.000000000e+00, v59;
	v62 =	vmul.f32 v61, v14;
	v15 =	vmax.f32 v19, $0.0e+00;
	[tilespmem:s31+$0x20] =	vst v17  }
.Ltmp1:
0x148: {  	v13 =	vmax.f32 v13, $0.0e+00;
	[tilespmem:s31+$0x30] =	vst v57;
	v15 =	vmul.f32 v15, v14;
	(pc) =	sbr.rel @p0 .LBB2_5-.Ltmp1, $4  }
0x149: {  	v63 =	vmax.f32 v60, $0.0e+00;
	v13 =	vmul.f32 v13, v14;
	[tilespmem:s31+$0x50] =	vst v62  }
0x14a: {  	[tilespmem:s31+$0x40] =	vst v15;
	v15 =	vmul.f32 v63, v14  }
0x14b: {  	s29 =	sadd.s32 $0x2, s15;
	[tilespmem:s31+$0x70] =	vst v13  }
0x14c: {  	s11 =	sadd.s32 $0x100, s11;
	s15 =	smov.u32 s29;
	[tilespmem:s31+$0x60] =	vst v15;
	s31 =	sadd.s32 $0x100, s31  }
0x14d: {  	[spmem:s4] =	stream.indirect.scatter.add.f32 [tilespmem:s0], [sflag:$0x5], $0x80, s13, s16, $0xb8;
	[tilespmem:$0x1C000] =	vst v63  }
0x14e: {  	s31 =	sshll.u32 s30, $0x1;
	_ =	swait.ge [sflag:s3], $0x1400  }
0x14f: {  	s11 =	sadd.s32 $0x2, s31;
	[sflag:s3] =	ssyncset.done $0x0  }
0x150: {  	s15 =	smul.u32 $0x28, s11;
	p0 =	seq.s32 s11, $0xFA;
	[sflag:s3] =	ssyncadd.s32 $0xFFFFEC00  }
0x151: {  	[spmem:s4] =	stream.indirect.scatter.add.f32 [tilespmem:s17], [sflag:$0x5], $0x80, s14, s16, $0xb8;
	[tilespmem:$0x1C000] =	vst v63  }
0x152: {  	s15 =	simm.s32 @p0 $0x0  }
0x153: {  	_ =	swait.ge [sflag:s3], $0x1400;
	s21 =	sadd.s32 s12, s15  }
0x154: {  	[sflag:s3] =	ssyncset.done $0x0;
	s15 =	sshrl.u32 s21, $0x3  }
0x155: {  	s11 =	simm.s32 $0x0;
	[sflag:s3] =	ssyncadd.s32 $0xFFFFEC00;
	s21 =	sadd.s32 s1, s15  }
0x156: {  	[tilespmem:s5], [sflag:$0x1] =	stream.linear.gather [hbm4b:s21+s11], $0x28, $0x38;
	[tilespmem:$0x1C000] =	vst v63  }
0x157: {  	s2 =	sadd.s32 s8, s15  }
0x158: {  	[tilespmem:s13], [sflag:$0x1] =	stream.linear.gather [hbm4b:s2+s11], $0x28, $0x38;
	[tilespmem:$0x1C000] =	vst v63  }
0x159: {  	s2 =	sadd.s32 s9, s15  }
0x15a: {  	[tilespmem:s14], [sflag:$0x1] =	stream.linear.gather [hbm4b:s2+s11], $0x28, $0x38;
	[tilespmem:$0x1C000] =	vst v63  }
0x15b: {  	s15 =	sadd.s32 s10, s15;
	s2 =	simm.s32 $0x16D80  }
0x15c: {  	[tilespmem:s2], [sflag:$0x1] =	stream.linear.gather [hbm4b:s15+s11], $0x28, $0x38;
	[tilespmem:$0x1C000] =	vst v63  }
0x15d: {  	_ =	swait.ge [sflag:s26], $0x1400  }
0x15e: {  	[sflag:s26] =	ssyncset.done $0x0  }
0x15f: {  	[sflag:s26] =	ssyncadd.s32 $0xFFFFEC00  }
0x160: {  	_ =	swait.ge [sflag:s26], $0x1400  }
0x161: {  	[sflag:s26] =	ssyncset.done $0x0  }
0x162: {  	[sflag:s26] =	ssyncadd.s32 $0xFFFFEC00  }
0x163: {  	_ =	swait.ge [sflag:s28], $0x28  }
0x164: {  	[sflag:s28] =	ssyncset.done $0x0  }
0x165: {  	[sflag:s28] =	ssyncadd.s32 $0xFFFFFFD8  }
0x166: {  	_ =	swait.ge [sflag:s28], $0x28  }
0x167: {  	[sflag:s28] =	ssyncset.done $0x0  }
0x168: {  	[sflag:s28] =	ssyncadd.s32 $0xFFFFFFD8  }
0x169: {  	_ =	swait.ge [sflag:s28], $0x28  }
0x16a: {  	[sflag:s28] =	ssyncset.done $0x0  }
0x16b: {  	[sflag:s28] =	ssyncadd.s32 $0xFFFFFFD8  }
0x16c: {  	_ =	swait.ge [sflag:s28], $0x28  }
0x16d: {  	[sflag:s28] =	ssyncset.done $0x0  }
0x16e: {  	[sflag:s28] =	ssyncadd.s32 $0xFFFFFFD8  }
0x16f: {  	s21 =	rddreg [dreg:$0x0]  }
0x170: {  	[tilespmem:s17], [sflag:$0x3] =	stream.indirect.gather [hbm4b:s21+s16], $0x80, s5, s16, $0xb8;
	[tilespmem:$0x1C000] =	vst v63  }
0x171: {  	s29 =	simm.s32 $0x184F0;
	s15 =	simm.s32 $0x1ACF0  }
0x172: {  	[tilespmem:s0], [sflag:$0x3] =	stream.indirect.gather [hbm4b:s7+s16], $0x80, s13, s16, $0xb8;
	[tilespmem:$0x1C000] =	vst v63  }
.LBB2_7:
0x173: {  	v13 =	vld [tilespmem:s29+$0xFFFFFF10]  }
0x174: {  	v14 =	vld [tilespmem:s15+$0xFFFFFF10]  }
0x175: {  	v15 =	vld [tilespmem:s29+$0xFFFFFF20]  }
0x176: {  	v16 =	vld [tilespmem:s15+$0xFFFFFF20]  }
0x177: {  	v17 =	vld [tilespmem:s29+$0xFFFFFF30]  }
0x178: {  	v18 =	vld [tilespmem:s15+$0xFFFFFF30]  }
0x179: {  	v20 =	vld [tilespmem:s29+$0xFFFFFF40]  }
0x17a: {  	v22 =	vld [tilespmem:s15+$0xFFFFFF40]  }
0x17b: {  	v23 =	vld [tilespmem:s29+$0xFFFFFF60]  }
0x17c: {  	v24 =	vld [tilespmem:s15+$0xFFFFFF60];
	_ =	sdelay $0x2  }
0x17d: {  	v14 =	vadd.f32 v14, v13  }
0x17e: {  	v16 =	vadd.f32 v16, v15;
	v18 =	vadd.f32 v18, v17  }
0x17f: {  	v32 =	vld [tilespmem:s15+$0xFFFFFF50];
	v22 =	vadd.f32 v22, v20;
	v24 =	vadd.f32 v24, v23;
	v19 =	vmul.f32 $2.000000030e-01, v14  }
0x180: {  	v28 =	vld [tilespmem:s29+$0xFFFFFF70];
	v21 =	vmul.f32 $2.000000030e-01, v16;
	v27 =	vmul.f32 $2.000000030e-01, v18  }
0x181: {  	v33 =	vld [tilespmem:s15+$0xFFFFFF70];
	v34 =	vmul.f32 $2.000000030e-01, v22;
	v36 =	vmul.f32 $2.000000030e-01, v24;
	v14 =	vmax.f32 v14, v19  }
0x182: {  	v30 =	vld [tilespmem:s15+$0xFFFFFF80];
	v16 =	vmax.f32 v16, v21;
	v18 =	vmax.f32 v18, v27;
	v14 =	vmul.f32 v14, v5  }
0x183: {  	v19 =	vld [tilespmem:s29+$0xFFFFFF50];
	v22 =	vmax.f32 v22, v34;
	v16 =	vmul.f32 v16, v6;
	v18 =	vmul.f32 v18, v7  }
0x184: {  	v27 =	vld [tilespmem:s29+$0xFFFFFF80];
	v24 =	vmax.f32 v24, v36;
	v22 =	vmul.f32 v22, v8;
	v25 =	vperm.xlane v14, v1  }
0x185: {  	v24 =	vmul.f32 v24, v10;
	v26 =	vperm.xlane v16, v1  }
0x186: {  	v43 =	vperm.xlane v18, v1;
	v14 =	vadd.f32 v25, v14  }
0x187: {  	v44 =	vperm.xlane v22, v1;
	v47 =	vperm.xlane v24, v1;
	v16 =	vadd.f32 v26, v16  }
0x188: {  	v21 =	vadd.f32 v32, v19;
	v25 =	vadd.f32 v33, v28;
	v29 =	vperm.xlane v14, v2  }
0x189: {  	v30 =	vadd.f32 v30, v27;
	v18 =	vadd.f32 v43, v18;
	v31 =	vperm.xlane v16, v2  }
0x18a: {  	v46 =	vadd.f32 v44, v22;
	v35 =	vmul.f32 $2.000000030e-01, v21;
	v14 =	vadd.f32 v29, v14  }
0x18b: {  	v39 =	vmul.f32 $2.000000030e-01, v25;
	v40 =	vmul.f32 $2.000000030e-01, v30;
	v16 =	vadd.f32 v31, v16  }
0x18c: {  	v22 =	vadd.f32 v47, v24;
	v48 =	vperm.xlane v18, v2;
	v37 =	vperm.xlane v14, v3  }
0x18d: {  	v50 =	vperm.xlane v46, v2;
	v21 =	vmax.f32 v21, v35;
	v38 =	vperm.xlane v16, v3  }
0x18e: {  	v25 =	vmax.f32 v25, v39;
	v21 =	vmul.f32 v21, v9;
	v14 =	vadd.f32 v37, v14  }
0x18f: {  	v53 =	vperm.xlane v22, v2;
	v25 =	vmul.f32 v25, v11;
	v16 =	vadd.f32 v38, v16  }
0x190: {  	v26 =	vmax.f32 v30, v40;
	v45 =	vperm.xlane v21, v1;
	v41 =	vperm.xlane v14, v4  }
0x191: {  	v26 =	vmul.f32 v26, v12;
	v42 =	vperm.xlane v16, v4  }
0x192: {  	v49 =	vperm.xlane v25, v1;
	v21 =	vadd.f32 v45, v21;
	v14 =	vadd.f32 v41, v14  }
0x193: {  	v18 =	vadd.f32 v48, v18;
	v51 =	vperm.xlane v26, v1;
	v16 =	vadd.f32 v42, v16  }
0x194: {  	v25 =	vadd.f32 v49, v25;
	v52 =	vperm.xlane v21, v2;
	v14 =	vnsel vm0, $0x0, v14  }
0x195: {  	v24 =	vadd.f32 v51, v26;
	v14 =	vsel vm1, v14, v16;
	v16 =	vadd.f32 v50, v46  }
0x196: {  	v54 =	vperm.xlane v18, v3;
	v55 =	vperm.xlane v25, v2;
	v21 =	vadd.f32 v52, v21  }
0x197: {  	v22 =	vadd.f32 v53, v22;
	v56 =	vperm.xlane v24, v2;
	v31 =	vperm.xlane v16, v3  }
0x198: {  	v18 =	vadd.f32 v54, v18;
	v25 =	vadd.f32 v55, v25;
	v57 =	vperm.xlane v21, v3  }
0x199: {  	v58 =	vperm.xlane v22, v3;
	v24 =	vadd.f32 v56, v24;
	v16 =	vadd.f32 v31, v16  }
0x19a: {  	v59 =	vperm.xlane v18, v4;
	v60 =	vperm.xlane v25, v3;
	v21 =	vadd.f32 v57, v21  }
0x19b: {  	v22 =	vadd.f32 v58, v22;
	v61 =	vperm.xlane v24, v3;
	v31 =	vperm.xlane v16, v4  }
0x19c: {  	v18 =	vadd.f32 v59, v18;
	v25 =	vadd.f32 v60, v25;
	v62 =	vperm.xlane v21, v4  }
0x19d: {  	v63 =	vperm.xlane v22, v4;
	v24 =	vadd.f32 v61, v24;
	v16 =	vadd.f32 v31, v16  }
0x19e: {  	v14 =	vsel vm2, v14, v18;
	v30 =	vadd.f32 v62, v21;
	v31 =	vperm.xlane v25, v4  }
0x19f: {  	v32 =	vadd.f32 v63, v22;
	v33 =	vperm.xlane v24, v4;
	v14 =	vsel vm3, v14, v16  }
0x1a0: {  	v34 =	vadd.f32 v31, v25;
	v14 =	vsel vm4, v14, v30  }
0x1a1: {  	v35 =	vadd.f32 v33, v24;
	v14 =	vsel vm5, v14, v32  }
0x1a2: {  	v14 =	vsel vm6, v14, v34  }
0x1a3: {  	v14 =	vsel vm7, v14, v35  }
0x1a4: {  	v14 =	vmul.f32 $1.442695020e+00, v14;
	_ =	sdelay $0x1  }
0x1a5: {  	(erf) = vpow2.f32 v14;
	_ =	sdelay $0x8  }
0x1a6: {  	v14 =	vpop (erf)  }
0x1a7: {  	v36 =	vbroadcast v14, $0x0  }
0x1a8: {  	v37 =	vbroadcast v14, $0x1  }
0x1a9: {  	v38 =	vbroadcast v14, $0x2;
	v13 =	vmul.f32 v36, v13  }
0x1aa: {  	v39 =	vbroadcast v14, $0x3;
	v15 =	vmul.f32 v37, v15  }
0x1ab: {  	v40 =	vbroadcast v14, $0x4;
	[tilespmem:s15+$0xFFFFFF10] =	vst v13;
	v13 =	vmul.f32 v38, v17  }
0x1ac: {  	v41 =	vbroadcast v14, $0x5;
	[tilespmem:s15+$0xFFFFFF20] =	vst v15;
	v15 =	vmul.f32 v39, v20  }
0x1ad: {  	v42 =	vbroadcast v14, $0x6;
	[tilespmem:s15+$0xFFFFFF30] =	vst v13;
	v13 =	vmul.f32 v40, v19  }
0x1ae: {  	v43 =	vbroadcast v14, $0x7;
	[tilespmem:s15+$0xFFFFFF40] =	vst v15;
	v15 =	vmul.f32 v41, v23  }
0x1af: {  	[tilespmem:s15+$0xFFFFFF50] =	vst v13;
	v13 =	vmul.f32 v42, v28  }
0x1b0: {  	[tilespmem:s15+$0xFFFFFF60] =	vst v15;
	v15 =	vmul.f32 v43, v27  }
0x1b1: {  	[tilespmem:s15+$0xFFFFFF70] =	vst v13  }
0x1b2: {  	s21 =	sand.u32 $0x30, s11;
	[tilespmem:s15+$0xFFFFFF80] =	vst v15  }
0x1b3: {  	v13 =	vld [tilespmem:s21+$0x16F80];
	_ =	sdelay $0x2  }
0x1b4: {  	s2 =	sand.u32 $0xE, s11  }
0x1b5: {  	v15 =	vmov s2  }
0x1b6: {  	v13 =	vperm.xlane v13, v15;
	_ =	sdelay $0x1  }
0x1b7: {  	v13 =	vcvt.s32.f32 v13;
	_ =	sdelay $0x1  }
0x1b8: {  	v15 =	vadd.f32 $-1.000000000e+00, v13;
	v45 =	vadd.f32 $-2.000000000e+00, v13  }
0x1b9: {  	v14 =	vnsel vm8, $0x0, v14;
	v46 =	vadd.f32 $-3.000000000e+00, v13;
	v47 =	vadd.f32 $-4.000000000e+00, v13  }
0x1ba: {  	v44 =	vand.u32 $0x7FFFFFFF, v13;
	v48 =	vadd.f32 $-5.000000000e+00, v13;
	v49 =	vadd.f32 $-6.000000000e+00, v13  }
0x1bb: {  	v13 =	vadd.f32 $-7.000000000e+00, v13;
	v16 =	vsub.f32 $1.000000000e+00, v44;
	v15 =	vand.u32 $0x7FFFFFFF, v15  }
0x1bc: {  	v17 =	vand.u32 $0x7FFFFFFF, v45;
	v18 =	vand.u32 $0x7FFFFFFF, v46;
	v19 =	vand.u32 $0x7FFFFFFF, v47  }
0x1bd: {  	v20 =	vand.u32 $0x7FFFFFFF, v48;
	v52 =	vand.u32 $0x7FFFFFFF, v49;
	v15 =	vsub.f32 $1.000000000e+00, v15  }
0x1be: {  	v13 =	vand.u32 $0x7FFFFFFF, v13;
	v16 =	vmax.f32 v16, $0.0e+00;
	v17 =	vsub.f32 $1.000000000e+00, v17  }
0x1bf: {  	v18 =	vsub.f32 $1.000000000e+00, v18;
	v16 =	vmul.f32 v16, v14;
	v15 =	vmax.f32 v15, $0.0e+00  }
0x1c0: {  	v13 =	vsub.f32 $1.000000000e+00, v13;
	v17 =	vmax.f32 v17, $0.0e+00;
	v15 =	vmul.f32 v15, v14  }
0x1c1: {  	v19 =	vsub.f32 $1.000000000e+00, v19;
	v18 =	vmax.f32 v18, $0.0e+00;
	v17 =	vmul.f32 v17, v14;
	[tilespmem:s29+$0xFFFFFF10] =	vst v16  }
0x1c2: {  	v23 =	vld [tilespmem:s29+$0xFFFFFFE0];
	v51 =	vsub.f32 $1.000000000e+00, v20;
	v13 =	vmax.f32 v13, $0.0e+00;
	v50 =	vmul.f32 v18, v14;
	[tilespmem:s29+$0xFFFFFF20] =	vst v15  }
0x1c3: {  	v28 =	vld [tilespmem:s29+$0xFFFFFFF0];
	v53 =	vsub.f32 $1.000000000e+00, v52;
	v13 =	vmul.f32 v13, v14;
	v15 =	vmax.f32 v19, $0.0e+00;
	[tilespmem:s29+$0xFFFFFF30] =	vst v17  }
0x1c4: {  	v20 =	vld [tilespmem:s29+$0xFFFFFFC0];
	v54 =	vmax.f32 v51, $0.0e+00;
	[tilespmem:s29+$0xFFFFFF40] =	vst v50;
	v15 =	vmul.f32 v15, v14  }
0x1c5: {  	v56 =	vmax.f32 v53, $0.0e+00;
	v55 =	vmul.f32 v54, v14;
	[tilespmem:s29+$0xFFFFFF80] =	vst v13;
	v13 =	vld [tilespmem:s29+$0xFFFFFF90]  }
0x1c6: {  	v17 =	vld [tilespmem:s29+$0xFFFFFFB0];
	[tilespmem:s29+$0xFFFFFF50] =	vst v15;
	v15 =	vmul.f32 v56, v14  }
0x1c7: {  	[tilespmem:s29+$0xFFFFFF60] =	vst v55;
	v19 =	vld [tilespmem:s29+$0xFFFFFFD0]  }
0x1c8: {  	[tilespmem:s29+$0xFFFFFF70] =	vst v15;
	v15 =	vld [tilespmem:s29+$0xFFFFFFA0]  }
0x1c9: {  	v14 =	vld [tilespmem:s15+$0xFFFFFF90]  }
0x1ca: {  	v16 =	vld [tilespmem:s15+$0xFFFFFFA0]  }
0x1cb: {  	v57 =	vld [tilespmem:s15+$0xFFFFFFB0]  }
0x1cc: {  	v60 =	vld [tilespmem:s15+$0xFFFFFFC0]  }
0x1cd: {  	v61 =	vld [tilespmem:s15+$0xFFFFFFD0]  }
0x1ce: {  	v62 =	vld [tilespmem:s15+$0xFFFFFFE0]  }
0x1cf: {  	v34 =	vld [tilespmem:s15+$0xFFFFFFF0];
	_ =	sdelay $0x1  }
0x1d0: {  	v27 =	vld [tilespmem:s29+$0x0];
	v14 =	vadd.f32 v14, v13  }
0x1d1: {  	v37 =	vld [tilespmem:s15+$0x0];
	v16 =	vadd.f32 v16, v15;
	v18 =	vadd.f32 v57, v17  }
0x1d2: {  	v22 =	vadd.f32 v60, v20;
	v21 =	vadd.f32 v61, v19;
	v58 =	vmul.f32 $2.000000030e-01, v14  }
0x1d3: {  	v24 =	vadd.f32 v62, v23;
	v25 =	vadd.f32 v34, v28;
	v59 =	vmul.f32 $2.000000030e-01, v16  }
0x1d4: {  	v33 =	vmul.f32 $2.000000030e-01, v18;
	v35 =	vmul.f32 $2.000000030e-01, v22;
	v14 =	vmax.f32 v14, v58  }
0x1d5: {  	v39 =	vmul.f32 $2.000000030e-01, v21;
	v16 =	vmax.f32 v16, v59;
	v14 =	vmul.f32 v14, v5  }
0x1d6: {  	v30 =	vadd.f32 v37, v27;
	v40 =	vmul.f32 $2.000000030e-01, v24;
	v16 =	vmul.f32 v16, v6  }
0x1d7: {  	v43 =	vmul.f32 $2.000000030e-01, v25;
	v63 =	vperm.xlane v14, v1  }
0x1d8: {  	v44 =	vmul.f32 $2.000000030e-01, v30;
	v32 =	vperm.xlane v16, v1  }
0x1d9: {  	v18 =	vmax.f32 v18, v33;
	v22 =	vmax.f32 v22, v35;
	v14 =	vadd.f32 v63, v14  }
0x1da: {  	v21 =	vmax.f32 v21, v39;
	v24 =	vmax.f32 v24, v40;
	v16 =	vadd.f32 v32, v16  }
0x1db: {  	v25 =	vmax.f32 v25, v43;
	v18 =	vmul.f32 v18, v7;
	v36 =	vperm.xlane v14, v2  }
0x1dc: {  	v26 =	vmax.f32 v30, v44;
	v22 =	vmul.f32 v22, v8;
	v38 =	vperm.xlane v16, v2  }
0x1dd: {  	v21 =	vmul.f32 v21, v9;
	v24 =	vmul.f32 v24, v10;
	v14 =	vadd.f32 v36, v14  }
0x1de: {  	v25 =	vmul.f32 v25, v11;
	v26 =	vmul.f32 v26, v12;
	v16 =	vadd.f32 v38, v16  }
0x1df: {  	v47 =	vperm.xlane v18, v1;
	v41 =	vperm.xlane v14, v3  }
0x1e0: {  	v48 =	vperm.xlane v22, v1;
	v42 =	vperm.xlane v16, v3  }
0x1e1: {  	v49 =	vperm.xlane v21, v1;
	v51 =	vperm.xlane v24, v1;
	v14 =	vadd.f32 v41, v14  }
0x1e2: {  	v53 =	vperm.xlane v25, v1;
	v55 =	vperm.xlane v26, v1;
	v16 =	vadd.f32 v42, v16  }
0x1e3: {  	v18 =	vadd.f32 v47, v18;
	v50 =	vadd.f32 v48, v22;
	v45 =	vperm.xlane v14, v4  }
0x1e4: {  	v21 =	vadd.f32 v49, v21;
	v22 =	vadd.f32 v51, v24;
	v46 =	vperm.xlane v16, v4  }
0x1e5: {  	v25 =	vadd.f32 v53, v25;
	v52 =	vperm.xlane v18, v2;
	v14 =	vadd.f32 v45, v14  }
0x1e6: {  	v24 =	vadd.f32 v55, v26;
	v54 =	vperm.xlane v50, v2;
	v16 =	vadd.f32 v46, v16  }
0x1e7: {  	v56 =	vperm.xlane v21, v2;
	v18 =	vadd.f32 v52, v18;
	v14 =	vnsel vm0, $0x0, v14  }
0x1e8: {  	v57 =	vperm.xlane v22, v2;
	v14 =	vsel vm1, v14, v16;
	v16 =	vadd.f32 v54, v50  }
0x1e9: {  	v59 =	vperm.xlane v25, v2;
	v21 =	vadd.f32 v56, v21;
	v58 =	vperm.xlane v18, v3  }
0x1ea: {  	v60 =	vperm.xlane v24, v2;
	v22 =	vadd.f32 v57, v22;
	v31 =	vperm.xlane v16, v3  }
0x1eb: {  	v25 =	vadd.f32 v59, v25;
	v61 =	vperm.xlane v21, v3;
	v18 =	vadd.f32 v58, v18  }
0x1ec: {  	v24 =	vadd.f32 v60, v24;
	v62 =	vperm.xlane v22, v3;
	v16 =	vadd.f32 v31, v16  }
0x1ed: {  	v33 =	vperm.xlane v25, v3;
	v21 =	vadd.f32 v61, v21;
	v63 =	vperm.xlane v18, v4  }
0x1ee: {  	v34 =	vperm.xlane v24, v3;
	v22 =	vadd.f32 v62, v22;
	v31 =	vperm.xlane v16, v4  }
0x1ef: {  	v25 =	vadd.f32 v33, v25;
	v35 =	vperm.xlane v21, v4;
	v18 =	vadd.f32 v63, v18  }
0x1f0: {  	v24 =	vadd.f32 v34, v24;
	v36 =	vperm.xlane v22, v4;
	v16 =	vadd.f32 v31, v16  }
0x1f1: {  	v38 =	vperm.xlane v25, v4;
	v37 =	vadd.f32 v35, v21;
	v14 =	vsel vm2, v14, v18  }
0x1f2: {  	v40 =	vperm.xlane v24, v4;
	v39 =	vadd.f32 v36, v22;
	v14 =	vsel vm3, v14, v16  }
0x1f3: {  	v41 =	vadd.f32 v38, v25;
	v14 =	vsel vm4, v14, v37  }
0x1f4: {  	v42 =	vadd.f32 v40, v24;
	v14 =	vsel vm5, v14, v39  }
0x1f5: {  	v14 =	vsel vm6, v14, v41  }
0x1f6: {  	v14 =	vsel vm7, v14, v42  }
0x1f7: {  	v14 =	vmul.f32 $1.442695020e+00, v14;
	_ =	sdelay $0x1  }
0x1f8: {  	(erf) = vpow2.f32 v14;
	_ =	sdelay $0x8  }
0x1f9: {  	v14 =	vpop (erf)  }
0x1fa: {  	v43 =	vbroadcast v14, $0x0  }
0x1fb: {  	v44 =	vbroadcast v14, $0x1  }
0x1fc: {  	v45 =	vbroadcast v14, $0x2;
	v13 =	vmul.f32 v43, v13  }
0x1fd: {  	v46 =	vbroadcast v14, $0x3;
	v15 =	vmul.f32 v44, v15  }
0x1fe: {  	v47 =	vbroadcast v14, $0x4;
	[tilespmem:s15+$0xFFFFFF90] =	vst v13;
	v13 =	vmul.f32 v45, v17  }
0x1ff: {  	v48 =	vbroadcast v14, $0x5;
	[tilespmem:s15+$0xFFFFFFA0] =	vst v15;
	v15 =	vmul.f32 v46, v20  }
0x200: {  	v49 =	vbroadcast v14, $0x6;
	[tilespmem:s15+$0xFFFFFFB0] =	vst v13;
	v13 =	vmul.f32 v47, v19  }
0x201: {  	v50 =	vbroadcast v14, $0x7;
	[tilespmem:s15+$0xFFFFFFC0] =	vst v15;
	v15 =	vmul.f32 v48, v23  }
0x202: {  	[tilespmem:s15+$0xFFFFFFD0] =	vst v13;
	v13 =	vmul.f32 v49, v28  }
0x203: {  	[tilespmem:s15+$0xFFFFFFE0] =	vst v15;
	v15 =	vmul.f32 v50, v27  }
0x204: {  	[tilespmem:s15+$0xFFFFFFF0] =	vst v13  }
0x205: {  	[tilespmem:s15+$0x0] =	vst v15  }
0x206: {  	v13 =	vld [tilespmem:s21+$0x16F80];
	_ =	sdelay $0x1  }
0x207: {  	s21 =	sand.u32 $0xF, s11  }
0x208: {  	s2 =	sadd.s32 $0x1, s21  }
0x209: {  	v15 =	vmov s2  }
0x20a: {  	v13 =	vperm.xlane v13, v15;
	_ =	sdelay $0x1  }
0x20b: {  	v13 =	vcvt.s32.f32 v13;
	_ =	sdelay $0x1  }
0x20c: {  	v15 =	vadd.f32 $-1.000000000e+00, v13;
	v52 =	vadd.f32 $-2.000000000e+00, v13  }
0x20d: {  	v14 =	vnsel vm8, $0x0, v14;
	v53 =	vadd.f32 $-3.000000000e+00, v13;
	v54 =	vadd.f32 $-4.000000000e+00, v13  }
0x20e: {  	v51 =	vand.u32 $0x7FFFFFFF, v13;
	v55 =	vadd.f32 $-5.000000000e+00, v13;
	v56 =	vadd.f32 $-6.000000000e+00, v13  }
0x20f: {  	v13 =	vadd.f32 $-7.000000000e+00, v13;
	v16 =	vsub.f32 $1.000000000e+00, v51;
	v15 =	vand.u32 $0x7FFFFFFF, v15  }
0x210: {  	v17 =	vand.u32 $0x7FFFFFFF, v52;
	v18 =	vand.u32 $0x7FFFFFFF, v53;
	v19 =	vand.u32 $0x7FFFFFFF, v54  }
0x211: {  	v20 =	vand.u32 $0x7FFFFFFF, v55;
	v59 =	vand.u32 $0x7FFFFFFF, v56;
	v15 =	vsub.f32 $1.000000000e+00, v15  }
0x212: {  	v13 =	vand.u32 $0x7FFFFFFF, v13;
	v16 =	vmax.f32 v16, $0.0e+00;
	v17 =	vsub.f32 $1.000000000e+00, v17  }
0x213: {  	v18 =	vsub.f32 $1.000000000e+00, v18;
	v16 =	vmul.f32 v16, v14;
	v15 =	vmax.f32 v15, $0.0e+00  }
0x214: {  	v58 =	vsub.f32 $1.000000000e+00, v20;
	v17 =	vmax.f32 v17, $0.0e+00;
	v15 =	vmul.f32 v15, v14  }
0x215: {  	v19 =	vsub.f32 $1.000000000e+00, v19;
	v18 =	vmax.f32 v18, $0.0e+00;
	v17 =	vmul.f32 v17, v14;
	[tilespmem:s29+$0xFFFFFF90] =	vst v16  }
0x216: {  	v13 =	vsub.f32 $1.000000000e+00, v13;
	v61 =	vmax.f32 v58, $0.0e+00;
	v57 =	vmul.f32 v18, v14;
	[tilespmem:s29+$0xFFFFFFA0] =	vst v15  }
0x217: {  	p0 =	slt.u32 s11, $0x26;
	v60 =	vsub.f32 $1.000000000e+00, v59;
	v62 =	vmul.f32 v61, v14;
	v15 =	vmax.f32 v19, $0.0e+00;
	[tilespmem:s29+$0xFFFFFFB0] =	vst v17  }
.Ltmp2:
0x218: {  	v13 =	vmax.f32 v13, $0.0e+00;
	[tilespmem:s29+$0xFFFFFFC0] =	vst v57;
	v15 =	vmul.f32 v15, v14;
	(pc) =	sbr.rel @p0 .LBB2_7-.Ltmp2, $4  }
0x219: {  	v63 =	vmax.f32 v60, $0.0e+00;
	v13 =	vmul.f32 v13, v14;
	[tilespmem:s29+$0xFFFFFFE0] =	vst v62  }
0x21a: {  	[tilespmem:s29+$0xFFFFFFD0] =	vst v15;
	v15 =	vmul.f32 v63, v14  }
0x21b: {  	s21 =	sadd.s32 $0x2, s11;
	[tilespmem:s29+$0x0] =	vst v13  }
0x21c: {  	s15 =	sadd.s32 $0x100, s15;
	s11 =	smov.u32 s21;
	[tilespmem:s29+$0xFFFFFFF0] =	vst v15;
	s29 =	sadd.s32 $0x100, s29  }
0x21d: {  	s2 =	sadd.s32 $0x3, s31  }
0x21e: {  	s11 =	smulhi.u32 $0x10624DD3, s2  }
0x21f: {  	[spmem:s4] =	stream.indirect.scatter.add.f32 [tilespmem:s25], [sflag:$0x5], $0x80, s19, s16, $0xb8;
	[tilespmem:$0x1C000] =	vst v63  }
0x220: {  	s11 =	sshrl.u32 s11, $0x4  }
0x221: {  	s11 =	smul.u32 $0xFA, s11  }
0x222: {  	_ =	swait.ge [sflag:s3], $0x1400  }
0x223: {  	[sflag:s3] =	ssyncset.done $0x0;
	s2 =	ssub.s32 s2, s11  }
0x224: {  	[sflag:s3] =	ssyncadd.s32 $0xFFFFEC00;
	s2 =	smul.u32 $0x28, s2  }
0x225: {  	[spmem:s4] =	stream.indirect.scatter.add.f32 [tilespmem:s24], [sflag:$0x5], $0x80, s20, s16, $0xb8;
	[tilespmem:$0x1C000] =	vst v63  }
0x226: {  	_ =	swait.ge [sflag:s3], $0x1400;
	s2 =	sadd.s32 s12, s2  }
0x227: {  	[sflag:s3] =	ssyncset.done $0x0;
	s2 =	sshrl.u32 s2, $0x3  }
0x228: {  	s30 =	sadd.s32 $0x1, s30;
	[sflag:s3] =	ssyncadd.s32 $0xFFFFEC00;
	s15 =	sadd.s32 s1, s2  }
0x229: {  	[tilespmem:s18], [sflag:$0x2] =	stream.linear.gather [hbm4b:s15+s6], $0x28, $0x38;
	[tilespmem:$0x1C000] =	vst v63  }
0x22a: {  	p0 =	sne.s32 s30, $0x7D;
	s21 =	sadd.s32 s8, s2  }
0x22b: {  	[tilespmem:s19], [sflag:$0x2] =	stream.linear.gather [hbm4b:s21+s6], $0x28, $0x38;
	[tilespmem:$0x1C000] =	vst v63  }
.Ltmp3:
0x22c: {  	_ = 	snop;
	(pc) =	sbr.rel @p0 .LBB2_4-.Ltmp3, $4  }
0x22d: {  	s29 =	sadd.s32 s9, s2  }
0x22e: {  	[tilespmem:s20], [sflag:$0x2] =	stream.linear.gather [hbm4b:s29+s6], $0x28, $0x38;
	[tilespmem:$0x1C000] =	vst v63  }
0x22f: {  	s31 =	simm.s32 $0x16F80;
	s2 =	sadd.s32 s10, s2  }
0x230: {  	[tilespmem:s31], [sflag:$0x2] =	stream.linear.gather [hbm4b:s2+s6], $0x28, $0x38;
	[tilespmem:$0x1C000] =	vst v63  }
0x231: {  	_ =	swait.ge [sflag:s22], $0x1400  }
0x232: {  	[sflag:s22] =	ssyncset.done $0x0  }
0x233: {  	[sflag:s22] =	ssyncadd.s32 $0xFFFFEC00  }
0x234: {  	_ =	swait.ge [sflag:s22], $0x1400  }
0x235: {  	[sflag:s22] =	ssyncset.done $0x0  }
0x236: {  	[sflag:s22] =	ssyncadd.s32 $0xFFFFEC00  }
0x237: {  	_ =	swait.ge [sflag:s23], $0x28  }
0x238: {  	[sflag:s23] =	ssyncset.done $0x0  }
0x239: {  	[sflag:s23] =	ssyncadd.s32 $0xFFFFFFD8  }
0x23a: {  	_ =	swait.ge [sflag:s23], $0x28  }
0x23b: {  	[sflag:s23] =	ssyncset.done $0x0  }
0x23c: {  	[sflag:s23] =	ssyncadd.s32 $0xFFFFFFD8  }
0x23d: {  	_ =	swait.ge [sflag:s23], $0x28  }
0x23e: {  	[sflag:s23] =	ssyncset.done $0x0  }
0x23f: {  	[sflag:s23] =	ssyncadd.s32 $0xFFFFFFD8  }
0x240: {  	_ =	swait.ge [sflag:s23], $0x28  }
0x241: {  	[sflag:s23] =	ssyncset.done $0x0  }
0x242: {  	[sflag:s23] =	ssyncadd.s32 $0xFFFFFFD8  }
0x243: {  	s2 =	stileid.u32;
	[bflag:$0x0] =	sbarrier.arrive $0xFFFF  }
0x244: {  	s2 =	sshll.u32 s2, $0x6;
	s21 =	rddreg [dreg:$0x6]  }
0x245: {  	s2 =	sor.u32 $0x1C05, s2;
	s15 =	rddreg [dreg:$0x12];
	s11 =	sshrl.u32 s21, $0x3  }
0x246: {  	[hbm:s15], [sflag:s2] =	dma.local [spmem:s11], $0x2D00  }
0x247: {  	_ =	swait.ge [sflag:s3], $0x2D00  }
0x248: {  	s30 =	rddreg [dreg:$0x19]  }
0x249: {  	s31 =	rddreg [dreg:$0x13];
	s11 =	sadd.s32 $0x1, s30  }
0x24a: {  	p0 =	sne.s32 s11, s31  }
.Ltmp4:
0x24b: {  	_ = 	snop;
	(pc) =	sbr.rel @p0 .LBB2_1-.Ltmp4, $3  }
0x24c: {  	_ =	sdelay $0x1  }
0x24d: {  	[sflag:s3] =	ssyncset.done $0x0  }
0x24e: {  	[sflag:s3] =	ssyncadd.s32 $0xFFFFD300  }
0x24f: {  	_ =	sfence.sel $0x180000  }
0x250: {  	[bflag:$0x0] =	sbarrier.arrive $0xFFFF  }
0x251: {  	_ =	strace $0x90000047  }
0x252: {  	s0 =	stileid.u32;
	[bflag:$0x2] =	sbarrier.arrive $0xFFFF  }
0x253: {  	p0 =	sne.s32 s0, $0x0;
	s0 =	rddreg [dreg:$0x5]  }
0x254: {  	s0 =	sadd.s32 @!p0 $0x100000, s0  }
0x255: {  	[sflag:s0] =	ssyncadd.tile.s32 @!p0 $0x1;
	_ =	shalt  }
.Lfunc_end2:
_tile_overlayer_lowered:
.L_overlay_start_2:
0x256: {  	(tag) =	ssettag $0x2  }
0x257: {  	s0 =	rddreg [dreg:$0x0];
	s2 =	stileid.u32  }
0x258: {  	s1 =	rddreg [dreg:$0x1];
	p0 =	sne.s32 s2, $0x0  }
0x259: {  	s3 =	rddreg [dreg:$0x2];
	[bflag:$0x3] =	sbarrier.arrive $0xFFFF;
	s2 =	simm.s32 @!p0 $0x1C05  }
0x25a: {  	[timem:s3], [sflag:s2] =	dma.local @!p0 [hbm:s0], s1  }
0x25b: {  	s0 =	simm.s32 @!p0 $0x5  }
0x25c: {  	_ =	swait.ge @!p0 [sflag:s0], s1  }
0x25d: {  	s1 =	ssub.s32 @!p0 $0x0, s1;
	[sflag:s0] =	ssyncset.done @!p0 $0x0  }
0x25e: {  	[sflag:s0] =	ssyncadd.s32 @!p0 s1  }
0x25f: {  	[bflag:$0x3] =	sbarrier.arrive $0xFFFF  }
0x260: {  	_ =	shalt  }

</sc_bundles>
